<compile_context>
chip_gen: v7x
topology: tpu7x:2x2x1
jax: 0.10.2.dev20260603
libtpu: 0.0.44.dev20260713+nightly
codegen_flags: <defaults>
</compile_context>

<pallas_src>
import functools

import jax
import jax.numpy as jnp
from jax import lax
from jax.experimental import pallas as pl
from jax.experimental.pallas import tpu as pltpu
from jax.experimental.pallas import tpu_sc as plsc

V = 100000
D = 768
B = 4096
NG = 3
L = 200
H1 = 256
NT = H1 // 16

NC = 2
NS = 16
NW = NC * NS
ROWS_PER_W = B // NW
CHA = 104
CHB = 96
CPS = 2
SEGS_PER_BLK = 32
CPB = SEGS_PER_BLK * CPS
NBLK = ROWS_PER_W // SEGS_PER_BLK



def _proj_body(t_ref, w_ref, o_ref):
    h = jnp.dot(t_ref[...], w_ref[...], preferred_element_type=jnp.float32)
    lo = lax.bitcast_convert_type(h[:, : H1 // 2], jnp.uint32)
    hi = lax.bitcast_convert_type(h[:, H1 // 2:], jnp.uint32)
    lo = (lo + 0x8000) >> 16
    hi = (hi + 0x8000) & jnp.uint32(0xFFFF0000)
    o_ref[...] = lax.bitcast_convert_type(hi | lo, jnp.int32)


def _project(table, w1g):
    MB = 2000
    nmb = V // MB
    return pl.pallas_call(
        _proj_body,
        grid=(nmb,),
        in_specs=[
            pl.BlockSpec((MB, D), lambda i: (i, 0)),
            pl.BlockSpec((D, H1), lambda i: (0, 0)),
        ],
        out_specs=pl.BlockSpec((MB, H1 // 2), lambda i: (i, 0)),
        out_shape=jax.ShapeDtypeStruct((V, H1 // 2), jnp.int32),
    )(table, w1g)



def _gsum_body(p_hbm, fidx_hbm, out_hbm, idxb, rows_a, rows_b, stage,
               sem0, sem1):
    wid = lax.axis_index("s") * NC + lax.axis_index("c")
    cbase = wid * (ROWS_PER_W * CPS)
    obase = wid * ROWS_PER_W

    def fire_a(c):
        pltpu.async_copy(p_hbm.at[idxb.at[c]], rows_a, sem0)

    def fire_b(c):
        pltpu.async_copy(p_hbm.at[idxb.at[c, pl.ds(0, CHB)]], rows_b, sem1)

    def wait_a():
        pltpu.make_async_copy(p_hbm.at[pl.ds(0, CHA)], rows_a, sem0).wait()

    def wait_b():
        pltpu.make_async_copy(p_hbm.at[pl.ds(0, CHB)], rows_b, sem1).wait()

    def accum_chunk(buf, n, acc):
        def row1(j, acc):
            out = list(acc)
            for t in range(NT // 2):
                v = buf[j, pl.ds(t * 16, 16)]
                lo = lax.bitcast_convert_type(v << 16, jnp.float32)
                hi = lax.bitcast_convert_type(v, jnp.float32)
                out[t] = out[t] + lo
                out[NT // 2 + t] = out[NT // 2 + t] + hi
            return tuple(out)

        def row4(j4, acc):
            j = j4 * 4
            for u in range(4):
                acc = row1(j + u, acc)
            return acc

        return lax.fori_loop(0, n // 4, row4, acc)

    def block(blk, carry):
        pltpu.sync_copy(fidx_hbm.at[pl.ds(cbase + blk * CPB, CPB)], idxb)
        fire_a(0)
        fire_b(1)

        def seg(s, carry2):
            c0 = s * CPS
            acc = tuple(jnp.zeros((16,), jnp.float32) for _ in range(NT))
            wait_a()
            acc = accum_chunk(rows_a, CHA, acc)

            @pl.when(s < SEGS_PER_BLK - 1)
            def _():
                fire_a(c0 + CPS)
            wait_b()
            acc = accum_chunk(rows_b, CHB, acc)

            @pl.when(s < SEGS_PER_BLK - 1)
            def _():
                fire_b(c0 + CPS + 1)
            for t in range(NT):
                stage[s, pl.ds(t * 16, 16)] = acc[t]
            return carry2

        lax.fori_loop(0, SEGS_PER_BLK, seg, 0)
        pltpu.sync_copy(stage, out_hbm.at[pl.ds(obase + blk * SEGS_PER_BLK,
                                                SEGS_PER_BLK)])
        return carry

    lax.fori_loop(0, NBLK, block, 0)


def _gather_sum(p, fidx):
    mesh = plsc.VectorSubcoreMesh(core_axis_name="c", subcore_axis_name="s")
    f = functools.partial(
        pl.kernel,
        out_type=jax.ShapeDtypeStruct((B, H1), jnp.float32),
        mesh=mesh,
        scratch_types=[
            pltpu.VMEM((CPB, CHA), jnp.int32),
            pltpu.VMEM((CHA, H1 // 2), jnp.int32),
            pltpu.VMEM((CHB, H1 // 2), jnp.int32),
            pltpu.VMEM((SEGS_PER_BLK, H1), jnp.float32),
            pltpu.SemaphoreType.DMA,
            pltpu.SemaphoreType.DMA,
        ],
    )(_gsum_body)
    return f(p, fidx)



def _mlp_body(a0_ref, a1_ref, a2_ref, cs_ref, b1_ref, w2_ref, b2_ref,
              w3_ref, b3_ref, o_ref):
    a = a0_ref[...] + a1_ref[...] + a2_ref[...]
    h = a * cs_ref[...] + b1_ref[...]
    h = jnp.maximum(h, 0.0)
    h = jnp.dot(h, w2_ref[...], preferred_element_type=jnp.float32) + b2_ref[...]
    h = jnp.maximum(h, 0.0)
    o_ref[...] = jnp.dot(h, w3_ref[...], preferred_element_type=jnp.float32) + b3_ref[...]


def _mlp(accs, cs, b1, w2, b2, w3, b3):
    BM = 512
    h2, h3 = w2.shape[1], w3.shape[1]
    return pl.pallas_call(
        _mlp_body,
        grid=(B // BM,),
        in_specs=[
            pl.BlockSpec((BM, H1), lambda i: (i, 0)),
            pl.BlockSpec((BM, H1), lambda i: (i, 0)),
            pl.BlockSpec((BM, H1), lambda i: (i, 0)),
            pl.BlockSpec((1, H1), lambda i: (0, 0)),
            pl.BlockSpec((1, H1), lambda i: (0, 0)),
            pl.BlockSpec((H1, h2), lambda i: (0, 0)),
            pl.BlockSpec((1, h2), lambda i: (0, 0)),
            pl.BlockSpec((h2, h3), lambda i: (0, 0)),
            pl.BlockSpec((1, h3), lambda i: (0, 0)),
        ],
        out_specs=pl.BlockSpec((BM, h3), lambda i: (i, 0)),
        out_shape=jax.ShapeDtypeStruct((B, h3), jnp.float32),
    )(*accs, cs, b1, w2, b2, w3, b3)



def kernel(x, all_embeddings, W1, b1, W2, b2, W3, b3):
    ids = jnp.clip(x.astype(jnp.int32), 0, V - 1)
    w1r = W1.reshape(NG, D, H1)
    accs = []
    for g in range(NG):
        seg_ids = ids[:, g * L:(g + 1) * L]
        fidx_g = jnp.pad(seg_ids, ((0, 0), (0, 2 * CHA - L))).reshape(B * CPS, CHA)
        p_g = _project(all_embeddings, w1r[g])
        accs.append(_gather_sum(p_g, fidx_g))
    cs = jnp.concatenate([
        jnp.full((H1 // 2,), 1.0 / L, jnp.float32),
        jnp.full((H1 // 2,), (1.0 - 0.00271) / L, jnp.float32),
    ]).reshape(1, -1)
    return _mlp(accs, cs, b1.reshape(1, -1), W2, b2.reshape(1, -1),
                W3, b3.reshape(1, -1))

# --- scband reference (transcript-rebuilt; emitter-appended) ---
"""Pipeline reference for scband-y-compression-model-25520695673046 (READ-ONLY COPY).

The authoritative reference and input builder live on the scoring server;
editing this copy changes nothing except your own understanding.
"""

import jax, jax.numpy as jnp
import numpy as np

VOCAB = 100000
D = 768
B = 4096
NG = 3
L = 200
YH = 32


def setup_inputs(seed: int = 0) -> dict:
    key = jax.random.key(seed)
    ks = jax.random.split(key, 8)
    x = jax.random.randint(ks[0], (B, NG * L), 0, VOCAB, dtype=jnp.int32)
    all_embeddings = jax.random.normal(ks[1], (VOCAB, D), dtype=jnp.float32) * 0.02
    W1 = jax.random.normal(ks[2], (D * NG, 256), dtype=jnp.float32) * 0.02
    b1 = jnp.zeros((256,), dtype=jnp.float32)
    W2 = jax.random.normal(ks[3], (256, 64), dtype=jnp.float32) * 0.02
    b2 = jnp.zeros((64,), dtype=jnp.float32)
    W3 = jax.random.normal(ks[4], (64, YH), dtype=jnp.float32) * 0.02
    b3 = jnp.zeros((YH,), dtype=jnp.float32)
    return {"x": x, "all_embeddings": all_embeddings, "W1": W1, "b1": b1, "W2": W2, "b2": b2, "W3": W3, "b3": b3}


def reference(x, all_embeddings, W1, b1, W2, b2, W3, b3):
    # reshape flat ids into (B, num_gen_seq, seq_len), clamp into vocab range
    ids = x.reshape(x.shape[0], NG, -1).astype(jnp.int32)
    ids = jnp.clip(ids, 0, all_embeddings.shape[0] - 1)
    # embedding gather: [B, NG, L, D]
    emb = jnp.take(all_embeddings, ids, axis=0)
    # mean over sequence length -> [B, NG, D]
    pooled = jnp.mean(emb, axis=2)
    # the torch module computes embeddings under no_grad and detaches
    pooled = jax.lax.stop_gradient(pooled)
    h = pooled.reshape(pooled.shape[0], -1)
    h = jax.nn.relu(h @ W1 + b1)
    h = jax.nn.relu(h @ W2 + b2)
    out = h @ W3 + b3
    return out

if __name__ == "__main__":
    import jax
    _d = setup_inputs()
    print(jax.jit(kernel)(*tuple(_d.values())))

</pallas_src>

<mosaic_0001>
#map = affine_map<(d0, d1) -> (0, 0)>
module attributes {stable_mosaic.version = 14 : i64} {
  func.func @_gsum_body(%arg0: i32, %arg1: i32, %arg2: memref<100000x128xi32, #tpu.memory_space<hbm>>, %arg3: memref<8192x104xi32, #tpu.memory_space<hbm>>, %arg4: memref<4096x256xf32, #tpu.memory_space<hbm>>, %arg5: memref<64x104xi32, #tpu.memory_space<vmem>>, %arg6: memref<104x128xi32, #tpu.memory_space<vmem>>, %arg7: memref<96x128xi32, #tpu.memory_space<vmem>>, %arg8: memref<32x256xf32, #tpu.memory_space<vmem>>, %arg9: memref<!tpu.dma_semaphore, #tpu.memory_space<semaphore_mem>>, %arg10: memref<!tpu.dma_semaphore, #tpu.memory_space<semaphore_mem>>) attributes {dimension_semantics = [#tpu.dimension_semantics<core_parallel>, #tpu.dimension_semantics<subcore_parallel>], iteration_bounds = array<i64: 2, 16>, scalar_prefetch = 0 : i64, scratch_operands = 6 : i64, tpu.core_type = #tpu.core_type<sc_vector_subcore>, window_params = [{transform_indices = #map}, {transform_indices = #map}, {transform_indices = #map}]} {
    %mul3A = arith.constant 2 : i32
    %mul3A_0 = arith.muli %arg1, %mul3A : i32
    %add3A = arith.addi %mul3A_0, %arg0 : i32
    %mul3A_1 = arith.constant 256 : i32
    %mul3A_2 = arith.muli %add3A, %mul3A_1 : i32
    %mul3A_3 = arith.constant 128 : i32
    %mul3A_4 = arith.muli %add3A, %mul3A_3 : i32
    %scan3A = arith.constant 0 : i32
    %scan3A_5 = arith.constant 0 : i32
    %scan3A_6 = arith.constant 4 : i32
    %scan3A_7 = arith.addi %scan3A_5, %scan3A_6 : i32
    %scan3A_8 = arith.constant 1 : i32
    scf.for %scan3A_10 = %scan3A_5 to %scan3A_7 step %scan3A_8  : i32 {
      %mul3A_11 = arith.constant 64 : i32
      %mul3A_12 = arith.muli %scan3A_10, %mul3A_11 : i32
      %add3A_13 = arith.addi %mul3A_2, %mul3A_12 : i32
      "tpu.region"() ({
        %run_scoped3A = tpu.sem_alloc : memref<!tpu.dma_semaphore, #tpu.memory_space<semaphore_mem>>
        %dma_start3A_36 = arith.constant 0 : i32
        %dma_start3A_37 = tpu.memref_slice %arg3[%add3A_13, %dma_start3A_36] : memref<8192x104xi32, #tpu.memory_space<hbm>> -> memref<64x104xi32, #tpu.memory_space<hbm>>
        %dma_start3A_38 = arith.constant 0 : i32
        %dma_start3A_39 = tpu.memref_slice %arg3[%add3A_13, %dma_start3A_38] : memref<8192x104xi32, #tpu.memory_space<hbm>> -> memref<64x104xi32, #tpu.memory_space<hbm>>
        tpu.enqueue_dma source(%dma_start3A_39 : memref<64x104xi32, #tpu.memory_space<hbm>>) target(%arg5 : memref<64x104xi32, #tpu.memory_space<vmem>>) target_semaphore(%run_scoped3A : memref<!tpu.dma_semaphore, #tpu.memory_space<semaphore_mem>>)
        %dma_wait3A = arith.constant 0 : i32
        %dma_wait3A_40 = tpu.memref_slice %arg3[%add3A_13, %dma_wait3A] : memref<8192x104xi32, #tpu.memory_space<hbm>> -> memref<64x104xi32, #tpu.memory_space<hbm>>
        %dma_wait3A_41 = arith.constant 0 : i32
        %dma_wait3A_42 = tpu.memref_slice %arg3[%add3A_13, %dma_wait3A_41] : memref<8192x104xi32, #tpu.memory_space<hbm>> -> memref<64x104xi32, #tpu.memory_space<hbm>>
        tpu.wait_dma2 semaphore(%run_scoped3A : memref<!tpu.dma_semaphore, #tpu.memory_space<semaphore_mem>>) src(%dma_wait3A_42 : memref<64x104xi32, #tpu.memory_space<hbm>>) dst(%arg5 : memref<64x104xi32, #tpu.memory_space<vmem>>)
        tpu.yield
      }) : () -> ()
      %dma_start3A = arith.constant 0 : i32
      %dma_start3A_14 = arith.constant 0 : i32
      %dma_start3A_15 = tpu.memref_slice %arg5[%dma_start3A, %dma_start3A_14] : memref<64x104xi32, #tpu.memory_space<vmem>> -> memref<1x104xi32, #tpu.memory_space<vmem>>
      %dma_start3A_16 = tpu.memref_squeeze %dma_start3A_15 : memref<1x104xi32, #tpu.memory_space<vmem>> -> memref<104xi32, #tpu.memory_space<vmem>>
      %dma_start3A_17 = arith.constant 0 : i32
      %dma_start3A_18 = arith.constant 0 : i32
      %dma_start3A_19 = tpu.memref_slice %arg2[%dma_start3A_17, %dma_start3A_18] : memref<100000x128xi32, #tpu.memory_space<hbm>> -> memref<100000x128xi32, #tpu.memory_space<hbm>>
      tpu.enqueue_indirect_dma source(%dma_start3A_19 : memref<100000x128xi32, #tpu.memory_space<hbm>>) target(%arg6 : memref<104x128xi32, #tpu.memory_space<vmem>>) offsets(%dma_start3A_16 : memref<104xi32, #tpu.memory_space<vmem>>) semaphore(%arg9 : memref<!tpu.dma_semaphore, #tpu.memory_space<semaphore_mem>>)
      %dma_start3A_20 = arith.constant 1 : i32
      %dma_start3A_21 = arith.constant 0 : i32
      %dma_start3A_22 = tpu.memref_slice %arg5[%dma_start3A_20, %dma_start3A_21] : memref<64x104xi32, #tpu.memory_space<vmem>> -> memref<1x96xi32, #tpu.memory_space<vmem>>
      %dma_start3A_23 = tpu.memref_squeeze %dma_start3A_22 : memref<1x96xi32, #tpu.memory_space<vmem>> -> memref<96xi32, #tpu.memory_space<vmem>>
      %dma_start3A_24 = arith.constant 0 : i32
      %dma_start3A_25 = arith.constant 0 : i32
      %dma_start3A_26 = tpu.memref_slice %arg2[%dma_start3A_24, %dma_start3A_25] : memref<100000x128xi32, #tpu.memory_space<hbm>> -> memref<100000x128xi32, #tpu.memory_space<hbm>>
      tpu.enqueue_indirect_dma source(%dma_start3A_26 : memref<100000x128xi32, #tpu.memory_space<hbm>>) target(%arg7 : memref<96x128xi32, #tpu.memory_space<vmem>>) offsets(%dma_start3A_23 : memref<96xi32, #tpu.memory_space<vmem>>) semaphore(%arg10 : memref<!tpu.dma_semaphore, #tpu.memory_space<semaphore_mem>>)
      %scan3A_27 = arith.constant 0 : i32
      %scan3A_28 = arith.constant 0 : i32
      %scan3A_29 = arith.constant 32 : i32
      %scan3A_30 = arith.addi %scan3A_28, %scan3A_29 : i32
      %scan3A_31 = arith.constant 1 : i32
      scf.for %scan3A_36 = %scan3A_28 to %scan3A_30 step %scan3A_31  : i32 {
        %mul3A_37 = arith.constant 2 : i32
        %mul3A_38 = arith.muli %scan3A_36, %mul3A_37 : i32
        %broadcast_in_dim3A = arith.constant 0.000000e+00 : f32
        %broadcast_in_dim3A_39 = vector.broadcast %broadcast_in_dim3A : f32 to vector<16xf32>
        %broadcast_in_dim3A_40 = arith.constant 0.000000e+00 : f32
        %broadcast_in_dim3A_41 = vector.broadcast %broadcast_in_dim3A_40 : f32 to vector<16xf32>
        %broadcast_in_dim3A_42 = arith.constant 0.000000e+00 : f32
        %broadcast_in_dim3A_43 = vector.broadcast %broadcast_in_dim3A_42 : f32 to vector<16xf32>
        %broadcast_in_dim3A_44 = arith.constant 0.000000e+00 : f32
        %broadcast_in_dim3A_45 = vector.broadcast %broadcast_in_dim3A_44 : f32 to vector<16xf32>
        %broadcast_in_dim3A_46 = arith.constant 0.000000e+00 : f32
        %broadcast_in_dim3A_47 = vector.broadcast %broadcast_in_dim3A_46 : f32 to vector<16xf32>
        %broadcast_in_dim3A_48 = arith.constant 0.000000e+00 : f32
        %broadcast_in_dim3A_49 = vector.broadcast %broadcast_in_dim3A_48 : f32 to vector<16xf32>
        %broadcast_in_dim3A_50 = arith.constant 0.000000e+00 : f32
        %broadcast_in_dim3A_51 = vector.broadcast %broadcast_in_dim3A_50 : f32 to vector<16xf32>
        %broadcast_in_dim3A_52 = arith.constant 0.000000e+00 : f32
        %broadcast_in_dim3A_53 = vector.broadcast %broadcast_in_dim3A_52 : f32 to vector<16xf32>
        %broadcast_in_dim3A_54 = arith.constant 0.000000e+00 : f32
        %broadcast_in_dim3A_55 = vector.broadcast %broadcast_in_dim3A_54 : f32 to vector<16xf32>
        %broadcast_in_dim3A_56 = arith.constant 0.000000e+00 : f32
        %broadcast_in_dim3A_57 = vector.broadcast %broadcast_in_dim3A_56 : f32 to vector<16xf32>
        %broadcast_in_dim3A_58 = arith.constant 0.000000e+00 : f32
        %broadcast_in_dim3A_59 = vector.broadcast %broadcast_in_dim3A_58 : f32 to vector<16xf32>
        %broadcast_in_dim3A_60 = arith.constant 0.000000e+00 : f32
        %broadcast_in_dim3A_61 = vector.broadcast %broadcast_in_dim3A_60 : f32 to vector<16xf32>
        %broadcast_in_dim3A_62 = arith.constant 0.000000e+00 : f32
        %broadcast_in_dim3A_63 = vector.broadcast %broadcast_in_dim3A_62 : f32 to vector<16xf32>
        %broadcast_in_dim3A_64 = arith.constant 0.000000e+00 : f32
        %broadcast_in_dim3A_65 = vector.broadcast %broadcast_in_dim3A_64 : f32 to vector<16xf32>
        %broadcast_in_dim3A_66 = arith.constant 0.000000e+00 : f32
        %broadcast_in_dim3A_67 = vector.broadcast %broadcast_in_dim3A_66 : f32 to vector<16xf32>
        %broadcast_in_dim3A_68 = arith.constant 0.000000e+00 : f32
        %broadcast_in_dim3A_69 = vector.broadcast %broadcast_in_dim3A_68 : f32 to vector<16xf32>
        %dma_wait3A = arith.constant 0 : i32
        %dma_wait3A_70 = arith.constant 0 : i32
        %dma_wait3A_71 = tpu.memref_slice %arg2[%dma_wait3A, %dma_wait3A_70] : memref<100000x128xi32, #tpu.memory_space<hbm>> -> memref<104x128xi32, #tpu.memory_space<hbm>>
        %dma_wait3A_72 = arith.constant 0 : i32
        %dma_wait3A_73 = arith.constant 0 : i32
        %dma_wait3A_74 = tpu.memref_slice %arg2[%dma_wait3A_72, %dma_wait3A_73] : memref<100000x128xi32, #tpu.memory_space<hbm>> -> memref<104x128xi32, #tpu.memory_space<hbm>>
        tpu.wait_dma2 semaphore(%arg9 : memref<!tpu.dma_semaphore, #tpu.memory_space<semaphore_mem>>) src(%dma_wait3A_74 : memref<104x128xi32, #tpu.memory_space<hbm>>) dst(%arg6 : memref<104x128xi32, #tpu.memory_space<vmem>>)
        %scan3A_75 = arith.constant 0 : i32
        %scan3A_76 = arith.constant 26 : i32
        %scan3A_77 = arith.addi %scan3A_75, %scan3A_76 : i32
        %scan3A_78 = arith.constant 1 : i32
        %scan3A_79:16 = scf.for %scan3A_179 = %scan3A_75 to %scan3A_77 step %scan3A_78 iter_args(%scan3A_180 = %broadcast_in_dim3A_39, %scan3A_181 = %broadcast_in_dim3A_41, %scan3A_182 = %broadcast_in_dim3A_43, %scan3A_183 = %broadcast_in_dim3A_45, %scan3A_184 = %broadcast_in_dim3A_47, %scan3A_185 = %broadcast_in_dim3A_49, %scan3A_186 = %broadcast_in_dim3A_51, %scan3A_187 = %broadcast_in_dim3A_53, %scan3A_188 = %broadcast_in_dim3A_55, %scan3A_189 = %broadcast_in_dim3A_57, %scan3A_190 = %broadcast_in_dim3A_59, %scan3A_191 = %broadcast_in_dim3A_61, %scan3A_192 = %broadcast_in_dim3A_63, %scan3A_193 = %broadcast_in_dim3A_65, %scan3A_194 = %broadcast_in_dim3A_67, %scan3A_195 = %broadcast_in_dim3A_69) -> (vector<16xf32>, vector<16xf32>, vector<16xf32>, vector<16xf32>, vector<16xf32>, vector<16xf32>, vector<16xf32>, vector<16xf32>, vector<16xf32>, vector<16xf32>, vector<16xf32>, vector<16xf32>, vector<16xf32>, vector<16xf32>, vector<16xf32>, vector<16xf32>)  : i32 {
          %mul3A_196 = arith.constant 4 : i32
          %mul3A_197 = arith.muli %scan3A_179, %mul3A_196 : i32
          %add3A_198 = arith.constant 0 : i32
          %add3A_199 = arith.addi %mul3A_197, %add3A_198 : i32
          %get3A = arith.index_cast %add3A_199 : i32 to index
          %get3A_200 = arith.constant 0 : index
          %get3A_201 = tpu.vector_load %arg6[%get3A, %get3A_200] {strides = array<i32>} : memref<104x128xi32, #tpu.memory_space<vmem>>, vector<1x16xi32>,
          %get3A_202 = vector.shape_cast %get3A_201 : vector<1x16xi32> to vector<16xi32>
          %shift_left3A = arith.constant 16 : i32
          %shift_left3A_203 = vector.broadcast %shift_left3A : i32 to vector<16xi32>
          %shift_left3A_204 = arith.shli %get3A_202, %shift_left3A_203 : vector<16xi32>
          %bitcast_convert_type3A = tpu.bitcast %shift_left3A_204 : vector<16xi32> -> vector<16xf32>
          %bitcast_convert_type3A_205 = tpu.bitcast %get3A_202 : vector<16xi32> -> vector<16xf32>
          %add3A_206 = arith.addf %scan3A_180, %bitcast_convert_type3A : vector<16xf32>
          %add3A_207 = arith.addf %scan3A_188, %bitcast_convert_type3A_205 : vector<16xf32>
          %get3A_208 = arith.index_cast %add3A_199 : i32 to index
          %get3A_209 = arith.constant 16 : index
          %get3A_210 = tpu.vector_load %arg6[%get3A_208, %get3A_209] {strides = array<i32>} : memref<104x128xi32, #tpu.memory_space<vmem>>, vector<1x16xi32>,
          %get3A_211 = vector.shape_cast %get3A_210 : vector<1x16xi32> to vector<16xi32>
          %shift_left3A_212 = arith.constant 16 : i32
          %shift_left3A_213 = vector.broadcast %shift_left3A_212 : i32 to vector<16xi32>
          %shift_left3A_214 = arith.shli %get3A_211, %shift_left3A_213 : vector<16xi32>
          %bitcast_convert_type3A_215 = tpu.bitcast %shift_left3A_214 : vector<16xi32> -> vector<16xf32>
          %bitcast_convert_type3A_216 = tpu.bitcast %get3A_211 : vector<16xi32> -> vector<16xf32>
          %add3A_217 = arith.addf %scan3A_181, %bitcast_convert_type3A_215 : vector<16xf32>
          %add3A_218 = arith.addf %scan3A_189, %bitcast_convert_type3A_216 : vector<16xf32>
          %get3A_219 = arith.index_cast %add3A_199 : i32 to index
          %get3A_220 = arith.constant 32 : index
          %get3A_221 = tpu.vector_load %arg6[%get3A_219, %get3A_220] {strides = array<i32>} : memref<104x128xi32, #tpu.memory_space<vmem>>, vector<1x16xi32>,
          %get3A_222 = vector.shape_cast %get3A_221 : vector<1x16xi32> to vector<16xi32>
          %shift_left3A_223 = arith.constant 16 : i32
          %shift_left3A_224 = vector.broadcast %shift_left3A_223 : i32 to vector<16xi32>
          %shift_left3A_225 = arith.shli %get3A_222, %shift_left3A_224 : vector<16xi32>
          %bitcast_convert_type3A_226 = tpu.bitcast %shift_left3A_225 : vector<16xi32> -> vector<16xf32>
          %bitcast_convert_type3A_227 = tpu.bitcast %get3A_222 : vector<16xi32> -> vector<16xf32>
          %add3A_228 = arith.addf %scan3A_182, %bitcast_convert_type3A_226 : vector<16xf32>
          %add3A_229 = arith.addf %scan3A_190, %bitcast_convert_type3A_227 : vector<16xf32>
          %get3A_230 = arith.index_cast %add3A_199 : i32 to index
          %get3A_231 = arith.constant 48 : index
          %get3A_232 = tpu.vector_load %arg6[%get3A_230, %get3A_231] {strides = array<i32>} : memref<104x128xi32, #tpu.memory_space<vmem>>, vector<1x16xi32>,
          %get3A_233 = vector.shape_cast %get3A_232 : vector<1x16xi32> to vector<16xi32>
          %shift_left3A_234 = arith.constant 16 : i32
          %shift_left3A_235 = vector.broadcast %shift_left3A_234 : i32 to vector<16xi32>
          %shift_left3A_236 = arith.shli %get3A_233, %shift_left3A_235 : vector<16xi32>
          %bitcast_convert_type3A_237 = tpu.bitcast %shift_left3A_236 : vector<16xi32> -> vector<16xf32>
          %bitcast_convert_type3A_238 = tpu.bitcast %get3A_233 : vector<16xi32> -> vector<16xf32>
          %add3A_239 = arith.addf %scan3A_183, %bitcast_convert_type3A_237 : vector<16xf32>
          %add3A_240 = arith.addf %scan3A_191, %bitcast_convert_type3A_238 : vector<16xf32>
          %get3A_241 = arith.index_cast %add3A_199 : i32 to index
          %get3A_242 = arith.constant 64 : index
          %get3A_243 = tpu.vector_load %arg6[%get3A_241, %get3A_242] {strides = array<i32>} : memref<104x128xi32, #tpu.memory_space<vmem>>, vector<1x16xi32>,
          %get3A_244 = vector.shape_cast %get3A_243 : vector<1x16xi32> to vector<16xi32>
          %shift_left3A_245 = arith.constant 16 : i32
          %shift_left3A_246 = vector.broadcast %shift_left3A_245 : i32 to vector<16xi32>
          %shift_left3A_247 = arith.shli %get3A_244, %shift_left3A_246 : vector<16xi32>
          %bitcast_convert_type3A_248 = tpu.bitcast %shift_left3A_247 : vector<16xi32> -> vector<16xf32>
          %bitcast_convert_type3A_249 = tpu.bitcast %get3A_244 : vector<16xi32> -> vector<16xf32>
          %add3A_250 = arith.addf %scan3A_184, %bitcast_convert_type3A_248 : vector<16xf32>
          %add3A_251 = arith.addf %scan3A_192, %bitcast_convert_type3A_249 : vector<16xf32>
          %get3A_252 = arith.index_cast %add3A_199 : i32 to index
          %get3A_253 = arith.constant 80 : index
          %get3A_254 = tpu.vector_load %arg6[%get3A_252, %get3A_253] {strides = array<i32>} : memref<104x128xi32, #tpu.memory_space<vmem>>, vector<1x16xi32>,
          %get3A_255 = vector.shape_cast %get3A_254 : vector<1x16xi32> to vector<16xi32>
          %shift_left3A_256 = arith.constant 16 : i32
          %shift_left3A_257 = vector.broadcast %shift_left3A_256 : i32 to vector<16xi32>
          %shift_left3A_258 = arith.shli %get3A_255, %shift_left3A_257 : vector<16xi32>
          %bitcast_convert_type3A_259 = tpu.bitcast %shift_left3A_258 : vector<16xi32> -> vector<16xf32>
          %bitcast_convert_type3A_260 = tpu.bitcast %get3A_255 : vector<16xi32> -> vector<16xf32>
          %add3A_261 = arith.addf %scan3A_185, %bitcast_convert_type3A_259 : vector<16xf32>
          %add3A_262 = arith.addf %scan3A_193, %bitcast_convert_type3A_260 : vector<16xf32>
          %get3A_263 = arith.index_cast %add3A_199 : i32 to index
          %get3A_264 = arith.constant 96 : index
          %get3A_265 = tpu.vector_load %arg6[%get3A_263, %get3A_264] {strides = array<i32>} : memref<104x128xi32, #tpu.memory_space<vmem>>, vector<1x16xi32>,
          %get3A_266 = vector.shape_cast %get3A_265 : vector<1x16xi32> to vector<16xi32>
          %shift_left3A_267 = arith.constant 16 : i32
          %shift_left3A_268 = vector.broadcast %shift_left3A_267 : i32 to vector<16xi32>
          %shift_left3A_269 = arith.shli %get3A_266, %shift_left3A_268 : vector<16xi32>
          %bitcast_convert_type3A_270 = tpu.bitcast %shift_left3A_269 : vector<16xi32> -> vector<16xf32>
          %bitcast_convert_type3A_271 = tpu.bitcast %get3A_266 : vector<16xi32> -> vector<16xf32>
          %add3A_272 = arith.addf %scan3A_186, %bitcast_convert_type3A_270 : vector<16xf32>
          %add3A_273 = arith.addf %scan3A_194, %bitcast_convert_type3A_271 : vector<16xf32>
          %get3A_274 = arith.index_cast %add3A_199 : i32 to index
          %get3A_275 = arith.constant 112 : index
          %get3A_276 = tpu.vector_load %arg6[%get3A_274, %get3A_275] {strides = array<i32>} : memref<104x128xi32, #tpu.memory_space<vmem>>, vector<1x16xi32>,
          %get3A_277 = vector.shape_cast %get3A_276 : vector<1x16xi32> to vector<16xi32>
          %shift_left3A_278 = arith.constant 16 : i32
          %shift_left3A_279 = vector.broadcast %shift_left3A_278 : i32 to vector<16xi32>
          %shift_left3A_280 = arith.shli %get3A_277, %shift_left3A_279 : vector<16xi32>
          %bitcast_convert_type3A_281 = tpu.bitcast %shift_left3A_280 : vector<16xi32> -> vector<16xf32>
          %bitcast_convert_type3A_282 = tpu.bitcast %get3A_277 : vector<16xi32> -> vector<16xf32>
          %add3A_283 = arith.addf %scan3A_187, %bitcast_convert_type3A_281 : vector<16xf32>
          %add3A_284 = arith.addf %scan3A_195, %bitcast_convert_type3A_282 : vector<16xf32>
          %add3A_285 = arith.constant 1 : i32
          %add3A_286 = arith.addi %mul3A_197, %add3A_285 : i32
          %get3A_287 = arith.index_cast %add3A_286 : i32 to index
          %get3A_288 = arith.constant 0 : index
          %get3A_289 = tpu.vector_load %arg6[%get3A_287, %get3A_288] {strides = array<i32>} : memref<104x128xi32, #tpu.memory_space<vmem>>, vector<1x16xi32>,
          %get3A_290 = vector.shape_cast %get3A_289 : vector<1x16xi32> to vector<16xi32>
          %shift_left3A_291 = arith.constant 16 : i32
          %shift_left3A_292 = vector.broadcast %shift_left3A_291 : i32 to vector<16xi32>
          %shift_left3A_293 = arith.shli %get3A_290, %shift_left3A_292 : vector<16xi32>
          %bitcast_convert_type3A_294 = tpu.bitcast %shift_left3A_293 : vector<16xi32> -> vector<16xf32>
          %bitcast_convert_type3A_295 = tpu.bitcast %get3A_290 : vector<16xi32> -> vector<16xf32>
          %add3A_296 = arith.addf %add3A_206, %bitcast_convert_type3A_294 : vector<16xf32>
          %add3A_297 = arith.addf %add3A_207, %bitcast_convert_type3A_295 : vector<16xf32>
          %get3A_298 = arith.index_cast %add3A_286 : i32 to index
          %get3A_299 = arith.constant 16 : index
          %get3A_300 = tpu.vector_load %arg6[%get3A_298, %get3A_299] {strides = array<i32>} : memref<104x128xi32, #tpu.memory_space<vmem>>, vector<1x16xi32>,
          %get3A_301 = vector.shape_cast %get3A_300 : vector<1x16xi32> to vector<16xi32>
          %shift_left3A_302 = arith.constant 16 : i32
          %shift_left3A_303 = vector.broadcast %shift_left3A_302 : i32 to vector<16xi32>
          %shift_left3A_304 = arith.shli %get3A_301, %shift_left3A_303 : vector<16xi32>
          %bitcast_convert_type3A_305 = tpu.bitcast %shift_left3A_304 : vector<16xi32> -> vector<16xf32>
          %bitcast_convert_type3A_306 = tpu.bitcast %get3A_301 : vector<16xi32> -> vector<16xf32>
          %add3A_307 = arith.addf %add3A_217, %bitcast_convert_type3A_305 : vector<16xf32>
          %add3A_308 = arith.addf %add3A_218, %bitcast_convert_type3A_306 : vector<16xf32>
          %get3A_309 = arith.index_cast %add3A_286 : i32 to index
          %get3A_310 = arith.constant 32 : index
          %get3A_311 = tpu.vector_load %arg6[%get3A_309, %get3A_310] {strides = array<i32>} : memref<104x128xi32, #tpu.memory_space<vmem>>, vector<1x16xi32>,
          %get3A_312 = vector.shape_cast %get3A_311 : vector<1x16xi32> to vector<16xi32>
          %shift_left3A_313 = arith.constant 16 : i32
          %shift_left3A_314 = vector.broadcast %shift_left3A_313 : i32 to vector<16xi32>
          %shift_left3A_315 = arith.shli %get3A_312, %shift_left3A_314 : vector<16xi32>
          %bitcast_convert_type3A_316 = tpu.bitcast %shift_left3A_315 : vector<16xi32> -> vector<16xf32>
          %bitcast_convert_type3A_317 = tpu.bitcast %get3A_312 : vector<16xi32> -> vector<16xf32>
          %add3A_318 = arith.addf %add3A_228, %bitcast_convert_type3A_316 : vector<16xf32>
          %add3A_319 = arith.addf %add3A_229, %bitcast_convert_type3A_317 : vector<16xf32>
          %get3A_320 = arith.index_cast %add3A_286 : i32 to index
          %get3A_321 = arith.constant 48 : index
          %get3A_322 = tpu.vector_load %arg6[%get3A_320, %get3A_321] {strides = array<i32>} : memref<104x128xi32, #tpu.memory_space<vmem>>, vector<1x16xi32>,
          %get3A_323 = vector.shape_cast %get3A_322 : vector<1x16xi32> to vector<16xi32>
          %shift_left3A_324 = arith.constant 16 : i32
          %shift_left3A_325 = vector.broadcast %shift_left3A_324 : i32 to vector<16xi32>
          %shift_left3A_326 = arith.shli %get3A_323, %shift_left3A_325 : vector<16xi32>
          %bitcast_convert_type3A_327 = tpu.bitcast %shift_left3A_326 : vector<16xi32> -> vector<16xf32>
          %bitcast_convert_type3A_328 = tpu.bitcast %get3A_323 : vector<16xi32> -> vector<16xf32>
          %add3A_329 = arith.addf %add3A_239, %bitcast_convert_type3A_327 : vector<16xf32>
          %add3A_330 = arith.addf %add3A_240, %bitcast_convert_type3A_328 : vector<16xf32>
          %get3A_331 = arith.index_cast %add3A_286 : i32 to index
          %get3A_332 = arith.constant 64 : index
          %get3A_333 = tpu.vector_load %arg6[%get3A_331, %get3A_332] {strides = array<i32>} : memref<104x128xi32, #tpu.memory_space<vmem>>, vector<1x16xi32>,
          %get3A_334 = vector.shape_cast %get3A_333 : vector<1x16xi32> to vector<16xi32>
          %shift_left3A_335 = arith.constant 16 : i32
          %shift_left3A_336 = vector.broadcast %shift_left3A_335 : i32 to vector<16xi32>
          %shift_left3A_337 = arith.shli %get3A_334, %shift_left3A_336 : vector<16xi32>
          %bitcast_convert_type3A_338 = tpu.bitcast %shift_left3A_337 : vector<16xi32> -> vector<16xf32>
          %bitcast_convert_type3A_339 = tpu.bitcast %get3A_334 : vector<16xi32> -> vector<16xf32>
          %add3A_340 = arith.addf %add3A_250, %bitcast_convert_type3A_338 : vector<16xf32>
          %add3A_341 = arith.addf %add3A_251, %bitcast_convert_type3A_339 : vector<16xf32>
          %get3A_342 = arith.index_cast %add3A_286 : i32 to index
          %get3A_343 = arith.constant 80 : index
          %get3A_344 = tpu.vector_load %arg6[%get3A_342, %get3A_343] {strides = array<i32>} : memref<104x128xi32, #tpu.memory_space<vmem>>, vector<1x16xi32>,
          %get3A_345 = vector.shape_cast %get3A_344 : vector<1x16xi32> to vector<16xi32>
          %shift_left3A_346 = arith.constant 16 : i32
          %shift_left3A_347 = vector.broadcast %shift_left3A_346 : i32 to vector<16xi32>
          %shift_left3A_348 = arith.shli %get3A_345, %shift_left3A_347 : vector<16xi32>
          %bitcast_convert_type3A_349 = tpu.bitcast %shift_left3A_348 : vector<16xi32> -> vector<16xf32>
          %bitcast_convert_type3A_350 = tpu.bitcast %get3A_345 : vector<16xi32> -> vector<16xf32>
          %add3A_351 = arith.addf %add3A_261, %bitcast_convert_type3A_349 : vector<16xf32>
          %add3A_352 = arith.addf %add3A_262, %bitcast_convert_type3A_350 : vector<16xf32>
          %get3A_353 = arith.index_cast %add3A_286 : i32 to index
          %get3A_354 = arith.constant 96 : index
          %get3A_355 = tpu.vector_load %arg6[%get3A_353, %get3A_354] {strides = array<i32>} : memref<104x128xi32, #tpu.memory_space<vmem>>, vector<1x16xi32>,
          %get3A_356 = vector.shape_cast %get3A_355 : vector<1x16xi32> to vector<16xi32>
          %shift_left3A_357 = arith.constant 16 : i32
          %shift_left3A_358 = vector.broadcast %shift_left3A_357 : i32 to vector<16xi32>
          %shift_left3A_359 = arith.shli %get3A_356, %shift_left3A_358 : vector<16xi32>
          %bitcast_convert_type3A_360 = tpu.bitcast %shift_left3A_359 : vector<16xi32> -> vector<16xf32>
          %bitcast_convert_type3A_361 = tpu.bitcast %get3A_356 : vector<16xi32> -> vector<16xf32>
          %add3A_362 = arith.addf %add3A_272, %bitcast_convert_type3A_360 : vector<16xf32>
          %add3A_363 = arith.addf %add3A_273, %bitcast_convert_type3A_361 : vector<16xf32>
          %get3A_364 = arith.index_cast %add3A_286 : i32 to index
          %get3A_365 = arith.constant 112 : index
          %get3A_366 = tpu.vector_load %arg6[%get3A_364, %get3A_365] {strides = array<i32>} : memref<104x128xi32, #tpu.memory_space<vmem>>, vector<1x16xi32>,
          %get3A_367 = vector.shape_cast %get3A_366 : vector<1x16xi32> to vector<16xi32>
          %shift_left3A_368 = arith.constant 16 : i32
          %shift_left3A_369 = vector.broadcast %shift_left3A_368 : i32 to vector<16xi32>
          %shift_left3A_370 = arith.shli %get3A_367, %shift_left3A_369 : vector<16xi32>
          %bitcast_convert_type3A_371 = tpu.bitcast %shift_left3A_370 : vector<16xi32> -> vector<16xf32>
          %bitcast_convert_type3A_372 = tpu.bitcast %get3A_367 : vector<16xi32> -> vector<16xf32>
          %add3A_373 = arith.addf %add3A_283, %bitcast_convert_type3A_371 : vector<16xf32>
          %add3A_374 = arith.addf %add3A_284, %bitcast_convert_type3A_372 : vector<16xf32>
          %add3A_375 = arith.constant 2 : i32
          %add3A_376 = arith.addi %mul3A_197, %add3A_375 : i32
          %get3A_377 = arith.index_cast %add3A_376 : i32 to index
          %get3A_378 = arith.constant 0 : index
          %get3A_379 = tpu.vector_load %arg6[%get3A_377, %get3A_378] {strides = array<i32>} : memref<104x128xi32, #tpu.memory_space<vmem>>, vector<1x16xi32>,
          %get3A_380 = vector.shape_cast %get3A_379 : vector<1x16xi32> to vector<16xi32>
          %shift_left3A_381 = arith.constant 16 : i32
          %shift_left3A_382 = vector.broadcast %shift_left3A_381 : i32 to vector<16xi32>
          %shift_left3A_383 = arith.shli %get3A_380, %shift_left3A_382 : vector<16xi32>
          %bitcast_convert_type3A_384 = tpu.bitcast %shift_left3A_383 : vector<16xi32> -> vector<16xf32>
          %bitcast_convert_type3A_385 = tpu.bitcast %get3A_380 : vector<16xi32> -> vector<16xf32>
          %add3A_386 = arith.addf %add3A_296, %bitcast_convert_type3A_384 : vector<16xf32>
          %add3A_387 = arith.addf %add3A_297, %bitcast_convert_type3A_385 : vector<16xf32>
          %get3A_388 = arith.index_cast %add3A_376 : i32 to index
          %get3A_389 = arith.constant 16 : index
          %get3A_390 = tpu.vector_load %arg6[%get3A_388, %get3A_389] {strides = array<i32>} : memref<104x128xi32, #tpu.memory_space<vmem>>, vector<1x16xi32>,
          %get3A_391 = vector.shape_cast %get3A_390 : vector<1x16xi32> to vector<16xi32>
          %shift_left3A_392 = arith.constant 16 : i32
          %shift_left3A_393 = vector.broadcast %shift_left3A_392 : i32 to vector<16xi32>
          %shift_left3A_394 = arith.shli %get3A_391, %shift_left3A_393 : vector<16xi32>
          %bitcast_convert_type3A_395 = tpu.bitcast %shift_left3A_394 : vector<16xi32> -> vector<16xf32>
          %bitcast_convert_type3A_396 = tpu.bitcast %get3A_391 : vector<16xi32> -> vector<16xf32>
          %add3A_397 = arith.addf %add3A_307, %bitcast_convert_type3A_395 : vector<16xf32>
          %add3A_398 = arith.addf %add3A_308, %bitcast_convert_type3A_396 : vector<16xf32>
          %get3A_399 = arith.index_cast %add3A_376 : i32 to index
          %get3A_400 = arith.constant 32 : index
          %get3A_401 = tpu.vector_load %arg6[%get3A_399, %get3A_400] {strides = array<i32>} : memref<104x128xi32, #tpu.memory_space<vmem>>, vector<1x16xi32>,
          %get3A_402 = vector.shape_cast %get3A_401 : vector<1x16xi32> to vector<16xi32>
          %shift_left3A_403 = arith.constant 16 : i32
          %shift_left3A_404 = vector.broadcast %shift_left3A_403 : i32 to vector<16xi32>
          %shift_left3A_405 = arith.shli %get3A_402, %shift_left3A_404 : vector<16xi32>
          %bitcast_convert_type3A_406 = tpu.bitcast %shift_left3A_405 : vector<16xi32> -> vector<16xf32>
          %bitcast_convert_type3A_407 = tpu.bitcast %get3A_402 : vector<16xi32> -> vector<16xf32>
          %add3A_408 = arith.addf %add3A_318, %bitcast_convert_type3A_406 : vector<16xf32>
          %add3A_409 = arith.addf %add3A_319, %bitcast_convert_type3A_407 : vector<16xf32>
          %get3A_410 = arith.index_cast %add3A_376 : i32 to index
          %get3A_411 = arith.constant 48 : index
          %get3A_412 = tpu.vector_load %arg6[%get3A_410, %get3A_411] {strides = array<i32>} : memref<104x128xi32, #tpu.memory_space<vmem>>, vector<1x16xi32>,
          %get3A_413 = vector.shape_cast %get3A_412 : vector<1x16xi32> to vector<16xi32>
          %shift_left3A_414 = arith.constant 16 : i32
          %shift_left3A_415 = vector.broadcast %shift_left3A_414 : i32 to vector<16xi32>
          %shift_left3A_416 = arith.shli %get3A_413, %shift_left3A_415 : vector<16xi32>
          %bitcast_convert_type3A_417 = tpu.bitcast %shift_left3A_416 : vector<16xi32> -> vector<16xf32>
          %bitcast_convert_type3A_418 = tpu.bitcast %get3A_413 : vector<16xi32> -> vector<16xf32>
          %add3A_419 = arith.addf %add3A_329, %bitcast_convert_type3A_417 : vector<16xf32>
          %add3A_420 = arith.addf %add3A_330, %bitcast_convert_type3A_418 : vector<16xf32>
          %get3A_421 = arith.index_cast %add3A_376 : i32 to index
          %get3A_422 = arith.constant 64 : index
          %get3A_423 = tpu.vector_load %arg6[%get3A_421, %get3A_422] {strides = array<i32>} : memref<104x128xi32, #tpu.memory_space<vmem>>, vector<1x16xi32>,
          %get3A_424 = vector.shape_cast %get3A_423 : vector<1x16xi32> to vector<16xi32>
          %shift_left3A_425 = arith.constant 16 : i32
          %shift_left3A_426 = vector.broadcast %shift_left3A_425 : i32 to vector<16xi32>
          %shift_left3A_427 = arith.shli %get3A_424, %shift_left3A_426 : vector<16xi32>
          %bitcast_convert_type3A_428 = tpu.bitcast %shift_left3A_427 : vector<16xi32> -> vector<16xf32>
          %bitcast_convert_type3A_429 = tpu.bitcast %get3A_424 : vector<16xi32> -> vector<16xf32>
          %add3A_430 = arith.addf %add3A_340, %bitcast_convert_type3A_428 : vector<16xf32>
          %add3A_431 = arith.addf %add3A_341, %bitcast_convert_type3A_429 : vector<16xf32>
          %get3A_432 = arith.index_cast %add3A_376 : i32 to index
          %get3A_433 = arith.constant 80 : index
          %get3A_434 = tpu.vector_load %arg6[%get3A_432, %get3A_433] {strides = array<i32>} : memref<104x128xi32, #tpu.memory_space<vmem>>, vector<1x16xi32>,
          %get3A_435 = vector.shape_cast %get3A_434 : vector<1x16xi32> to vector<16xi32>
          %shift_left3A_436 = arith.constant 16 : i32
          %shift_left3A_437 = vector.broadcast %shift_left3A_436 : i32 to vector<16xi32>
          %shift_left3A_438 = arith.shli %get3A_435, %shift_left3A_437 : vector<16xi32>
          %bitcast_convert_type3A_439 = tpu.bitcast %shift_left3A_438 : vector<16xi32> -> vector<16xf32>
          %bitcast_convert_type3A_440 = tpu.bitcast %get3A_435 : vector<16xi32> -> vector<16xf32>
          %add3A_441 = arith.addf %add3A_351, %bitcast_convert_type3A_439 : vector<16xf32>
          %add3A_442 = arith.addf %add3A_352, %bitcast_convert_type3A_440 : vector<16xf32>
          %get3A_443 = arith.index_cast %add3A_376 : i32 to index
          %get3A_444 = arith.constant 96 : index
          %get3A_445 = tpu.vector_load %arg6[%get3A_443, %get3A_444] {strides = array<i32>} : memref<104x128xi32, #tpu.memory_space<vmem>>, vector<1x16xi32>,
          %get3A_446 = vector.shape_cast %get3A_445 : vector<1x16xi32> to vector<16xi32>
          %shift_left3A_447 = arith.constant 16 : i32
          %shift_left3A_448 = vector.broadcast %shift_left3A_447 : i32 to vector<16xi32>
          %shift_left3A_449 = arith.shli %get3A_446, %shift_left3A_448 : vector<16xi32>
          %bitcast_convert_type3A_450 = tpu.bitcast %shift_left3A_449 : vector<16xi32> -> vector<16xf32>
          %bitcast_convert_type3A_451 = tpu.bitcast %get3A_446 : vector<16xi32> -> vector<16xf32>
          %add3A_452 = arith.addf %add3A_362, %bitcast_convert_type3A_450 : vector<16xf32>
          %add3A_453 = arith.addf %add3A_363, %bitcast_convert_type3A_451 : vector<16xf32>
          %get3A_454 = arith.index_cast %add3A_376 : i32 to index
          %get3A_455 = arith.constant 112 : index
          %get3A_456 = tpu.vector_load %arg6[%get3A_454, %get3A_455] {strides = array<i32>} : memref<104x128xi32, #tpu.memory_space<vmem>>, vector<1x16xi32>,
          %get3A_457 = vector.shape_cast %get3A_456 : vector<1x16xi32> to vector<16xi32>
          %shift_left3A_458 = arith.constant 16 : i32
          %shift_left3A_459 = vector.broadcast %shift_left3A_458 : i32 to vector<16xi32>
          %shift_left3A_460 = arith.shli %get3A_457, %shift_left3A_459 : vector<16xi32>
          %bitcast_convert_type3A_461 = tpu.bitcast %shift_left3A_460 : vector<16xi32> -> vector<16xf32>
          %bitcast_convert_type3A_462 = tpu.bitcast %get3A_457 : vector<16xi32> -> vector<16xf32>
          %add3A_463 = arith.addf %add3A_373, %bitcast_convert_type3A_461 : vector<16xf32>
          %add3A_464 = arith.addf %add3A_374, %bitcast_convert_type3A_462 : vector<16xf32>
          %add3A_465 = arith.constant 3 : i32
          %add3A_466 = arith.addi %mul3A_197, %add3A_465 : i32
          %get3A_467 = arith.index_cast %add3A_466 : i32 to index
          %get3A_468 = arith.constant 0 : index
          %get3A_469 = tpu.vector_load %arg6[%get3A_467, %get3A_468] {strides = array<i32>} : memref<104x128xi32, #tpu.memory_space<vmem>>, vector<1x16xi32>,
          %get3A_470 = vector.shape_cast %get3A_469 : vector<1x16xi32> to vector<16xi32>
          %shift_left3A_471 = arith.constant 16 : i32
          %shift_left3A_472 = vector.broadcast %shift_left3A_471 : i32 to vector<16xi32>
          %shift_left3A_473 = arith.shli %get3A_470, %shift_left3A_472 : vector<16xi32>
          %bitcast_convert_type3A_474 = tpu.bitcast %shift_left3A_473 : vector<16xi32> -> vector<16xf32>
          %bitcast_convert_type3A_475 = tpu.bitcast %get3A_470 : vector<16xi32> -> vector<16xf32>
          %add3A_476 = arith.addf %add3A_386, %bitcast_convert_type3A_474 : vector<16xf32>
          %add3A_477 = arith.addf %add3A_387, %bitcast_convert_type3A_475 : vector<16xf32>
          %get3A_478 = arith.index_cast %add3A_466 : i32 to index
          %get3A_479 = arith.constant 16 : index
          %get3A_480 = tpu.vector_load %arg6[%get3A_478, %get3A_479] {strides = array<i32>} : memref<104x128xi32, #tpu.memory_space<vmem>>, vector<1x16xi32>,
          %get3A_481 = vector.shape_cast %get3A_480 : vector<1x16xi32> to vector<16xi32>
          %shift_left3A_482 = arith.constant 16 : i32
          %shift_left3A_483 = vector.broadcast %shift_left3A_482 : i32 to vector<16xi32>
          %shift_left3A_484 = arith.shli %get3A_481, %shift_left3A_483 : vector<16xi32>
          %bitcast_convert_type3A_485 = tpu.bitcast %shift_left3A_484 : vector<16xi32> -> vector<16xf32>
          %bitcast_convert_type3A_486 = tpu.bitcast %get3A_481 : vector<16xi32> -> vector<16xf32>
          %add3A_487 = arith.addf %add3A_397, %bitcast_convert_type3A_485 : vector<16xf32>
          %add3A_488 = arith.addf %add3A_398, %bitcast_convert_type3A_486 : vector<16xf32>
          %get3A_489 = arith.index_cast %add3A_466 : i32 to index
          %get3A_490 = arith.constant 32 : index
          %get3A_491 = tpu.vector_load %arg6[%get3A_489, %get3A_490] {strides = array<i32>} : memref<104x128xi32, #tpu.memory_space<vmem>>, vector<1x16xi32>,
          %get3A_492 = vector.shape_cast %get3A_491 : vector<1x16xi32> to vector<16xi32>
          %shift_left3A_493 = arith.constant 16 : i32
          %shift_left3A_494 = vector.broadcast %shift_left3A_493 : i32 to vector<16xi32>
          %shift_left3A_495 = arith.shli %get3A_492, %shift_left3A_494 : vector<16xi32>
          %bitcast_convert_type3A_496 = tpu.bitcast %shift_left3A_495 : vector<16xi32> -> vector<16xf32>
          %bitcast_convert_type3A_497 = tpu.bitcast %get3A_492 : vector<16xi32> -> vector<16xf32>
          %add3A_498 = arith.addf %add3A_408, %bitcast_convert_type3A_496 : vector<16xf32>
          %add3A_499 = arith.addf %add3A_409, %bitcast_convert_type3A_497 : vector<16xf32>
          %get3A_500 = arith.index_cast %add3A_466 : i32 to index
          %get3A_501 = arith.constant 48 : index
          %get3A_502 = tpu.vector_load %arg6[%get3A_500, %get3A_501] {strides = array<i32>} : memref<104x128xi32, #tpu.memory_space<vmem>>, vector<1x16xi32>,
          %get3A_503 = vector.shape_cast %get3A_502 : vector<1x16xi32> to vector<16xi32>
          %shift_left3A_504 = arith.constant 16 : i32
          %shift_left3A_505 = vector.broadcast %shift_left3A_504 : i32 to vector<16xi32>
          %shift_left3A_506 = arith.shli %get3A_503, %shift_left3A_505 : vector<16xi32>
          %bitcast_convert_type3A_507 = tpu.bitcast %shift_left3A_506 : vector<16xi32> -> vector<16xf32>
          %bitcast_convert_type3A_508 = tpu.bitcast %get3A_503 : vector<16xi32> -> vector<16xf32>
          %add3A_509 = arith.addf %add3A_419, %bitcast_convert_type3A_507 : vector<16xf32>
          %add3A_510 = arith.addf %add3A_420, %bitcast_convert_type3A_508 : vector<16xf32>
          %get3A_511 = arith.index_cast %add3A_466 : i32 to index
          %get3A_512 = arith.constant 64 : index
          %get3A_513 = tpu.vector_load %arg6[%get3A_511, %get3A_512] {strides = array<i32>} : memref<104x128xi32, #tpu.memory_space<vmem>>, vector<1x16xi32>,
          %get3A_514 = vector.shape_cast %get3A_513 : vector<1x16xi32> to vector<16xi32>
          %shift_left3A_515 = arith.constant 16 : i32
          %shift_left3A_516 = vector.broadcast %shift_left3A_515 : i32 to vector<16xi32>
          %shift_left3A_517 = arith.shli %get3A_514, %shift_left3A_516 : vector<16xi32>
          %bitcast_convert_type3A_518 = tpu.bitcast %shift_left3A_517 : vector<16xi32> -> vector<16xf32>
          %bitcast_convert_type3A_519 = tpu.bitcast %get3A_514 : vector<16xi32> -> vector<16xf32>
          %add3A_520 = arith.addf %add3A_430, %bitcast_convert_type3A_518 : vector<16xf32>
          %add3A_521 = arith.addf %add3A_431, %bitcast_convert_type3A_519 : vector<16xf32>
          %get3A_522 = arith.index_cast %add3A_466 : i32 to index
          %get3A_523 = arith.constant 80 : index
          %get3A_524 = tpu.vector_load %arg6[%get3A_522, %get3A_523] {strides = array<i32>} : memref<104x128xi32, #tpu.memory_space<vmem>>, vector<1x16xi32>,
          %get3A_525 = vector.shape_cast %get3A_524 : vector<1x16xi32> to vector<16xi32>
          %shift_left3A_526 = arith.constant 16 : i32
          %shift_left3A_527 = vector.broadcast %shift_left3A_526 : i32 to vector<16xi32>
          %shift_left3A_528 = arith.shli %get3A_525, %shift_left3A_527 : vector<16xi32>
          %bitcast_convert_type3A_529 = tpu.bitcast %shift_left3A_528 : vector<16xi32> -> vector<16xf32>
          %bitcast_convert_type3A_530 = tpu.bitcast %get3A_525 : vector<16xi32> -> vector<16xf32>
          %add3A_531 = arith.addf %add3A_441, %bitcast_convert_type3A_529 : vector<16xf32>
          %add3A_532 = arith.addf %add3A_442, %bitcast_convert_type3A_530 : vector<16xf32>
          %get3A_533 = arith.index_cast %add3A_466 : i32 to index
          %get3A_534 = arith.constant 96 : index
          %get3A_535 = tpu.vector_load %arg6[%get3A_533, %get3A_534] {strides = array<i32>} : memref<104x128xi32, #tpu.memory_space<vmem>>, vector<1x16xi32>,
          %get3A_536 = vector.shape_cast %get3A_535 : vector<1x16xi32> to vector<16xi32>
          %shift_left3A_537 = arith.constant 16 : i32
          %shift_left3A_538 = vector.broadcast %shift_left3A_537 : i32 to vector<16xi32>
          %shift_left3A_539 = arith.shli %get3A_536, %shift_left3A_538 : vector<16xi32>
          %bitcast_convert_type3A_540 = tpu.bitcast %shift_left3A_539 : vector<16xi32> -> vector<16xf32>
          %bitcast_convert_type3A_541 = tpu.bitcast %get3A_536 : vector<16xi32> -> vector<16xf32>
          %add3A_542 = arith.addf %add3A_452, %bitcast_convert_type3A_540 : vector<16xf32>
          %add3A_543 = arith.addf %add3A_453, %bitcast_convert_type3A_541 : vector<16xf32>
          %get3A_544 = arith.index_cast %add3A_466 : i32 to index
          %get3A_545 = arith.constant 112 : index
          %get3A_546 = tpu.vector_load %arg6[%get3A_544, %get3A_545] {strides = array<i32>} : memref<104x128xi32, #tpu.memory_space<vmem>>, vector<1x16xi32>,
          %get3A_547 = vector.shape_cast %get3A_546 : vector<1x16xi32> to vector<16xi32>
          %shift_left3A_548 = arith.constant 16 : i32
          %shift_left3A_549 = vector.broadcast %shift_left3A_548 : i32 to vector<16xi32>
          %shift_left3A_550 = arith.shli %get3A_547, %shift_left3A_549 : vector<16xi32>
          %bitcast_convert_type3A_551 = tpu.bitcast %shift_left3A_550 : vector<16xi32> -> vector<16xf32>
          %bitcast_convert_type3A_552 = tpu.bitcast %get3A_547 : vector<16xi32> -> vector<16xf32>
          %add3A_553 = arith.addf %add3A_463, %bitcast_convert_type3A_551 : vector<16xf32>
          %add3A_554 = arith.addf %add3A_464, %bitcast_convert_type3A_552 : vector<16xf32>
          scf.yield %add3A_476, %add3A_487, %add3A_498, %add3A_509, %add3A_520, %add3A_531, %add3A_542, %add3A_553, %add3A_477, %add3A_488, %add3A_499, %add3A_510, %add3A_521, %add3A_532, %add3A_543, %add3A_554 : vector<16xf32>, vector<16xf32>, vector<16xf32>, vector<16xf32>, vector<16xf32>, vector<16xf32>, vector<16xf32>, vector<16xf32>, vector<16xf32>, vector<16xf32>, vector<16xf32>, vector<16xf32>, vector<16xf32>, vector<16xf32>, vector<16xf32>, vector<16xf32>
        }
        %scan3A_80 = arith.constant 26 : i32
        %lt3A = arith.constant 31 : i32
        %lt3A_81 = arith.cmpi slt, %scan3A_36, %lt3A : i32
        %convert_element_type3A = arith.extui %lt3A_81 : i1 to i32
        %cond3A = arith.constant 0 : i32
        %cond3A_82 = arith.cmpi ne, %convert_element_type3A, %cond3A : i32
        scf.if %cond3A_82 {
          %add3A_179 = arith.constant 2 : i32
          %add3A_180 = arith.addi %mul3A_38, %add3A_179 : i32
          %dma_start3A_181 = arith.constant 0 : i32
          %dma_start3A_182 = tpu.memref_slice %arg5[%add3A_180, %dma_start3A_181] : memref<64x104xi32, #tpu.memory_space<vmem>> -> memref<1x104xi32, #tpu.memory_space<vmem>>
          %dma_start3A_183 = tpu.memref_squeeze %dma_start3A_182 : memref<1x104xi32, #tpu.memory_space<vmem>> -> memref<104xi32, #tpu.memory_space<vmem>>
          %dma_start3A_184 = arith.constant 0 : i32
          %dma_start3A_185 = arith.constant 0 : i32
          %dma_start3A_186 = tpu.memref_slice %arg2[%dma_start3A_184, %dma_start3A_185] : memref<100000x128xi32, #tpu.memory_space<hbm>> -> memref<100000x128xi32, #tpu.memory_space<hbm>>
          tpu.enqueue_indirect_dma source(%dma_start3A_186 : memref<100000x128xi32, #tpu.memory_space<hbm>>) target(%arg6 : memref<104x128xi32, #tpu.memory_space<vmem>>) offsets(%dma_start3A_183 : memref<104xi32, #tpu.memory_space<vmem>>) semaphore(%arg9 : memref<!tpu.dma_semaphore, #tpu.memory_space<semaphore_mem>>)
        } else {
        }
        %dma_wait3A_83 = arith.constant 0 : i32
        %dma_wait3A_84 = arith.constant 0 : i32
        %dma_wait3A_85 = tpu.memref_slice %arg2[%dma_wait3A_83, %dma_wait3A_84] : memref<100000x128xi32, #tpu.memory_space<hbm>> -> memref<96x128xi32, #tpu.memory_space<hbm>>
        %dma_wait3A_86 = arith.constant 0 : i32
        %dma_wait3A_87 = arith.constant 0 : i32
        %dma_wait3A_88 = tpu.memref_slice %arg2[%dma_wait3A_86, %dma_wait3A_87] : memref<100000x128xi32, #tpu.memory_space<hbm>> -> memref<96x128xi32, #tpu.memory_space<hbm>>
        tpu.wait_dma2 semaphore(%arg10 : memref<!tpu.dma_semaphore, #tpu.memory_space<semaphore_mem>>) src(%dma_wait3A_88 : memref<96x128xi32, #tpu.memory_space<hbm>>) dst(%arg7 : memref<96x128xi32, #tpu.memory_space<vmem>>)
        %scan3A_89 = arith.constant 0 : i32
        %scan3A_90 = arith.constant 24 : i32
        %scan3A_91 = arith.addi %scan3A_89, %scan3A_90 : i32
        %scan3A_92 = arith.constant 1 : i32
        %scan3A_93:16 = scf.for %scan3A_179 = %scan3A_89 to %scan3A_91 step %scan3A_92 iter_args(%scan3A_180 = %scan3A_79#0, %scan3A_181 = %scan3A_79#1, %scan3A_182 = %scan3A_79#2, %scan3A_183 = %scan3A_79#3, %scan3A_184 = %scan3A_79#4, %scan3A_185 = %scan3A_79#5, %scan3A_186 = %scan3A_79#6, %scan3A_187 = %scan3A_79#7, %scan3A_188 = %scan3A_79#8, %scan3A_189 = %scan3A_79#9, %scan3A_190 = %scan3A_79#10, %scan3A_191 = %scan3A_79#11, %scan3A_192 = %scan3A_79#12, %scan3A_193 = %scan3A_79#13, %scan3A_194 = %scan3A_79#14, %scan3A_195 = %scan3A_79#15) -> (vector<16xf32>, vector<16xf32>, vector<16xf32>, vector<16xf32>, vector<16xf32>, vector<16xf32>, vector<16xf32>, vector<16xf32>, vector<16xf32>, vector<16xf32>, vector<16xf32>, vector<16xf32>, vector<16xf32>, vector<16xf32>, vector<16xf32>, vector<16xf32>)  : i32 {
          %mul3A_196 = arith.constant 4 : i32
          %mul3A_197 = arith.muli %scan3A_179, %mul3A_196 : i32
          %add3A_198 = arith.constant 0 : i32
          %add3A_199 = arith.addi %mul3A_197, %add3A_198 : i32
          %get3A = arith.index_cast %add3A_199 : i32 to index
          %get3A_200 = arith.constant 0 : index
          %get3A_201 = tpu.vector_load %arg7[%get3A, %get3A_200] {strides = array<i32>} : memref<96x128xi32, #tpu.memory_space<vmem>>, vector<1x16xi32>,
          %get3A_202 = vector.shape_cast %get3A_201 : vector<1x16xi32> to vector<16xi32>
          %shift_left3A = arith.constant 16 : i32
          %shift_left3A_203 = vector.broadcast %shift_left3A : i32 to vector<16xi32>
          %shift_left3A_204 = arith.shli %get3A_202, %shift_left3A_203 : vector<16xi32>
          %bitcast_convert_type3A = tpu.bitcast %shift_left3A_204 : vector<16xi32> -> vector<16xf32>
          %bitcast_convert_type3A_205 = tpu.bitcast %get3A_202 : vector<16xi32> -> vector<16xf32>
          %add3A_206 = arith.addf %scan3A_180, %bitcast_convert_type3A : vector<16xf32>
          %add3A_207 = arith.addf %scan3A_188, %bitcast_convert_type3A_205 : vector<16xf32>
          %get3A_208 = arith.index_cast %add3A_199 : i32 to index
          %get3A_209 = arith.constant 16 : index
          %get3A_210 = tpu.vector_load %arg7[%get3A_208, %get3A_209] {strides = array<i32>} : memref<96x128xi32, #tpu.memory_space<vmem>>, vector<1x16xi32>,
          %get3A_211 = vector.shape_cast %get3A_210 : vector<1x16xi32> to vector<16xi32>
          %shift_left3A_212 = arith.constant 16 : i32
          %shift_left3A_213 = vector.broadcast %shift_left3A_212 : i32 to vector<16xi32>
          %shift_left3A_214 = arith.shli %get3A_211, %shift_left3A_213 : vector<16xi32>
          %bitcast_convert_type3A_215 = tpu.bitcast %shift_left3A_214 : vector<16xi32> -> vector<16xf32>
          %bitcast_convert_type3A_216 = tpu.bitcast %get3A_211 : vector<16xi32> -> vector<16xf32>
          %add3A_217 = arith.addf %scan3A_181, %bitcast_convert_type3A_215 : vector<16xf32>
          %add3A_218 = arith.addf %scan3A_189, %bitcast_convert_type3A_216 : vector<16xf32>
          %get3A_219 = arith.index_cast %add3A_199 : i32 to index
          %get3A_220 = arith.constant 32 : index
          %get3A_221 = tpu.vector_load %arg7[%get3A_219, %get3A_220] {strides = array<i32>} : memref<96x128xi32, #tpu.memory_space<vmem>>, vector<1x16xi32>,
          %get3A_222 = vector.shape_cast %get3A_221 : vector<1x16xi32> to vector<16xi32>
          %shift_left3A_223 = arith.constant 16 : i32
          %shift_left3A_224 = vector.broadcast %shift_left3A_223 : i32 to vector<16xi32>
          %shift_left3A_225 = arith.shli %get3A_222, %shift_left3A_224 : vector<16xi32>
          %bitcast_convert_type3A_226 = tpu.bitcast %shift_left3A_225 : vector<16xi32> -> vector<16xf32>
          %bitcast_convert_type3A_227 = tpu.bitcast %get3A_222 : vector<16xi32> -> vector<16xf32>
          %add3A_228 = arith.addf %scan3A_182, %bitcast_convert_type3A_226 : vector<16xf32>
          %add3A_229 = arith.addf %scan3A_190, %bitcast_convert_type3A_227 : vector<16xf32>
          %get3A_230 = arith.index_cast %add3A_199 : i32 to index
          %get3A_231 = arith.constant 48 : index
          %get3A_232 = tpu.vector_load %arg7[%get3A_230, %get3A_231] {strides = array<i32>} : memref<96x128xi32, #tpu.memory_space<vmem>>, vector<1x16xi32>,
          %get3A_233 = vector.shape_cast %get3A_232 : vector<1x16xi32> to vector<16xi32>
          %shift_left3A_234 = arith.constant 16 : i32
          %shift_left3A_235 = vector.broadcast %shift_left3A_234 : i32 to vector<16xi32>
          %shift_left3A_236 = arith.shli %get3A_233, %shift_left3A_235 : vector<16xi32>
          %bitcast_convert_type3A_237 = tpu.bitcast %shift_left3A_236 : vector<16xi32> -> vector<16xf32>
          %bitcast_convert_type3A_238 = tpu.bitcast %get3A_233 : vector<16xi32> -> vector<16xf32>
          %add3A_239 = arith.addf %scan3A_183, %bitcast_convert_type3A_237 : vector<16xf32>
          %add3A_240 = arith.addf %scan3A_191, %bitcast_convert_type3A_238 : vector<16xf32>
          %get3A_241 = arith.index_cast %add3A_199 : i32 to index
          %get3A_242 = arith.constant 64 : index
          %get3A_243 = tpu.vector_load %arg7[%get3A_241, %get3A_242] {strides = array<i32>} : memref<96x128xi32, #tpu.memory_space<vmem>>, vector<1x16xi32>,
          %get3A_244 = vector.shape_cast %get3A_243 : vector<1x16xi32> to vector<16xi32>
          %shift_left3A_245 = arith.constant 16 : i32
          %shift_left3A_246 = vector.broadcast %shift_left3A_245 : i32 to vector<16xi32>
          %shift_left3A_247 = arith.shli %get3A_244, %shift_left3A_246 : vector<16xi32>
          %bitcast_convert_type3A_248 = tpu.bitcast %shift_left3A_247 : vector<16xi32> -> vector<16xf32>
          %bitcast_convert_type3A_249 = tpu.bitcast %get3A_244 : vector<16xi32> -> vector<16xf32>
          %add3A_250 = arith.addf %scan3A_184, %bitcast_convert_type3A_248 : vector<16xf32>
          %add3A_251 = arith.addf %scan3A_192, %bitcast_convert_type3A_249 : vector<16xf32>
          %get3A_252 = arith.index_cast %add3A_199 : i32 to index
          %get3A_253 = arith.constant 80 : index
          %get3A_254 = tpu.vector_load %arg7[%get3A_252, %get3A_253] {strides = array<i32>} : memref<96x128xi32, #tpu.memory_space<vmem>>, vector<1x16xi32>,
          %get3A_255 = vector.shape_cast %get3A_254 : vector<1x16xi32> to vector<16xi32>
          %shift_left3A_256 = arith.constant 16 : i32
          %shift_left3A_257 = vector.broadcast %shift_left3A_256 : i32 to vector<16xi32>
          %shift_left3A_258 = arith.shli %get3A_255, %shift_left3A_257 : vector<16xi32>
          %bitcast_convert_type3A_259 = tpu.bitcast %shift_left3A_258 : vector<16xi32> -> vector<16xf32>
          %bitcast_convert_type3A_260 = tpu.bitcast %get3A_255 : vector<16xi32> -> vector<16xf32>
          %add3A_261 = arith.addf %scan3A_185, %bitcast_convert_type3A_259 : vector<16xf32>
          %add3A_262 = arith.addf %scan3A_193, %bitcast_convert_type3A_260 : vector<16xf32>
          %get3A_263 = arith.index_cast %add3A_199 : i32 to index
          %get3A_264 = arith.constant 96 : index
          %get3A_265 = tpu.vector_load %arg7[%get3A_263, %get3A_264] {strides = array<i32>} : memref<96x128xi32, #tpu.memory_space<vmem>>, vector<1x16xi32>,
          %get3A_266 = vector.shape_cast %get3A_265 : vector<1x16xi32> to vector<16xi32>
          %shift_left3A_267 = arith.constant 16 : i32
          %shift_left3A_268 = vector.broadcast %shift_left3A_267 : i32 to vector<16xi32>
          %shift_left3A_269 = arith.shli %get3A_266, %shift_left3A_268 : vector<16xi32>
          %bitcast_convert_type3A_270 = tpu.bitcast %shift_left3A_269 : vector<16xi32> -> vector<16xf32>
          %bitcast_convert_type3A_271 = tpu.bitcast %get3A_266 : vector<16xi32> -> vector<16xf32>
          %add3A_272 = arith.addf %scan3A_186, %bitcast_convert_type3A_270 : vector<16xf32>
          %add3A_273 = arith.addf %scan3A_194, %bitcast_convert_type3A_271 : vector<16xf32>
          %get3A_274 = arith.index_cast %add3A_199 : i32 to index
          %get3A_275 = arith.constant 112 : index
          %get3A_276 = tpu.vector_load %arg7[%get3A_274, %get3A_275] {strides = array<i32>} : memref<96x128xi32, #tpu.memory_space<vmem>>, vector<1x16xi32>,
          %get3A_277 = vector.shape_cast %get3A_276 : vector<1x16xi32> to vector<16xi32>
          %shift_left3A_278 = arith.constant 16 : i32
          %shift_left3A_279 = vector.broadcast %shift_left3A_278 : i32 to vector<16xi32>
          %shift_left3A_280 = arith.shli %get3A_277, %shift_left3A_279 : vector<16xi32>
          %bitcast_convert_type3A_281 = tpu.bitcast %shift_left3A_280 : vector<16xi32> -> vector<16xf32>
          %bitcast_convert_type3A_282 = tpu.bitcast %get3A_277 : vector<16xi32> -> vector<16xf32>
          %add3A_283 = arith.addf %scan3A_187, %bitcast_convert_type3A_281 : vector<16xf32>
          %add3A_284 = arith.addf %scan3A_195, %bitcast_convert_type3A_282 : vector<16xf32>
          %add3A_285 = arith.constant 1 : i32
          %add3A_286 = arith.addi %mul3A_197, %add3A_285 : i32
          %get3A_287 = arith.index_cast %add3A_286 : i32 to index
          %get3A_288 = arith.constant 0 : index
          %get3A_289 = tpu.vector_load %arg7[%get3A_287, %get3A_288] {strides = array<i32>} : memref<96x128xi32, #tpu.memory_space<vmem>>, vector<1x16xi32>,
          %get3A_290 = vector.shape_cast %get3A_289 : vector<1x16xi32> to vector<16xi32>
          %shift_left3A_291 = arith.constant 16 : i32
          %shift_left3A_292 = vector.broadcast %shift_left3A_291 : i32 to vector<16xi32>
          %shift_left3A_293 = arith.shli %get3A_290, %shift_left3A_292 : vector<16xi32>
          %bitcast_convert_type3A_294 = tpu.bitcast %shift_left3A_293 : vector<16xi32> -> vector<16xf32>
          %bitcast_convert_type3A_295 = tpu.bitcast %get3A_290 : vector<16xi32> -> vector<16xf32>
          %add3A_296 = arith.addf %add3A_206, %bitcast_convert_type3A_294 : vector<16xf32>
          %add3A_297 = arith.addf %add3A_207, %bitcast_convert_type3A_295 : vector<16xf32>
          %get3A_298 = arith.index_cast %add3A_286 : i32 to index
          %get3A_299 = arith.constant 16 : index
          %get3A_300 = tpu.vector_load %arg7[%get3A_298, %get3A_299] {strides = array<i32>} : memref<96x128xi32, #tpu.memory_space<vmem>>, vector<1x16xi32>,
          %get3A_301 = vector.shape_cast %get3A_300 : vector<1x16xi32> to vector<16xi32>
          %shift_left3A_302 = arith.constant 16 : i32
          %shift_left3A_303 = vector.broadcast %shift_left3A_302 : i32 to vector<16xi32>
          %shift_left3A_304 = arith.shli %get3A_301, %shift_left3A_303 : vector<16xi32>
          %bitcast_convert_type3A_305 = tpu.bitcast %shift_left3A_304 : vector<16xi32> -> vector<16xf32>
          %bitcast_convert_type3A_306 = tpu.bitcast %get3A_301 : vector<16xi32> -> vector<16xf32>
          %add3A_307 = arith.addf %add3A_217, %bitcast_convert_type3A_305 : vector<16xf32>
          %add3A_308 = arith.addf %add3A_218, %bitcast_convert_type3A_306 : vector<16xf32>
          %get3A_309 = arith.index_cast %add3A_286 : i32 to index
          %get3A_310 = arith.constant 32 : index
          %get3A_311 = tpu.vector_load %arg7[%get3A_309, %get3A_310] {strides = array<i32>} : memref<96x128xi32, #tpu.memory_space<vmem>>, vector<1x16xi32>,
          %get3A_312 = vector.shape_cast %get3A_311 : vector<1x16xi32> to vector<16xi32>
          %shift_left3A_313 = arith.constant 16 : i32
          %shift_left3A_314 = vector.broadcast %shift_left3A_313 : i32 to vector<16xi32>
          %shift_left3A_315 = arith.shli %get3A_312, %shift_left3A_314 : vector<16xi32>
          %bitcast_convert_type3A_316 = tpu.bitcast %shift_left3A_315 : vector<16xi32> -> vector<16xf32>
          %bitcast_convert_type3A_317 = tpu.bitcast %get3A_312 : vector<16xi32> -> vector<16xf32>
          %add3A_318 = arith.addf %add3A_228, %bitcast_convert_type3A_316 : vector<16xf32>
          %add3A_319 = arith.addf %add3A_229, %bitcast_convert_type3A_317 : vector<16xf32>
          %get3A_320 = arith.index_cast %add3A_286 : i32 to index
          %get3A_321 = arith.constant 48 : index
          %get3A_322 = tpu.vector_load %arg7[%get3A_320, %get3A_321] {strides = array<i32>} : memref<96x128xi32, #tpu.memory_space<vmem>>, vector<1x16xi32>,
          %get3A_323 = vector.shape_cast %get3A_322 : vector<1x16xi32> to vector<16xi32>
          %shift_left3A_324 = arith.constant 16 : i32
          %shift_left3A_325 = vector.broadcast %shift_left3A_324 : i32 to vector<16xi32>
          %shift_left3A_326 = arith.shli %get3A_323, %shift_left3A_325 : vector<16xi32>
          %bitcast_convert_type3A_327 = tpu.bitcast %shift_left3A_326 : vector<16xi32> -> vector<16xf32>
          %bitcast_convert_type3A_328 = tpu.bitcast %get3A_323 : vector<16xi32> -> vector<16xf32>
          %add3A_329 = arith.addf %add3A_239, %bitcast_convert_type3A_327 : vector<16xf32>
          %add3A_330 = arith.addf %add3A_240, %bitcast_convert_type3A_328 : vector<16xf32>
          %get3A_331 = arith.index_cast %add3A_286 : i32 to index
          %get3A_332 = arith.constant 64 : index
          %get3A_333 = tpu.vector_load %arg7[%get3A_331, %get3A_332] {strides = array<i32>} : memref<96x128xi32, #tpu.memory_space<vmem>>, vector<1x16xi32>,
          %get3A_334 = vector.shape_cast %get3A_333 : vector<1x16xi32> to vector<16xi32>
          %shift_left3A_335 = arith.constant 16 : i32
          %shift_left3A_336 = vector.broadcast %shift_left3A_335 : i32 to vector<16xi32>
          %shift_left3A_337 = arith.shli %get3A_334, %shift_left3A_336 : vector<16xi32>
          %bitcast_convert_type3A_338 = tpu.bitcast %shift_left3A_337 : vector<16xi32> -> vector<16xf32>
          %bitcast_convert_type3A_339 = tpu.bitcast %get3A_334 : vector<16xi32> -> vector<16xf32>
          %add3A_340 = arith.addf %add3A_250, %bitcast_convert_type3A_338 : vector<16xf32>
          %add3A_341 = arith.addf %add3A_251, %bitcast_convert_type3A_339 : vector<16xf32>
          %get3A_342 = arith.index_cast %add3A_286 : i32 to index
          %get3A_343 = arith.constant 80 : index
          %get3A_344 = tpu.vector_load %arg7[%get3A_342, %get3A_343] {strides = array<i32>} : memref<96x128xi32, #tpu.memory_space<vmem>>, vector<1x16xi32>,
          %get3A_345 = vector.shape_cast %get3A_344 : vector<1x16xi32> to vector<16xi32>
          %shift_left3A_346 = arith.constant 16 : i32
          %shift_left3A_347 = vector.broadcast %shift_left3A_346 : i32 to vector<16xi32>
          %shift_left3A_348 = arith.shli %get3A_345, %shift_left3A_347 : vector<16xi32>
          %bitcast_convert_type3A_349 = tpu.bitcast %shift_left3A_348 : vector<16xi32> -> vector<16xf32>
          %bitcast_convert_type3A_350 = tpu.bitcast %get3A_345 : vector<16xi32> -> vector<16xf32>
          %add3A_351 = arith.addf %add3A_261, %bitcast_convert_type3A_349 : vector<16xf32>
          %add3A_352 = arith.addf %add3A_262, %bitcast_convert_type3A_350 : vector<16xf32>
          %get3A_353 = arith.index_cast %add3A_286 : i32 to index
          %get3A_354 = arith.constant 96 : index
          %get3A_355 = tpu.vector_load %arg7[%get3A_353, %get3A_354] {strides = array<i32>} : memref<96x128xi32, #tpu.memory_space<vmem>>, vector<1x16xi32>,
          %get3A_356 = vector.shape_cast %get3A_355 : vector<1x16xi32> to vector<16xi32>
          %shift_left3A_357 = arith.constant 16 : i32
          %shift_left3A_358 = vector.broadcast %shift_left3A_357 : i32 to vector<16xi32>
          %shift_left3A_359 = arith.shli %get3A_356, %shift_left3A_358 : vector<16xi32>
          %bitcast_convert_type3A_360 = tpu.bitcast %shift_left3A_359 : vector<16xi32> -> vector<16xf32>
          %bitcast_convert_type3A_361 = tpu.bitcast %get3A_356 : vector<16xi32> -> vector<16xf32>
          %add3A_362 = arith.addf %add3A_272, %bitcast_convert_type3A_360 : vector<16xf32>
          %add3A_363 = arith.addf %add3A_273, %bitcast_convert_type3A_361 : vector<16xf32>
          %get3A_364 = arith.index_cast %add3A_286 : i32 to index
          %get3A_365 = arith.constant 112 : index
          %get3A_366 = tpu.vector_load %arg7[%get3A_364, %get3A_365] {strides = array<i32>} : memref<96x128xi32, #tpu.memory_space<vmem>>, vector<1x16xi32>,
          %get3A_367 = vector.shape_cast %get3A_366 : vector<1x16xi32> to vector<16xi32>
          %shift_left3A_368 = arith.constant 16 : i32
          %shift_left3A_369 = vector.broadcast %shift_left3A_368 : i32 to vector<16xi32>
          %shift_left3A_370 = arith.shli %get3A_367, %shift_left3A_369 : vector<16xi32>
          %bitcast_convert_type3A_371 = tpu.bitcast %shift_left3A_370 : vector<16xi32> -> vector<16xf32>
          %bitcast_convert_type3A_372 = tpu.bitcast %get3A_367 : vector<16xi32> -> vector<16xf32>
          %add3A_373 = arith.addf %add3A_283, %bitcast_convert_type3A_371 : vector<16xf32>
          %add3A_374 = arith.addf %add3A_284, %bitcast_convert_type3A_372 : vector<16xf32>
          %add3A_375 = arith.constant 2 : i32
          %add3A_376 = arith.addi %mul3A_197, %add3A_375 : i32
          %get3A_377 = arith.index_cast %add3A_376 : i32 to index
          %get3A_378 = arith.constant 0 : index
          %get3A_379 = tpu.vector_load %arg7[%get3A_377, %get3A_378] {strides = array<i32>} : memref<96x128xi32, #tpu.memory_space<vmem>>, vector<1x16xi32>,
          %get3A_380 = vector.shape_cast %get3A_379 : vector<1x16xi32> to vector<16xi32>
          %shift_left3A_381 = arith.constant 16 : i32
          %shift_left3A_382 = vector.broadcast %shift_left3A_381 : i32 to vector<16xi32>
          %shift_left3A_383 = arith.shli %get3A_380, %shift_left3A_382 : vector<16xi32>
          %bitcast_convert_type3A_384 = tpu.bitcast %shift_left3A_383 : vector<16xi32> -> vector<16xf32>
          %bitcast_convert_type3A_385 = tpu.bitcast %get3A_380 : vector<16xi32> -> vector<16xf32>
          %add3A_386 = arith.addf %add3A_296, %bitcast_convert_type3A_384 : vector<16xf32>
          %add3A_387 = arith.addf %add3A_297, %bitcast_convert_type3A_385 : vector<16xf32>
          %get3A_388 = arith.index_cast %add3A_376 : i32 to index
          %get3A_389 = arith.constant 16 : index
          %get3A_390 = tpu.vector_load %arg7[%get3A_388, %get3A_389] {strides = array<i32>} : memref<96x128xi32, #tpu.memory_space<vmem>>, vector<1x16xi32>,
          %get3A_391 = vector.shape_cast %get3A_390 : vector<1x16xi32> to vector<16xi32>
          %shift_left3A_392 = arith.constant 16 : i32
          %shift_left3A_393 = vector.broadcast %shift_left3A_392 : i32 to vector<16xi32>
          %shift_left3A_394 = arith.shli %get3A_391, %shift_left3A_393 : vector<16xi32>
          %bitcast_convert_type3A_395 = tpu.bitcast %shift_left3A_394 : vector<16xi32> -> vector<16xf32>
          %bitcast_convert_type3A_396 = tpu.bitcast %get3A_391 : vector<16xi32> -> vector<16xf32>
          %add3A_397 = arith.addf %add3A_307, %bitcast_convert_type3A_395 : vector<16xf32>
          %add3A_398 = arith.addf %add3A_308, %bitcast_convert_type3A_396 : vector<16xf32>
          %get3A_399 = arith.index_cast %add3A_376 : i32 to index
          %get3A_400 = arith.constant 32 : index
          %get3A_401 = tpu.vector_load %arg7[%get3A_399, %get3A_400] {strides = array<i32>} : memref<96x128xi32, #tpu.memory_space<vmem>>, vector<1x16xi32>,
          %get3A_402 = vector.shape_cast %get3A_401 : vector<1x16xi32> to vector<16xi32>
          %shift_left3A_403 = arith.constant 16 : i32
          %shift_left3A_404 = vector.broadcast %shift_left3A_403 : i32 to vector<16xi32>
          %shift_left3A_405 = arith.shli %get3A_402, %shift_left3A_404 : vector<16xi32>
          %bitcast_convert_type3A_406 = tpu.bitcast %shift_left3A_405 : vector<16xi32> -> vector<16xf32>
          %bitcast_convert_type3A_407 = tpu.bitcast %get3A_402 : vector<16xi32> -> vector<16xf32>
          %add3A_408 = arith.addf %add3A_318, %bitcast_convert_type3A_406 : vector<16xf32>
          %add3A_409 = arith.addf %add3A_319, %bitcast_convert_type3A_407 : vector<16xf32>
          %get3A_410 = arith.index_cast %add3A_376 : i32 to index
          %get3A_411 = arith.constant 48 : index
          %get3A_412 = tpu.vector_load %arg7[%get3A_410, %get3A_411] {strides = array<i32>} : memref<96x128xi32, #tpu.memory_space<vmem>>, vector<1x16xi32>,
          %get3A_413 = vector.shape_cast %get3A_412 : vector<1x16xi32> to vector<16xi32>
          %shift_left3A_414 = arith.constant 16 : i32
          %shift_left3A_415 = vector.broadcast %shift_left3A_414 : i32 to vector<16xi32>
          %shift_left3A_416 = arith.shli %get3A_413, %shift_left3A_415 : vector<16xi32>
          %bitcast_convert_type3A_417 = tpu.bitcast %shift_left3A_416 : vector<16xi32> -> vector<16xf32>
          %bitcast_convert_type3A_418 = tpu.bitcast %get3A_413 : vector<16xi32> -> vector<16xf32>
          %add3A_419 = arith.addf %add3A_329, %bitcast_convert_type3A_417 : vector<16xf32>
          %add3A_420 = arith.addf %add3A_330, %bitcast_convert_type3A_418 : vector<16xf32>
          %get3A_421 = arith.index_cast %add3A_376 : i32 to index
          %get3A_422 = arith.constant 64 : index
          %get3A_423 = tpu.vector_load %arg7[%get3A_421, %get3A_422] {strides = array<i32>} : memref<96x128xi32, #tpu.memory_space<vmem>>, vector<1x16xi32>,
          %get3A_424 = vector.shape_cast %get3A_423 : vector<1x16xi32> to vector<16xi32>
          %shift_left3A_425 = arith.constant 16 : i32
          %shift_left3A_426 = vector.broadcast %shift_left3A_425 : i32 to vector<16xi32>
          %shift_left3A_427 = arith.shli %get3A_424, %shift_left3A_426 : vector<16xi32>
          %bitcast_convert_type3A_428 = tpu.bitcast %shift_left3A_427 : vector<16xi32> -> vector<16xf32>
          %bitcast_convert_type3A_429 = tpu.bitcast %get3A_424 : vector<16xi32> -> vector<16xf32>
          %add3A_430 = arith.addf %add3A_340, %bitcast_convert_type3A_428 : vector<16xf32>
          %add3A_431 = arith.addf %add3A_341, %bitcast_convert_type3A_429 : vector<16xf32>
          %get3A_432 = arith.index_cast %add3A_376 : i32 to index
          %get3A_433 = arith.constant 80 : index
          %get3A_434 = tpu.vector_load %arg7[%get3A_432, %get3A_433] {strides = array<i32>} : memref<96x128xi32, #tpu.memory_space<vmem>>, vector<1x16xi32>,
          %get3A_435 = vector.shape_cast %get3A_434 : vector<1x16xi32> to vector<16xi32>
          %shift_left3A_436 = arith.constant 16 : i32
          %shift_left3A_437 = vector.broadcast %shift_left3A_436 : i32 to vector<16xi32>
          %shift_left3A_438 = arith.shli %get3A_435, %shift_left3A_437 : vector<16xi32>
          %bitcast_convert_type3A_439 = tpu.bitcast %shift_left3A_438 : vector<16xi32> -> vector<16xf32>
          %bitcast_convert_type3A_440 = tpu.bitcast %get3A_435 : vector<16xi32> -> vector<16xf32>
          %add3A_441 = arith.addf %add3A_351, %bitcast_convert_type3A_439 : vector<16xf32>
          %add3A_442 = arith.addf %add3A_352, %bitcast_convert_type3A_440 : vector<16xf32>
          %get3A_443 = arith.index_cast %add3A_376 : i32 to index
          %get3A_444 = arith.constant 96 : index
          %get3A_445 = tpu.vector_load %arg7[%get3A_443, %get3A_444] {strides = array<i32>} : memref<96x128xi32, #tpu.memory_space<vmem>>, vector<1x16xi32>,
          %get3A_446 = vector.shape_cast %get3A_445 : vector<1x16xi32> to vector<16xi32>
          %shift_left3A_447 = arith.constant 16 : i32
          %shift_left3A_448 = vector.broadcast %shift_left3A_447 : i32 to vector<16xi32>
          %shift_left3A_449 = arith.shli %get3A_446, %shift_left3A_448 : vector<16xi32>
          %bitcast_convert_type3A_450 = tpu.bitcast %shift_left3A_449 : vector<16xi32> -> vector<16xf32>
          %bitcast_convert_type3A_451 = tpu.bitcast %get3A_446 : vector<16xi32> -> vector<16xf32>
          %add3A_452 = arith.addf %add3A_362, %bitcast_convert_type3A_450 : vector<16xf32>
          %add3A_453 = arith.addf %add3A_363, %bitcast_convert_type3A_451 : vector<16xf32>
          %get3A_454 = arith.index_cast %add3A_376 : i32 to index
          %get3A_455 = arith.constant 112 : index
          %get3A_456 = tpu.vector_load %arg7[%get3A_454, %get3A_455] {strides = array<i32>} : memref<96x128xi32, #tpu.memory_space<vmem>>, vector<1x16xi32>,
          %get3A_457 = vector.shape_cast %get3A_456 : vector<1x16xi32> to vector<16xi32>
          %shift_left3A_458 = arith.constant 16 : i32
          %shift_left3A_459 = vector.broadcast %shift_left3A_458 : i32 to vector<16xi32>
          %shift_left3A_460 = arith.shli %get3A_457, %shift_left3A_459 : vector<16xi32>
          %bitcast_convert_type3A_461 = tpu.bitcast %shift_left3A_460 : vector<16xi32> -> vector<16xf32>
          %bitcast_convert_type3A_462 = tpu.bitcast %get3A_457 : vector<16xi32> -> vector<16xf32>
          %add3A_463 = arith.addf %add3A_373, %bitcast_convert_type3A_461 : vector<16xf32>
          %add3A_464 = arith.addf %add3A_374, %bitcast_convert_type3A_462 : vector<16xf32>
          %add3A_465 = arith.constant 3 : i32
          %add3A_466 = arith.addi %mul3A_197, %add3A_465 : i32
          %get3A_467 = arith.index_cast %add3A_466 : i32 to index
          %get3A_468 = arith.constant 0 : index
          %get3A_469 = tpu.vector_load %arg7[%get3A_467, %get3A_468] {strides = array<i32>} : memref<96x128xi32, #tpu.memory_space<vmem>>, vector<1x16xi32>,
          %get3A_470 = vector.shape_cast %get3A_469 : vector<1x16xi32> to vector<16xi32>
          %shift_left3A_471 = arith.constant 16 : i32
          %shift_left3A_472 = vector.broadcast %shift_left3A_471 : i32 to vector<16xi32>
          %shift_left3A_473 = arith.shli %get3A_470, %shift_left3A_472 : vector<16xi32>
          %bitcast_convert_type3A_474 = tpu.bitcast %shift_left3A_473 : vector<16xi32> -> vector<16xf32>
          %bitcast_convert_type3A_475 = tpu.bitcast %get3A_470 : vector<16xi32> -> vector<16xf32>
          %add3A_476 = arith.addf %add3A_386, %bitcast_convert_type3A_474 : vector<16xf32>
          %add3A_477 = arith.addf %add3A_387, %bitcast_convert_type3A_475 : vector<16xf32>
          %get3A_478 = arith.index_cast %add3A_466 : i32 to index
          %get3A_479 = arith.constant 16 : index
          %get3A_480 = tpu.vector_load %arg7[%get3A_478, %get3A_479] {strides = array<i32>} : memref<96x128xi32, #tpu.memory_space<vmem>>, vector<1x16xi32>,
          %get3A_481 = vector.shape_cast %get3A_480 : vector<1x16xi32> to vector<16xi32>
          %shift_left3A_482 = arith.constant 16 : i32
          %shift_left3A_483 = vector.broadcast %shift_left3A_482 : i32 to vector<16xi32>
          %shift_left3A_484 = arith.shli %get3A_481, %shift_left3A_483 : vector<16xi32>
          %bitcast_convert_type3A_485 = tpu.bitcast %shift_left3A_484 : vector<16xi32> -> vector<16xf32>
          %bitcast_convert_type3A_486 = tpu.bitcast %get3A_481 : vector<16xi32> -> vector<16xf32>
          %add3A_487 = arith.addf %add3A_397, %bitcast_convert_type3A_485 : vector<16xf32>
          %add3A_488 = arith.addf %add3A_398, %bitcast_convert_type3A_486 : vector<16xf32>
          %get3A_489 = arith.index_cast %add3A_466 : i32 to index
          %get3A_490 = arith.constant 32 : index
          %get3A_491 = tpu.vector_load %arg7[%get3A_489, %get3A_490] {strides = array<i32>} : memref<96x128xi32, #tpu.memory_space<vmem>>, vector<1x16xi32>,
          %get3A_492 = vector.shape_cast %get3A_491 : vector<1x16xi32> to vector<16xi32>
          %shift_left3A_493 = arith.constant 16 : i32
          %shift_left3A_494 = vector.broadcast %shift_left3A_493 : i32 to vector<16xi32>
          %shift_left3A_495 = arith.shli %get3A_492, %shift_left3A_494 : vector<16xi32>
          %bitcast_convert_type3A_496 = tpu.bitcast %shift_left3A_495 : vector<16xi32> -> vector<16xf32>
          %bitcast_convert_type3A_497 = tpu.bitcast %get3A_492 : vector<16xi32> -> vector<16xf32>
          %add3A_498 = arith.addf %add3A_408, %bitcast_convert_type3A_496 : vector<16xf32>
          %add3A_499 = arith.addf %add3A_409, %bitcast_convert_type3A_497 : vector<16xf32>
          %get3A_500 = arith.index_cast %add3A_466 : i32 to index
          %get3A_501 = arith.constant 48 : index
          %get3A_502 = tpu.vector_load %arg7[%get3A_500, %get3A_501] {strides = array<i32>} : memref<96x128xi32, #tpu.memory_space<vmem>>, vector<1x16xi32>,
          %get3A_503 = vector.shape_cast %get3A_502 : vector<1x16xi32> to vector<16xi32>
          %shift_left3A_504 = arith.constant 16 : i32
          %shift_left3A_505 = vector.broadcast %shift_left3A_504 : i32 to vector<16xi32>
          %shift_left3A_506 = arith.shli %get3A_503, %shift_left3A_505 : vector<16xi32>
          %bitcast_convert_type3A_507 = tpu.bitcast %shift_left3A_506 : vector<16xi32> -> vector<16xf32>
          %bitcast_convert_type3A_508 = tpu.bitcast %get3A_503 : vector<16xi32> -> vector<16xf32>
          %add3A_509 = arith.addf %add3A_419, %bitcast_convert_type3A_507 : vector<16xf32>
          %add3A_510 = arith.addf %add3A_420, %bitcast_convert_type3A_508 : vector<16xf32>
          %get3A_511 = arith.index_cast %add3A_466 : i32 to index
          %get3A_512 = arith.constant 64 : index
          %get3A_513 = tpu.vector_load %arg7[%get3A_511, %get3A_512] {strides = array<i32>} : memref<96x128xi32, #tpu.memory_space<vmem>>, vector<1x16xi32>,
          %get3A_514 = vector.shape_cast %get3A_513 : vector<1x16xi32> to vector<16xi32>
          %shift_left3A_515 = arith.constant 16 : i32
          %shift_left3A_516 = vector.broadcast %shift_left3A_515 : i32 to vector<16xi32>
          %shift_left3A_517 = arith.shli %get3A_514, %shift_left3A_516 : vector<16xi32>
          %bitcast_convert_type3A_518 = tpu.bitcast %shift_left3A_517 : vector<16xi32> -> vector<16xf32>
          %bitcast_convert_type3A_519 = tpu.bitcast %get3A_514 : vector<16xi32> -> vector<16xf32>
          %add3A_520 = arith.addf %add3A_430, %bitcast_convert_type3A_518 : vector<16xf32>
          %add3A_521 = arith.addf %add3A_431, %bitcast_convert_type3A_519 : vector<16xf32>
          %get3A_522 = arith.index_cast %add3A_466 : i32 to index
          %get3A_523 = arith.constant 80 : index
          %get3A_524 = tpu.vector_load %arg7[%get3A_522, %get3A_523] {strides = array<i32>} : memref<96x128xi32, #tpu.memory_space<vmem>>, vector<1x16xi32>,
          %get3A_525 = vector.shape_cast %get3A_524 : vector<1x16xi32> to vector<16xi32>
          %shift_left3A_526 = arith.constant 16 : i32
          %shift_left3A_527 = vector.broadcast %shift_left3A_526 : i32 to vector<16xi32>
          %shift_left3A_528 = arith.shli %get3A_525, %shift_left3A_527 : vector<16xi32>
          %bitcast_convert_type3A_529 = tpu.bitcast %shift_left3A_528 : vector<16xi32> -> vector<16xf32>
          %bitcast_convert_type3A_530 = tpu.bitcast %get3A_525 : vector<16xi32> -> vector<16xf32>
          %add3A_531 = arith.addf %add3A_441, %bitcast_convert_type3A_529 : vector<16xf32>
          %add3A_532 = arith.addf %add3A_442, %bitcast_convert_type3A_530 : vector<16xf32>
          %get3A_533 = arith.index_cast %add3A_466 : i32 to index
          %get3A_534 = arith.constant 96 : index
          %get3A_535 = tpu.vector_load %arg7[%get3A_533, %get3A_534] {strides = array<i32>} : memref<96x128xi32, #tpu.memory_space<vmem>>, vector<1x16xi32>,
          %get3A_536 = vector.shape_cast %get3A_535 : vector<1x16xi32> to vector<16xi32>
          %shift_left3A_537 = arith.constant 16 : i32
          %shift_left3A_538 = vector.broadcast %shift_left3A_537 : i32 to vector<16xi32>
          %shift_left3A_539 = arith.shli %get3A_536, %shift_left3A_538 : vector<16xi32>
          %bitcast_convert_type3A_540 = tpu.bitcast %shift_left3A_539 : vector<16xi32> -> vector<16xf32>
          %bitcast_convert_type3A_541 = tpu.bitcast %get3A_536 : vector<16xi32> -> vector<16xf32>
          %add3A_542 = arith.addf %add3A_452, %bitcast_convert_type3A_540 : vector<16xf32>
          %add3A_543 = arith.addf %add3A_453, %bitcast_convert_type3A_541 : vector<16xf32>
          %get3A_544 = arith.index_cast %add3A_466 : i32 to index
          %get3A_545 = arith.constant 112 : index
          %get3A_546 = tpu.vector_load %arg7[%get3A_544, %get3A_545] {strides = array<i32>} : memref<96x128xi32, #tpu.memory_space<vmem>>, vector<1x16xi32>,
          %get3A_547 = vector.shape_cast %get3A_546 : vector<1x16xi32> to vector<16xi32>
          %shift_left3A_548 = arith.constant 16 : i32
          %shift_left3A_549 = vector.broadcast %shift_left3A_548 : i32 to vector<16xi32>
          %shift_left3A_550 = arith.shli %get3A_547, %shift_left3A_549 : vector<16xi32>
          %bitcast_convert_type3A_551 = tpu.bitcast %shift_left3A_550 : vector<16xi32> -> vector<16xf32>
          %bitcast_convert_type3A_552 = tpu.bitcast %get3A_547 : vector<16xi32> -> vector<16xf32>
          %add3A_553 = arith.addf %add3A_463, %bitcast_convert_type3A_551 : vector<16xf32>
          %add3A_554 = arith.addf %add3A_464, %bitcast_convert_type3A_552 : vector<16xf32>
          scf.yield %add3A_476, %add3A_487, %add3A_498, %add3A_509, %add3A_520, %add3A_531, %add3A_542, %add3A_553, %add3A_477, %add3A_488, %add3A_499, %add3A_510, %add3A_521, %add3A_532, %add3A_543, %add3A_554 : vector<16xf32>, vector<16xf32>, vector<16xf32>, vector<16xf32>, vector<16xf32>, vector<16xf32>, vector<16xf32>, vector<16xf32>, vector<16xf32>, vector<16xf32>, vector<16xf32>, vector<16xf32>, vector<16xf32>, vector<16xf32>, vector<16xf32>, vector<16xf32>
        }
        %scan3A_94 = arith.constant 24 : i32
        %lt3A_95 = arith.constant 31 : i32
        %lt3A_96 = arith.cmpi slt, %scan3A_36, %lt3A_95 : i32
        %convert_element_type3A_97 = arith.extui %lt3A_96 : i1 to i32
        %cond3A_98 = arith.constant 0 : i32
        %cond3A_99 = arith.cmpi ne, %convert_element_type3A_97, %cond3A_98 : i32
        scf.if %cond3A_99 {
          %add3A_179 = arith.constant 2 : i32
          %add3A_180 = arith.addi %mul3A_38, %add3A_179 : i32
          %add3A_181 = arith.constant 1 : i32
          %add3A_182 = arith.addi %add3A_180, %add3A_181 : i32
          %dma_start3A_183 = arith.constant 0 : i32
          %dma_start3A_184 = tpu.memref_slice %arg5[%add3A_182, %dma_start3A_183] : memref<64x104xi32, #tpu.memory_space<vmem>> -> memref<1x96xi32, #tpu.memory_space<vmem>>
          %dma_start3A_185 = tpu.memref_squeeze %dma_start3A_184 : memref<1x96xi32, #tpu.memory_space<vmem>> -> memref<96xi32, #tpu.memory_space<vmem>>
          %dma_start3A_186 = arith.constant 0 : i32
          %dma_start3A_187 = arith.constant 0 : i32
          %dma_start3A_188 = tpu.memref_slice %arg2[%dma_start3A_186, %dma_start3A_187] : memref<100000x128xi32, #tpu.memory_space<hbm>> -> memref<100000x128xi32, #tpu.memory_space<hbm>>
          tpu.enqueue_indirect_dma source(%dma_start3A_188 : memref<100000x128xi32, #tpu.memory_space<hbm>>) target(%arg7 : memref<96x128xi32, #tpu.memory_space<vmem>>) offsets(%dma_start3A_185 : memref<96xi32, #tpu.memory_space<vmem>>) semaphore(%arg10 : memref<!tpu.dma_semaphore, #tpu.memory_space<semaphore_mem>>)
        } else {
        }
        %swap3A = arith.index_cast %scan3A_36 : i32 to index
        %swap3A_100 = arith.constant 0 : index
        %swap3A_101 = tpu.vector_load %arg8[%swap3A, %swap3A_100] {strides = array<i32>} : memref<32x256xf32, #tpu.memory_space<vmem>>, vector<1x16xf32>,
        %swap3A_102 = vector.shape_cast %swap3A_101 : vector<1x16xf32> to vector<16xf32>
        %swap3A_103 = vector.shape_cast %scan3A_93#0 : vector<16xf32> to vector<1x16xf32>
        tpu.vector_store %arg8[%swap3A, %swap3A_100], %swap3A_103 {strides = array<i32>} : memref<32x256xf32, #tpu.memory_space<vmem>>, vector<1x16xf32>,
        %swap3A_104 = arith.index_cast %scan3A_36 : i32 to index
        %swap3A_105 = arith.constant 16 : index
        %swap3A_106 = tpu.vector_load %arg8[%swap3A_104, %swap3A_105] {strides = array<i32>} : memref<32x256xf32, #tpu.memory_space<vmem>>, vector<1x16xf32>,
        %swap3A_107 = vector.shape_cast %swap3A_106 : vector<1x16xf32> to vector<16xf32>
        %swap3A_108 = vector.shape_cast %scan3A_93#1 : vector<16xf32> to vector<1x16xf32>
        tpu.vector_store %arg8[%swap3A_104, %swap3A_105], %swap3A_108 {strides = array<i32>} : memref<32x256xf32, #tpu.memory_space<vmem>>, vector<1x16xf32>,
        %swap3A_109 = arith.index_cast %scan3A_36 : i32 to index
        %swap3A_110 = arith.constant 32 : index
        %swap3A_111 = tpu.vector_load %arg8[%swap3A_109, %swap3A_110] {strides = array<i32>} : memref<32x256xf32, #tpu.memory_space<vmem>>, vector<1x16xf32>,
        %swap3A_112 = vector.shape_cast %swap3A_111 : vector<1x16xf32> to vector<16xf32>
        %swap3A_113 = vector.shape_cast %scan3A_93#2 : vector<16xf32> to vector<1x16xf32>
        tpu.vector_store %arg8[%swap3A_109, %swap3A_110], %swap3A_113 {strides = array<i32>} : memref<32x256xf32, #tpu.memory_space<vmem>>, vector<1x16xf32>,
        %swap3A_114 = arith.index_cast %scan3A_36 : i32 to index
        %swap3A_115 = arith.constant 48 : index
        %swap3A_116 = tpu.vector_load %arg8[%swap3A_114, %swap3A_115] {strides = array<i32>} : memref<32x256xf32, #tpu.memory_space<vmem>>, vector<1x16xf32>,
        %swap3A_117 = vector.shape_cast %swap3A_116 : vector<1x16xf32> to vector<16xf32>
        %swap3A_118 = vector.shape_cast %scan3A_93#3 : vector<16xf32> to vector<1x16xf32>
        tpu.vector_store %arg8[%swap3A_114, %swap3A_115], %swap3A_118 {strides = array<i32>} : memref<32x256xf32, #tpu.memory_space<vmem>>, vector<1x16xf32>,
        %swap3A_119 = arith.index_cast %scan3A_36 : i32 to index
        %swap3A_120 = arith.constant 64 : index
        %swap3A_121 = tpu.vector_load %arg8[%swap3A_119, %swap3A_120] {strides = array<i32>} : memref<32x256xf32, #tpu.memory_space<vmem>>, vector<1x16xf32>,
        %swap3A_122 = vector.shape_cast %swap3A_121 : vector<1x16xf32> to vector<16xf32>
        %swap3A_123 = vector.shape_cast %scan3A_93#4 : vector<16xf32> to vector<1x16xf32>
        tpu.vector_store %arg8[%swap3A_119, %swap3A_120], %swap3A_123 {strides = array<i32>} : memref<32x256xf32, #tpu.memory_space<vmem>>, vector<1x16xf32>,
        %swap3A_124 = arith.index_cast %scan3A_36 : i32 to index
        %swap3A_125 = arith.constant 80 : index
        %swap3A_126 = tpu.vector_load %arg8[%swap3A_124, %swap3A_125] {strides = array<i32>} : memref<32x256xf32, #tpu.memory_space<vmem>>, vector<1x16xf32>,
        %swap3A_127 = vector.shape_cast %swap3A_126 : vector<1x16xf32> to vector<16xf32>
        %swap3A_128 = vector.shape_cast %scan3A_93#5 : vector<16xf32> to vector<1x16xf32>
        tpu.vector_store %arg8[%swap3A_124, %swap3A_125], %swap3A_128 {strides = array<i32>} : memref<32x256xf32, #tpu.memory_space<vmem>>, vector<1x16xf32>,
        %swap3A_129 = arith.index_cast %scan3A_36 : i32 to index
        %swap3A_130 = arith.constant 96 : index
        %swap3A_131 = tpu.vector_load %arg8[%swap3A_129, %swap3A_130] {strides = array<i32>} : memref<32x256xf32, #tpu.memory_space<vmem>>, vector<1x16xf32>,
        %swap3A_132 = vector.shape_cast %swap3A_131 : vector<1x16xf32> to vector<16xf32>
        %swap3A_133 = vector.shape_cast %scan3A_93#6 : vector<16xf32> to vector<1x16xf32>
        tpu.vector_store %arg8[%swap3A_129, %swap3A_130], %swap3A_133 {strides = array<i32>} : memref<32x256xf32, #tpu.memory_space<vmem>>, vector<1x16xf32>,
        %swap3A_134 = arith.index_cast %scan3A_36 : i32 to index
        %swap3A_135 = arith.constant 112 : index
        %swap3A_136 = tpu.vector_load %arg8[%swap3A_134, %swap3A_135] {strides = array<i32>} : memref<32x256xf32, #tpu.memory_space<vmem>>, vector<1x16xf32>,
        %swap3A_137 = vector.shape_cast %swap3A_136 : vector<1x16xf32> to vector<16xf32>
        %swap3A_138 = vector.shape_cast %scan3A_93#7 : vector<16xf32> to vector<1x16xf32>
        tpu.vector_store %arg8[%swap3A_134, %swap3A_135], %swap3A_138 {strides = array<i32>} : memref<32x256xf32, #tpu.memory_space<vmem>>, vector<1x16xf32>,
        %swap3A_139 = arith.index_cast %scan3A_36 : i32 to index
        %swap3A_140 = arith.constant 128 : index
        %swap3A_141 = tpu.vector_load %arg8[%swap3A_139, %swap3A_140] {strides = array<i32>} : memref<32x256xf32, #tpu.memory_space<vmem>>, vector<1x16xf32>,
        %swap3A_142 = vector.shape_cast %swap3A_141 : vector<1x16xf32> to vector<16xf32>
        %swap3A_143 = vector.shape_cast %scan3A_93#8 : vector<16xf32> to vector<1x16xf32>
        tpu.vector_store %arg8[%swap3A_139, %swap3A_140], %swap3A_143 {strides = array<i32>} : memref<32x256xf32, #tpu.memory_space<vmem>>, vector<1x16xf32>,
        %swap3A_144 = arith.index_cast %scan3A_36 : i32 to index
        %swap3A_145 = arith.constant 144 : index
        %swap3A_146 = tpu.vector_load %arg8[%swap3A_144, %swap3A_145] {strides = array<i32>} : memref<32x256xf32, #tpu.memory_space<vmem>>, vector<1x16xf32>,
        %swap3A_147 = vector.shape_cast %swap3A_146 : vector<1x16xf32> to vector<16xf32>
        %swap3A_148 = vector.shape_cast %scan3A_93#9 : vector<16xf32> to vector<1x16xf32>
        tpu.vector_store %arg8[%swap3A_144, %swap3A_145], %swap3A_148 {strides = array<i32>} : memref<32x256xf32, #tpu.memory_space<vmem>>, vector<1x16xf32>,
        %swap3A_149 = arith.index_cast %scan3A_36 : i32 to index
        %swap3A_150 = arith.constant 160 : index
        %swap3A_151 = tpu.vector_load %arg8[%swap3A_149, %swap3A_150] {strides = array<i32>} : memref<32x256xf32, #tpu.memory_space<vmem>>, vector<1x16xf32>,
        %swap3A_152 = vector.shape_cast %swap3A_151 : vector<1x16xf32> to vector<16xf32>
        %swap3A_153 = vector.shape_cast %scan3A_93#10 : vector<16xf32> to vector<1x16xf32>
        tpu.vector_store %arg8[%swap3A_149, %swap3A_150], %swap3A_153 {strides = array<i32>} : memref<32x256xf32, #tpu.memory_space<vmem>>, vector<1x16xf32>,
        %swap3A_154 = arith.index_cast %scan3A_36 : i32 to index
        %swap3A_155 = arith.constant 176 : index
        %swap3A_156 = tpu.vector_load %arg8[%swap3A_154, %swap3A_155] {strides = array<i32>} : memref<32x256xf32, #tpu.memory_space<vmem>>, vector<1x16xf32>,
        %swap3A_157 = vector.shape_cast %swap3A_156 : vector<1x16xf32> to vector<16xf32>
        %swap3A_158 = vector.shape_cast %scan3A_93#11 : vector<16xf32> to vector<1x16xf32>
        tpu.vector_store %arg8[%swap3A_154, %swap3A_155], %swap3A_158 {strides = array<i32>} : memref<32x256xf32, #tpu.memory_space<vmem>>, vector<1x16xf32>,
        %swap3A_159 = arith.index_cast %scan3A_36 : i32 to index
        %swap3A_160 = arith.constant 192 : index
        %swap3A_161 = tpu.vector_load %arg8[%swap3A_159, %swap3A_160] {strides = array<i32>} : memref<32x256xf32, #tpu.memory_space<vmem>>, vector<1x16xf32>,
        %swap3A_162 = vector.shape_cast %swap3A_161 : vector<1x16xf32> to vector<16xf32>
        %swap3A_163 = vector.shape_cast %scan3A_93#12 : vector<16xf32> to vector<1x16xf32>
        tpu.vector_store %arg8[%swap3A_159, %swap3A_160], %swap3A_163 {strides = array<i32>} : memref<32x256xf32, #tpu.memory_space<vmem>>, vector<1x16xf32>,
        %swap3A_164 = arith.index_cast %scan3A_36 : i32 to index
        %swap3A_165 = arith.constant 208 : index
        %swap3A_166 = tpu.vector_load %arg8[%swap3A_164, %swap3A_165] {strides = array<i32>} : memref<32x256xf32, #tpu.memory_space<vmem>>, vector<1x16xf32>,
        %swap3A_167 = vector.shape_cast %swap3A_166 : vector<1x16xf32> to vector<16xf32>
        %swap3A_168 = vector.shape_cast %scan3A_93#13 : vector<16xf32> to vector<1x16xf32>
        tpu.vector_store %arg8[%swap3A_164, %swap3A_165], %swap3A_168 {strides = array<i32>} : memref<32x256xf32, #tpu.memory_space<vmem>>, vector<1x16xf32>,
        %swap3A_169 = arith.index_cast %scan3A_36 : i32 to index
        %swap3A_170 = arith.constant 224 : index
        %swap3A_171 = tpu.vector_load %arg8[%swap3A_169, %swap3A_170] {strides = array<i32>} : memref<32x256xf32, #tpu.memory_space<vmem>>, vector<1x16xf32>,
        %swap3A_172 = vector.shape_cast %swap3A_171 : vector<1x16xf32> to vector<16xf32>
        %swap3A_173 = vector.shape_cast %scan3A_93#14 : vector<16xf32> to vector<1x16xf32>
        tpu.vector_store %arg8[%swap3A_169, %swap3A_170], %swap3A_173 {strides = array<i32>} : memref<32x256xf32, #tpu.memory_space<vmem>>, vector<1x16xf32>,
        %swap3A_174 = arith.index_cast %scan3A_36 : i32 to index
        %swap3A_175 = arith.constant 240 : index
        %swap3A_176 = tpu.vector_load %arg8[%swap3A_174, %swap3A_175] {strides = array<i32>} : memref<32x256xf32, #tpu.memory_space<vmem>>, vector<1x16xf32>,
        %swap3A_177 = vector.shape_cast %swap3A_176 : vector<1x16xf32> to vector<16xf32>
        %swap3A_178 = vector.shape_cast %scan3A_93#15 : vector<16xf32> to vector<1x16xf32>
        tpu.vector_store %arg8[%swap3A_174, %swap3A_175], %swap3A_178 {strides = array<i32>} : memref<32x256xf32, #tpu.memory_space<vmem>>, vector<1x16xf32>,
      }
      %scan3A_32 = arith.constant 32 : i32
      %mul3A_33 = arith.constant 32 : i32
      %mul3A_34 = arith.muli %scan3A_10, %mul3A_33 : i32
      %add3A_35 = arith.addi %mul3A_4, %mul3A_34 : i32
      "tpu.region"() ({
        %run_scoped3A = tpu.sem_alloc : memref<!tpu.dma_semaphore, #tpu.memory_space<semaphore_mem>>
        %dma_start3A_36 = arith.constant 0 : i32
        %dma_start3A_37 = tpu.memref_slice %arg4[%add3A_35, %dma_start3A_36] : memref<4096x256xf32, #tpu.memory_space<hbm>> -> memref<32x256xf32, #tpu.memory_space<hbm>>
        %dma_start3A_38 = arith.constant 0 : i32
        %dma_start3A_39 = tpu.memref_slice %arg4[%add3A_35, %dma_start3A_38] : memref<4096x256xf32, #tpu.memory_space<hbm>> -> memref<32x256xf32, #tpu.memory_space<hbm>>
        tpu.enqueue_dma source(%arg8 : memref<32x256xf32, #tpu.memory_space<vmem>>) target(%dma_start3A_39 : memref<32x256xf32, #tpu.memory_space<hbm>>) target_semaphore(%run_scoped3A : memref<!tpu.dma_semaphore, #tpu.memory_space<semaphore_mem>>)
        %dma_wait3A = arith.constant 0 : i32
        %dma_wait3A_40 = tpu.memref_slice %arg4[%add3A_35, %dma_wait3A] : memref<4096x256xf32, #tpu.memory_space<hbm>> -> memref<32x256xf32, #tpu.memory_space<hbm>>
        %dma_wait3A_41 = arith.constant 0 : i32
        %dma_wait3A_42 = tpu.memref_slice %arg4[%add3A_35, %dma_wait3A_41] : memref<4096x256xf32, #tpu.memory_space<hbm>> -> memref<32x256xf32, #tpu.memory_space<hbm>>
        tpu.wait_dma2 semaphore(%run_scoped3A : memref<!tpu.dma_semaphore, #tpu.memory_space<semaphore_mem>>) src(%arg8 : memref<32x256xf32, #tpu.memory_space<vmem>>) dst(%dma_wait3A_42 : memref<32x256xf32, #tpu.memory_space<hbm>>)
        tpu.yield
      }) : () -> ()
    }
    %scan3A_9 = arith.constant 4 : i32
    return
  }
}

#map = affine_map<(d0, d1) -> (0, 0)>
module attributes {stable_mosaic.version = 14 : i64} {
  func.func @_gsum_body(%arg0: i32, %arg1: i32, %arg2: memref<100000x128xi32, #tpu.memory_space<hbm>>, %arg3: memref<8192x104xi32, #tpu.memory_space<hbm>>, %arg4: memref<4096x256xf32, #tpu.memory_space<hbm>>, %arg5: memref<64x104xi32, #tpu.memory_space<vmem>>, %arg6: memref<104x128xi32, #tpu.memory_space<vmem>>, %arg7: memref<96x128xi32, #tpu.memory_space<vmem>>, %arg8: memref<32x256xf32, #tpu.memory_space<vmem>>, %arg9: memref<!tpu.dma_semaphore, #tpu.memory_space<semaphore_mem>>, %arg10: memref<!tpu.dma_semaphore, #tpu.memory_space<semaphore_mem>>) attributes {dimension_semantics = [#tpu.dimension_semantics<core_parallel>, #tpu.dimension_semantics<subcore_parallel>], iteration_bounds = array<i64: 2, 16>, scalar_prefetch = 0 : i64, scratch_operands = 6 : i64, tpu.core_type = #tpu.core_type<sc_vector_subcore>, window_params = [{transform_indices = #map}, {transform_indices = #map}, {transform_indices = #map}]} {
    %mul3A = arith.constant 2 : i32
    %mul3A_0 = arith.muli %arg1, %mul3A : i32
    %add3A = arith.addi %mul3A_0, %arg0 : i32
    %mul3A_1 = arith.constant 256 : i32
    %mul3A_2 = arith.muli %add3A, %mul3A_1 : i32
    %mul3A_3 = arith.constant 128 : i32
    %mul3A_4 = arith.muli %add3A, %mul3A_3 : i32
    %scan3A = arith.constant 0 : i32
    %scan3A_5 = arith.constant 0 : i32
    %scan3A_6 = arith.constant 4 : i32
    %scan3A_7 = arith.addi %scan3A_5, %scan3A_6 : i32
    %scan3A_8 = arith.constant 1 : i32
    scf.for %scan3A_10 = %scan3A_5 to %scan3A_7 step %scan3A_8  : i32 {
      %mul3A_11 = arith.constant 64 : i32
      %mul3A_12 = arith.muli %scan3A_10, %mul3A_11 : i32
      %add3A_13 = arith.addi %mul3A_2, %mul3A_12 : i32
      "tpu.region"() ({
        %run_scoped3A = tpu.sem_alloc : memref<!tpu.dma_semaphore, #tpu.memory_space<semaphore_mem>>
        %dma_start3A_36 = arith.constant 0 : i32
        %dma_start3A_37 = tpu.memref_slice %arg3[%add3A_13, %dma_start3A_36] : memref<8192x104xi32, #tpu.memory_space<hbm>> -> memref<64x104xi32, #tpu.memory_space<hbm>>
        %dma_start3A_38 = arith.constant 0 : i32
        %dma_start3A_39 = tpu.memref_slice %arg3[%add3A_13, %dma_start3A_38] : memref<8192x104xi32, #tpu.memory_space<hbm>> -> memref<64x104xi32, #tpu.memory_space<hbm>>
        tpu.enqueue_dma source(%dma_start3A_39 : memref<64x104xi32, #tpu.memory_space<hbm>>) target(%arg5 : memref<64x104xi32, #tpu.memory_space<vmem>>) target_semaphore(%run_scoped3A : memref<!tpu.dma_semaphore, #tpu.memory_space<semaphore_mem>>)
        %dma_wait3A = arith.constant 0 : i32
        %dma_wait3A_40 = tpu.memref_slice %arg3[%add3A_13, %dma_wait3A] : memref<8192x104xi32, #tpu.memory_space<hbm>> -> memref<64x104xi32, #tpu.memory_space<hbm>>
        %dma_wait3A_41 = arith.constant 0 : i32
        %dma_wait3A_42 = tpu.memref_slice %arg3[%add3A_13, %dma_wait3A_41] : memref<8192x104xi32, #tpu.memory_space<hbm>> -> memref<64x104xi32, #tpu.memory_space<hbm>>
        tpu.wait_dma2 semaphore(%run_scoped3A : memref<!tpu.dma_semaphore, #tpu.memory_space<semaphore_mem>>) src(%dma_wait3A_42 : memref<64x104xi32, #tpu.memory_space<hbm>>) dst(%arg5 : memref<64x104xi32, #tpu.memory_space<vmem>>)
        tpu.yield
      }) : () -> ()
      %dma_start3A = arith.constant 0 : i32
      %dma_start3A_14 = arith.constant 0 : i32
      %dma_start3A_15 = tpu.memref_slice %arg5[%dma_start3A, %dma_start3A_14] : memref<64x104xi32, #tpu.memory_space<vmem>> -> memref<1x104xi32, #tpu.memory_space<vmem>>
      %dma_start3A_16 = tpu.memref_squeeze %dma_start3A_15 : memref<1x104xi32, #tpu.memory_space<vmem>> -> memref<104xi32, #tpu.memory_space<vmem>>
      %dma_start3A_17 = arith.constant 0 : i32
      %dma_start3A_18 = arith.constant 0 : i32
      %dma_start3A_19 = tpu.memref_slice %arg2[%dma_start3A_17, %dma_start3A_18] : memref<100000x128xi32, #tpu.memory_space<hbm>> -> memref<100000x128xi32, #tpu.memory_space<hbm>>
      tpu.enqueue_indirect_dma source(%dma_start3A_19 : memref<100000x128xi32, #tpu.memory_space<hbm>>) target(%arg6 : memref<104x128xi32, #tpu.memory_space<vmem>>) offsets(%dma_start3A_16 : memref<104xi32, #tpu.memory_space<vmem>>) semaphore(%arg9 : memref<!tpu.dma_semaphore, #tpu.memory_space<semaphore_mem>>)
      %dma_start3A_20 = arith.constant 1 : i32
      %dma_start3A_21 = arith.constant 0 : i32
      %dma_start3A_22 = tpu.memref_slice %arg5[%dma_start3A_20, %dma_start3A_21] : memref<64x104xi32, #tpu.memory_space<vmem>> -> memref<1x96xi32, #tpu.memory_space<vmem>>
      %dma_start3A_23 = tpu.memref_squeeze %dma_start3A_22 : memref<1x96xi32, #tpu.memory_space<vmem>> -> memref<96xi32, #tpu.memory_space<vmem>>
      %dma_start3A_24 = arith.constant 0 : i32
      %dma_start3A_25 = arith.constant 0 : i32
      %dma_start3A_26 = tpu.memref_slice %arg2[%dma_start3A_24, %dma_start3A_25] : memref<100000x128xi32, #tpu.memory_space<hbm>> -> memref<100000x128xi32, #tpu.memory_space<hbm>>
      tpu.enqueue_indirect_dma source(%dma_start3A_26 : memref<100000x128xi32, #tpu.memory_space<hbm>>) target(%arg7 : memref<96x128xi32, #tpu.memory_space<vmem>>) offsets(%dma_start3A_23 : memref<96xi32, #tpu.memory_space<vmem>>) semaphore(%arg10 : memref<!tpu.dma_semaphore, #tpu.memory_space<semaphore_mem>>)
      %scan3A_27 = arith.constant 0 : i32
      %scan3A_28 = arith.constant 0 : i32
      %scan3A_29 = arith.constant 32 : i32
      %scan3A_30 = arith.addi %scan3A_28, %scan3A_29 : i32
      %scan3A_31 = arith.constant 1 : i32
      scf.for %scan3A_36 = %scan3A_28 to %scan3A_30 step %scan3A_31  : i32 {
        %mul3A_37 = arith.constant 2 : i32
        %mul3A_38 = arith.muli %scan3A_36, %mul3A_37 : i32
        %broadcast_in_dim3A = arith.constant 0.000000e+00 : f32
        %broadcast_in_dim3A_39 = vector.broadcast %broadcast_in_dim3A : f32 to vector<16xf32>
        %broadcast_in_dim3A_40 = arith.constant 0.000000e+00 : f32
        %broadcast_in_dim3A_41 = vector.broadcast %broadcast_in_dim3A_40 : f32 to vector<16xf32>
        %broadcast_in_dim3A_42 = arith.constant 0.000000e+00 : f32
        %broadcast_in_dim3A_43 = vector.broadcast %broadcast_in_dim3A_42 : f32 to vector<16xf32>
        %broadcast_in_dim3A_44 = arith.constant 0.000000e+00 : f32
        %broadcast_in_dim3A_45 = vector.broadcast %broadcast_in_dim3A_44 : f32 to vector<16xf32>
        %broadcast_in_dim3A_46 = arith.constant 0.000000e+00 : f32
        %broadcast_in_dim3A_47 = vector.broadcast %broadcast_in_dim3A_46 : f32 to vector<16xf32>
        %broadcast_in_dim3A_48 = arith.constant 0.000000e+00 : f32
        %broadcast_in_dim3A_49 = vector.broadcast %broadcast_in_dim3A_48 : f32 to vector<16xf32>
        %broadcast_in_dim3A_50 = arith.constant 0.000000e+00 : f32
        %broadcast_in_dim3A_51 = vector.broadcast %broadcast_in_dim3A_50 : f32 to vector<16xf32>
        %broadcast_in_dim3A_52 = arith.constant 0.000000e+00 : f32
        %broadcast_in_dim3A_53 = vector.broadcast %broadcast_in_dim3A_52 : f32 to vector<16xf32>
        %broadcast_in_dim3A_54 = arith.constant 0.000000e+00 : f32
        %broadcast_in_dim3A_55 = vector.broadcast %broadcast_in_dim3A_54 : f32 to vector<16xf32>
        %broadcast_in_dim3A_56 = arith.constant 0.000000e+00 : f32
        %broadcast_in_dim3A_57 = vector.broadcast %broadcast_in_dim3A_56 : f32 to vector<16xf32>
        %broadcast_in_dim3A_58 = arith.constant 0.000000e+00 : f32
        %broadcast_in_dim3A_59 = vector.broadcast %broadcast_in_dim3A_58 : f32 to vector<16xf32>
        %broadcast_in_dim3A_60 = arith.constant 0.000000e+00 : f32
        %broadcast_in_dim3A_61 = vector.broadcast %broadcast_in_dim3A_60 : f32 to vector<16xf32>
        %broadcast_in_dim3A_62 = arith.constant 0.000000e+00 : f32
        %broadcast_in_dim3A_63 = vector.broadcast %broadcast_in_dim3A_62 : f32 to vector<16xf32>
        %broadcast_in_dim3A_64 = arith.constant 0.000000e+00 : f32
        %broadcast_in_dim3A_65 = vector.broadcast %broadcast_in_dim3A_64 : f32 to vector<16xf32>
        %broadcast_in_dim3A_66 = arith.constant 0.000000e+00 : f32
        %broadcast_in_dim3A_67 = vector.broadcast %broadcast_in_dim3A_66 : f32 to vector<16xf32>
        %broadcast_in_dim3A_68 = arith.constant 0.000000e+00 : f32
        %broadcast_in_dim3A_69 = vector.broadcast %broadcast_in_dim3A_68 : f32 to vector<16xf32>
        %dma_wait3A = arith.constant 0 : i32
        %dma_wait3A_70 = arith.constant 0 : i32
        %dma_wait3A_71 = tpu.memref_slice %arg2[%dma_wait3A, %dma_wait3A_70] : memref<100000x128xi32, #tpu.memory_space<hbm>> -> memref<104x128xi32, #tpu.memory_space<hbm>>
        %dma_wait3A_72 = arith.constant 0 : i32
        %dma_wait3A_73 = arith.constant 0 : i32
        %dma_wait3A_74 = tpu.memref_slice %arg2[%dma_wait3A_72, %dma_wait3A_73] : memref<100000x128xi32, #tpu.memory_space<hbm>> -> memref<104x128xi32, #tpu.memory_space<hbm>>
        tpu.wait_dma2 semaphore(%arg9 : memref<!tpu.dma_semaphore, #tpu.memory_space<semaphore_mem>>) src(%dma_wait3A_74 : memref<104x128xi32, #tpu.memory_space<hbm>>) dst(%arg6 : memref<104x128xi32, #tpu.memory_space<vmem>>)
        %scan3A_75 = arith.constant 0 : i32
        %scan3A_76 = arith.constant 26 : i32
        %scan3A_77 = arith.addi %scan3A_75, %scan3A_76 : i32
        %scan3A_78 = arith.constant 1 : i32
        %scan3A_79:16 = scf.for %scan3A_179 = %scan3A_75 to %scan3A_77 step %scan3A_78 iter_args(%scan3A_180 = %broadcast_in_dim3A_39, %scan3A_181 = %broadcast_in_dim3A_41, %scan3A_182 = %broadcast_in_dim3A_43, %scan3A_183 = %broadcast_in_dim3A_45, %scan3A_184 = %broadcast_in_dim3A_47, %scan3A_185 = %broadcast_in_dim3A_49, %scan3A_186 = %broadcast_in_dim3A_51, %scan3A_187 = %broadcast_in_dim3A_53, %scan3A_188 = %broadcast_in_dim3A_55, %scan3A_189 = %broadcast_in_dim3A_57, %scan3A_190 = %broadcast_in_dim3A_59, %scan3A_191 = %broadcast_in_dim3A_61, %scan3A_192 = %broadcast_in_dim3A_63, %scan3A_193 = %broadcast_in_dim3A_65, %scan3A_194 = %broadcast_in_dim3A_67, %scan3A_195 = %broadcast_in_dim3A_69) -> (vector<16xf32>, vector<16xf32>, vector<16xf32>, vector<16xf32>, vector<16xf32>, vector<16xf32>, vector<16xf32>, vector<16xf32>, vector<16xf32>, vector<16xf32>, vector<16xf32>, vector<16xf32>, vector<16xf32>, vector<16xf32>, vector<16xf32>, vector<16xf32>)  : i32 {
          %mul3A_196 = arith.constant 4 : i32
          %mul3A_197 = arith.muli %scan3A_179, %mul3A_196 : i32
          %add3A_198 = arith.constant 0 : i32
          %add3A_199 = arith.addi %mul3A_197, %add3A_198 : i32
          %get3A = arith.index_cast %add3A_199 : i32 to index
          %get3A_200 = arith.constant 0 : index
          %get3A_201 = tpu.vector_load %arg6[%get3A, %get3A_200] {strides = array<i32>} : memref<104x128xi32, #tpu.memory_space<vmem>>, vector<1x16xi32>,
          %get3A_202 = vector.shape_cast %get3A_201 : vector<1x16xi32> to vector<16xi32>
          %shift_left3A = arith.constant 16 : i32
          %shift_left3A_203 = vector.broadcast %shift_left3A : i32 to vector<16xi32>
          %shift_left3A_204 = arith.shli %get3A_202, %shift_left3A_203 : vector<16xi32>
          %bitcast_convert_type3A = tpu.bitcast %shift_left3A_204 : vector<16xi32> -> vector<16xf32>
          %bitcast_convert_type3A_205 = tpu.bitcast %get3A_202 : vector<16xi32> -> vector<16xf32>
          %add3A_206 = arith.addf %scan3A_180, %bitcast_convert_type3A : vector<16xf32>
          %add3A_207 = arith.addf %scan3A_188, %bitcast_convert_type3A_205 : vector<16xf32>
          %get3A_208 = arith.index_cast %add3A_199 : i32 to index
          %get3A_209 = arith.constant 16 : index
          %get3A_210 = tpu.vector_load %arg6[%get3A_208, %get3A_209] {strides = array<i32>} : memref<104x128xi32, #tpu.memory_space<vmem>>, vector<1x16xi32>,
          %get3A_211 = vector.shape_cast %get3A_210 : vector<1x16xi32> to vector<16xi32>
          %shift_left3A_212 = arith.constant 16 : i32
          %shift_left3A_213 = vector.broadcast %shift_left3A_212 : i32 to vector<16xi32>
          %shift_left3A_214 = arith.shli %get3A_211, %shift_left3A_213 : vector<16xi32>
          %bitcast_convert_type3A_215 = tpu.bitcast %shift_left3A_214 : vector<16xi32> -> vector<16xf32>
          %bitcast_convert_type3A_216 = tpu.bitcast %get3A_211 : vector<16xi32> -> vector<16xf32>
          %add3A_217 = arith.addf %scan3A_181, %bitcast_convert_type3A_215 : vector<16xf32>
          %add3A_218 = arith.addf %scan3A_189, %bitcast_convert_type3A_216 : vector<16xf32>
          %get3A_219 = arith.index_cast %add3A_199 : i32 to index
          %get3A_220 = arith.constant 32 : index
          %get3A_221 = tpu.vector_load %arg6[%get3A_219, %get3A_220] {strides = array<i32>} : memref<104x128xi32, #tpu.memory_space<vmem>>, vector<1x16xi32>,
          %get3A_222 = vector.shape_cast %get3A_221 : vector<1x16xi32> to vector<16xi32>
          %shift_left3A_223 = arith.constant 16 : i32
          %shift_left3A_224 = vector.broadcast %shift_left3A_223 : i32 to vector<16xi32>
          %shift_left3A_225 = arith.shli %get3A_222, %shift_left3A_224 : vector<16xi32>
          %bitcast_convert_type3A_226 = tpu.bitcast %shift_left3A_225 : vector<16xi32> -> vector<16xf32>
          %bitcast_convert_type3A_227 = tpu.bitcast %get3A_222 : vector<16xi32> -> vector<16xf32>
          %add3A_228 = arith.addf %scan3A_182, %bitcast_convert_type3A_226 : vector<16xf32>
          %add3A_229 = arith.addf %scan3A_190, %bitcast_convert_type3A_227 : vector<16xf32>
          %get3A_230 = arith.index_cast %add3A_199 : i32 to index
          %get3A_231 = arith.constant 48 : index
          %get3A_232 = tpu.vector_load %arg6[%get3A_230, %get3A_231] {strides = array<i32>} : memref<104x128xi32, #tpu.memory_space<vmem>>, vector<1x16xi32>,
          %get3A_233 = vector.shape_cast %get3A_232 : vector<1x16xi32> to vector<16xi32>
          %shift_left3A_234 = arith.constant 16 : i32
          %shift_left3A_235 = vector.broadcast %shift_left3A_234 : i32 to vector<16xi32>
          %shift_left3A_236 = arith.shli %get3A_233, %shift_left3A_235 : vector<16xi32>
          %bitcast_convert_type3A_237 = tpu.bitcast %shift_left3A_236 : vector<16xi32> -> vector<16xf32>
          %bitcast_convert_type3A_238 = tpu.bitcast %get3A_233 : vector<16xi32> -> vector<16xf32>
          %add3A_239 = arith.addf %scan3A_183, %bitcast_convert_type3A_237 : vector<16xf32>
          %add3A_240 = arith.addf %scan3A_191, %bitcast_convert_type3A_238 : vector<16xf32>
          %get3A_241 = arith.index_cast %add3A_199 : i32 to index
          %get3A_242 = arith.constant 64 : index
          %get3A_243 = tpu.vector_load %arg6[%get3A_241, %get3A_242] {strides = array<i32>} : memref<104x128xi32, #tpu.memory_space<vmem>>, vector<1x16xi32>,
          %get3A_244 = vector.shape_cast %get3A_243 : vector<1x16xi32> to vector<16xi32>
          %shift_left3A_245 = arith.constant 16 : i32
          %shift_left3A_246 = vector.broadcast %shift_left3A_245 : i32 to vector<16xi32>
          %shift_left3A_247 = arith.shli %get3A_244, %shift_left3A_246 : vector<16xi32>
          %bitcast_convert_type3A_248 = tpu.bitcast %shift_left3A_247 : vector<16xi32> -> vector<16xf32>
          %bitcast_convert_type3A_249 = tpu.bitcast %get3A_244 : vector<16xi32> -> vector<16xf32>
          %add3A_250 = arith.addf %scan3A_184, %bitcast_convert_type3A_248 : vector<16xf32>
          %add3A_251 = arith.addf %scan3A_192, %bitcast_convert_type3A_249 : vector<16xf32>
          %get3A_252 = arith.index_cast %add3A_199 : i32 to index
          %get3A_253 = arith.constant 80 : index
          %get3A_254 = tpu.vector_load %arg6[%get3A_252, %get3A_253] {strides = array<i32>} : memref<104x128xi32, #tpu.memory_space<vmem>>, vector<1x16xi32>,
          %get3A_255 = vector.shape_cast %get3A_254 : vector<1x16xi32> to vector<16xi32>
          %shift_left3A_256 = arith.constant 16 : i32
          %shift_left3A_257 = vector.broadcast %shift_left3A_256 : i32 to vector<16xi32>
          %shift_left3A_258 = arith.shli %get3A_255, %shift_left3A_257 : vector<16xi32>
          %bitcast_convert_type3A_259 = tpu.bitcast %shift_left3A_258 : vector<16xi32> -> vector<16xf32>
          %bitcast_convert_type3A_260 = tpu.bitcast %get3A_255 : vector<16xi32> -> vector<16xf32>
          %add3A_261 = arith.addf %scan3A_185, %bitcast_convert_type3A_259 : vector<16xf32>
          %add3A_262 = arith.addf %scan3A_193, %bitcast_convert_type3A_260 : vector<16xf32>
          %get3A_263 = arith.index_cast %add3A_199 : i32 to index
          %get3A_264 = arith.constant 96 : index
          %get3A_265 = tpu.vector_load %arg6[%get3A_263, %get3A_264] {strides = array<i32>} : memref<104x128xi32, #tpu.memory_space<vmem>>, vector<1x16xi32>,
          %get3A_266 = vector.shape_cast %get3A_265 : vector<1x16xi32> to vector<16xi32>
          %shift_left3A_267 = arith.constant 16 : i32
          %shift_left3A_268 = vector.broadcast %shift_left3A_267 : i32 to vector<16xi32>
          %shift_left3A_269 = arith.shli %get3A_266, %shift_left3A_268 : vector<16xi32>
          %bitcast_convert_type3A_270 = tpu.bitcast %shift_left3A_269 : vector<16xi32> -> vector<16xf32>
          %bitcast_convert_type3A_271 = tpu.bitcast %get3A_266 : vector<16xi32> -> vector<16xf32>
          %add3A_272 = arith.addf %scan3A_186, %bitcast_convert_type3A_270 : vector<16xf32>
          %add3A_273 = arith.addf %scan3A_194, %bitcast_convert_type3A_271 : vector<16xf32>
          %get3A_274 = arith.index_cast %add3A_199 : i32 to index
          %get3A_275 = arith.constant 112 : index
          %get3A_276 = tpu.vector_load %arg6[%get3A_274, %get3A_275] {strides = array<i32>} : memref<104x128xi32, #tpu.memory_space<vmem>>, vector<1x16xi32>,
          %get3A_277 = vector.shape_cast %get3A_276 : vector<1x16xi32> to vector<16xi32>
          %shift_left3A_278 = arith.constant 16 : i32
          %shift_left3A_279 = vector.broadcast %shift_left3A_278 : i32 to vector<16xi32>
          %shift_left3A_280 = arith.shli %get3A_277, %shift_left3A_279 : vector<16xi32>
          %bitcast_convert_type3A_281 = tpu.bitcast %shift_left3A_280 : vector<16xi32> -> vector<16xf32>
          %bitcast_convert_type3A_282 = tpu.bitcast %get3A_277 : vector<16xi32> -> vector<16xf32>
          %add3A_283 = arith.addf %scan3A_187, %bitcast_convert_type3A_281 : vector<16xf32>
          %add3A_284 = arith.addf %scan3A_195, %bitcast_convert_type3A_282 : vector<16xf32>
          %add3A_285 = arith.constant 1 : i32
          %add3A_286 = arith.addi %mul3A_197, %add3A_285 : i32
          %get3A_287 = arith.index_cast %add3A_286 : i32 to index
          %get3A_288 = arith.constant 0 : index
          %get3A_289 = tpu.vector_load %arg6[%get3A_287, %get3A_288] {strides = array<i32>} : memref<104x128xi32, #tpu.memory_space<vmem>>, vector<1x16xi32>,
          %get3A_290 = vector.shape_cast %get3A_289 : vector<1x16xi32> to vector<16xi32>
          %shift_left3A_291 = arith.constant 16 : i32
          %shift_left3A_292 = vector.broadcast %shift_left3A_291 : i32 to vector<16xi32>
          %shift_left3A_293 = arith.shli %get3A_290, %shift_left3A_292 : vector<16xi32>
          %bitcast_convert_type3A_294 = tpu.bitcast %shift_left3A_293 : vector<16xi32> -> vector<16xf32>
          %bitcast_convert_type3A_295 = tpu.bitcast %get3A_290 : vector<16xi32> -> vector<16xf32>
          %add3A_296 = arith.addf %add3A_206, %bitcast_convert_type3A_294 : vector<16xf32>
          %add3A_297 = arith.addf %add3A_207, %bitcast_convert_type3A_295 : vector<16xf32>
          %get3A_298 = arith.index_cast %add3A_286 : i32 to index
          %get3A_299 = arith.constant 16 : index
          %get3A_300 = tpu.vector_load %arg6[%get3A_298, %get3A_299] {strides = array<i32>} : memref<104x128xi32, #tpu.memory_space<vmem>>, vector<1x16xi32>,
          %get3A_301 = vector.shape_cast %get3A_300 : vector<1x16xi32> to vector<16xi32>
          %shift_left3A_302 = arith.constant 16 : i32
          %shift_left3A_303 = vector.broadcast %shift_left3A_302 : i32 to vector<16xi32>
          %shift_left3A_304 = arith.shli %get3A_301, %shift_left3A_303 : vector<16xi32>
          %bitcast_convert_type3A_305 = tpu.bitcast %shift_left3A_304 : vector<16xi32> -> vector<16xf32>
          %bitcast_convert_type3A_306 = tpu.bitcast %get3A_301 : vector<16xi32> -> vector<16xf32>
          %add3A_307 = arith.addf %add3A_217, %bitcast_convert_type3A_305 : vector<16xf32>
          %add3A_308 = arith.addf %add3A_218, %bitcast_convert_type3A_306 : vector<16xf32>
          %get3A_309 = arith.index_cast %add3A_286 : i32 to index
          %get3A_310 = arith.constant 32 : index
          %get3A_311 = tpu.vector_load %arg6[%get3A_309, %get3A_310] {strides = array<i32>} : memref<104x128xi32, #tpu.memory_space<vmem>>, vector<1x16xi32>,
          %get3A_312 = vector.shape_cast %get3A_311 : vector<1x16xi32> to vector<16xi32>
          %shift_left3A_313 = arith.constant 16 : i32
          %shift_left3A_314 = vector.broadcast %shift_left3A_313 : i32 to vector<16xi32>
          %shift_left3A_315 = arith.shli %get3A_312, %shift_left3A_314 : vector<16xi32>
          %bitcast_convert_type3A_316 = tpu.bitcast %shift_left3A_315 : vector<16xi32> -> vector<16xf32>
          %bitcast_convert_type3A_317 = tpu.bitcast %get3A_312 : vector<16xi32> -> vector<16xf32>
          %add3A_318 = arith.addf %add3A_228, %bitcast_convert_type3A_316 : vector<16xf32>
          %add3A_319 = arith.addf %add3A_229, %bitcast_convert_type3A_317 : vector<16xf32>
          %get3A_320 = arith.index_cast %add3A_286 : i32 to index
          %get3A_321 = arith.constant 48 : index
          %get3A_322 = tpu.vector_load %arg6[%get3A_320, %get3A_321] {strides = array<i32>} : memref<104x128xi32, #tpu.memory_space<vmem>>, vector<1x16xi32>,
          %get3A_323 = vector.shape_cast %get3A_322 : vector<1x16xi32> to vector<16xi32>
          %shift_left3A_324 = arith.constant 16 : i32
          %shift_left3A_325 = vector.broadcast %shift_left3A_324 : i32 to vector<16xi32>
          %shift_left3A_326 = arith.shli %get3A_323, %shift_left3A_325 : vector<16xi32>
          %bitcast_convert_type3A_327 = tpu.bitcast %shift_left3A_326 : vector<16xi32> -> vector<16xf32>
          %bitcast_convert_type3A_328 = tpu.bitcast %get3A_323 : vector<16xi32> -> vector<16xf32>
          %add3A_329 = arith.addf %add3A_239, %bitcast_convert_type3A_327 : vector<16xf32>
          %add3A_330 = arith.addf %add3A_240, %bitcast_convert_type3A_328 : vector<16xf32>
          %get3A_331 = arith.index_cast %add3A_286 : i32 to index
          %get3A_332 = arith.constant 64 : index
          %get3A_333 = tpu.vector_load %arg6[%get3A_331, %get3A_332] {strides = array<i32>} : memref<104x128xi32, #tpu.memory_space<vmem>>, vector<1x16xi32>,
          %get3A_334 = vector.shape_cast %get3A_333 : vector<1x16xi32> to vector<16xi32>
          %shift_left3A_335 = arith.constant 16 : i32
          %shift_left3A_336 = vector.broadcast %shift_left3A_335 : i32 to vector<16xi32>
          %shift_left3A_337 = arith.shli %get3A_334, %shift_left3A_336 : vector<16xi32>
          %bitcast_convert_type3A_338 = tpu.bitcast %shift_left3A_337 : vector<16xi32> -> vector<16xf32>
          %bitcast_convert_type3A_339 = tpu.bitcast %get3A_334 : vector<16xi32> -> vector<16xf32>
          %add3A_340 = arith.addf %add3A_250, %bitcast_convert_type3A_338 : vector<16xf32>
          %add3A_341 = arith.addf %add3A_251, %bitcast_convert_type3A_339 : vector<16xf32>
          %get3A_342 = arith.index_cast %add3A_286 : i32 to index
          %get3A_343 = arith.constant 80 : index
          %get3A_344 = tpu.vector_load %arg6[%get3A_342, %get3A_343] {strides = array<i32>} : memref<104x128xi32, #tpu.memory_space<vmem>>, vector<1x16xi32>,
          %get3A_345 = vector.shape_cast %get3A_344 : vector<1x16xi32> to vector<16xi32>
          %shift_left3A_346 = arith.constant 16 : i32
          %shift_left3A_347 = vector.broadcast %shift_left3A_346 : i32 to vector<16xi32>
          %shift_left3A_348 = arith.shli %get3A_345, %shift_left3A_347 : vector<16xi32>
          %bitcast_convert_type3A_349 = tpu.bitcast %shift_left3A_348 : vector<16xi32> -> vector<16xf32>
          %bitcast_convert_type3A_350 = tpu.bitcast %get3A_345 : vector<16xi32> -> vector<16xf32>
          %add3A_351 = arith.addf %add3A_261, %bitcast_convert_type3A_349 : vector<16xf32>
          %add3A_352 = arith.addf %add3A_262, %bitcast_convert_type3A_350 : vector<16xf32>
          %get3A_353 = arith.index_cast %add3A_286 : i32 to index
          %get3A_354 = arith.constant 96 : index
          %get3A_355 = tpu.vector_load %arg6[%get3A_353, %get3A_354] {strides = array<i32>} : memref<104x128xi32, #tpu.memory_space<vmem>>, vector<1x16xi32>,
          %get3A_356 = vector.shape_cast %get3A_355 : vector<1x16xi32> to vector<16xi32>
          %shift_left3A_357 = arith.constant 16 : i32
          %shift_left3A_358 = vector.broadcast %shift_left3A_357 : i32 to vector<16xi32>
          %shift_left3A_359 = arith.shli %get3A_356, %shift_left3A_358 : vector<16xi32>
          %bitcast_convert_type3A_360 = tpu.bitcast %shift_left3A_359 : vector<16xi32> -> vector<16xf32>
          %bitcast_convert_type3A_361 = tpu.bitcast %get3A_356 : vector<16xi32> -> vector<16xf32>
          %add3A_362 = arith.addf %add3A_272, %bitcast_convert_type3A_360 : vector<16xf32>
          %add3A_363 = arith.addf %add3A_273, %bitcast_convert_type3A_361 : vector<16xf32>
          %get3A_364 = arith.index_cast %add3A_286 : i32 to index
          %get3A_365 = arith.constant 112 : index
          %get3A_366 = tpu.vector_load %arg6[%get3A_364, %get3A_365] {strides = array<i32>} : memref<104x128xi32, #tpu.memory_space<vmem>>, vector<1x16xi32>,
          %get3A_367 = vector.shape_cast %get3A_366 : vector<1x16xi32> to vector<16xi32>
          %shift_left3A_368 = arith.constant 16 : i32
          %shift_left3A_369 = vector.broadcast %shift_left3A_368 : i32 to vector<16xi32>
          %shift_left3A_370 = arith.shli %get3A_367, %shift_left3A_369 : vector<16xi32>
          %bitcast_convert_type3A_371 = tpu.bitcast %shift_left3A_370 : vector<16xi32> -> vector<16xf32>
          %bitcast_convert_type3A_372 = tpu.bitcast %get3A_367 : vector<16xi32> -> vector<16xf32>
          %add3A_373 = arith.addf %add3A_283, %bitcast_convert_type3A_371 : vector<16xf32>
          %add3A_374 = arith.addf %add3A_284, %bitcast_convert_type3A_372 : vector<16xf32>
          %add3A_375 = arith.constant 2 : i32
          %add3A_376 = arith.addi %mul3A_197, %add3A_375 : i32
          %get3A_377 = arith.index_cast %add3A_376 : i32 to index
          %get3A_378 = arith.constant 0 : index
          %get3A_379 = tpu.vector_load %arg6[%get3A_377, %get3A_378] {strides = array<i32>} : memref<104x128xi32, #tpu.memory_space<vmem>>, vector<1x16xi32>,
          %get3A_380 = vector.shape_cast %get3A_379 : vector<1x16xi32> to vector<16xi32>
          %shift_left3A_381 = arith.constant 16 : i32
          %shift_left3A_382 = vector.broadcast %shift_left3A_381 : i32 to vector<16xi32>
          %shift_left3A_383 = arith.shli %get3A_380, %shift_left3A_382 : vector<16xi32>
          %bitcast_convert_type3A_384 = tpu.bitcast %shift_left3A_383 : vector<16xi32> -> vector<16xf32>
          %bitcast_convert_type3A_385 = tpu.bitcast %get3A_380 : vector<16xi32> -> vector<16xf32>
          %add3A_386 = arith.addf %add3A_296, %bitcast_convert_type3A_384 : vector<16xf32>
          %add3A_387 = arith.addf %add3A_297, %bitcast_convert_type3A_385 : vector<16xf32>
          %get3A_388 = arith.index_cast %add3A_376 : i32 to index
          %get3A_389 = arith.constant 16 : index
          %get3A_390 = tpu.vector_load %arg6[%get3A_388, %get3A_389] {strides = array<i32>} : memref<104x128xi32, #tpu.memory_space<vmem>>, vector<1x16xi32>,
          %get3A_391 = vector.shape_cast %get3A_390 : vector<1x16xi32> to vector<16xi32>
          %shift_left3A_392 = arith.constant 16 : i32
          %shift_left3A_393 = vector.broadcast %shift_left3A_392 : i32 to vector<16xi32>
          %shift_left3A_394 = arith.shli %get3A_391, %shift_left3A_393 : vector<16xi32>
          %bitcast_convert_type3A_395 = tpu.bitcast %shift_left3A_394 : vector<16xi32> -> vector<16xf32>
          %bitcast_convert_type3A_396 = tpu.bitcast %get3A_391 : vector<16xi32> -> vector<16xf32>
          %add3A_397 = arith.addf %add3A_307, %bitcast_convert_type3A_395 : vector<16xf32>
          %add3A_398 = arith.addf %add3A_308, %bitcast_convert_type3A_396 : vector<16xf32>
          %get3A_399 = arith.index_cast %add3A_376 : i32 to index
          %get3A_400 = arith.constant 32 : index
          %get3A_401 = tpu.vector_load %arg6[%get3A_399, %get3A_400] {strides = array<i32>} : memref<104x128xi32, #tpu.memory_space<vmem>>, vector<1x16xi32>,
          %get3A_402 = vector.shape_cast %get3A_401 : vector<1x16xi32> to vector<16xi32>
          %shift_left3A_403 = arith.constant 16 : i32
          %shift_left3A_404 = vector.broadcast %shift_left3A_403 : i32 to vector<16xi32>
          %shift_left3A_405 = arith.shli %get3A_402, %shift_left3A_404 : vector<16xi32>
          %bitcast_convert_type3A_406 = tpu.bitcast %shift_left3A_405 : vector<16xi32> -> vector<16xf32>
          %bitcast_convert_type3A_407 = tpu.bitcast %get3A_402 : vector<16xi32> -> vector<16xf32>
          %add3A_408 = arith.addf %add3A_318, %bitcast_convert_type3A_406 : vector<16xf32>
          %add3A_409 = arith.addf %add3A_319, %bitcast_convert_type3A_407 : vector<16xf32>
          %get3A_410 = arith.index_cast %add3A_376 : i32 to index
          %get3A_411 = arith.constant 48 : index
          %get3A_412 = tpu.vector_load %arg6[%get3A_410, %get3A_411] {strides = array<i32>} : memref<104x128xi32, #tpu.memory_space<vmem>>, vector<1x16xi32>,
          %get3A_413 = vector.shape_cast %get3A_412 : vector<1x16xi32> to vector<16xi32>
          %shift_left3A_414 = arith.constant 16 : i32
          %shift_left3A_415 = vector.broadcast %shift_left3A_414 : i32 to vector<16xi32>
          %shift_left3A_416 = arith.shli %get3A_413, %shift_left3A_415 : vector<16xi32>
          %bitcast_convert_type3A_417 = tpu.bitcast %shift_left3A_416 : vector<16xi32> -> vector<16xf32>
          %bitcast_convert_type3A_418 = tpu.bitcast %get3A_413 : vector<16xi32> -> vector<16xf32>
          %add3A_419 = arith.addf %add3A_329, %bitcast_convert_type3A_417 : vector<16xf32>
          %add3A_420 = arith.addf %add3A_330, %bitcast_convert_type3A_418 : vector<16xf32>
          %get3A_421 = arith.index_cast %add3A_376 : i32 to index
          %get3A_422 = arith.constant 64 : index
          %get3A_423 = tpu.vector_load %arg6[%get3A_421, %get3A_422] {strides = array<i32>} : memref<104x128xi32, #tpu.memory_space<vmem>>, vector<1x16xi32>,
          %get3A_424 = vector.shape_cast %get3A_423 : vector<1x16xi32> to vector<16xi32>
          %shift_left3A_425 = arith.constant 16 : i32
          %shift_left3A_426 = vector.broadcast %shift_left3A_425 : i32 to vector<16xi32>
          %shift_left3A_427 = arith.shli %get3A_424, %shift_left3A_426 : vector<16xi32>
          %bitcast_convert_type3A_428 = tpu.bitcast %shift_left3A_427 : vector<16xi32> -> vector<16xf32>
          %bitcast_convert_type3A_429 = tpu.bitcast %get3A_424 : vector<16xi32> -> vector<16xf32>
          %add3A_430 = arith.addf %add3A_340, %bitcast_convert_type3A_428 : vector<16xf32>
          %add3A_431 = arith.addf %add3A_341, %bitcast_convert_type3A_429 : vector<16xf32>
          %get3A_432 = arith.index_cast %add3A_376 : i32 to index
          %get3A_433 = arith.constant 80 : index
          %get3A_434 = tpu.vector_load %arg6[%get3A_432, %get3A_433] {strides = array<i32>} : memref<104x128xi32, #tpu.memory_space<vmem>>, vector<1x16xi32>,
          %get3A_435 = vector.shape_cast %get3A_434 : vector<1x16xi32> to vector<16xi32>
          %shift_left3A_436 = arith.constant 16 : i32
          %shift_left3A_437 = vector.broadcast %shift_left3A_436 : i32 to vector<16xi32>
          %shift_left3A_438 = arith.shli %get3A_435, %shift_left3A_437 : vector<16xi32>
          %bitcast_convert_type3A_439 = tpu.bitcast %shift_left3A_438 : vector<16xi32> -> vector<16xf32>
          %bitcast_convert_type3A_440 = tpu.bitcast %get3A_435 : vector<16xi32> -> vector<16xf32>
          %add3A_441 = arith.addf %add3A_351, %bitcast_convert_type3A_439 : vector<16xf32>
          %add3A_442 = arith.addf %add3A_352, %bitcast_convert_type3A_440 : vector<16xf32>
          %get3A_443 = arith.index_cast %add3A_376 : i32 to index
          %get3A_444 = arith.constant 96 : index
          %get3A_445 = tpu.vector_load %arg6[%get3A_443, %get3A_444] {strides = array<i32>} : memref<104x128xi32, #tpu.memory_space<vmem>>, vector<1x16xi32>,
          %get3A_446 = vector.shape_cast %get3A_445 : vector<1x16xi32> to vector<16xi32>
          %shift_left3A_447 = arith.constant 16 : i32
          %shift_left3A_448 = vector.broadcast %shift_left3A_447 : i32 to vector<16xi32>
          %shift_left3A_449 = arith.shli %get3A_446, %shift_left3A_448 : vector<16xi32>
          %bitcast_convert_type3A_450 = tpu.bitcast %shift_left3A_449 : vector<16xi32> -> vector<16xf32>
          %bitcast_convert_type3A_451 = tpu.bitcast %get3A_446 : vector<16xi32> -> vector<16xf32>
          %add3A_452 = arith.addf %add3A_362, %bitcast_convert_type3A_450 : vector<16xf32>
          %add3A_453 = arith.addf %add3A_363, %bitcast_convert_type3A_451 : vector<16xf32>
          %get3A_454 = arith.index_cast %add3A_376 : i32 to index
          %get3A_455 = arith.constant 112 : index
          %get3A_456 = tpu.vector_load %arg6[%get3A_454, %get3A_455] {strides = array<i32>} : memref<104x128xi32, #tpu.memory_space<vmem>>, vector<1x16xi32>,
          %get3A_457 = vector.shape_cast %get3A_456 : vector<1x16xi32> to vector<16xi32>
          %shift_left3A_458 = arith.constant 16 : i32
          %shift_left3A_459 = vector.broadcast %shift_left3A_458 : i32 to vector<16xi32>
          %shift_left3A_460 = arith.shli %get3A_457, %shift_left3A_459 : vector<16xi32>
          %bitcast_convert_type3A_461 = tpu.bitcast %shift_left3A_460 : vector<16xi32> -> vector<16xf32>
          %bitcast_convert_type3A_462 = tpu.bitcast %get3A_457 : vector<16xi32> -> vector<16xf32>
          %add3A_463 = arith.addf %add3A_373, %bitcast_convert_type3A_461 : vector<16xf32>
          %add3A_464 = arith.addf %add3A_374, %bitcast_convert_type3A_462 : vector<16xf32>
          %add3A_465 = arith.constant 3 : i32
          %add3A_466 = arith.addi %mul3A_197, %add3A_465 : i32
          %get3A_467 = arith.index_cast %add3A_466 : i32 to index
          %get3A_468 = arith.constant 0 : index
          %get3A_469 = tpu.vector_load %arg6[%get3A_467, %get3A_468] {strides = array<i32>} : memref<104x128xi32, #tpu.memory_space<vmem>>, vector<1x16xi32>,
          %get3A_470 = vector.shape_cast %get3A_469 : vector<1x16xi32> to vector<16xi32>
          %shift_left3A_471 = arith.constant 16 : i32
          %shift_left3A_472 = vector.broadcast %shift_left3A_471 : i32 to vector<16xi32>
          %shift_left3A_473 = arith.shli %get3A_470, %shift_left3A_472 : vector<16xi32>
          %bitcast_convert_type3A_474 = tpu.bitcast %shift_left3A_473 : vector<16xi32> -> vector<16xf32>
          %bitcast_convert_type3A_475 = tpu.bitcast %get3A_470 : vector<16xi32> -> vector<16xf32>
          %add3A_476 = arith.addf %add3A_386, %bitcast_convert_type3A_474 : vector<16xf32>
          %add3A_477 = arith.addf %add3A_387, %bitcast_convert_type3A_475 : vector<16xf32>
          %get3A_478 = arith.index_cast %add3A_466 : i32 to index
          %get3A_479 = arith.constant 16 : index
          %get3A_480 = tpu.vector_load %arg6[%get3A_478, %get3A_479] {strides = array<i32>} : memref<104x128xi32, #tpu.memory_space<vmem>>, vector<1x16xi32>,
          %get3A_481 = vector.shape_cast %get3A_480 : vector<1x16xi32> to vector<16xi32>
          %shift_left3A_482 = arith.constant 16 : i32
          %shift_left3A_483 = vector.broadcast %shift_left3A_482 : i32 to vector<16xi32>
          %shift_left3A_484 = arith.shli %get3A_481, %shift_left3A_483 : vector<16xi32>
          %bitcast_convert_type3A_485 = tpu.bitcast %shift_left3A_484 : vector<16xi32> -> vector<16xf32>
          %bitcast_convert_type3A_486 = tpu.bitcast %get3A_481 : vector<16xi32> -> vector<16xf32>
          %add3A_487 = arith.addf %add3A_397, %bitcast_convert_type3A_485 : vector<16xf32>
          %add3A_488 = arith.addf %add3A_398, %bitcast_convert_type3A_486 : vector<16xf32>
          %get3A_489 = arith.index_cast %add3A_466 : i32 to index
          %get3A_490 = arith.constant 32 : index
          %get3A_491 = tpu.vector_load %arg6[%get3A_489, %get3A_490] {strides = array<i32>} : memref<104x128xi32, #tpu.memory_space<vmem>>, vector<1x16xi32>,
          %get3A_492 = vector.shape_cast %get3A_491 : vector<1x16xi32> to vector<16xi32>
          %shift_left3A_493 = arith.constant 16 : i32
          %shift_left3A_494 = vector.broadcast %shift_left3A_493 : i32 to vector<16xi32>
          %shift_left3A_495 = arith.shli %get3A_492, %shift_left3A_494 : vector<16xi32>
          %bitcast_convert_type3A_496 = tpu.bitcast %shift_left3A_495 : vector<16xi32> -> vector<16xf32>
          %bitcast_convert_type3A_497 = tpu.bitcast %get3A_492 : vector<16xi32> -> vector<16xf32>
          %add3A_498 = arith.addf %add3A_408, %bitcast_convert_type3A_496 : vector<16xf32>
          %add3A_499 = arith.addf %add3A_409, %bitcast_convert_type3A_497 : vector<16xf32>
          %get3A_500 = arith.index_cast %add3A_466 : i32 to index
          %get3A_501 = arith.constant 48 : index
          %get3A_502 = tpu.vector_load %arg6[%get3A_500, %get3A_501] {strides = array<i32>} : memref<104x128xi32, #tpu.memory_space<vmem>>, vector<1x16xi32>,
          %get3A_503 = vector.shape_cast %get3A_502 : vector<1x16xi32> to vector<16xi32>
          %shift_left3A_504 = arith.constant 16 : i32
          %shift_left3A_505 = vector.broadcast %shift_left3A_504 : i32 to vector<16xi32>
          %shift_left3A_506 = arith.shli %get3A_503, %shift_left3A_505 : vector<16xi32>
          %bitcast_convert_type3A_507 = tpu.bitcast %shift_left3A_506 : vector<16xi32> -> vector<16xf32>
          %bitcast_convert_type3A_508 = tpu.bitcast %get3A_503 : vector<16xi32> -> vector<16xf32>
          %add3A_509 = arith.addf %add3A_419, %bitcast_convert_type3A_507 : vector<16xf32>
          %add3A_510 = arith.addf %add3A_420, %bitcast_convert_type3A_508 : vector<16xf32>
          %get3A_511 = arith.index_cast %add3A_466 : i32 to index
          %get3A_512 = arith.constant 64 : index
          %get3A_513 = tpu.vector_load %arg6[%get3A_511, %get3A_512] {strides = array<i32>} : memref<104x128xi32, #tpu.memory_space<vmem>>, vector<1x16xi32>,
          %get3A_514 = vector.shape_cast %get3A_513 : vector<1x16xi32> to vector<16xi32>
          %shift_left3A_515 = arith.constant 16 : i32
          %shift_left3A_516 = vector.broadcast %shift_left3A_515 : i32 to vector<16xi32>
          %shift_left3A_517 = arith.shli %get3A_514, %shift_left3A_516 : vector<16xi32>
          %bitcast_convert_type3A_518 = tpu.bitcast %shift_left3A_517 : vector<16xi32> -> vector<16xf32>
          %bitcast_convert_type3A_519 = tpu.bitcast %get3A_514 : vector<16xi32> -> vector<16xf32>
          %add3A_520 = arith.addf %add3A_430, %bitcast_convert_type3A_518 : vector<16xf32>
          %add3A_521 = arith.addf %add3A_431, %bitcast_convert_type3A_519 : vector<16xf32>
          %get3A_522 = arith.index_cast %add3A_466 : i32 to index
          %get3A_523 = arith.constant 80 : index
          %get3A_524 = tpu.vector_load %arg6[%get3A_522, %get3A_523] {strides = array<i32>} : memref<104x128xi32, #tpu.memory_space<vmem>>, vector<1x16xi32>,
          %get3A_525 = vector.shape_cast %get3A_524 : vector<1x16xi32> to vector<16xi32>
          %shift_left3A_526 = arith.constant 16 : i32
          %shift_left3A_527 = vector.broadcast %shift_left3A_526 : i32 to vector<16xi32>
          %shift_left3A_528 = arith.shli %get3A_525, %shift_left3A_527 : vector<16xi32>
          %bitcast_convert_type3A_529 = tpu.bitcast %shift_left3A_528 : vector<16xi32> -> vector<16xf32>
          %bitcast_convert_type3A_530 = tpu.bitcast %get3A_525 : vector<16xi32> -> vector<16xf32>
          %add3A_531 = arith.addf %add3A_441, %bitcast_convert_type3A_529 : vector<16xf32>
          %add3A_532 = arith.addf %add3A_442, %bitcast_convert_type3A_530 : vector<16xf32>
          %get3A_533 = arith.index_cast %add3A_466 : i32 to index
          %get3A_534 = arith.constant 96 : index
          %get3A_535 = tpu.vector_load %arg6[%get3A_533, %get3A_534] {strides = array<i32>} : memref<104x128xi32, #tpu.memory_space<vmem>>, vector<1x16xi32>,
          %get3A_536 = vector.shape_cast %get3A_535 : vector<1x16xi32> to vector<16xi32>
          %shift_left3A_537 = arith.constant 16 : i32
          %shift_left3A_538 = vector.broadcast %shift_left3A_537 : i32 to vector<16xi32>
          %shift_left3A_539 = arith.shli %get3A_536, %shift_left3A_538 : vector<16xi32>
          %bitcast_convert_type3A_540 = tpu.bitcast %shift_left3A_539 : vector<16xi32> -> vector<16xf32>
          %bitcast_convert_type3A_541 = tpu.bitcast %get3A_536 : vector<16xi32> -> vector<16xf32>
          %add3A_542 = arith.addf %add3A_452, %bitcast_convert_type3A_540 : vector<16xf32>
          %add3A_543 = arith.addf %add3A_453, %bitcast_convert_type3A_541 : vector<16xf32>
          %get3A_544 = arith.index_cast %add3A_466 : i32 to index
          %get3A_545 = arith.constant 112 : index
          %get3A_546 = tpu.vector_load %arg6[%get3A_544, %get3A_545] {strides = array<i32>} : memref<104x128xi32, #tpu.memory_space<vmem>>, vector<1x16xi32>,
          %get3A_547 = vector.shape_cast %get3A_546 : vector<1x16xi32> to vector<16xi32>
          %shift_left3A_548 = arith.constant 16 : i32
          %shift_left3A_549 = vector.broadcast %shift_left3A_548 : i32 to vector<16xi32>
          %shift_left3A_550 = arith.shli %get3A_547, %shift_left3A_549 : vector<16xi32>
          %bitcast_convert_type3A_551 = tpu.bitcast %shift_left3A_550 : vector<16xi32> -> vector<16xf32>
          %bitcast_convert_type3A_552 = tpu.bitcast %get3A_547 : vector<16xi32> -> vector<16xf32>
          %add3A_553 = arith.addf %add3A_463, %bitcast_convert_type3A_551 : vector<16xf32>
          %add3A_554 = arith.addf %add3A_464, %bitcast_convert_type3A_552 : vector<16xf32>
          scf.yield %add3A_476, %add3A_487, %add3A_498, %add3A_509, %add3A_520, %add3A_531, %add3A_542, %add3A_553, %add3A_477, %add3A_488, %add3A_499, %add3A_510, %add3A_521, %add3A_532, %add3A_543, %add3A_554 : vector<16xf32>, vector<16xf32>, vector<16xf32>, vector<16xf32>, vector<16xf32>, vector<16xf32>, vector<16xf32>, vector<16xf32>, vector<16xf32>, vector<16xf32>, vector<16xf32>, vector<16xf32>, vector<16xf32>, vector<16xf32>, vector<16xf32>, vector<16xf32>
        }
        %scan3A_80 = arith.constant 26 : i32
        %lt3A = arith.constant 31 : i32
        %lt3A_81 = arith.cmpi slt, %scan3A_36, %lt3A : i32
        %convert_element_type3A = arith.extui %lt3A_81 : i1 to i32
        %cond3A = arith.constant 0 : i32
        %cond3A_82 = arith.cmpi ne, %convert_element_type3A, %cond3A : i32
        scf.if %cond3A_82 {
          %add3A_179 = arith.constant 2 : i32
          %add3A_180 = arith.addi %mul3A_38, %add3A_179 : i32
          %dma_start3A_181 = arith.constant 0 : i32
          %dma_start3A_182 = tpu.memref_slice %arg5[%add3A_180, %dma_start3A_181] : memref<64x104xi32, #tpu.memory_space<vmem>> -> memref<1x104xi32, #tpu.memory_space<vmem>>
          %dma_start3A_183 = tpu.memref_squeeze %dma_start3A_182 : memref<1x104xi32, #tpu.memory_space<vmem>> -> memref<104xi32, #tpu.memory_space<vmem>>
          %dma_start3A_184 = arith.constant 0 : i32
          %dma_start3A_185 = arith.constant 0 : i32
          %dma_start3A_186 = tpu.memref_slice %arg2[%dma_start3A_184, %dma_start3A_185] : memref<100000x128xi32, #tpu.memory_space<hbm>> -> memref<100000x128xi32, #tpu.memory_space<hbm>>
          tpu.enqueue_indirect_dma source(%dma_start3A_186 : memref<100000x128xi32, #tpu.memory_space<hbm>>) target(%arg6 : memref<104x128xi32, #tpu.memory_space<vmem>>) offsets(%dma_start3A_183 : memref<104xi32, #tpu.memory_space<vmem>>) semaphore(%arg9 : memref<!tpu.dma_semaphore, #tpu.memory_space<semaphore_mem>>)
        } else {
        }
        %dma_wait3A_83 = arith.constant 0 : i32
        %dma_wait3A_84 = arith.constant 0 : i32
        %dma_wait3A_85 = tpu.memref_slice %arg2[%dma_wait3A_83, %dma_wait3A_84] : memref<100000x128xi32, #tpu.memory_space<hbm>> -> memref<96x128xi32, #tpu.memory_space<hbm>>
        %dma_wait3A_86 = arith.constant 0 : i32
        %dma_wait3A_87 = arith.constant 0 : i32
        %dma_wait3A_88 = tpu.memref_slice %arg2[%dma_wait3A_86, %dma_wait3A_87] : memref<100000x128xi32, #tpu.memory_space<hbm>> -> memref<96x128xi32, #tpu.memory_space<hbm>>
        tpu.wait_dma2 semaphore(%arg10 : memref<!tpu.dma_semaphore, #tpu.memory_space<semaphore_mem>>) src(%dma_wait3A_88 : memref<96x128xi32, #tpu.memory_space<hbm>>) dst(%arg7 : memref<96x128xi32, #tpu.memory_space<vmem>>)
        %scan3A_89 = arith.constant 0 : i32
        %scan3A_90 = arith.constant 24 : i32
        %scan3A_91 = arith.addi %scan3A_89, %scan3A_90 : i32
        %scan3A_92 = arith.constant 1 : i32
        %scan3A_93:16 = scf.for %scan3A_179 = %scan3A_89 to %scan3A_91 step %scan3A_92 iter_args(%scan3A_180 = %scan3A_79#0, %scan3A_181 = %scan3A_79#1, %scan3A_182 = %scan3A_79#2, %scan3A_183 = %scan3A_79#3, %scan3A_184 = %scan3A_79#4, %scan3A_185 = %scan3A_79#5, %scan3A_186 = %scan3A_79#6, %scan3A_187 = %scan3A_79#7, %scan3A_188 = %scan3A_79#8, %scan3A_189 = %scan3A_79#9, %scan3A_190 = %scan3A_79#10, %scan3A_191 = %scan3A_79#11, %scan3A_192 = %scan3A_79#12, %scan3A_193 = %scan3A_79#13, %scan3A_194 = %scan3A_79#14, %scan3A_195 = %scan3A_79#15) -> (vector<16xf32>, vector<16xf32>, vector<16xf32>, vector<16xf32>, vector<16xf32>, vector<16xf32>, vector<16xf32>, vector<16xf32>, vector<16xf32>, vector<16xf32>, vector<16xf32>, vector<16xf32>, vector<16xf32>, vector<16xf32>, vector<16xf32>, vector<16xf32>)  : i32 {
          %mul3A_196 = arith.constant 4 : i32
          %mul3A_197 = arith.muli %scan3A_179, %mul3A_196 : i32
          %add3A_198 = arith.constant 0 : i32
          %add3A_199 = arith.addi %mul3A_197, %add3A_198 : i32
          %get3A = arith.index_cast %add3A_199 : i32 to index
          %get3A_200 = arith.constant 0 : index
          %get3A_201 = tpu.vector_load %arg7[%get3A, %get3A_200] {strides = array<i32>} : memref<96x128xi32, #tpu.memory_space<vmem>>, vector<1x16xi32>,
          %get3A_202 = vector.shape_cast %get3A_201 : vector<1x16xi32> to vector<16xi32>
          %shift_left3A = arith.constant 16 : i32
          %shift_left3A_203 = vector.broadcast %shift_left3A : i32 to vector<16xi32>
          %shift_left3A_204 = arith.shli %get3A_202, %shift_left3A_203 : vector<16xi32>
          %bitcast_convert_type3A = tpu.bitcast %shift_left3A_204 : vector<16xi32> -> vector<16xf32>
          %bitcast_convert_type3A_205 = tpu.bitcast %get3A_202 : vector<16xi32> -> vector<16xf32>
          %add3A_206 = arith.addf %scan3A_180, %bitcast_convert_type3A : vector<16xf32>
          %add3A_207 = arith.addf %scan3A_188, %bitcast_convert_type3A_205 : vector<16xf32>
          %get3A_208 = arith.index_cast %add3A_199 : i32 to index
          %get3A_209 = arith.constant 16 : index
          %get3A_210 = tpu.vector_load %arg7[%get3A_208, %get3A_209] {strides = array<i32>} : memref<96x128xi32, #tpu.memory_space<vmem>>, vector<1x16xi32>,
          %get3A_211 = vector.shape_cast %get3A_210 : vector<1x16xi32> to vector<16xi32>
          %shift_left3A_212 = arith.constant 16 : i32
          %shift_left3A_213 = vector.broadcast %shift_left3A_212 : i32 to vector<16xi32>
          %shift_left3A_214 = arith.shli %get3A_211, %shift_left3A_213 : vector<16xi32>
          %bitcast_convert_type3A_215 = tpu.bitcast %shift_left3A_214 : vector<16xi32> -> vector<16xf32>
          %bitcast_convert_type3A_216 = tpu.bitcast %get3A_211 : vector<16xi32> -> vector<16xf32>
          %add3A_217 = arith.addf %scan3A_181, %bitcast_convert_type3A_215 : vector<16xf32>
          %add3A_218 = arith.addf %scan3A_189, %bitcast_convert_type3A_216 : vector<16xf32>
          %get3A_219 = arith.index_cast %add3A_199 : i32 to index
          %get3A_220 = arith.constant 32 : index
          %get3A_221 = tpu.vector_load %arg7[%get3A_219, %get3A_220] {strides = array<i32>} : memref<96x128xi32, #tpu.memory_space<vmem>>, vector<1x16xi32>,
          %get3A_222 = vector.shape_cast %get3A_221 : vector<1x16xi32> to vector<16xi32>
          %shift_left3A_223 = arith.constant 16 : i32
          %shift_left3A_224 = vector.broadcast %shift_left3A_223 : i32 to vector<16xi32>
          %shift_left3A_225 = arith.shli %get3A_222, %shift_left3A_224 : vector<16xi32>
          %bitcast_convert_type3A_226 = tpu.bitcast %shift_left3A_225 : vector<16xi32> -> vector<16xf32>
          %bitcast_convert_type3A_227 = tpu.bitcast %get3A_222 : vector<16xi32> -> vector<16xf32>
          %add3A_228 = arith.addf %scan3A_182, %bitcast_convert_type3A_226 : vector<16xf32>
          %add3A_229 = arith.addf %scan3A_190, %bitcast_convert_type3A_227 : vector<16xf32>
          %get3A_230 = arith.index_cast %add3A_199 : i32 to index
          %get3A_231 = arith.constant 48 : index
          %get3A_232 = tpu.vector_load %arg7[%get3A_230, %get3A_231] {strides = array<i32>} : memref<96x128xi32, #tpu.memory_space<vmem>>, vector<1x16xi32>,
          %get3A_233 = vector.shape_cast %get3A_232 : vector<1x16xi32> to vector<16xi32>
          %shift_left3A_234 = arith.constant 16 : i32
          %shift_left3A_235 = vector.broadcast %shift_left3A_234 : i32 to vector<16xi32>
          %shift_left3A_236 = arith.shli %get3A_233, %shift_left3A_235 : vector<16xi32>
          %bitcast_convert_type3A_237 = tpu.bitcast %shift_left3A_236 : vector<16xi32> -> vector<16xf32>
          %bitcast_convert_type3A_238 = tpu.bitcast %get3A_233 : vector<16xi32> -> vector<16xf32>
          %add3A_239 = arith.addf %scan3A_183, %bitcast_convert_type3A_237 : vector<16xf32>
          %add3A_240 = arith.addf %scan3A_191, %bitcast_convert_type3A_238 : vector<16xf32>
          %get3A_241 = arith.index_cast %add3A_199 : i32 to index
          %get3A_242 = arith.constant 64 : index
          %get3A_243 = tpu.vector_load %arg7[%get3A_241, %get3A_242] {strides = array<i32>} : memref<96x128xi32, #tpu.memory_space<vmem>>, vector<1x16xi32>,
          %get3A_244 = vector.shape_cast %get3A_243 : vector<1x16xi32> to vector<16xi32>
          %shift_left3A_245 = arith.constant 16 : i32
          %shift_left3A_246 = vector.broadcast %shift_left3A_245 : i32 to vector<16xi32>
          %shift_left3A_247 = arith.shli %get3A_244, %shift_left3A_246 : vector<16xi32>
          %bitcast_convert_type3A_248 = tpu.bitcast %shift_left3A_247 : vector<16xi32> -> vector<16xf32>
          %bitcast_convert_type3A_249 = tpu.bitcast %get3A_244 : vector<16xi32> -> vector<16xf32>
          %add3A_250 = arith.addf %scan3A_184, %bitcast_convert_type3A_248 : vector<16xf32>
          %add3A_251 = arith.addf %scan3A_192, %bitcast_convert_type3A_249 : vector<16xf32>
          %get3A_252 = arith.index_cast %add3A_199 : i32 to index
          %get3A_253 = arith.constant 80 : index
          %get3A_254 = tpu.vector_load %arg7[%get3A_252, %get3A_253] {strides = array<i32>} : memref<96x128xi32, #tpu.memory_space<vmem>>, vector<1x16xi32>,
          %get3A_255 = vector.shape_cast %get3A_254 : vector<1x16xi32> to vector<16xi32>
          %shift_left3A_256 = arith.constant 16 : i32
          %shift_left3A_257 = vector.broadcast %shift_left3A_256 : i32 to vector<16xi32>
          %shift_left3A_258 = arith.shli %get3A_255, %shift_left3A_257 : vector<16xi32>
          %bitcast_convert_type3A_259 = tpu.bitcast %shift_left3A_258 : vector<16xi32> -> vector<16xf32>
          %bitcast_convert_type3A_260 = tpu.bitcast %get3A_255 : vector<16xi32> -> vector<16xf32>
          %add3A_261 = arith.addf %scan3A_185, %bitcast_convert_type3A_259 : vector<16xf32>
          %add3A_262 = arith.addf %scan3A_193, %bitcast_convert_type3A_260 : vector<16xf32>
          %get3A_263 = arith.index_cast %add3A_199 : i32 to index
          %get3A_264 = arith.constant 96 : index
          %get3A_265 = tpu.vector_load %arg7[%get3A_263, %get3A_264] {strides = array<i32>} : memref<96x128xi32, #tpu.memory_space<vmem>>, vector<1x16xi32>,
          %get3A_266 = vector.shape_cast %get3A_265 : vector<1x16xi32> to vector<16xi32>
          %shift_left3A_267 = arith.constant 16 : i32
          %shift_left3A_268 = vector.broadcast %shift_left3A_267 : i32 to vector<16xi32>
          %shift_left3A_269 = arith.shli %get3A_266, %shift_left3A_268 : vector<16xi32>
          %bitcast_convert_type3A_270 = tpu.bitcast %shift_left3A_269 : vector<16xi32> -> vector<16xf32>
          %bitcast_convert_type3A_271 = tpu.bitcast %get3A_266 : vector<16xi32> -> vector<16xf32>
          %add3A_272 = arith.addf %scan3A_186, %bitcast_convert_type3A_270 : vector<16xf32>
          %add3A_273 = arith.addf %scan3A_194, %bitcast_convert_type3A_271 : vector<16xf32>
          %get3A_274 = arith.index_cast %add3A_199 : i32 to index
          %get3A_275 = arith.constant 112 : index
          %get3A_276 = tpu.vector_load %arg7[%get3A_274, %get3A_275] {strides = array<i32>} : memref<96x128xi32, #tpu.memory_space<vmem>>, vector<1x16xi32>,
          %get3A_277 = vector.shape_cast %get3A_276 : vector<1x16xi32> to vector<16xi32>
          %shift_left3A_278 = arith.constant 16 : i32
          %shift_left3A_279 = vector.broadcast %shift_left3A_278 : i32 to vector<16xi32>
          %shift_left3A_280 = arith.shli %get3A_277, %shift_left3A_279 : vector<16xi32>
          %bitcast_convert_type3A_281 = tpu.bitcast %shift_left3A_280 : vector<16xi32> -> vector<16xf32>
          %bitcast_convert_type3A_282 = tpu.bitcast %get3A_277 : vector<16xi32> -> vector<16xf32>
          %add3A_283 = arith.addf %scan3A_187, %bitcast_convert_type3A_281 : vector<16xf32>
          %add3A_284 = arith.addf %scan3A_195, %bitcast_convert_type3A_282 : vector<16xf32>
          %add3A_285 = arith.constant 1 : i32
          %add3A_286 = arith.addi %mul3A_197, %add3A_285 : i32
          %get3A_287 = arith.index_cast %add3A_286 : i32 to index
          %get3A_288 = arith.constant 0 : index
          %get3A_289 = tpu.vector_load %arg7[%get3A_287, %get3A_288] {strides = array<i32>} : memref<96x128xi32, #tpu.memory_space<vmem>>, vector<1x16xi32>,
          %get3A_290 = vector.shape_cast %get3A_289 : vector<1x16xi32> to vector<16xi32>
          %shift_left3A_291 = arith.constant 16 : i32
          %shift_left3A_292 = vector.broadcast %shift_left3A_291 : i32 to vector<16xi32>
          %shift_left3A_293 = arith.shli %get3A_290, %shift_left3A_292 : vector<16xi32>
          %bitcast_convert_type3A_294 = tpu.bitcast %shift_left3A_293 : vector<16xi32> -> vector<16xf32>
          %bitcast_convert_type3A_295 = tpu.bitcast %get3A_290 : vector<16xi32> -> vector<16xf32>
          %add3A_296 = arith.addf %add3A_206, %bitcast_convert_type3A_294 : vector<16xf32>
          %add3A_297 = arith.addf %add3A_207, %bitcast_convert_type3A_295 : vector<16xf32>
          %get3A_298 = arith.index_cast %add3A_286 : i32 to index
          %get3A_299 = arith.constant 16 : index
          %get3A_300 = tpu.vector_load %arg7[%get3A_298, %get3A_299] {strides = array<i32>} : memref<96x128xi32, #tpu.memory_space<vmem>>, vector<1x16xi32>,
          %get3A_301 = vector.shape_cast %get3A_300 : vector<1x16xi32> to vector<16xi32>
          %shift_left3A_302 = arith.constant 16 : i32
          %shift_left3A_303 = vector.broadcast %shift_left3A_302 : i32 to vector<16xi32>
          %shift_left3A_304 = arith.shli %get3A_301, %shift_left3A_303 : vector<16xi32>
          %bitcast_convert_type3A_305 = tpu.bitcast %shift_left3A_304 : vector<16xi32> -> vector<16xf32>
          %bitcast_convert_type3A_306 = tpu.bitcast %get3A_301 : vector<16xi32> -> vector<16xf32>
          %add3A_307 = arith.addf %add3A_217, %bitcast_convert_type3A_305 : vector<16xf32>
          %add3A_308 = arith.addf %add3A_218, %bitcast_convert_type3A_306 : vector<16xf32>
          %get3A_309 = arith.index_cast %add3A_286 : i32 to index
          %get3A_310 = arith.constant 32 : index
          %get3A_311 = tpu.vector_load %arg7[%get3A_309, %get3A_310] {strides = array<i32>} : memref<96x128xi32, #tpu.memory_space<vmem>>, vector<1x16xi32>,
          %get3A_312 = vector.shape_cast %get3A_311 : vector<1x16xi32> to vector<16xi32>
          %shift_left3A_313 = arith.constant 16 : i32
          %shift_left3A_314 = vector.broadcast %shift_left3A_313 : i32 to vector<16xi32>
          %shift_left3A_315 = arith.shli %get3A_312, %shift_left3A_314 : vector<16xi32>
          %bitcast_convert_type3A_316 = tpu.bitcast %shift_left3A_315 : vector<16xi32> -> vector<16xf32>
          %bitcast_convert_type3A_317 = tpu.bitcast %get3A_312 : vector<16xi32> -> vector<16xf32>
          %add3A_318 = arith.addf %add3A_228, %bitcast_convert_type3A_316 : vector<16xf32>
          %add3A_319 = arith.addf %add3A_229, %bitcast_convert_type3A_317 : vector<16xf32>
          %get3A_320 = arith.index_cast %add3A_286 : i32 to index
          %get3A_321 = arith.constant 48 : index
          %get3A_322 = tpu.vector_load %arg7[%get3A_320, %get3A_321] {strides = array<i32>} : memref<96x128xi32, #tpu.memory_space<vmem>>, vector<1x16xi32>,
          %get3A_323 = vector.shape_cast %get3A_322 : vector<1x16xi32> to vector<16xi32>
          %shift_left3A_324 = arith.constant 16 : i32
          %shift_left3A_325 = vector.broadcast %shift_left3A_324 : i32 to vector<16xi32>
          %shift_left3A_326 = arith.shli %get3A_323, %shift_left3A_325 : vector<16xi32>
          %bitcast_convert_type3A_327 = tpu.bitcast %shift_left3A_326 : vector<16xi32> -> vector<16xf32>
          %bitcast_convert_type3A_328 = tpu.bitcast %get3A_323 : vector<16xi32> -> vector<16xf32>
          %add3A_329 = arith.addf %add3A_239, %bitcast_convert_type3A_327 : vector<16xf32>
          %add3A_330 = arith.addf %add3A_240, %bitcast_convert_type3A_328 : vector<16xf32>
          %get3A_331 = arith.index_cast %add3A_286 : i32 to index
          %get3A_332 = arith.constant 64 : index
          %get3A_333 = tpu.vector_load %arg7[%get3A_331, %get3A_332] {strides = array<i32>} : memref<96x128xi32, #tpu.memory_space<vmem>>, vector<1x16xi32>,
          %get3A_334 = vector.shape_cast %get3A_333 : vector<1x16xi32> to vector<16xi32>
          %shift_left3A_335 = arith.constant 16 : i32
          %shift_left3A_336 = vector.broadcast %shift_left3A_335 : i32 to vector<16xi32>
          %shift_left3A_337 = arith.shli %get3A_334, %shift_left3A_336 : vector<16xi32>
          %bitcast_convert_type3A_338 = tpu.bitcast %shift_left3A_337 : vector<16xi32> -> vector<16xf32>
          %bitcast_convert_type3A_339 = tpu.bitcast %get3A_334 : vector<16xi32> -> vector<16xf32>
          %add3A_340 = arith.addf %add3A_250, %bitcast_convert_type3A_338 : vector<16xf32>
          %add3A_341 = arith.addf %add3A_251, %bitcast_convert_type3A_339 : vector<16xf32>
          %get3A_342 = arith.index_cast %add3A_286 : i32 to index
          %get3A_343 = arith.constant 80 : index
          %get3A_344 = tpu.vector_load %arg7[%get3A_342, %get3A_343] {strides = array<i32>} : memref<96x128xi32, #tpu.memory_space<vmem>>, vector<1x16xi32>,
          %get3A_345 = vector.shape_cast %get3A_344 : vector<1x16xi32> to vector<16xi32>
          %shift_left3A_346 = arith.constant 16 : i32
          %shift_left3A_347 = vector.broadcast %shift_left3A_346 : i32 to vector<16xi32>
          %shift_left3A_348 = arith.shli %get3A_345, %shift_left3A_347 : vector<16xi32>
          %bitcast_convert_type3A_349 = tpu.bitcast %shift_left3A_348 : vector<16xi32> -> vector<16xf32>
          %bitcast_convert_type3A_350 = tpu.bitcast %get3A_345 : vector<16xi32> -> vector<16xf32>
          %add3A_351 = arith.addf %add3A_261, %bitcast_convert_type3A_349 : vector<16xf32>
          %add3A_352 = arith.addf %add3A_262, %bitcast_convert_type3A_350 : vector<16xf32>
          %get3A_353 = arith.index_cast %add3A_286 : i32 to index
          %get3A_354 = arith.constant 96 : index
          %get3A_355 = tpu.vector_load %arg7[%get3A_353, %get3A_354] {strides = array<i32>} : memref<96x128xi32, #tpu.memory_space<vmem>>, vector<1x16xi32>,
          %get3A_356 = vector.shape_cast %get3A_355 : vector<1x16xi32> to vector<16xi32>
          %shift_left3A_357 = arith.constant 16 : i32
          %shift_left3A_358 = vector.broadcast %shift_left3A_357 : i32 to vector<16xi32>
          %shift_left3A_359 = arith.shli %get3A_356, %shift_left3A_358 : vector<16xi32>
          %bitcast_convert_type3A_360 = tpu.bitcast %shift_left3A_359 : vector<16xi32> -> vector<16xf32>
          %bitcast_convert_type3A_361 = tpu.bitcast %get3A_356 : vector<16xi32> -> vector<16xf32>
          %add3A_362 = arith.addf %add3A_272, %bitcast_convert_type3A_360 : vector<16xf32>
          %add3A_363 = arith.addf %add3A_273, %bitcast_convert_type3A_361 : vector<16xf32>
          %get3A_364 = arith.index_cast %add3A_286 : i32 to index
          %get3A_365 = arith.constant 112 : index
          %get3A_366 = tpu.vector_load %arg7[%get3A_364, %get3A_365] {strides = array<i32>} : memref<96x128xi32, #tpu.memory_space<vmem>>, vector<1x16xi32>,
          %get3A_367 = vector.shape_cast %get3A_366 : vector<1x16xi32> to vector<16xi32>
          %shift_left3A_368 = arith.constant 16 : i32
          %shift_left3A_369 = vector.broadcast %shift_left3A_368 : i32 to vector<16xi32>
          %shift_left3A_370 = arith.shli %get3A_367, %shift_left3A_369 : vector<16xi32>
          %bitcast_convert_type3A_371 = tpu.bitcast %shift_left3A_370 : vector<16xi32> -> vector<16xf32>
          %bitcast_convert_type3A_372 = tpu.bitcast %get3A_367 : vector<16xi32> -> vector<16xf32>
          %add3A_373 = arith.addf %add3A_283, %bitcast_convert_type3A_371 : vector<16xf32>
          %add3A_374 = arith.addf %add3A_284, %bitcast_convert_type3A_372 : vector<16xf32>
          %add3A_375 = arith.constant 2 : i32
          %add3A_376 = arith.addi %mul3A_197, %add3A_375 : i32
          %get3A_377 = arith.index_cast %add3A_376 : i32 to index
          %get3A_378 = arith.constant 0 : index
          %get3A_379 = tpu.vector_load %arg7[%get3A_377, %get3A_378] {strides = array<i32>} : memref<96x128xi32, #tpu.memory_space<vmem>>, vector<1x16xi32>,
          %get3A_380 = vector.shape_cast %get3A_379 : vector<1x16xi32> to vector<16xi32>
          %shift_left3A_381 = arith.constant 16 : i32
          %shift_left3A_382 = vector.broadcast %shift_left3A_381 : i32 to vector<16xi32>
          %shift_left3A_383 = arith.shli %get3A_380, %shift_left3A_382 : vector<16xi32>
          %bitcast_convert_type3A_384 = tpu.bitcast %shift_left3A_383 : vector<16xi32> -> vector<16xf32>
          %bitcast_convert_type3A_385 = tpu.bitcast %get3A_380 : vector<16xi32> -> vector<16xf32>
          %add3A_386 = arith.addf %add3A_296, %bitcast_convert_type3A_384 : vector<16xf32>
          %add3A_387 = arith.addf %add3A_297, %bitcast_convert_type3A_385 : vector<16xf32>
          %get3A_388 = arith.index_cast %add3A_376 : i32 to index
          %get3A_389 = arith.constant 16 : index
          %get3A_390 = tpu.vector_load %arg7[%get3A_388, %get3A_389] {strides = array<i32>} : memref<96x128xi32, #tpu.memory_space<vmem>>, vector<1x16xi32>,
          %get3A_391 = vector.shape_cast %get3A_390 : vector<1x16xi32> to vector<16xi32>
          %shift_left3A_392 = arith.constant 16 : i32
          %shift_left3A_393 = vector.broadcast %shift_left3A_392 : i32 to vector<16xi32>
          %shift_left3A_394 = arith.shli %get3A_391, %shift_left3A_393 : vector<16xi32>
          %bitcast_convert_type3A_395 = tpu.bitcast %shift_left3A_394 : vector<16xi32> -> vector<16xf32>
          %bitcast_convert_type3A_396 = tpu.bitcast %get3A_391 : vector<16xi32> -> vector<16xf32>
          %add3A_397 = arith.addf %add3A_307, %bitcast_convert_type3A_395 : vector<16xf32>
          %add3A_398 = arith.addf %add3A_308, %bitcast_convert_type3A_396 : vector<16xf32>
          %get3A_399 = arith.index_cast %add3A_376 : i32 to index
          %get3A_400 = arith.constant 32 : index
          %get3A_401 = tpu.vector_load %arg7[%get3A_399, %get3A_400] {strides = array<i32>} : memref<96x128xi32, #tpu.memory_space<vmem>>, vector<1x16xi32>,
          %get3A_402 = vector.shape_cast %get3A_401 : vector<1x16xi32> to vector<16xi32>
          %shift_left3A_403 = arith.constant 16 : i32
          %shift_left3A_404 = vector.broadcast %shift_left3A_403 : i32 to vector<16xi32>
          %shift_left3A_405 = arith.shli %get3A_402, %shift_left3A_404 : vector<16xi32>
          %bitcast_convert_type3A_406 = tpu.bitcast %shift_left3A_405 : vector<16xi32> -> vector<16xf32>
          %bitcast_convert_type3A_407 = tpu.bitcast %get3A_402 : vector<16xi32> -> vector<16xf32>
          %add3A_408 = arith.addf %add3A_318, %bitcast_convert_type3A_406 : vector<16xf32>
          %add3A_409 = arith.addf %add3A_319, %bitcast_convert_type3A_407 : vector<16xf32>
          %get3A_410 = arith.index_cast %add3A_376 : i32 to index
          %get3A_411 = arith.constant 48 : index
          %get3A_412 = tpu.vector_load %arg7[%get3A_410, %get3A_411] {strides = array<i32>} : memref<96x128xi32, #tpu.memory_space<vmem>>, vector<1x16xi32>,
          %get3A_413 = vector.shape_cast %get3A_412 : vector<1x16xi32> to vector<16xi32>
          %shift_left3A_414 = arith.constant 16 : i32
          %shift_left3A_415 = vector.broadcast %shift_left3A_414 : i32 to vector<16xi32>
          %shift_left3A_416 = arith.shli %get3A_413, %shift_left3A_415 : vector<16xi32>
          %bitcast_convert_type3A_417 = tpu.bitcast %shift_left3A_416 : vector<16xi32> -> vector<16xf32>
          %bitcast_convert_type3A_418 = tpu.bitcast %get3A_413 : vector<16xi32> -> vector<16xf32>
          %add3A_419 = arith.addf %add3A_329, %bitcast_convert_type3A_417 : vector<16xf32>
          %add3A_420 = arith.addf %add3A_330, %bitcast_convert_type3A_418 : vector<16xf32>
          %get3A_421 = arith.index_cast %add3A_376 : i32 to index
          %get3A_422 = arith.constant 64 : index
          %get3A_423 = tpu.vector_load %arg7[%get3A_421, %get3A_422] {strides = array<i32>} : memref<96x128xi32, #tpu.memory_space<vmem>>, vector<1x16xi32>,
          %get3A_424 = vector.shape_cast %get3A_423 : vector<1x16xi32> to vector<16xi32>
          %shift_left3A_425 = arith.constant 16 : i32
          %shift_left3A_426 = vector.broadcast %shift_left3A_425 : i32 to vector<16xi32>
          %shift_left3A_427 = arith.shli %get3A_424, %shift_left3A_426 : vector<16xi32>
          %bitcast_convert_type3A_428 = tpu.bitcast %shift_left3A_427 : vector<16xi32> -> vector<16xf32>
          %bitcast_convert_type3A_429 = tpu.bitcast %get3A_424 : vector<16xi32> -> vector<16xf32>
          %add3A_430 = arith.addf %add3A_340, %bitcast_convert_type3A_428 : vector<16xf32>
          %add3A_431 = arith.addf %add3A_341, %bitcast_convert_type3A_429 : vector<16xf32>
          %get3A_432 = arith.index_cast %add3A_376 : i32 to index
          %get3A_433 = arith.constant 80 : index
          %get3A_434 = tpu.vector_load %arg7[%get3A_432, %get3A_433] {strides = array<i32>} : memref<96x128xi32, #tpu.memory_space<vmem>>, vector<1x16xi32>,
          %get3A_435 = vector.shape_cast %get3A_434 : vector<1x16xi32> to vector<16xi32>
          %shift_left3A_436 = arith.constant 16 : i32
          %shift_left3A_437 = vector.broadcast %shift_left3A_436 : i32 to vector<16xi32>
          %shift_left3A_438 = arith.shli %get3A_435, %shift_left3A_437 : vector<16xi32>
          %bitcast_convert_type3A_439 = tpu.bitcast %shift_left3A_438 : vector<16xi32> -> vector<16xf32>
          %bitcast_convert_type3A_440 = tpu.bitcast %get3A_435 : vector<16xi32> -> vector<16xf32>
          %add3A_441 = arith.addf %add3A_351, %bitcast_convert_type3A_439 : vector<16xf32>
          %add3A_442 = arith.addf %add3A_352, %bitcast_convert_type3A_440 : vector<16xf32>
          %get3A_443 = arith.index_cast %add3A_376 : i32 to index
          %get3A_444 = arith.constant 96 : index
          %get3A_445 = tpu.vector_load %arg7[%get3A_443, %get3A_444] {strides = array<i32>} : memref<96x128xi32, #tpu.memory_space<vmem>>, vector<1x16xi32>,
          %get3A_446 = vector.shape_cast %get3A_445 : vector<1x16xi32> to vector<16xi32>
          %shift_left3A_447 = arith.constant 16 : i32
          %shift_left3A_448 = vector.broadcast %shift_left3A_447 : i32 to vector<16xi32>
          %shift_left3A_449 = arith.shli %get3A_446, %shift_left3A_448 : vector<16xi32>
          %bitcast_convert_type3A_450 = tpu.bitcast %shift_left3A_449 : vector<16xi32> -> vector<16xf32>
          %bitcast_convert_type3A_451 = tpu.bitcast %get3A_446 : vector<16xi32> -> vector<16xf32>
          %add3A_452 = arith.addf %add3A_362, %bitcast_convert_type3A_450 : vector<16xf32>
          %add3A_453 = arith.addf %add3A_363, %bitcast_convert_type3A_451 : vector<16xf32>
          %get3A_454 = arith.index_cast %add3A_376 : i32 to index
          %get3A_455 = arith.constant 112 : index
          %get3A_456 = tpu.vector_load %arg7[%get3A_454, %get3A_455] {strides = array<i32>} : memref<96x128xi32, #tpu.memory_space<vmem>>, vector<1x16xi32>,
          %get3A_457 = vector.shape_cast %get3A_456 : vector<1x16xi32> to vector<16xi32>
          %shift_left3A_458 = arith.constant 16 : i32
          %shift_left3A_459 = vector.broadcast %shift_left3A_458 : i32 to vector<16xi32>
          %shift_left3A_460 = arith.shli %get3A_457, %shift_left3A_459 : vector<16xi32>
          %bitcast_convert_type3A_461 = tpu.bitcast %shift_left3A_460 : vector<16xi32> -> vector<16xf32>
          %bitcast_convert_type3A_462 = tpu.bitcast %get3A_457 : vector<16xi32> -> vector<16xf32>
          %add3A_463 = arith.addf %add3A_373, %bitcast_convert_type3A_461 : vector<16xf32>
          %add3A_464 = arith.addf %add3A_374, %bitcast_convert_type3A_462 : vector<16xf32>
          %add3A_465 = arith.constant 3 : i32
          %add3A_466 = arith.addi %mul3A_197, %add3A_465 : i32
          %get3A_467 = arith.index_cast %add3A_466 : i32 to index
          %get3A_468 = arith.constant 0 : index
          %get3A_469 = tpu.vector_load %arg7[%get3A_467, %get3A_468] {strides = array<i32>} : memref<96x128xi32, #tpu.memory_space<vmem>>, vector<1x16xi32>,
          %get3A_470 = vector.shape_cast %get3A_469 : vector<1x16xi32> to vector<16xi32>
          %shift_left3A_471 = arith.constant 16 : i32
          %shift_left3A_472 = vector.broadcast %shift_left3A_471 : i32 to vector<16xi32>
          %shift_left3A_473 = arith.shli %get3A_470, %shift_left3A_472 : vector<16xi32>
          %bitcast_convert_type3A_474 = tpu.bitcast %shift_left3A_473 : vector<16xi32> -> vector<16xf32>
          %bitcast_convert_type3A_475 = tpu.bitcast %get3A_470 : vector<16xi32> -> vector<16xf32>
          %add3A_476 = arith.addf %add3A_386, %bitcast_convert_type3A_474 : vector<16xf32>
          %add3A_477 = arith.addf %add3A_387, %bitcast_convert_type3A_475 : vector<16xf32>
          %get3A_478 = arith.index_cast %add3A_466 : i32 to index
          %get3A_479 = arith.constant 16 : index
          %get3A_480 = tpu.vector_load %arg7[%get3A_478, %get3A_479] {strides = array<i32>} : memref<96x128xi32, #tpu.memory_space<vmem>>, vector<1x16xi32>,
          %get3A_481 = vector.shape_cast %get3A_480 : vector<1x16xi32> to vector<16xi32>
          %shift_left3A_482 = arith.constant 16 : i32
          %shift_left3A_483 = vector.broadcast %shift_left3A_482 : i32 to vector<16xi32>
          %shift_left3A_484 = arith.shli %get3A_481, %shift_left3A_483 : vector<16xi32>
          %bitcast_convert_type3A_485 = tpu.bitcast %shift_left3A_484 : vector<16xi32> -> vector<16xf32>
          %bitcast_convert_type3A_486 = tpu.bitcast %get3A_481 : vector<16xi32> -> vector<16xf32>
          %add3A_487 = arith.addf %add3A_397, %bitcast_convert_type3A_485 : vector<16xf32>
          %add3A_488 = arith.addf %add3A_398, %bitcast_convert_type3A_486 : vector<16xf32>
          %get3A_489 = arith.index_cast %add3A_466 : i32 to index
          %get3A_490 = arith.constant 32 : index
          %get3A_491 = tpu.vector_load %arg7[%get3A_489, %get3A_490] {strides = array<i32>} : memref<96x128xi32, #tpu.memory_space<vmem>>, vector<1x16xi32>,
          %get3A_492 = vector.shape_cast %get3A_491 : vector<1x16xi32> to vector<16xi32>
          %shift_left3A_493 = arith.constant 16 : i32
          %shift_left3A_494 = vector.broadcast %shift_left3A_493 : i32 to vector<16xi32>
          %shift_left3A_495 = arith.shli %get3A_492, %shift_left3A_494 : vector<16xi32>
          %bitcast_convert_type3A_496 = tpu.bitcast %shift_left3A_495 : vector<16xi32> -> vector<16xf32>
          %bitcast_convert_type3A_497 = tpu.bitcast %get3A_492 : vector<16xi32> -> vector<16xf32>
          %add3A_498 = arith.addf %add3A_408, %bitcast_convert_type3A_496 : vector<16xf32>
          %add3A_499 = arith.addf %add3A_409, %bitcast_convert_type3A_497 : vector<16xf32>
          %get3A_500 = arith.index_cast %add3A_466 : i32 to index
          %get3A_501 = arith.constant 48 : index
          %get3A_502 = tpu.vector_load %arg7[%get3A_500, %get3A_501] {strides = array<i32>} : memref<96x128xi32, #tpu.memory_space<vmem>>, vector<1x16xi32>,
          %get3A_503 = vector.shape_cast %get3A_502 : vector<1x16xi32> to vector<16xi32>
          %shift_left3A_504 = arith.constant 16 : i32
          %shift_left3A_505 = vector.broadcast %shift_left3A_504 : i32 to vector<16xi32>
          %shift_left3A_506 = arith.shli %get3A_503, %shift_left3A_505 : vector<16xi32>
          %bitcast_convert_type3A_507 = tpu.bitcast %shift_left3A_506 : vector<16xi32> -> vector<16xf32>
          %bitcast_convert_type3A_508 = tpu.bitcast %get3A_503 : vector<16xi32> -> vector<16xf32>
          %add3A_509 = arith.addf %add3A_419, %bitcast_convert_type3A_507 : vector<16xf32>
          %add3A_510 = arith.addf %add3A_420, %bitcast_convert_type3A_508 : vector<16xf32>
          %get3A_511 = arith.index_cast %add3A_466 : i32 to index
          %get3A_512 = arith.constant 64 : index
          %get3A_513 = tpu.vector_load %arg7[%get3A_511, %get3A_512] {strides = array<i32>} : memref<96x128xi32, #tpu.memory_space<vmem>>, vector<1x16xi32>,
          %get3A_514 = vector.shape_cast %get3A_513 : vector<1x16xi32> to vector<16xi32>
          %shift_left3A_515 = arith.constant 16 : i32
          %shift_left3A_516 = vector.broadcast %shift_left3A_515 : i32 to vector<16xi32>
          %shift_left3A_517 = arith.shli %get3A_514, %shift_left3A_516 : vector<16xi32>
          %bitcast_convert_type3A_518 = tpu.bitcast %shift_left3A_517 : vector<16xi32> -> vector<16xf32>
          %bitcast_convert_type3A_519 = tpu.bitcast %get3A_514 : vector<16xi32> -> vector<16xf32>
          %add3A_520 = arith.addf %add3A_430, %bitcast_convert_type3A_518 : vector<16xf32>
          %add3A_521 = arith.addf %add3A_431, %bitcast_convert_type3A_519 : vector<16xf32>
          %get3A_522 = arith.index_cast %add3A_466 : i32 to index
          %get3A_523 = arith.constant 80 : index
          %get3A_524 = tpu.vector_load %arg7[%get3A_522, %get3A_523] {strides = array<i32>} : memref<96x128xi32, #tpu.memory_space<vmem>>, vector<1x16xi32>,
          %get3A_525 = vector.shape_cast %get3A_524 : vector<1x16xi32> to vector<16xi32>
          %shift_left3A_526 = arith.constant 16 : i32
          %shift_left3A_527 = vector.broadcast %shift_left3A_526 : i32 to vector<16xi32>
          %shift_left3A_528 = arith.shli %get3A_525, %shift_left3A_527 : vector<16xi32>
          %bitcast_convert_type3A_529 = tpu.bitcast %shift_left3A_528 : vector<16xi32> -> vector<16xf32>
          %bitcast_convert_type3A_530 = tpu.bitcast %get3A_525 : vector<16xi32> -> vector<16xf32>
          %add3A_531 = arith.addf %add3A_441, %bitcast_convert_type3A_529 : vector<16xf32>
          %add3A_532 = arith.addf %add3A_442, %bitcast_convert_type3A_530 : vector<16xf32>
          %get3A_533 = arith.index_cast %add3A_466 : i32 to index
          %get3A_534 = arith.constant 96 : index
          %get3A_535 = tpu.vector_load %arg7[%get3A_533, %get3A_534] {strides = array<i32>} : memref<96x128xi32, #tpu.memory_space<vmem>>, vector<1x16xi32>,
          %get3A_536 = vector.shape_cast %get3A_535 : vector<1x16xi32> to vector<16xi32>
          %shift_left3A_537 = arith.constant 16 : i32
          %shift_left3A_538 = vector.broadcast %shift_left3A_537 : i32 to vector<16xi32>
          %shift_left3A_539 = arith.shli %get3A_536, %shift_left3A_538 : vector<16xi32>
          %bitcast_convert_type3A_540 = tpu.bitcast %shift_left3A_539 : vector<16xi32> -> vector<16xf32>
          %bitcast_convert_type3A_541 = tpu.bitcast %get3A_536 : vector<16xi32> -> vector<16xf32>
          %add3A_542 = arith.addf %add3A_452, %bitcast_convert_type3A_540 : vector<16xf32>
          %add3A_543 = arith.addf %add3A_453, %bitcast_convert_type3A_541 : vector<16xf32>
          %get3A_544 = arith.index_cast %add3A_466 : i32 to index
          %get3A_545 = arith.constant 112 : index
          %get3A_546 = tpu.vector_load %arg7[%get3A_544, %get3A_545] {strides = array<i32>} : memref<96x128xi32, #tpu.memory_space<vmem>>, vector<1x16xi32>,
          %get3A_547 = vector.shape_cast %get3A_546 : vector<1x16xi32> to vector<16xi32>
          %shift_left3A_548 = arith.constant 16 : i32
          %shift_left3A_549 = vector.broadcast %shift_left3A_548 : i32 to vector<16xi32>
          %shift_left3A_550 = arith.shli %get3A_547, %shift_left3A_549 : vector<16xi32>
          %bitcast_convert_type3A_551 = tpu.bitcast %shift_left3A_550 : vector<16xi32> -> vector<16xf32>
          %bitcast_convert_type3A_552 = tpu.bitcast %get3A_547 : vector<16xi32> -> vector<16xf32>
          %add3A_553 = arith.addf %add3A_463, %bitcast_convert_type3A_551 : vector<16xf32>
          %add3A_554 = arith.addf %add3A_464, %bitcast_convert_type3A_552 : vector<16xf32>
          scf.yield %add3A_476, %add3A_487, %add3A_498, %add3A_509, %add3A_520, %add3A_531, %add3A_542, %add3A_553, %add3A_477, %add3A_488, %add3A_499, %add3A_510, %add3A_521, %add3A_532, %add3A_543, %add3A_554 : vector<16xf32>, vector<16xf32>, vector<16xf32>, vector<16xf32>, vector<16xf32>, vector<16xf32>, vector<16xf32>, vector<16xf32>, vector<16xf32>, vector<16xf32>, vector<16xf32>, vector<16xf32>, vector<16xf32>, vector<16xf32>, vector<16xf32>, vector<16xf32>
        }
        %scan3A_94 = arith.constant 24 : i32
        %lt3A_95 = arith.constant 31 : i32
        %lt3A_96 = arith.cmpi slt, %scan3A_36, %lt3A_95 : i32
        %convert_element_type3A_97 = arith.extui %lt3A_96 : i1 to i32
        %cond3A_98 = arith.constant 0 : i32
        %cond3A_99 = arith.cmpi ne, %convert_element_type3A_97, %cond3A_98 : i32
        scf.if %cond3A_99 {
          %add3A_179 = arith.constant 2 : i32
          %add3A_180 = arith.addi %mul3A_38, %add3A_179 : i32
          %add3A_181 = arith.constant 1 : i32
          %add3A_182 = arith.addi %add3A_180, %add3A_181 : i32
          %dma_start3A_183 = arith.constant 0 : i32
          %dma_start3A_184 = tpu.memref_slice %arg5[%add3A_182, %dma_start3A_183] : memref<64x104xi32, #tpu.memory_space<vmem>> -> memref<1x96xi32, #tpu.memory_space<vmem>>
          %dma_start3A_185 = tpu.memref_squeeze %dma_start3A_184 : memref<1x96xi32, #tpu.memory_space<vmem>> -> memref<96xi32, #tpu.memory_space<vmem>>
          %dma_start3A_186 = arith.constant 0 : i32
          %dma_start3A_187 = arith.constant 0 : i32
          %dma_start3A_188 = tpu.memref_slice %arg2[%dma_start3A_186, %dma_start3A_187] : memref<100000x128xi32, #tpu.memory_space<hbm>> -> memref<100000x128xi32, #tpu.memory_space<hbm>>
          tpu.enqueue_indirect_dma source(%dma_start3A_188 : memref<100000x128xi32, #tpu.memory_space<hbm>>) target(%arg7 : memref<96x128xi32, #tpu.memory_space<vmem>>) offsets(%dma_start3A_185 : memref<96xi32, #tpu.memory_space<vmem>>) semaphore(%arg10 : memref<!tpu.dma_semaphore, #tpu.memory_space<semaphore_mem>>)
        } else {
        }
        %swap3A = arith.index_cast %scan3A_36 : i32 to index
        %swap3A_100 = arith.constant 0 : index
        %swap3A_101 = tpu.vector_load %arg8[%swap3A, %swap3A_100] {strides = array<i32>} : memref<32x256xf32, #tpu.memory_space<vmem>>, vector<1x16xf32>,
        %swap3A_102 = vector.shape_cast %swap3A_101 : vector<1x16xf32> to vector<16xf32>
        %swap3A_103 = vector.shape_cast %scan3A_93#0 : vector<16xf32> to vector<1x16xf32>
        tpu.vector_store %arg8[%swap3A, %swap3A_100], %swap3A_103 {strides = array<i32>} : memref<32x256xf32, #tpu.memory_space<vmem>>, vector<1x16xf32>,
        %swap3A_104 = arith.index_cast %scan3A_36 : i32 to index
        %swap3A_105 = arith.constant 16 : index
        %swap3A_106 = tpu.vector_load %arg8[%swap3A_104, %swap3A_105] {strides = array<i32>} : memref<32x256xf32, #tpu.memory_space<vmem>>, vector<1x16xf32>,
        %swap3A_107 = vector.shape_cast %swap3A_106 : vector<1x16xf32> to vector<16xf32>
        %swap3A_108 = vector.shape_cast %scan3A_93#1 : vector<16xf32> to vector<1x16xf32>
        tpu.vector_store %arg8[%swap3A_104, %swap3A_105], %swap3A_108 {strides = array<i32>} : memref<32x256xf32, #tpu.memory_space<vmem>>, vector<1x16xf32>,
        %swap3A_109 = arith.index_cast %scan3A_36 : i32 to index
        %swap3A_110 = arith.constant 32 : index
        %swap3A_111 = tpu.vector_load %arg8[%swap3A_109, %swap3A_110] {strides = array<i32>} : memref<32x256xf32, #tpu.memory_space<vmem>>, vector<1x16xf32>,
        %swap3A_112 = vector.shape_cast %swap3A_111 : vector<1x16xf32> to vector<16xf32>
        %swap3A_113 = vector.shape_cast %scan3A_93#2 : vector<16xf32> to vector<1x16xf32>
        tpu.vector_store %arg8[%swap3A_109, %swap3A_110], %swap3A_113 {strides = array<i32>} : memref<32x256xf32, #tpu.memory_space<vmem>>, vector<1x16xf32>,
        %swap3A_114 = arith.index_cast %scan3A_36 : i32 to index
        %swap3A_115 = arith.constant 48 : index
        %swap3A_116 = tpu.vector_load %arg8[%swap3A_114, %swap3A_115] {strides = array<i32>} : memref<32x256xf32, #tpu.memory_space<vmem>>, vector<1x16xf32>,
        %swap3A_117 = vector.shape_cast %swap3A_116 : vector<1x16xf32> to vector<16xf32>
        %swap3A_118 = vector.shape_cast %scan3A_93#3 : vector<16xf32> to vector<1x16xf32>
        tpu.vector_store %arg8[%swap3A_114, %swap3A_115], %swap3A_118 {strides = array<i32>} : memref<32x256xf32, #tpu.memory_space<vmem>>, vector<1x16xf32>,
        %swap3A_119 = arith.index_cast %scan3A_36 : i32 to index
        %swap3A_120 = arith.constant 64 : index
        %swap3A_121 = tpu.vector_load %arg8[%swap3A_119, %swap3A_120] {strides = array<i32>} : memref<32x256xf32, #tpu.memory_space<vmem>>, vector<1x16xf32>,
        %swap3A_122 = vector.shape_cast %swap3A_121 : vector<1x16xf32> to vector<16xf32>
        %swap3A_123 = vector.shape_cast %scan3A_93#4 : vector<16xf32> to vector<1x16xf32>
        tpu.vector_store %arg8[%swap3A_119, %swap3A_120], %swap3A_123 {strides = array<i32>} : memref<32x256xf32, #tpu.memory_space<vmem>>, vector<1x16xf32>,
        %swap3A_124 = arith.index_cast %scan3A_36 : i32 to index
        %swap3A_125 = arith.constant 80 : index
        %swap3A_126 = tpu.vector_load %arg8[%swap3A_124, %swap3A_125] {strides = array<i32>} : memref<32x256xf32, #tpu.memory_space<vmem>>, vector<1x16xf32>,
        %swap3A_127 = vector.shape_cast %swap3A_126 : vector<1x16xf32> to vector<16xf32>
        %swap3A_128 = vector.shape_cast %scan3A_93#5 : vector<16xf32> to vector<1x16xf32>
        tpu.vector_store %arg8[%swap3A_124, %swap3A_125], %swap3A_128 {strides = array<i32>} : memref<32x256xf32, #tpu.memory_space<vmem>>, vector<1x16xf32>,
        %swap3A_129 = arith.index_cast %scan3A_36 : i32 to index
        %swap3A_130 = arith.constant 96 : index
        %swap3A_131 = tpu.vector_load %arg8[%swap3A_129, %swap3A_130] {strides = array<i32>} : memref<32x256xf32, #tpu.memory_space<vmem>>, vector<1x16xf32>,
        %swap3A_132 = vector.shape_cast %swap3A_131 : vector<1x16xf32> to vector<16xf32>
        %swap3A_133 = vector.shape_cast %scan3A_93#6 : vector<16xf32> to vector<1x16xf32>
        tpu.vector_store %arg8[%swap3A_129, %swap3A_130], %swap3A_133 {strides = array<i32>} : memref<32x256xf32, #tpu.memory_space<vmem>>, vector<1x16xf32>,
        %swap3A_134 = arith.index_cast %scan3A_36 : i32 to index
        %swap3A_135 = arith.constant 112 : index
        %swap3A_136 = tpu.vector_load %arg8[%swap3A_134, %swap3A_135] {strides = array<i32>} : memref<32x256xf32, #tpu.memory_space<vmem>>, vector<1x16xf32>,
        %swap3A_137 = vector.shape_cast %swap3A_136 : vector<1x16xf32> to vector<16xf32>
        %swap3A_138 = vector.shape_cast %scan3A_93#7 : vector<16xf32> to vector<1x16xf32>
        tpu.vector_store %arg8[%swap3A_134, %swap3A_135], %swap3A_138 {strides = array<i32>} : memref<32x256xf32, #tpu.memory_space<vmem>>, vector<1x16xf32>,
        %swap3A_139 = arith.index_cast %scan3A_36 : i32 to index
        %swap3A_140 = arith.constant 128 : index
        %swap3A_141 = tpu.vector_load %arg8[%swap3A_139, %swap3A_140] {strides = array<i32>} : memref<32x256xf32, #tpu.memory_space<vmem>>, vector<1x16xf32>,
        %swap3A_142 = vector.shape_cast %swap3A_141 : vector<1x16xf32> to vector<16xf32>
        %swap3A_143 = vector.shape_cast %scan3A_93#8 : vector<16xf32> to vector<1x16xf32>
        tpu.vector_store %arg8[%swap3A_139, %swap3A_140], %swap3A_143 {strides = array<i32>} : memref<32x256xf32, #tpu.memory_space<vmem>>, vector<1x16xf32>,
        %swap3A_144 = arith.index_cast %scan3A_36 : i32 to index
        %swap3A_145 = arith.constant 144 : index
        %swap3A_146 = tpu.vector_load %arg8[%swap3A_144, %swap3A_145] {strides = array<i32>} : memref<32x256xf32, #tpu.memory_space<vmem>>, vector<1x16xf32>,
        %swap3A_147 = vector.shape_cast %swap3A_146 : vector<1x16xf32> to vector<16xf32>
        %swap3A_148 = vector.shape_cast %scan3A_93#9 : vector<16xf32> to vector<1x16xf32>
        tpu.vector_store %arg8[%swap3A_144, %swap3A_145], %swap3A_148 {strides = array<i32>} : memref<32x256xf32, #tpu.memory_space<vmem>>, vector<1x16xf32>,
        %swap3A_149 = arith.index_cast %scan3A_36 : i32 to index
        %swap3A_150 = arith.constant 160 : index
        %swap3A_151 = tpu.vector_load %arg8[%swap3A_149, %swap3A_150] {strides = array<i32>} : memref<32x256xf32, #tpu.memory_space<vmem>>, vector<1x16xf32>,
        %swap3A_152 = vector.shape_cast %swap3A_151 : vector<1x16xf32> to vector<16xf32>
        %swap3A_153 = vector.shape_cast %scan3A_93#10 : vector<16xf32> to vector<1x16xf32>
        tpu.vector_store %arg8[%swap3A_149, %swap3A_150], %swap3A_153 {strides = array<i32>} : memref<32x256xf32, #tpu.memory_space<vmem>>, vector<1x16xf32>,
        %swap3A_154 = arith.index_cast %scan3A_36 : i32 to index
        %swap3A_155 = arith.constant 176 : index
        %swap3A_156 = tpu.vector_load %arg8[%swap3A_154, %swap3A_155] {strides = array<i32>} : memref<32x256xf32, #tpu.memory_space<vmem>>, vector<1x16xf32>,
        %swap3A_157 = vector.shape_cast %swap3A_156 : vector<1x16xf32> to vector<16xf32>
        %swap3A_158 = vector.shape_cast %scan3A_93#11 : vector<16xf32> to vector<1x16xf32>
        tpu.vector_store %arg8[%swap3A_154, %swap3A_155], %swap3A_158 {strides = array<i32>} : memref<32x256xf32, #tpu.memory_space<vmem>>, vector<1x16xf32>,
        %swap3A_159 = arith.index_cast %scan3A_36 : i32 to index
        %swap3A_160 = arith.constant 192 : index
        %swap3A_161 = tpu.vector_load %arg8[%swap3A_159, %swap3A_160] {strides = array<i32>} : memref<32x256xf32, #tpu.memory_space<vmem>>, vector<1x16xf32>,
        %swap3A_162 = vector.shape_cast %swap3A_161 : vector<1x16xf32> to vector<16xf32>
        %swap3A_163 = vector.shape_cast %scan3A_93#12 : vector<16xf32> to vector<1x16xf32>
        tpu.vector_store %arg8[%swap3A_159, %swap3A_160], %swap3A_163 {strides = array<i32>} : memref<32x256xf32, #tpu.memory_space<vmem>>, vector<1x16xf32>,
        %swap3A_164 = arith.index_cast %scan3A_36 : i32 to index
        %swap3A_165 = arith.constant 208 : index
        %swap3A_166 = tpu.vector_load %arg8[%swap3A_164, %swap3A_165] {strides = array<i32>} : memref<32x256xf32, #tpu.memory_space<vmem>>, vector<1x16xf32>,
        %swap3A_167 = vector.shape_cast %swap3A_166 : vector<1x16xf32> to vector<16xf32>
        %swap3A_168 = vector.shape_cast %scan3A_93#13 : vector<16xf32> to vector<1x16xf32>
        tpu.vector_store %arg8[%swap3A_164, %swap3A_165], %swap3A_168 {strides = array<i32>} : memref<32x256xf32, #tpu.memory_space<vmem>>, vector<1x16xf32>,
        %swap3A_169 = arith.index_cast %scan3A_36 : i32 to index
        %swap3A_170 = arith.constant 224 : index
        %swap3A_171 = tpu.vector_load %arg8[%swap3A_169, %swap3A_170] {strides = array<i32>} : memref<32x256xf32, #tpu.memory_space<vmem>>, vector<1x16xf32>,
        %swap3A_172 = vector.shape_cast %swap3A_171 : vector<1x16xf32> to vector<16xf32>
        %swap3A_173 = vector.shape_cast %scan3A_93#14 : vector<16xf32> to vector<1x16xf32>
        tpu.vector_store %arg8[%swap3A_169, %swap3A_170], %swap3A_173 {strides = array<i32>} : memref<32x256xf32, #tpu.memory_space<vmem>>, vector<1x16xf32>,
        %swap3A_174 = arith.index_cast %scan3A_36 : i32 to index
        %swap3A_175 = arith.constant 240 : index
        %swap3A_176 = tpu.vector_load %arg8[%swap3A_174, %swap3A_175] {strides = array<i32>} : memref<32x256xf32, #tpu.memory_space<vmem>>, vector<1x16xf32>,
        %swap3A_177 = vector.shape_cast %swap3A_176 : vector<1x16xf32> to vector<16xf32>
        %swap3A_178 = vector.shape_cast %scan3A_93#15 : vector<16xf32> to vector<1x16xf32>
        tpu.vector_store %arg8[%swap3A_174, %swap3A_175], %swap3A_178 {strides = array<i32>} : memref<32x256xf32, #tpu.memory_space<vmem>>, vector<1x16xf32>,
      }
      %scan3A_32 = arith.constant 32 : i32
      %mul3A_33 = arith.constant 32 : i32
      %mul3A_34 = arith.muli %scan3A_10, %mul3A_33 : i32
      %add3A_35 = arith.addi %mul3A_4, %mul3A_34 : i32
      "tpu.region"() ({
        %run_scoped3A = tpu.sem_alloc : memref<!tpu.dma_semaphore, #tpu.memory_space<semaphore_mem>>
        %dma_start3A_36 = arith.constant 0 : i32
        %dma_start3A_37 = tpu.memref_slice %arg4[%add3A_35, %dma_start3A_36] : memref<4096x256xf32, #tpu.memory_space<hbm>> -> memref<32x256xf32, #tpu.memory_space<hbm>>
        %dma_start3A_38 = arith.constant 0 : i32
        %dma_start3A_39 = tpu.memref_slice %arg4[%add3A_35, %dma_start3A_38] : memref<4096x256xf32, #tpu.memory_space<hbm>> -> memref<32x256xf32, #tpu.memory_space<hbm>>
        tpu.enqueue_dma source(%arg8 : memref<32x256xf32, #tpu.memory_space<vmem>>) target(%dma_start3A_39 : memref<32x256xf32, #tpu.memory_space<hbm>>) target_semaphore(%run_scoped3A : memref<!tpu.dma_semaphore, #tpu.memory_space<semaphore_mem>>)
        %dma_wait3A = arith.constant 0 : i32
        %dma_wait3A_40 = tpu.memref_slice %arg4[%add3A_35, %dma_wait3A] : memref<4096x256xf32, #tpu.memory_space<hbm>> -> memref<32x256xf32, #tpu.memory_space<hbm>>
        %dma_wait3A_41 = arith.constant 0 : i32
        %dma_wait3A_42 = tpu.memref_slice %arg4[%add3A_35, %dma_wait3A_41] : memref<4096x256xf32, #tpu.memory_space<hbm>> -> memref<32x256xf32, #tpu.memory_space<hbm>>
        tpu.wait_dma2 semaphore(%run_scoped3A : memref<!tpu.dma_semaphore, #tpu.memory_space<semaphore_mem>>) src(%arg8 : memref<32x256xf32, #tpu.memory_space<vmem>>) dst(%dma_wait3A_42 : memref<32x256xf32, #tpu.memory_space<hbm>>)
        tpu.yield
      }) : () -> ()
    }
    %scan3A_9 = arith.constant 4 : i32
    return
  }
}

#map = affine_map<(d0, d1) -> (0, 0)>
module attributes {stable_mosaic.version = 14 : i64} {
  func.func @_gsum_body(%arg0: i32, %arg1: i32, %arg2: memref<100000x128xi32, #tpu.memory_space<hbm>>, %arg3: memref<8192x104xi32, #tpu.memory_space<hbm>>, %arg4: memref<4096x256xf32, #tpu.memory_space<hbm>>, %arg5: memref<64x104xi32, #tpu.memory_space<vmem>>, %arg6: memref<104x128xi32, #tpu.memory_space<vmem>>, %arg7: memref<96x128xi32, #tpu.memory_space<vmem>>, %arg8: memref<32x256xf32, #tpu.memory_space<vmem>>, %arg9: memref<!tpu.dma_semaphore, #tpu.memory_space<semaphore_mem>>, %arg10: memref<!tpu.dma_semaphore, #tpu.memory_space<semaphore_mem>>) attributes {dimension_semantics = [#tpu.dimension_semantics<core_parallel>, #tpu.dimension_semantics<subcore_parallel>], iteration_bounds = array<i64: 2, 16>, scalar_prefetch = 0 : i64, scratch_operands = 6 : i64, tpu.core_type = #tpu.core_type<sc_vector_subcore>, window_params = [{transform_indices = #map}, {transform_indices = #map}, {transform_indices = #map}]} {
    %mul3A = arith.constant 2 : i32
    %mul3A_0 = arith.muli %arg1, %mul3A : i32
    %add3A = arith.addi %mul3A_0, %arg0 : i32
    %mul3A_1 = arith.constant 256 : i32
    %mul3A_2 = arith.muli %add3A, %mul3A_1 : i32
    %mul3A_3 = arith.constant 128 : i32
    %mul3A_4 = arith.muli %add3A, %mul3A_3 : i32
    %scan3A = arith.constant 0 : i32
    %scan3A_5 = arith.constant 0 : i32
    %scan3A_6 = arith.constant 4 : i32
    %scan3A_7 = arith.addi %scan3A_5, %scan3A_6 : i32
    %scan3A_8 = arith.constant 1 : i32
    scf.for %scan3A_10 = %scan3A_5 to %scan3A_7 step %scan3A_8  : i32 {
      %mul3A_11 = arith.constant 64 : i32
      %mul3A_12 = arith.muli %scan3A_10, %mul3A_11 : i32
      %add3A_13 = arith.addi %mul3A_2, %mul3A_12 : i32
      "tpu.region"() ({
        %run_scoped3A = tpu.sem_alloc : memref<!tpu.dma_semaphore, #tpu.memory_space<semaphore_mem>>
        %dma_start3A_36 = arith.constant 0 : i32
        %dma_start3A_37 = tpu.memref_slice %arg3[%add3A_13, %dma_start3A_36] : memref<8192x104xi32, #tpu.memory_space<hbm>> -> memref<64x104xi32, #tpu.memory_space<hbm>>
        %dma_start3A_38 = arith.constant 0 : i32
        %dma_start3A_39 = tpu.memref_slice %arg3[%add3A_13, %dma_start3A_38] : memref<8192x104xi32, #tpu.memory_space<hbm>> -> memref<64x104xi32, #tpu.memory_space<hbm>>
        tpu.enqueue_dma source(%dma_start3A_39 : memref<64x104xi32, #tpu.memory_space<hbm>>) target(%arg5 : memref<64x104xi32, #tpu.memory_space<vmem>>) target_semaphore(%run_scoped3A : memref<!tpu.dma_semaphore, #tpu.memory_space<semaphore_mem>>)
        %dma_wait3A = arith.constant 0 : i32
        %dma_wait3A_40 = tpu.memref_slice %arg3[%add3A_13, %dma_wait3A] : memref<8192x104xi32, #tpu.memory_space<hbm>> -> memref<64x104xi32, #tpu.memory_space<hbm>>
        %dma_wait3A_41 = arith.constant 0 : i32
        %dma_wait3A_42 = tpu.memref_slice %arg3[%add3A_13, %dma_wait3A_41] : memref<8192x104xi32, #tpu.memory_space<hbm>> -> memref<64x104xi32, #tpu.memory_space<hbm>>
        tpu.wait_dma2 semaphore(%run_scoped3A : memref<!tpu.dma_semaphore, #tpu.memory_space<semaphore_mem>>) src(%dma_wait3A_42 : memref<64x104xi32, #tpu.memory_space<hbm>>) dst(%arg5 : memref<64x104xi32, #tpu.memory_space<vmem>>)
        tpu.yield
      }) : () -> ()
      %dma_start3A = arith.constant 0 : i32
      %dma_start3A_14 = arith.constant 0 : i32
      %dma_start3A_15 = tpu.memref_slice %arg5[%dma_start3A, %dma_start3A_14] : memref<64x104xi32, #tpu.memory_space<vmem>> -> memref<1x104xi32, #tpu.memory_space<vmem>>
      %dma_start3A_16 = tpu.memref_squeeze %dma_start3A_15 : memref<1x104xi32, #tpu.memory_space<vmem>> -> memref<104xi32, #tpu.memory_space<vmem>>
      %dma_start3A_17 = arith.constant 0 : i32
      %dma_start3A_18 = arith.constant 0 : i32
      %dma_start3A_19 = tpu.memref_slice %arg2[%dma_start3A_17, %dma_start3A_18] : memref<100000x128xi32, #tpu.memory_space<hbm>> -> memref<100000x128xi32, #tpu.memory_space<hbm>>
      tpu.enqueue_indirect_dma source(%dma_start3A_19 : memref<100000x128xi32, #tpu.memory_space<hbm>>) target(%arg6 : memref<104x128xi32, #tpu.memory_space<vmem>>) offsets(%dma_start3A_16 : memref<104xi32, #tpu.memory_space<vmem>>) semaphore(%arg9 : memref<!tpu.dma_semaphore, #tpu.memory_space<semaphore_mem>>)
      %dma_start3A_20 = arith.constant 1 : i32
      %dma_start3A_21 = arith.constant 0 : i32
      %dma_start3A_22 = tpu.memref_slice %arg5[%dma_start3A_20, %dma_start3A_21] : memref<64x104xi32, #tpu.memory_space<vmem>> -> memref<1x96xi32, #tpu.memory_space<vmem>>
      %dma_start3A_23 = tpu.memref_squeeze %dma_start3A_22 : memref<1x96xi32, #tpu.memory_space<vmem>> -> memref<96xi32, #tpu.memory_space<vmem>>
      %dma_start3A_24 = arith.constant 0 : i32
      %dma_start3A_25 = arith.constant 0 : i32
      %dma_start3A_26 = tpu.memref_slice %arg2[%dma_start3A_24, %dma_start3A_25] : memref<100000x128xi32, #tpu.memory_space<hbm>> -> memref<100000x128xi32, #tpu.memory_space<hbm>>
      tpu.enqueue_indirect_dma source(%dma_start3A_26 : memref<100000x128xi32, #tpu.memory_space<hbm>>) target(%arg7 : memref<96x128xi32, #tpu.memory_space<vmem>>) offsets(%dma_start3A_23 : memref<96xi32, #tpu.memory_space<vmem>>) semaphore(%arg10 : memref<!tpu.dma_semaphore, #tpu.memory_space<semaphore_mem>>)
      %scan3A_27 = arith.constant 0 : i32
      %scan3A_28 = arith.constant 0 : i32
      %scan3A_29 = arith.constant 32 : i32
      %scan3A_30 = arith.addi %scan3A_28, %scan3A_29 : i32
      %scan3A_31 = arith.constant 1 : i32
      scf.for %scan3A_36 = %scan3A_28 to %scan3A_30 step %scan3A_31  : i32 {
        %mul3A_37 = arith.constant 2 : i32
        %mul3A_38 = arith.muli %scan3A_36, %mul3A_37 : i32
        %broadcast_in_dim3A = arith.constant 0.000000e+00 : f32
        %broadcast_in_dim3A_39 = vector.broadcast %broadcast_in_dim3A : f32 to vector<16xf32>
        %broadcast_in_dim3A_40 = arith.constant 0.000000e+00 : f32
        %broadcast_in_dim3A_41 = vector.broadcast %broadcast_in_dim3A_40 : f32 to vector<16xf32>
        %broadcast_in_dim3A_42 = arith.constant 0.000000e+00 : f32
        %broadcast_in_dim3A_43 = vector.broadcast %broadcast_in_dim3A_42 : f32 to vector<16xf32>
        %broadcast_in_dim3A_44 = arith.constant 0.000000e+00 : f32
        %broadcast_in_dim3A_45 = vector.broadcast %broadcast_in_dim3A_44 : f32 to vector<16xf32>
        %broadcast_in_dim3A_46 = arith.constant 0.000000e+00 : f32
        %broadcast_in_dim3A_47 = vector.broadcast %broadcast_in_dim3A_46 : f32 to vector<16xf32>
        %broadcast_in_dim3A_48 = arith.constant 0.000000e+00 : f32
        %broadcast_in_dim3A_49 = vector.broadcast %broadcast_in_dim3A_48 : f32 to vector<16xf32>
        %broadcast_in_dim3A_50 = arith.constant 0.000000e+00 : f32
        %broadcast_in_dim3A_51 = vector.broadcast %broadcast_in_dim3A_50 : f32 to vector<16xf32>
        %broadcast_in_dim3A_52 = arith.constant 0.000000e+00 : f32
        %broadcast_in_dim3A_53 = vector.broadcast %broadcast_in_dim3A_52 : f32 to vector<16xf32>
        %broadcast_in_dim3A_54 = arith.constant 0.000000e+00 : f32
        %broadcast_in_dim3A_55 = vector.broadcast %broadcast_in_dim3A_54 : f32 to vector<16xf32>
        %broadcast_in_dim3A_56 = arith.constant 0.000000e+00 : f32
        %broadcast_in_dim3A_57 = vector.broadcast %broadcast_in_dim3A_56 : f32 to vector<16xf32>
        %broadcast_in_dim3A_58 = arith.constant 0.000000e+00 : f32
        %broadcast_in_dim3A_59 = vector.broadcast %broadcast_in_dim3A_58 : f32 to vector<16xf32>
        %broadcast_in_dim3A_60 = arith.constant 0.000000e+00 : f32
        %broadcast_in_dim3A_61 = vector.broadcast %broadcast_in_dim3A_60 : f32 to vector<16xf32>
        %broadcast_in_dim3A_62 = arith.constant 0.000000e+00 : f32
        %broadcast_in_dim3A_63 = vector.broadcast %broadcast_in_dim3A_62 : f32 to vector<16xf32>
        %broadcast_in_dim3A_64 = arith.constant 0.000000e+00 : f32
        %broadcast_in_dim3A_65 = vector.broadcast %broadcast_in_dim3A_64 : f32 to vector<16xf32>
        %broadcast_in_dim3A_66 = arith.constant 0.000000e+00 : f32
        %broadcast_in_dim3A_67 = vector.broadcast %broadcast_in_dim3A_66 : f32 to vector<16xf32>
        %broadcast_in_dim3A_68 = arith.constant 0.000000e+00 : f32
        %broadcast_in_dim3A_69 = vector.broadcast %broadcast_in_dim3A_68 : f32 to vector<16xf32>
        %dma_wait3A = arith.constant 0 : i32
        %dma_wait3A_70 = arith.constant 0 : i32
        %dma_wait3A_71 = tpu.memref_slice %arg2[%dma_wait3A, %dma_wait3A_70] : memref<100000x128xi32, #tpu.memory_space<hbm>> -> memref<104x128xi32, #tpu.memory_space<hbm>>
        %dma_wait3A_72 = arith.constant 0 : i32
        %dma_wait3A_73 = arith.constant 0 : i32
        %dma_wait3A_74 = tpu.memref_slice %arg2[%dma_wait3A_72, %dma_wait3A_73] : memref<100000x128xi32, #tpu.memory_space<hbm>> -> memref<104x128xi32, #tpu.memory_space<hbm>>
        tpu.wait_dma2 semaphore(%arg9 : memref<!tpu.dma_semaphore, #tpu.memory_space<semaphore_mem>>) src(%dma_wait3A_74 : memref<104x128xi32, #tpu.memory_space<hbm>>) dst(%arg6 : memref<104x128xi32, #tpu.memory_space<vmem>>)
        %scan3A_75 = arith.constant 0 : i32
        %scan3A_76 = arith.constant 26 : i32
        %scan3A_77 = arith.addi %scan3A_75, %scan3A_76 : i32
        %scan3A_78 = arith.constant 1 : i32
        %scan3A_79:16 = scf.for %scan3A_179 = %scan3A_75 to %scan3A_77 step %scan3A_78 iter_args(%scan3A_180 = %broadcast_in_dim3A_39, %scan3A_181 = %broadcast_in_dim3A_41, %scan3A_182 = %broadcast_in_dim3A_43, %scan3A_183 = %broadcast_in_dim3A_45, %scan3A_184 = %broadcast_in_dim3A_47, %scan3A_185 = %broadcast_in_dim3A_49, %scan3A_186 = %broadcast_in_dim3A_51, %scan3A_187 = %broadcast_in_dim3A_53, %scan3A_188 = %broadcast_in_dim3A_55, %scan3A_189 = %broadcast_in_dim3A_57, %scan3A_190 = %broadcast_in_dim3A_59, %scan3A_191 = %broadcast_in_dim3A_61, %scan3A_192 = %broadcast_in_dim3A_63, %scan3A_193 = %broadcast_in_dim3A_65, %scan3A_194 = %broadcast_in_dim3A_67, %scan3A_195 = %broadcast_in_dim3A_69) -> (vector<16xf32>, vector<16xf32>, vector<16xf32>, vector<16xf32>, vector<16xf32>, vector<16xf32>, vector<16xf32>, vector<16xf32>, vector<16xf32>, vector<16xf32>, vector<16xf32>, vector<16xf32>, vector<16xf32>, vector<16xf32>, vector<16xf32>, vector<16xf32>)  : i32 {
          %mul3A_196 = arith.constant 4 : i32
          %mul3A_197 = arith.muli %scan3A_179, %mul3A_196 : i32
          %add3A_198 = arith.constant 0 : i32
          %add3A_199 = arith.addi %mul3A_197, %add3A_198 : i32
          %get3A = arith.index_cast %add3A_199 : i32 to index
          %get3A_200 = arith.constant 0 : index
          %get3A_201 = tpu.vector_load %arg6[%get3A, %get3A_200] {strides = array<i32>} : memref<104x128xi32, #tpu.memory_space<vmem>>, vector<1x16xi32>,
          %get3A_202 = vector.shape_cast %get3A_201 : vector<1x16xi32> to vector<16xi32>
          %shift_left3A = arith.constant 16 : i32
          %shift_left3A_203 = vector.broadcast %shift_left3A : i32 to vector<16xi32>
          %shift_left3A_204 = arith.shli %get3A_202, %shift_left3A_203 : vector<16xi32>
          %bitcast_convert_type3A = tpu.bitcast %shift_left3A_204 : vector<16xi32> -> vector<16xf32>
          %bitcast_convert_type3A_205 = tpu.bitcast %get3A_202 : vector<16xi32> -> vector<16xf32>
          %add3A_206 = arith.addf %scan3A_180, %bitcast_convert_type3A : vector<16xf32>
          %add3A_207 = arith.addf %scan3A_188, %bitcast_convert_type3A_205 : vector<16xf32>
          %get3A_208 = arith.index_cast %add3A_199 : i32 to index
          %get3A_209 = arith.constant 16 : index
          %get3A_210 = tpu.vector_load %arg6[%get3A_208, %get3A_209] {strides = array<i32>} : memref<104x128xi32, #tpu.memory_space<vmem>>, vector<1x16xi32>,
          %get3A_211 = vector.shape_cast %get3A_210 : vector<1x16xi32> to vector<16xi32>
          %shift_left3A_212 = arith.constant 16 : i32
          %shift_left3A_213 = vector.broadcast %shift_left3A_212 : i32 to vector<16xi32>
          %shift_left3A_214 = arith.shli %get3A_211, %shift_left3A_213 : vector<16xi32>
          %bitcast_convert_type3A_215 = tpu.bitcast %shift_left3A_214 : vector<16xi32> -> vector<16xf32>
          %bitcast_convert_type3A_216 = tpu.bitcast %get3A_211 : vector<16xi32> -> vector<16xf32>
          %add3A_217 = arith.addf %scan3A_181, %bitcast_convert_type3A_215 : vector<16xf32>
          %add3A_218 = arith.addf %scan3A_189, %bitcast_convert_type3A_216 : vector<16xf32>
          %get3A_219 = arith.index_cast %add3A_199 : i32 to index
          %get3A_220 = arith.constant 32 : index
          %get3A_221 = tpu.vector_load %arg6[%get3A_219, %get3A_220] {strides = array<i32>} : memref<104x128xi32, #tpu.memory_space<vmem>>, vector<1x16xi32>,
          %get3A_222 = vector.shape_cast %get3A_221 : vector<1x16xi32> to vector<16xi32>
          %shift_left3A_223 = arith.constant 16 : i32
          %shift_left3A_224 = vector.broadcast %shift_left3A_223 : i32 to vector<16xi32>
          %shift_left3A_225 = arith.shli %get3A_222, %shift_left3A_224 : vector<16xi32>
          %bitcast_convert_type3A_226 = tpu.bitcast %shift_left3A_225 : vector<16xi32> -> vector<16xf32>
          %bitcast_convert_type3A_227 = tpu.bitcast %get3A_222 : vector<16xi32> -> vector<16xf32>
          %add3A_228 = arith.addf %scan3A_182, %bitcast_convert_type3A_226 : vector<16xf32>
          %add3A_229 = arith.addf %scan3A_190, %bitcast_convert_type3A_227 : vector<16xf32>
          %get3A_230 = arith.index_cast %add3A_199 : i32 to index
          %get3A_231 = arith.constant 48 : index
          %get3A_232 = tpu.vector_load %arg6[%get3A_230, %get3A_231] {strides = array<i32>} : memref<104x128xi32, #tpu.memory_space<vmem>>, vector<1x16xi32>,
          %get3A_233 = vector.shape_cast %get3A_232 : vector<1x16xi32> to vector<16xi32>
          %shift_left3A_234 = arith.constant 16 : i32
          %shift_left3A_235 = vector.broadcast %shift_left3A_234 : i32 to vector<16xi32>
          %shift_left3A_236 = arith.shli %get3A_233, %shift_left3A_235 : vector<16xi32>
          %bitcast_convert_type3A_237 = tpu.bitcast %shift_left3A_236 : vector<16xi32> -> vector<16xf32>
          %bitcast_convert_type3A_238 = tpu.bitcast %get3A_233 : vector<16xi32> -> vector<16xf32>
          %add3A_239 = arith.addf %scan3A_183, %bitcast_convert_type3A_237 : vector<16xf32>
          %add3A_240 = arith.addf %scan3A_191, %bitcast_convert_type3A_238 : vector<16xf32>
          %get3A_241 = arith.index_cast %add3A_199 : i32 to index
          %get3A_242 = arith.constant 64 : index
          %get3A_243 = tpu.vector_load %arg6[%get3A_241, %get3A_242] {strides = array<i32>} : memref<104x128xi32, #tpu.memory_space<vmem>>, vector<1x16xi32>,
          %get3A_244 = vector.shape_cast %get3A_243 : vector<1x16xi32> to vector<16xi32>
          %shift_left3A_245 = arith.constant 16 : i32
          %shift_left3A_246 = vector.broadcast %shift_left3A_245 : i32 to vector<16xi32>
          %shift_left3A_247 = arith.shli %get3A_244, %shift_left3A_246 : vector<16xi32>
          %bitcast_convert_type3A_248 = tpu.bitcast %shift_left3A_247 : vector<16xi32> -> vector<16xf32>
          %bitcast_convert_type3A_249 = tpu.bitcast %get3A_244 : vector<16xi32> -> vector<16xf32>
          %add3A_250 = arith.addf %scan3A_184, %bitcast_convert_type3A_248 : vector<16xf32>
          %add3A_251 = arith.addf %scan3A_192, %bitcast_convert_type3A_249 : vector<16xf32>
          %get3A_252 = arith.index_cast %add3A_199 : i32 to index
          %get3A_253 = arith.constant 80 : index
          %get3A_254 = tpu.vector_load %arg6[%get3A_252, %get3A_253] {strides = array<i32>} : memref<104x128xi32, #tpu.memory_space<vmem>>, vector<1x16xi32>,
          %get3A_255 = vector.shape_cast %get3A_254 : vector<1x16xi32> to vector<16xi32>
          %shift_left3A_256 = arith.constant 16 : i32
          %shift_left3A_257 = vector.broadcast %shift_left3A_256 : i32 to vector<16xi32>
          %shift_left3A_258 = arith.shli %get3A_255, %shift_left3A_257 : vector<16xi32>
          %bitcast_convert_type3A_259 = tpu.bitcast %shift_left3A_258 : vector<16xi32> -> vector<16xf32>
          %bitcast_convert_type3A_260 = tpu.bitcast %get3A_255 : vector<16xi32> -> vector<16xf32>
          %add3A_261 = arith.addf %scan3A_185, %bitcast_convert_type3A_259 : vector<16xf32>
          %add3A_262 = arith.addf %scan3A_193, %bitcast_convert_type3A_260 : vector<16xf32>
          %get3A_263 = arith.index_cast %add3A_199 : i32 to index
          %get3A_264 = arith.constant 96 : index
          %get3A_265 = tpu.vector_load %arg6[%get3A_263, %get3A_264] {strides = array<i32>} : memref<104x128xi32, #tpu.memory_space<vmem>>, vector<1x16xi32>,
          %get3A_266 = vector.shape_cast %get3A_265 : vector<1x16xi32> to vector<16xi32>
          %shift_left3A_267 = arith.constant 16 : i32
          %shift_left3A_268 = vector.broadcast %shift_left3A_267 : i32 to vector<16xi32>
          %shift_left3A_269 = arith.shli %get3A_266, %shift_left3A_268 : vector<16xi32>
          %bitcast_convert_type3A_270 = tpu.bitcast %shift_left3A_269 : vector<16xi32> -> vector<16xf32>
          %bitcast_convert_type3A_271 = tpu.bitcast %get3A_266 : vector<16xi32> -> vector<16xf32>
          %add3A_272 = arith.addf %scan3A_186, %bitcast_convert_type3A_270 : vector<16xf32>
          %add3A_273 = arith.addf %scan3A_194, %bitcast_convert_type3A_271 : vector<16xf32>
          %get3A_274 = arith.index_cast %add3A_199 : i32 to index
          %get3A_275 = arith.constant 112 : index
          %get3A_276 = tpu.vector_load %arg6[%get3A_274, %get3A_275] {strides = array<i32>} : memref<104x128xi32, #tpu.memory_space<vmem>>, vector<1x16xi32>,
          %get3A_277 = vector.shape_cast %get3A_276 : vector<1x16xi32> to vector<16xi32>
          %shift_left3A_278 = arith.constant 16 : i32
          %shift_left3A_279 = vector.broadcast %shift_left3A_278 : i32 to vector<16xi32>
          %shift_left3A_280 = arith.shli %get3A_277, %shift_left3A_279 : vector<16xi32>
          %bitcast_convert_type3A_281 = tpu.bitcast %shift_left3A_280 : vector<16xi32> -> vector<16xf32>
          %bitcast_convert_type3A_282 = tpu.bitcast %get3A_277 : vector<16xi32> -> vector<16xf32>
          %add3A_283 = arith.addf %scan3A_187, %bitcast_convert_type3A_281 : vector<16xf32>
          %add3A_284 = arith.addf %scan3A_195, %bitcast_convert_type3A_282 : vector<16xf32>
          %add3A_285 = arith.constant 1 : i32
          %add3A_286 = arith.addi %mul3A_197, %add3A_285 : i32
          %get3A_287 = arith.index_cast %add3A_286 : i32 to index
          %get3A_288 = arith.constant 0 : index
          %get3A_289 = tpu.vector_load %arg6[%get3A_287, %get3A_288] {strides = array<i32>} : memref<104x128xi32, #tpu.memory_space<vmem>>, vector<1x16xi32>,
          %get3A_290 = vector.shape_cast %get3A_289 : vector<1x16xi32> to vector<16xi32>
          %shift_left3A_291 = arith.constant 16 : i32
          %shift_left3A_292 = vector.broadcast %shift_left3A_291 : i32 to vector<16xi32>
          %shift_left3A_293 = arith.shli %get3A_290, %shift_left3A_292 : vector<16xi32>
          %bitcast_convert_type3A_294 = tpu.bitcast %shift_left3A_293 : vector<16xi32> -> vector<16xf32>
          %bitcast_convert_type3A_295 = tpu.bitcast %get3A_290 : vector<16xi32> -> vector<16xf32>
          %add3A_296 = arith.addf %add3A_206, %bitcast_convert_type3A_294 : vector<16xf32>
          %add3A_297 = arith.addf %add3A_207, %bitcast_convert_type3A_295 : vector<16xf32>
          %get3A_298 = arith.index_cast %add3A_286 : i32 to index
          %get3A_299 = arith.constant 16 : index
          %get3A_300 = tpu.vector_load %arg6[%get3A_298, %get3A_299] {strides = array<i32>} : memref<104x128xi32, #tpu.memory_space<vmem>>, vector<1x16xi32>,
          %get3A_301 = vector.shape_cast %get3A_300 : vector<1x16xi32> to vector<16xi32>
          %shift_left3A_302 = arith.constant 16 : i32
          %shift_left3A_303 = vector.broadcast %shift_left3A_302 : i32 to vector<16xi32>
          %shift_left3A_304 = arith.shli %get3A_301, %shift_left3A_303 : vector<16xi32>
          %bitcast_convert_type3A_305 = tpu.bitcast %shift_left3A_304 : vector<16xi32> -> vector<16xf32>
          %bitcast_convert_type3A_306 = tpu.bitcast %get3A_301 : vector<16xi32> -> vector<16xf32>
          %add3A_307 = arith.addf %add3A_217, %bitcast_convert_type3A_305 : vector<16xf32>
          %add3A_308 = arith.addf %add3A_218, %bitcast_convert_type3A_306 : vector<16xf32>
          %get3A_309 = arith.index_cast %add3A_286 : i32 to index
          %get3A_310 = arith.constant 32 : index
          %get3A_311 = tpu.vector_load %arg6[%get3A_309, %get3A_310] {strides = array<i32>} : memref<104x128xi32, #tpu.memory_space<vmem>>, vector<1x16xi32>,
          %get3A_312 = vector.shape_cast %get3A_311 : vector<1x16xi32> to vector<16xi32>
          %shift_left3A_313 = arith.constant 16 : i32
          %shift_left3A_314 = vector.broadcast %shift_left3A_313 : i32 to vector<16xi32>
          %shift_left3A_315 = arith.shli %get3A_312, %shift_left3A_314 : vector<16xi32>
          %bitcast_convert_type3A_316 = tpu.bitcast %shift_left3A_315 : vector<16xi32> -> vector<16xf32>
          %bitcast_convert_type3A_317 = tpu.bitcast %get3A_312 : vector<16xi32> -> vector<16xf32>
          %add3A_318 = arith.addf %add3A_228, %bitcast_convert_type3A_316 : vector<16xf32>
          %add3A_319 = arith.addf %add3A_229, %bitcast_convert_type3A_317 : vector<16xf32>
          %get3A_320 = arith.index_cast %add3A_286 : i32 to index
          %get3A_321 = arith.constant 48 : index
          %get3A_322 = tpu.vector_load %arg6[%get3A_320, %get3A_321] {strides = array<i32>} : memref<104x128xi32, #tpu.memory_space<vmem>>, vector<1x16xi32>,
          %get3A_323 = vector.shape_cast %get3A_322 : vector<1x16xi32> to vector<16xi32>
          %shift_left3A_324 = arith.constant 16 : i32
          %shift_left3A_325 = vector.broadcast %shift_left3A_324 : i32 to vector<16xi32>
          %shift_left3A_326 = arith.shli %get3A_323, %shift_left3A_325 : vector<16xi32>
          %bitcast_convert_type3A_327 = tpu.bitcast %shift_left3A_326 : vector<16xi32> -> vector<16xf32>
          %bitcast_convert_type3A_328 = tpu.bitcast %get3A_323 : vector<16xi32> -> vector<16xf32>
          %add3A_329 = arith.addf %add3A_239, %bitcast_convert_type3A_327 : vector<16xf32>
          %add3A_330 = arith.addf %add3A_240, %bitcast_convert_type3A_328 : vector<16xf32>
          %get3A_331 = arith.index_cast %add3A_286 : i32 to index
          %get3A_332 = arith.constant 64 : index
          %get3A_333 = tpu.vector_load %arg6[%get3A_331, %get3A_332] {strides = array<i32>} : memref<104x128xi32, #tpu.memory_space<vmem>>, vector<1x16xi32>,
          %get3A_334 = vector.shape_cast %get3A_333 : vector<1x16xi32> to vector<16xi32>
          %shift_left3A_335 = arith.constant 16 : i32
          %shift_left3A_336 = vector.broadcast %shift_left3A_335 : i32 to vector<16xi32>
          %shift_left3A_337 = arith.shli %get3A_334, %shift_left3A_336 : vector<16xi32>
          %bitcast_convert_type3A_338 = tpu.bitcast %shift_left3A_337 : vector<16xi32> -> vector<16xf32>
          %bitcast_convert_type3A_339 = tpu.bitcast %get3A_334 : vector<16xi32> -> vector<16xf32>
          %add3A_340 = arith.addf %add3A_250, %bitcast_convert_type3A_338 : vector<16xf32>
          %add3A_341 = arith.addf %add3A_251, %bitcast_convert_type3A_339 : vector<16xf32>
          %get3A_342 = arith.index_cast %add3A_286 : i32 to index
          %get3A_343 = arith.constant 80 : index
          %get3A_344 = tpu.vector_load %arg6[%get3A_342, %get3A_343] {strides = array<i32>} : memref<104x128xi32, #tpu.memory_space<vmem>>, vector<1x16xi32>,
          %get3A_345 = vector.shape_cast %get3A_344 : vector<1x16xi32> to vector<16xi32>
          %shift_left3A_346 = arith.constant 16 : i32
          %shift_left3A_347 = vector.broadcast %shift_left3A_346 : i32 to vector<16xi32>
          %shift_left3A_348 = arith.shli %get3A_345, %shift_left3A_347 : vector<16xi32>
          %bitcast_convert_type3A_349 = tpu.bitcast %shift_left3A_348 : vector<16xi32> -> vector<16xf32>
          %bitcast_convert_type3A_350 = tpu.bitcast %get3A_345 : vector<16xi32> -> vector<16xf32>
          %add3A_351 = arith.addf %add3A_261, %bitcast_convert_type3A_349 : vector<16xf32>
          %add3A_352 = arith.addf %add3A_262, %bitcast_convert_type3A_350 : vector<16xf32>
          %get3A_353 = arith.index_cast %add3A_286 : i32 to index
          %get3A_354 = arith.constant 96 : index
          %get3A_355 = tpu.vector_load %arg6[%get3A_353, %get3A_354] {strides = array<i32>} : memref<104x128xi32, #tpu.memory_space<vmem>>, vector<1x16xi32>,
          %get3A_356 = vector.shape_cast %get3A_355 : vector<1x16xi32> to vector<16xi32>
          %shift_left3A_357 = arith.constant 16 : i32
          %shift_left3A_358 = vector.broadcast %shift_left3A_357 : i32 to vector<16xi32>
          %shift_left3A_359 = arith.shli %get3A_356, %shift_left3A_358 : vector<16xi32>
          %bitcast_convert_type3A_360 = tpu.bitcast %shift_left3A_359 : vector<16xi32> -> vector<16xf32>
          %bitcast_convert_type3A_361 = tpu.bitcast %get3A_356 : vector<16xi32> -> vector<16xf32>
          %add3A_362 = arith.addf %add3A_272, %bitcast_convert_type3A_360 : vector<16xf32>
          %add3A_363 = arith.addf %add3A_273, %bitcast_convert_type3A_361 : vector<16xf32>
          %get3A_364 = arith.index_cast %add3A_286 : i32 to index
          %get3A_365 = arith.constant 112 : index
          %get3A_366 = tpu.vector_load %arg6[%get3A_364, %get3A_365] {strides = array<i32>} : memref<104x128xi32, #tpu.memory_space<vmem>>, vector<1x16xi32>,
          %get3A_367 = vector.shape_cast %get3A_366 : vector<1x16xi32> to vector<16xi32>
          %shift_left3A_368 = arith.constant 16 : i32
          %shift_left3A_369 = vector.broadcast %shift_left3A_368 : i32 to vector<16xi32>
          %shift_left3A_370 = arith.shli %get3A_367, %shift_left3A_369 : vector<16xi32>
          %bitcast_convert_type3A_371 = tpu.bitcast %shift_left3A_370 : vector<16xi32> -> vector<16xf32>
          %bitcast_convert_type3A_372 = tpu.bitcast %get3A_367 : vector<16xi32> -> vector<16xf32>
          %add3A_373 = arith.addf %add3A_283, %bitcast_convert_type3A_371 : vector<16xf32>
          %add3A_374 = arith.addf %add3A_284, %bitcast_convert_type3A_372 : vector<16xf32>
          %add3A_375 = arith.constant 2 : i32
          %add3A_376 = arith.addi %mul3A_197, %add3A_375 : i32
          %get3A_377 = arith.index_cast %add3A_376 : i32 to index
          %get3A_378 = arith.constant 0 : index
          %get3A_379 = tpu.vector_load %arg6[%get3A_377, %get3A_378] {strides = array<i32>} : memref<104x128xi32, #tpu.memory_space<vmem>>, vector<1x16xi32>,
          %get3A_380 = vector.shape_cast %get3A_379 : vector<1x16xi32> to vector<16xi32>
          %shift_left3A_381 = arith.constant 16 : i32
          %shift_left3A_382 = vector.broadcast %shift_left3A_381 : i32 to vector<16xi32>
          %shift_left3A_383 = arith.shli %get3A_380, %shift_left3A_382 : vector<16xi32>
          %bitcast_convert_type3A_384 = tpu.bitcast %shift_left3A_383 : vector<16xi32> -> vector<16xf32>
          %bitcast_convert_type3A_385 = tpu.bitcast %get3A_380 : vector<16xi32> -> vector<16xf32>
          %add3A_386 = arith.addf %add3A_296, %bitcast_convert_type3A_384 : vector<16xf32>
          %add3A_387 = arith.addf %add3A_297, %bitcast_convert_type3A_385 : vector<16xf32>
          %get3A_388 = arith.index_cast %add3A_376 : i32 to index
          %get3A_389 = arith.constant 16 : index
          %get3A_390 = tpu.vector_load %arg6[%get3A_388, %get3A_389] {strides = array<i32>} : memref<104x128xi32, #tpu.memory_space<vmem>>, vector<1x16xi32>,
          %get3A_391 = vector.shape_cast %get3A_390 : vector<1x16xi32> to vector<16xi32>
          %shift_left3A_392 = arith.constant 16 : i32
          %shift_left3A_393 = vector.broadcast %shift_left3A_392 : i32 to vector<16xi32>
          %shift_left3A_394 = arith.shli %get3A_391, %shift_left3A_393 : vector<16xi32>
          %bitcast_convert_type3A_395 = tpu.bitcast %shift_left3A_394 : vector<16xi32> -> vector<16xf32>
          %bitcast_convert_type3A_396 = tpu.bitcast %get3A_391 : vector<16xi32> -> vector<16xf32>
          %add3A_397 = arith.addf %add3A_307, %bitcast_convert_type3A_395 : vector<16xf32>
          %add3A_398 = arith.addf %add3A_308, %bitcast_convert_type3A_396 : vector<16xf32>
          %get3A_399 = arith.index_cast %add3A_376 : i32 to index
          %get3A_400 = arith.constant 32 : index
          %get3A_401 = tpu.vector_load %arg6[%get3A_399, %get3A_400] {strides = array<i32>} : memref<104x128xi32, #tpu.memory_space<vmem>>, vector<1x16xi32>,
          %get3A_402 = vector.shape_cast %get3A_401 : vector<1x16xi32> to vector<16xi32>
          %shift_left3A_403 = arith.constant 16 : i32
          %shift_left3A_404 = vector.broadcast %shift_left3A_403 : i32 to vector<16xi32>
          %shift_left3A_405 = arith.shli %get3A_402, %shift_left3A_404 : vector<16xi32>
          %bitcast_convert_type3A_406 = tpu.bitcast %shift_left3A_405 : vector<16xi32> -> vector<16xf32>
          %bitcast_convert_type3A_407 = tpu.bitcast %get3A_402 : vector<16xi32> -> vector<16xf32>
          %add3A_408 = arith.addf %add3A_318, %bitcast_convert_type3A_406 : vector<16xf32>
          %add3A_409 = arith.addf %add3A_319, %bitcast_convert_type3A_407 : vector<16xf32>
          %get3A_410 = arith.index_cast %add3A_376 : i32 to index
          %get3A_411 = arith.constant 48 : index
          %get3A_412 = tpu.vector_load %arg6[%get3A_410, %get3A_411] {strides = array<i32>} : memref<104x128xi32, #tpu.memory_space<vmem>>, vector<1x16xi32>,
          %get3A_413 = vector.shape_cast %get3A_412 : vector<1x16xi32> to vector<16xi32>
          %shift_left3A_414 = arith.constant 16 : i32
          %shift_left3A_415 = vector.broadcast %shift_left3A_414 : i32 to vector<16xi32>
          %shift_left3A_416 = arith.shli %get3A_413, %shift_left3A_415 : vector<16xi32>
          %bitcast_convert_type3A_417 = tpu.bitcast %shift_left3A_416 : vector<16xi32> -> vector<16xf32>
          %bitcast_convert_type3A_418 = tpu.bitcast %get3A_413 : vector<16xi32> -> vector<16xf32>
          %add3A_419 = arith.addf %add3A_329, %bitcast_convert_type3A_417 : vector<16xf32>
          %add3A_420 = arith.addf %add3A_330, %bitcast_convert_type3A_418 : vector<16xf32>
          %get3A_421 = arith.index_cast %add3A_376 : i32 to index
          %get3A_422 = arith.constant 64 : index
          %get3A_423 = tpu.vector_load %arg6[%get3A_421, %get3A_422] {strides = array<i32>} : memref<104x128xi32, #tpu.memory_space<vmem>>, vector<1x16xi32>,
          %get3A_424 = vector.shape_cast %get3A_423 : vector<1x16xi32> to vector<16xi32>
          %shift_left3A_425 = arith.constant 16 : i32
          %shift_left3A_426 = vector.broadcast %shift_left3A_425 : i32 to vector<16xi32>
          %shift_left3A_427 = arith.shli %get3A_424, %shift_left3A_426 : vector<16xi32>
          %bitcast_convert_type3A_428 = tpu.bitcast %shift_left3A_427 : vector<16xi32> -> vector<16xf32>
          %bitcast_convert_type3A_429 = tpu.bitcast %get3A_424 : vector<16xi32> -> vector<16xf32>
          %add3A_430 = arith.addf %add3A_340, %bitcast_convert_type3A_428 : vector<16xf32>
          %add3A_431 = arith.addf %add3A_341, %bitcast_convert_type3A_429 : vector<16xf32>
          %get3A_432 = arith.index_cast %add3A_376 : i32 to index
          %get3A_433 = arith.constant 80 : index
          %get3A_434 = tpu.vector_load %arg6[%get3A_432, %get3A_433] {strides = array<i32>} : memref<104x128xi32, #tpu.memory_space<vmem>>, vector<1x16xi32>,
          %get3A_435 = vector.shape_cast %get3A_434 : vector<1x16xi32> to vector<16xi32>
          %shift_left3A_436 = arith.constant 16 : i32
          %shift_left3A_437 = vector.broadcast %shift_left3A_436 : i32 to vector<16xi32>
          %shift_left3A_438 = arith.shli %get3A_435, %shift_left3A_437 : vector<16xi32>
          %bitcast_convert_type3A_439 = tpu.bitcast %shift_left3A_438 : vector<16xi32> -> vector<16xf32>
          %bitcast_convert_type3A_440 = tpu.bitcast %get3A_435 : vector<16xi32> -> vector<16xf32>
          %add3A_441 = arith.addf %add3A_351, %bitcast_convert_type3A_439 : vector<16xf32>
          %add3A_442 = arith.addf %add3A_352, %bitcast_convert_type3A_440 : vector<16xf32>
          %get3A_443 = arith.index_cast %add3A_376 : i32 to index
          %get3A_444 = arith.constant 96 : index
          %get3A_445 = tpu.vector_load %arg6[%get3A_443, %get3A_444] {strides = array<i32>} : memref<104x128xi32, #tpu.memory_space<vmem>>, vector<1x16xi32>,
          %get3A_446 = vector.shape_cast %get3A_445 : vector<1x16xi32> to vector<16xi32>
          %shift_left3A_447 = arith.constant 16 : i32
          %shift_left3A_448 = vector.broadcast %shift_left3A_447 : i32 to vector<16xi32>
          %shift_left3A_449 = arith.shli %get3A_446, %shift_left3A_448 : vector<16xi32>
          %bitcast_convert_type3A_450 = tpu.bitcast %shift_left3A_449 : vector<16xi32> -> vector<16xf32>
          %bitcast_convert_type3A_451 = tpu.bitcast %get3A_446 : vector<16xi32> -> vector<16xf32>
          %add3A_452 = arith.addf %add3A_362, %bitcast_convert_type3A_450 : vector<16xf32>
          %add3A_453 = arith.addf %add3A_363, %bitcast_convert_type3A_451 : vector<16xf32>
          %get3A_454 = arith.index_cast %add3A_376 : i32 to index
          %get3A_455 = arith.constant 112 : index
          %get3A_456 = tpu.vector_load %arg6[%get3A_454, %get3A_455] {strides = array<i32>} : memref<104x128xi32, #tpu.memory_space<vmem>>, vector<1x16xi32>,
          %get3A_457 = vector.shape_cast %get3A_456 : vector<1x16xi32> to vector<16xi32>
          %shift_left3A_458 = arith.constant 16 : i32
          %shift_left3A_459 = vector.broadcast %shift_left3A_458 : i32 to vector<16xi32>
          %shift_left3A_460 = arith.shli %get3A_457, %shift_left3A_459 : vector<16xi32>
          %bitcast_convert_type3A_461 = tpu.bitcast %shift_left3A_460 : vector<16xi32> -> vector<16xf32>
          %bitcast_convert_type3A_462 = tpu.bitcast %get3A_457 : vector<16xi32> -> vector<16xf32>
          %add3A_463 = arith.addf %add3A_373, %bitcast_convert_type3A_461 : vector<16xf32>
          %add3A_464 = arith.addf %add3A_374, %bitcast_convert_type3A_462 : vector<16xf32>
          %add3A_465 = arith.constant 3 : i32
          %add3A_466 = arith.addi %mul3A_197, %add3A_465 : i32
          %get3A_467 = arith.index_cast %add3A_466 : i32 to index
          %get3A_468 = arith.constant 0 : index
          %get3A_469 = tpu.vector_load %arg6[%get3A_467, %get3A_468] {strides = array<i32>} : memref<104x128xi32, #tpu.memory_space<vmem>>, vector<1x16xi32>,
          %get3A_470 = vector.shape_cast %get3A_469 : vector<1x16xi32> to vector<16xi32>
          %shift_left3A_471 = arith.constant 16 : i32
          %shift_left3A_472 = vector.broadcast %shift_left3A_471 : i32 to vector<16xi32>
          %shift_left3A_473 = arith.shli %get3A_470, %shift_left3A_472 : vector<16xi32>
          %bitcast_convert_type3A_474 = tpu.bitcast %shift_left3A_473 : vector<16xi32> -> vector<16xf32>
          %bitcast_convert_type3A_475 = tpu.bitcast %get3A_470 : vector<16xi32> -> vector<16xf32>
          %add3A_476 = arith.addf %add3A_386, %bitcast_convert_type3A_474 : vector<16xf32>
          %add3A_477 = arith.addf %add3A_387, %bitcast_convert_type3A_475 : vector<16xf32>
          %get3A_478 = arith.index_cast %add3A_466 : i32 to index
          %get3A_479 = arith.constant 16 : index
          %get3A_480 = tpu.vector_load %arg6[%get3A_478, %get3A_479] {strides = array<i32>} : memref<104x128xi32, #tpu.memory_space<vmem>>, vector<1x16xi32>,
          %get3A_481 = vector.shape_cast %get3A_480 : vector<1x16xi32> to vector<16xi32>
          %shift_left3A_482 = arith.constant 16 : i32
          %shift_left3A_483 = vector.broadcast %shift_left3A_482 : i32 to vector<16xi32>
          %shift_left3A_484 = arith.shli %get3A_481, %shift_left3A_483 : vector<16xi32>
          %bitcast_convert_type3A_485 = tpu.bitcast %shift_left3A_484 : vector<16xi32> -> vector<16xf32>
          %bitcast_convert_type3A_486 = tpu.bitcast %get3A_481 : vector<16xi32> -> vector<16xf32>
          %add3A_487 = arith.addf %add3A_397, %bitcast_convert_type3A_485 : vector<16xf32>
          %add3A_488 = arith.addf %add3A_398, %bitcast_convert_type3A_486 : vector<16xf32>
          %get3A_489 = arith.index_cast %add3A_466 : i32 to index
          %get3A_490 = arith.constant 32 : index
          %get3A_491 = tpu.vector_load %arg6[%get3A_489, %get3A_490] {strides = array<i32>} : memref<104x128xi32, #tpu.memory_space<vmem>>, vector<1x16xi32>,
          %get3A_492 = vector.shape_cast %get3A_491 : vector<1x16xi32> to vector<16xi32>
          %shift_left3A_493 = arith.constant 16 : i32
          %shift_left3A_494 = vector.broadcast %shift_left3A_493 : i32 to vector<16xi32>
          %shift_left3A_495 = arith.shli %get3A_492, %shift_left3A_494 : vector<16xi32>
          %bitcast_convert_type3A_496 = tpu.bitcast %shift_left3A_495 : vector<16xi32> -> vector<16xf32>
          %bitcast_convert_type3A_497 = tpu.bitcast %get3A_492 : vector<16xi32> -> vector<16xf32>
          %add3A_498 = arith.addf %add3A_408, %bitcast_convert_type3A_496 : vector<16xf32>
          %add3A_499 = arith.addf %add3A_409, %bitcast_convert_type3A_497 : vector<16xf32>
          %get3A_500 = arith.index_cast %add3A_466 : i32 to index
          %get3A_501 = arith.constant 48 : index
          %get3A_502 = tpu.vector_load %arg6[%get3A_500, %get3A_501] {strides = array<i32>} : memref<104x128xi32, #tpu.memory_space<vmem>>, vector<1x16xi32>,
          %get3A_503 = vector.shape_cast %get3A_502 : vector<1x16xi32> to vector<16xi32>
          %shift_left3A_504 = arith.constant 16 : i32
          %shift_left3A_505 = vector.broadcast %shift_left3A_504 : i32 to vector<16xi32>
          %shift_left3A_506 = arith.shli %get3A_503, %shift_left3A_505 : vector<16xi32>
          %bitcast_convert_type3A_507 = tpu.bitcast %shift_left3A_506 : vector<16xi32> -> vector<16xf32>
          %bitcast_convert_type3A_508 = tpu.bitcast %get3A_503 : vector<16xi32> -> vector<16xf32>
          %add3A_509 = arith.addf %add3A_419, %bitcast_convert_type3A_507 : vector<16xf32>
          %add3A_510 = arith.addf %add3A_420, %bitcast_convert_type3A_508 : vector<16xf32>
          %get3A_511 = arith.index_cast %add3A_466 : i32 to index
          %get3A_512 = arith.constant 64 : index
          %get3A_513 = tpu.vector_load %arg6[%get3A_511, %get3A_512] {strides = array<i32>} : memref<104x128xi32, #tpu.memory_space<vmem>>, vector<1x16xi32>,
          %get3A_514 = vector.shape_cast %get3A_513 : vector<1x16xi32> to vector<16xi32>
          %shift_left3A_515 = arith.constant 16 : i32
          %shift_left3A_516 = vector.broadcast %shift_left3A_515 : i32 to vector<16xi32>
          %shift_left3A_517 = arith.shli %get3A_514, %shift_left3A_516 : vector<16xi32>
          %bitcast_convert_type3A_518 = tpu.bitcast %shift_left3A_517 : vector<16xi32> -> vector<16xf32>
          %bitcast_convert_type3A_519 = tpu.bitcast %get3A_514 : vector<16xi32> -> vector<16xf32>
          %add3A_520 = arith.addf %add3A_430, %bitcast_convert_type3A_518 : vector<16xf32>
          %add3A_521 = arith.addf %add3A_431, %bitcast_convert_type3A_519 : vector<16xf32>
          %get3A_522 = arith.index_cast %add3A_466 : i32 to index
          %get3A_523 = arith.constant 80 : index
          %get3A_524 = tpu.vector_load %arg6[%get3A_522, %get3A_523] {strides = array<i32>} : memref<104x128xi32, #tpu.memory_space<vmem>>, vector<1x16xi32>,
          %get3A_525 = vector.shape_cast %get3A_524 : vector<1x16xi32> to vector<16xi32>
          %shift_left3A_526 = arith.constant 16 : i32
          %shift_left3A_527 = vector.broadcast %shift_left3A_526 : i32 to vector<16xi32>
          %shift_left3A_528 = arith.shli %get3A_525, %shift_left3A_527 : vector<16xi32>
          %bitcast_convert_type3A_529 = tpu.bitcast %shift_left3A_528 : vector<16xi32> -> vector<16xf32>
          %bitcast_convert_type3A_530 = tpu.bitcast %get3A_525 : vector<16xi32> -> vector<16xf32>
          %add3A_531 = arith.addf %add3A_441, %bitcast_convert_type3A_529 : vector<16xf32>
          %add3A_532 = arith.addf %add3A_442, %bitcast_convert_type3A_530 : vector<16xf32>
          %get3A_533 = arith.index_cast %add3A_466 : i32 to index
          %get3A_534 = arith.constant 96 : index
          %get3A_535 = tpu.vector_load %arg6[%get3A_533, %get3A_534] {strides = array<i32>} : memref<104x128xi32, #tpu.memory_space<vmem>>, vector<1x16xi32>,
          %get3A_536 = vector.shape_cast %get3A_535 : vector<1x16xi32> to vector<16xi32>
          %shift_left3A_537 = arith.constant 16 : i32
          %shift_left3A_538 = vector.broadcast %shift_left3A_537 : i32 to vector<16xi32>
          %shift_left3A_539 = arith.shli %get3A_536, %shift_left3A_538 : vector<16xi32>
          %bitcast_convert_type3A_540 = tpu.bitcast %shift_left3A_539 : vector<16xi32> -> vector<16xf32>
          %bitcast_convert_type3A_541 = tpu.bitcast %get3A_536 : vector<16xi32> -> vector<16xf32>
          %add3A_542 = arith.addf %add3A_452, %bitcast_convert_type3A_540 : vector<16xf32>
          %add3A_543 = arith.addf %add3A_453, %bitcast_convert_type3A_541 : vector<16xf32>
          %get3A_544 = arith.index_cast %add3A_466 : i32 to index
          %get3A_545 = arith.constant 112 : index
          %get3A_546 = tpu.vector_load %arg6[%get3A_544, %get3A_545] {strides = array<i32>} : memref<104x128xi32, #tpu.memory_space<vmem>>, vector<1x16xi32>,
          %get3A_547 = vector.shape_cast %get3A_546 : vector<1x16xi32> to vector<16xi32>
          %shift_left3A_548 = arith.constant 16 : i32
          %shift_left3A_549 = vector.broadcast %shift_left3A_548 : i32 to vector<16xi32>
          %shift_left3A_550 = arith.shli %get3A_547, %shift_left3A_549 : vector<16xi32>
          %bitcast_convert_type3A_551 = tpu.bitcast %shift_left3A_550 : vector<16xi32> -> vector<16xf32>
          %bitcast_convert_type3A_552 = tpu.bitcast %get3A_547 : vector<16xi32> -> vector<16xf32>
          %add3A_553 = arith.addf %add3A_463, %bitcast_convert_type3A_551 : vector<16xf32>
          %add3A_554 = arith.addf %add3A_464, %bitcast_convert_type3A_552 : vector<16xf32>
          scf.yield %add3A_476, %add3A_487, %add3A_498, %add3A_509, %add3A_520, %add3A_531, %add3A_542, %add3A_553, %add3A_477, %add3A_488, %add3A_499, %add3A_510, %add3A_521, %add3A_532, %add3A_543, %add3A_554 : vector<16xf32>, vector<16xf32>, vector<16xf32>, vector<16xf32>, vector<16xf32>, vector<16xf32>, vector<16xf32>, vector<16xf32>, vector<16xf32>, vector<16xf32>, vector<16xf32>, vector<16xf32>, vector<16xf32>, vector<16xf32>, vector<16xf32>, vector<16xf32>
        }
        %scan3A_80 = arith.constant 26 : i32
        %lt3A = arith.constant 31 : i32
        %lt3A_81 = arith.cmpi slt, %scan3A_36, %lt3A : i32
        %convert_element_type3A = arith.extui %lt3A_81 : i1 to i32
        %cond3A = arith.constant 0 : i32
        %cond3A_82 = arith.cmpi ne, %convert_element_type3A, %cond3A : i32
        scf.if %cond3A_82 {
          %add3A_179 = arith.constant 2 : i32
          %add3A_180 = arith.addi %mul3A_38, %add3A_179 : i32
          %dma_start3A_181 = arith.constant 0 : i32
          %dma_start3A_182 = tpu.memref_slice %arg5[%add3A_180, %dma_start3A_181] : memref<64x104xi32, #tpu.memory_space<vmem>> -> memref<1x104xi32, #tpu.memory_space<vmem>>
          %dma_start3A_183 = tpu.memref_squeeze %dma_start3A_182 : memref<1x104xi32, #tpu.memory_space<vmem>> -> memref<104xi32, #tpu.memory_space<vmem>>
          %dma_start3A_184 = arith.constant 0 : i32
          %dma_start3A_185 = arith.constant 0 : i32
          %dma_start3A_186 = tpu.memref_slice %arg2[%dma_start3A_184, %dma_start3A_185] : memref<100000x128xi32, #tpu.memory_space<hbm>> -> memref<100000x128xi32, #tpu.memory_space<hbm>>
          tpu.enqueue_indirect_dma source(%dma_start3A_186 : memref<100000x128xi32, #tpu.memory_space<hbm>>) target(%arg6 : memref<104x128xi32, #tpu.memory_space<vmem>>) offsets(%dma_start3A_183 : memref<104xi32, #tpu.memory_space<vmem>>) semaphore(%arg9 : memref<!tpu.dma_semaphore, #tpu.memory_space<semaphore_mem>>)
        } else {
        }
        %dma_wait3A_83 = arith.constant 0 : i32
        %dma_wait3A_84 = arith.constant 0 : i32
        %dma_wait3A_85 = tpu.memref_slice %arg2[%dma_wait3A_83, %dma_wait3A_84] : memref<100000x128xi32, #tpu.memory_space<hbm>> -> memref<96x128xi32, #tpu.memory_space<hbm>>
        %dma_wait3A_86 = arith.constant 0 : i32
        %dma_wait3A_87 = arith.constant 0 : i32
        %dma_wait3A_88 = tpu.memref_slice %arg2[%dma_wait3A_86, %dma_wait3A_87] : memref<100000x128xi32, #tpu.memory_space<hbm>> -> memref<96x128xi32, #tpu.memory_space<hbm>>
        tpu.wait_dma2 semaphore(%arg10 : memref<!tpu.dma_semaphore, #tpu.memory_space<semaphore_mem>>) src(%dma_wait3A_88 : memref<96x128xi32, #tpu.memory_space<hbm>>) dst(%arg7 : memref<96x128xi32, #tpu.memory_space<vmem>>)
        %scan3A_89 = arith.constant 0 : i32
        %scan3A_90 = arith.constant 24 : i32
        %scan3A_91 = arith.addi %scan3A_89, %scan3A_90 : i32
        %scan3A_92 = arith.constant 1 : i32
        %scan3A_93:16 = scf.for %scan3A_179 = %scan3A_89 to %scan3A_91 step %scan3A_92 iter_args(%scan3A_180 = %scan3A_79#0, %scan3A_181 = %scan3A_79#1, %scan3A_182 = %scan3A_79#2, %scan3A_183 = %scan3A_79#3, %scan3A_184 = %scan3A_79#4, %scan3A_185 = %scan3A_79#5, %scan3A_186 = %scan3A_79#6, %scan3A_187 = %scan3A_79#7, %scan3A_188 = %scan3A_79#8, %scan3A_189 = %scan3A_79#9, %scan3A_190 = %scan3A_79#10, %scan3A_191 = %scan3A_79#11, %scan3A_192 = %scan3A_79#12, %scan3A_193 = %scan3A_79#13, %scan3A_194 = %scan3A_79#14, %scan3A_195 = %scan3A_79#15) -> (vector<16xf32>, vector<16xf32>, vector<16xf32>, vector<16xf32>, vector<16xf32>, vector<16xf32>, vector<16xf32>, vector<16xf32>, vector<16xf32>, vector<16xf32>, vector<16xf32>, vector<16xf32>, vector<16xf32>, vector<16xf32>, vector<16xf32>, vector<16xf32>)  : i32 {
          %mul3A_196 = arith.constant 4 : i32
          %mul3A_197 = arith.muli %scan3A_179, %mul3A_196 : i32
          %add3A_198 = arith.constant 0 : i32
          %add3A_199 = arith.addi %mul3A_197, %add3A_198 : i32
          %get3A = arith.index_cast %add3A_199 : i32 to index
          %get3A_200 = arith.constant 0 : index
          %get3A_201 = tpu.vector_load %arg7[%get3A, %get3A_200] {strides = array<i32>} : memref<96x128xi32, #tpu.memory_space<vmem>>, vector<1x16xi32>,
          %get3A_202 = vector.shape_cast %get3A_201 : vector<1x16xi32> to vector<16xi32>
          %shift_left3A = arith.constant 16 : i32
          %shift_left3A_203 = vector.broadcast %shift_left3A : i32 to vector<16xi32>
          %shift_left3A_204 = arith.shli %get3A_202, %shift_left3A_203 : vector<16xi32>
          %bitcast_convert_type3A = tpu.bitcast %shift_left3A_204 : vector<16xi32> -> vector<16xf32>
          %bitcast_convert_type3A_205 = tpu.bitcast %get3A_202 : vector<16xi32> -> vector<16xf32>
          %add3A_206 = arith.addf %scan3A_180, %bitcast_convert_type3A : vector<16xf32>
          %add3A_207 = arith.addf %scan3A_188, %bitcast_convert_type3A_205 : vector<16xf32>
          %get3A_208 = arith.index_cast %add3A_199 : i32 to index
          %get3A_209 = arith.constant 16 : index
          %get3A_210 = tpu.vector_load %arg7[%get3A_208, %get3A_209] {strides = array<i32>} : memref<96x128xi32, #tpu.memory_space<vmem>>, vector<1x16xi32>,
          %get3A_211 = vector.shape_cast %get3A_210 : vector<1x16xi32> to vector<16xi32>
          %shift_left3A_212 = arith.constant 16 : i32
          %shift_left3A_213 = vector.broadcast %shift_left3A_212 : i32 to vector<16xi32>
          %shift_left3A_214 = arith.shli %get3A_211, %shift_left3A_213 : vector<16xi32>
          %bitcast_convert_type3A_215 = tpu.bitcast %shift_left3A_214 : vector<16xi32> -> vector<16xf32>
          %bitcast_convert_type3A_216 = tpu.bitcast %get3A_211 : vector<16xi32> -> vector<16xf32>
          %add3A_217 = arith.addf %scan3A_181, %bitcast_convert_type3A_215 : vector<16xf32>
          %add3A_218 = arith.addf %scan3A_189, %bitcast_convert_type3A_216 : vector<16xf32>
          %get3A_219 = arith.index_cast %add3A_199 : i32 to index
          %get3A_220 = arith.constant 32 : index
          %get3A_221 = tpu.vector_load %arg7[%get3A_219, %get3A_220] {strides = array<i32>} : memref<96x128xi32, #tpu.memory_space<vmem>>, vector<1x16xi32>,
          %get3A_222 = vector.shape_cast %get3A_221 : vector<1x16xi32> to vector<16xi32>
          %shift_left3A_223 = arith.constant 16 : i32
          %shift_left3A_224 = vector.broadcast %shift_left3A_223 : i32 to vector<16xi32>
          %shift_left3A_225 = arith.shli %get3A_222, %shift_left3A_224 : vector<16xi32>
          %bitcast_convert_type3A_226 = tpu.bitcast %shift_left3A_225 : vector<16xi32> -> vector<16xf32>
          %bitcast_convert_type3A_227 = tpu.bitcast %get3A_222 : vector<16xi32> -> vector<16xf32>
          %add3A_228 = arith.addf %scan3A_182, %bitcast_convert_type3A_226 : vector<16xf32>
          %add3A_229 = arith.addf %scan3A_190, %bitcast_convert_type3A_227 : vector<16xf32>
          %get3A_230 = arith.index_cast %add3A_199 : i32 to index
          %get3A_231 = arith.constant 48 : index
          %get3A_232 = tpu.vector_load %arg7[%get3A_230, %get3A_231] {strides = array<i32>} : memref<96x128xi32, #tpu.memory_space<vmem>>, vector<1x16xi32>,
          %get3A_233 = vector.shape_cast %get3A_232 : vector<1x16xi32> to vector<16xi32>
          %shift_left3A_234 = arith.constant 16 : i32
          %shift_left3A_235 = vector.broadcast %shift_left3A_234 : i32 to vector<16xi32>
          %shift_left3A_236 = arith.shli %get3A_233, %shift_left3A_235 : vector<16xi32>
          %bitcast_convert_type3A_237 = tpu.bitcast %shift_left3A_236 : vector<16xi32> -> vector<16xf32>
          %bitcast_convert_type3A_238 = tpu.bitcast %get3A_233 : vector<16xi32> -> vector<16xf32>
          %add3A_239 = arith.addf %scan3A_183, %bitcast_convert_type3A_237 : vector<16xf32>
          %add3A_240 = arith.addf %scan3A_191, %bitcast_convert_type3A_238 : vector<16xf32>
          %get3A_241 = arith.index_cast %add3A_199 : i32 to index
          %get3A_242 = arith.constant 64 : index
          %get3A_243 = tpu.vector_load %arg7[%get3A_241, %get3A_242] {strides = array<i32>} : memref<96x128xi32, #tpu.memory_space<vmem>>, vector<1x16xi32>,
          %get3A_244 = vector.shape_cast %get3A_243 : vector<1x16xi32> to vector<16xi32>
          %shift_left3A_245 = arith.constant 16 : i32
          %shift_left3A_246 = vector.broadcast %shift_left3A_245 : i32 to vector<16xi32>
          %shift_left3A_247 = arith.shli %get3A_244, %shift_left3A_246 : vector<16xi32>
          %bitcast_convert_type3A_248 = tpu.bitcast %shift_left3A_247 : vector<16xi32> -> vector<16xf32>
          %bitcast_convert_type3A_249 = tpu.bitcast %get3A_244 : vector<16xi32> -> vector<16xf32>
          %add3A_250 = arith.addf %scan3A_184, %bitcast_convert_type3A_248 : vector<16xf32>
          %add3A_251 = arith.addf %scan3A_192, %bitcast_convert_type3A_249 : vector<16xf32>
          %get3A_252 = arith.index_cast %add3A_199 : i32 to index
          %get3A_253 = arith.constant 80 : index
          %get3A_254 = tpu.vector_load %arg7[%get3A_252, %get3A_253] {strides = array<i32>} : memref<96x128xi32, #tpu.memory_space<vmem>>, vector<1x16xi32>,
          %get3A_255 = vector.shape_cast %get3A_254 : vector<1x16xi32> to vector<16xi32>
          %shift_left3A_256 = arith.constant 16 : i32
          %shift_left3A_257 = vector.broadcast %shift_left3A_256 : i32 to vector<16xi32>
          %shift_left3A_258 = arith.shli %get3A_255, %shift_left3A_257 : vector<16xi32>
          %bitcast_convert_type3A_259 = tpu.bitcast %shift_left3A_258 : vector<16xi32> -> vector<16xf32>
          %bitcast_convert_type3A_260 = tpu.bitcast %get3A_255 : vector<16xi32> -> vector<16xf32>
          %add3A_261 = arith.addf %scan3A_185, %bitcast_convert_type3A_259 : vector<16xf32>
          %add3A_262 = arith.addf %scan3A_193, %bitcast_convert_type3A_260 : vector<16xf32>
          %get3A_263 = arith.index_cast %add3A_199 : i32 to index
          %get3A_264 = arith.constant 96 : index
          %get3A_265 = tpu.vector_load %arg7[%get3A_263, %get3A_264] {strides = array<i32>} : memref<96x128xi32, #tpu.memory_space<vmem>>, vector<1x16xi32>,
          %get3A_266 = vector.shape_cast %get3A_265 : vector<1x16xi32> to vector<16xi32>
          %shift_left3A_267 = arith.constant 16 : i32
          %shift_left3A_268 = vector.broadcast %shift_left3A_267 : i32 to vector<16xi32>
          %shift_left3A_269 = arith.shli %get3A_266, %shift_left3A_268 : vector<16xi32>
          %bitcast_convert_type3A_270 = tpu.bitcast %shift_left3A_269 : vector<16xi32> -> vector<16xf32>
          %bitcast_convert_type3A_271 = tpu.bitcast %get3A_266 : vector<16xi32> -> vector<16xf32>
          %add3A_272 = arith.addf %scan3A_186, %bitcast_convert_type3A_270 : vector<16xf32>
          %add3A_273 = arith.addf %scan3A_194, %bitcast_convert_type3A_271 : vector<16xf32>
          %get3A_274 = arith.index_cast %add3A_199 : i32 to index
          %get3A_275 = arith.constant 112 : index
          %get3A_276 = tpu.vector_load %arg7[%get3A_274, %get3A_275] {strides = array<i32>} : memref<96x128xi32, #tpu.memory_space<vmem>>, vector<1x16xi32>,
          %get3A_277 = vector.shape_cast %get3A_276 : vector<1x16xi32> to vector<16xi32>
          %shift_left3A_278 = arith.constant 16 : i32
          %shift_left3A_279 = vector.broadcast %shift_left3A_278 : i32 to vector<16xi32>
          %shift_left3A_280 = arith.shli %get3A_277, %shift_left3A_279 : vector<16xi32>
          %bitcast_convert_type3A_281 = tpu.bitcast %shift_left3A_280 : vector<16xi32> -> vector<16xf32>
          %bitcast_convert_type3A_282 = tpu.bitcast %get3A_277 : vector<16xi32> -> vector<16xf32>
          %add3A_283 = arith.addf %scan3A_187, %bitcast_convert_type3A_281 : vector<16xf32>
          %add3A_284 = arith.addf %scan3A_195, %bitcast_convert_type3A_282 : vector<16xf32>
          %add3A_285 = arith.constant 1 : i32
          %add3A_286 = arith.addi %mul3A_197, %add3A_285 : i32
          %get3A_287 = arith.index_cast %add3A_286 : i32 to index
          %get3A_288 = arith.constant 0 : index
          %get3A_289 = tpu.vector_load %arg7[%get3A_287, %get3A_288] {strides = array<i32>} : memref<96x128xi32, #tpu.memory_space<vmem>>, vector<1x16xi32>,
          %get3A_290 = vector.shape_cast %get3A_289 : vector<1x16xi32> to vector<16xi32>
          %shift_left3A_291 = arith.constant 16 : i32
          %shift_left3A_292 = vector.broadcast %shift_left3A_291 : i32 to vector<16xi32>
          %shift_left3A_293 = arith.shli %get3A_290, %shift_left3A_292 : vector<16xi32>
          %bitcast_convert_type3A_294 = tpu.bitcast %shift_left3A_293 : vector<16xi32> -> vector<16xf32>
          %bitcast_convert_type3A_295 = tpu.bitcast %get3A_290 : vector<16xi32> -> vector<16xf32>
          %add3A_296 = arith.addf %add3A_206, %bitcast_convert_type3A_294 : vector<16xf32>
          %add3A_297 = arith.addf %add3A_207, %bitcast_convert_type3A_295 : vector<16xf32>
          %get3A_298 = arith.index_cast %add3A_286 : i32 to index
          %get3A_299 = arith.constant 16 : index
          %get3A_300 = tpu.vector_load %arg7[%get3A_298, %get3A_299] {strides = array<i32>} : memref<96x128xi32, #tpu.memory_space<vmem>>, vector<1x16xi32>,
          %get3A_301 = vector.shape_cast %get3A_300 : vector<1x16xi32> to vector<16xi32>
          %shift_left3A_302 = arith.constant 16 : i32
          %shift_left3A_303 = vector.broadcast %shift_left3A_302 : i32 to vector<16xi32>
          %shift_left3A_304 = arith.shli %get3A_301, %shift_left3A_303 : vector<16xi32>
          %bitcast_convert_type3A_305 = tpu.bitcast %shift_left3A_304 : vector<16xi32> -> vector<16xf32>
          %bitcast_convert_type3A_306 = tpu.bitcast %get3A_301 : vector<16xi32> -> vector<16xf32>
          %add3A_307 = arith.addf %add3A_217, %bitcast_convert_type3A_305 : vector<16xf32>
          %add3A_308 = arith.addf %add3A_218, %bitcast_convert_type3A_306 : vector<16xf32>
          %get3A_309 = arith.index_cast %add3A_286 : i32 to index
          %get3A_310 = arith.constant 32 : index
          %get3A_311 = tpu.vector_load %arg7[%get3A_309, %get3A_310] {strides = array<i32>} : memref<96x128xi32, #tpu.memory_space<vmem>>, vector<1x16xi32>,
          %get3A_312 = vector.shape_cast %get3A_311 : vector<1x16xi32> to vector<16xi32>
          %shift_left3A_313 = arith.constant 16 : i32
          %shift_left3A_314 = vector.broadcast %shift_left3A_313 : i32 to vector<16xi32>
          %shift_left3A_315 = arith.shli %get3A_312, %shift_left3A_314 : vector<16xi32>
          %bitcast_convert_type3A_316 = tpu.bitcast %shift_left3A_315 : vector<16xi32> -> vector<16xf32>
          %bitcast_convert_type3A_317 = tpu.bitcast %get3A_312 : vector<16xi32> -> vector<16xf32>
          %add3A_318 = arith.addf %add3A_228, %bitcast_convert_type3A_316 : vector<16xf32>
          %add3A_319 = arith.addf %add3A_229, %bitcast_convert_type3A_317 : vector<16xf32>
          %get3A_320 = arith.index_cast %add3A_286 : i32 to index
          %get3A_321 = arith.constant 48 : index
          %get3A_322 = tpu.vector_load %arg7[%get3A_320, %get3A_321] {strides = array<i32>} : memref<96x128xi32, #tpu.memory_space<vmem>>, vector<1x16xi32>,
          %get3A_323 = vector.shape_cast %get3A_322 : vector<1x16xi32> to vector<16xi32>
          %shift_left3A_324 = arith.constant 16 : i32
          %shift_left3A_325 = vector.broadcast %shift_left3A_324 : i32 to vector<16xi32>
          %shift_left3A_326 = arith.shli %get3A_323, %shift_left3A_325 : vector<16xi32>
          %bitcast_convert_type3A_327 = tpu.bitcast %shift_left3A_326 : vector<16xi32> -> vector<16xf32>
          %bitcast_convert_type3A_328 = tpu.bitcast %get3A_323 : vector<16xi32> -> vector<16xf32>
          %add3A_329 = arith.addf %add3A_239, %bitcast_convert_type3A_327 : vector<16xf32>
          %add3A_330 = arith.addf %add3A_240, %bitcast_convert_type3A_328 : vector<16xf32>
          %get3A_331 = arith.index_cast %add3A_286 : i32 to index
          %get3A_332 = arith.constant 64 : index
          %get3A_333 = tpu.vector_load %arg7[%get3A_331, %get3A_332] {strides = array<i32>} : memref<96x128xi32, #tpu.memory_space<vmem>>, vector<1x16xi32>,
          %get3A_334 = vector.shape_cast %get3A_333 : vector<1x16xi32> to vector<16xi32>
          %shift_left3A_335 = arith.constant 16 : i32
          %shift_left3A_336 = vector.broadcast %shift_left3A_335 : i32 to vector<16xi32>
          %shift_left3A_337 = arith.shli %get3A_334, %shift_left3A_336 : vector<16xi32>
          %bitcast_convert_type3A_338 = tpu.bitcast %shift_left3A_337 : vector<16xi32> -> vector<16xf32>
          %bitcast_convert_type3A_339 = tpu.bitcast %get3A_334 : vector<16xi32> -> vector<16xf32>
          %add3A_340 = arith.addf %add3A_250, %bitcast_convert_type3A_338 : vector<16xf32>
          %add3A_341 = arith.addf %add3A_251, %bitcast_convert_type3A_339 : vector<16xf32>
          %get3A_342 = arith.index_cast %add3A_286 : i32 to index
          %get3A_343 = arith.constant 80 : index
          %get3A_344 = tpu.vector_load %arg7[%get3A_342, %get3A_343] {strides = array<i32>} : memref<96x128xi32, #tpu.memory_space<vmem>>, vector<1x16xi32>,
          %get3A_345 = vector.shape_cast %get3A_344 : vector<1x16xi32> to vector<16xi32>
          %shift_left3A_346 = arith.constant 16 : i32
          %shift_left3A_347 = vector.broadcast %shift_left3A_346 : i32 to vector<16xi32>
          %shift_left3A_348 = arith.shli %get3A_345, %shift_left3A_347 : vector<16xi32>
          %bitcast_convert_type3A_349 = tpu.bitcast %shift_left3A_348 : vector<16xi32> -> vector<16xf32>
          %bitcast_convert_type3A_350 = tpu.bitcast %get3A_345 : vector<16xi32> -> vector<16xf32>
          %add3A_351 = arith.addf %add3A_261, %bitcast_convert_type3A_349 : vector<16xf32>
          %add3A_352 = arith.addf %add3A_262, %bitcast_convert_type3A_350 : vector<16xf32>
          %get3A_353 = arith.index_cast %add3A_286 : i32 to index
          %get3A_354 = arith.constant 96 : index
          %get3A_355 = tpu.vector_load %arg7[%get3A_353, %get3A_354] {strides = array<i32>} : memref<96x128xi32, #tpu.memory_space<vmem>>, vector<1x16xi32>,
          %get3A_356 = vector.shape_cast %get3A_355 : vector<1x16xi32> to vector<16xi32>
          %shift_left3A_357 = arith.constant 16 : i32
          %shift_left3A_358 = vector.broadcast %shift_left3A_357 : i32 to vector<16xi32>
          %shift_left3A_359 = arith.shli %get3A_356, %shift_left3A_358 : vector<16xi32>
          %bitcast_convert_type3A_360 = tpu.bitcast %shift_left3A_359 : vector<16xi32> -> vector<16xf32>
          %bitcast_convert_type3A_361 = tpu.bitcast %get3A_356 : vector<16xi32> -> vector<16xf32>
          %add3A_362 = arith.addf %add3A_272, %bitcast_convert_type3A_360 : vector<16xf32>
          %add3A_363 = arith.addf %add3A_273, %bitcast_convert_type3A_361 : vector<16xf32>
          %get3A_364 = arith.index_cast %add3A_286 : i32 to index
          %get3A_365 = arith.constant 112 : index
          %get3A_366 = tpu.vector_load %arg7[%get3A_364, %get3A_365] {strides = array<i32>} : memref<96x128xi32, #tpu.memory_space<vmem>>, vector<1x16xi32>,
          %get3A_367 = vector.shape_cast %get3A_366 : vector<1x16xi32> to vector<16xi32>
          %shift_left3A_368 = arith.constant 16 : i32
          %shift_left3A_369 = vector.broadcast %shift_left3A_368 : i32 to vector<16xi32>
          %shift_left3A_370 = arith.shli %get3A_367, %shift_left3A_369 : vector<16xi32>
          %bitcast_convert_type3A_371 = tpu.bitcast %shift_left3A_370 : vector<16xi32> -> vector<16xf32>
          %bitcast_convert_type3A_372 = tpu.bitcast %get3A_367 : vector<16xi32> -> vector<16xf32>
          %add3A_373 = arith.addf %add3A_283, %bitcast_convert_type3A_371 : vector<16xf32>
          %add3A_374 = arith.addf %add3A_284, %bitcast_convert_type3A_372 : vector<16xf32>
          %add3A_375 = arith.constant 2 : i32
          %add3A_376 = arith.addi %mul3A_197, %add3A_375 : i32
          %get3A_377 = arith.index_cast %add3A_376 : i32 to index
          %get3A_378 = arith.constant 0 : index
          %get3A_379 = tpu.vector_load %arg7[%get3A_377, %get3A_378] {strides = array<i32>} : memref<96x128xi32, #tpu.memory_space<vmem>>, vector<1x16xi32>,
          %get3A_380 = vector.shape_cast %get3A_379 : vector<1x16xi32> to vector<16xi32>
          %shift_left3A_381 = arith.constant 16 : i32
          %shift_left3A_382 = vector.broadcast %shift_left3A_381 : i32 to vector<16xi32>
          %shift_left3A_383 = arith.shli %get3A_380, %shift_left3A_382 : vector<16xi32>
          %bitcast_convert_type3A_384 = tpu.bitcast %shift_left3A_383 : vector<16xi32> -> vector<16xf32>
          %bitcast_convert_type3A_385 = tpu.bitcast %get3A_380 : vector<16xi32> -> vector<16xf32>
          %add3A_386 = arith.addf %add3A_296, %bitcast_convert_type3A_384 : vector<16xf32>
          %add3A_387 = arith.addf %add3A_297, %bitcast_convert_type3A_385 : vector<16xf32>
          %get3A_388 = arith.index_cast %add3A_376 : i32 to index
          %get3A_389 = arith.constant 16 : index
          %get3A_390 = tpu.vector_load %arg7[%get3A_388, %get3A_389] {strides = array<i32>} : memref<96x128xi32, #tpu.memory_space<vmem>>, vector<1x16xi32>,
          %get3A_391 = vector.shape_cast %get3A_390 : vector<1x16xi32> to vector<16xi32>
          %shift_left3A_392 = arith.constant 16 : i32
          %shift_left3A_393 = vector.broadcast %shift_left3A_392 : i32 to vector<16xi32>
          %shift_left3A_394 = arith.shli %get3A_391, %shift_left3A_393 : vector<16xi32>
          %bitcast_convert_type3A_395 = tpu.bitcast %shift_left3A_394 : vector<16xi32> -> vector<16xf32>
          %bitcast_convert_type3A_396 = tpu.bitcast %get3A_391 : vector<16xi32> -> vector<16xf32>
          %add3A_397 = arith.addf %add3A_307, %bitcast_convert_type3A_395 : vector<16xf32>
          %add3A_398 = arith.addf %add3A_308, %bitcast_convert_type3A_396 : vector<16xf32>
          %get3A_399 = arith.index_cast %add3A_376 : i32 to index
          %get3A_400 = arith.constant 32 : index
          %get3A_401 = tpu.vector_load %arg7[%get3A_399, %get3A_400] {strides = array<i32>} : memref<96x128xi32, #tpu.memory_space<vmem>>, vector<1x16xi32>,
          %get3A_402 = vector.shape_cast %get3A_401 : vector<1x16xi32> to vector<16xi32>
          %shift_left3A_403 = arith.constant 16 : i32
          %shift_left3A_404 = vector.broadcast %shift_left3A_403 : i32 to vector<16xi32>
          %shift_left3A_405 = arith.shli %get3A_402, %shift_left3A_404 : vector<16xi32>
          %bitcast_convert_type3A_406 = tpu.bitcast %shift_left3A_405 : vector<16xi32> -> vector<16xf32>
          %bitcast_convert_type3A_407 = tpu.bitcast %get3A_402 : vector<16xi32> -> vector<16xf32>
          %add3A_408 = arith.addf %add3A_318, %bitcast_convert_type3A_406 : vector<16xf32>
          %add3A_409 = arith.addf %add3A_319, %bitcast_convert_type3A_407 : vector<16xf32>
          %get3A_410 = arith.index_cast %add3A_376 : i32 to index
          %get3A_411 = arith.constant 48 : index
          %get3A_412 = tpu.vector_load %arg7[%get3A_410, %get3A_411] {strides = array<i32>} : memref<96x128xi32, #tpu.memory_space<vmem>>, vector<1x16xi32>,
          %get3A_413 = vector.shape_cast %get3A_412 : vector<1x16xi32> to vector<16xi32>
          %shift_left3A_414 = arith.constant 16 : i32
          %shift_left3A_415 = vector.broadcast %shift_left3A_414 : i32 to vector<16xi32>
          %shift_left3A_416 = arith.shli %get3A_413, %shift_left3A_415 : vector<16xi32>
          %bitcast_convert_type3A_417 = tpu.bitcast %shift_left3A_416 : vector<16xi32> -> vector<16xf32>
          %bitcast_convert_type3A_418 = tpu.bitcast %get3A_413 : vector<16xi32> -> vector<16xf32>
          %add3A_419 = arith.addf %add3A_329, %bitcast_convert_type3A_417 : vector<16xf32>
          %add3A_420 = arith.addf %add3A_330, %bitcast_convert_type3A_418 : vector<16xf32>
          %get3A_421 = arith.index_cast %add3A_376 : i32 to index
          %get3A_422 = arith.constant 64 : index
          %get3A_423 = tpu.vector_load %arg7[%get3A_421, %get3A_422] {strides = array<i32>} : memref<96x128xi32, #tpu.memory_space<vmem>>, vector<1x16xi32>,
          %get3A_424 = vector.shape_cast %get3A_423 : vector<1x16xi32> to vector<16xi32>
          %shift_left3A_425 = arith.constant 16 : i32
          %shift_left3A_426 = vector.broadcast %shift_left3A_425 : i32 to vector<16xi32>
          %shift_left3A_427 = arith.shli %get3A_424, %shift_left3A_426 : vector<16xi32>
          %bitcast_convert_type3A_428 = tpu.bitcast %shift_left3A_427 : vector<16xi32> -> vector<16xf32>
          %bitcast_convert_type3A_429 = tpu.bitcast %get3A_424 : vector<16xi32> -> vector<16xf32>
          %add3A_430 = arith.addf %add3A_340, %bitcast_convert_type3A_428 : vector<16xf32>
          %add3A_431 = arith.addf %add3A_341, %bitcast_convert_type3A_429 : vector<16xf32>
          %get3A_432 = arith.index_cast %add3A_376 : i32 to index
          %get3A_433 = arith.constant 80 : index
          %get3A_434 = tpu.vector_load %arg7[%get3A_432, %get3A_433] {strides = array<i32>} : memref<96x128xi32, #tpu.memory_space<vmem>>, vector<1x16xi32>,
          %get3A_435 = vector.shape_cast %get3A_434 : vector<1x16xi32> to vector<16xi32>
          %shift_left3A_436 = arith.constant 16 : i32
          %shift_left3A_437 = vector.broadcast %shift_left3A_436 : i32 to vector<16xi32>
          %shift_left3A_438 = arith.shli %get3A_435, %shift_left3A_437 : vector<16xi32>
          %bitcast_convert_type3A_439 = tpu.bitcast %shift_left3A_438 : vector<16xi32> -> vector<16xf32>
          %bitcast_convert_type3A_440 = tpu.bitcast %get3A_435 : vector<16xi32> -> vector<16xf32>
          %add3A_441 = arith.addf %add3A_351, %bitcast_convert_type3A_439 : vector<16xf32>
          %add3A_442 = arith.addf %add3A_352, %bitcast_convert_type3A_440 : vector<16xf32>
          %get3A_443 = arith.index_cast %add3A_376 : i32 to index
          %get3A_444 = arith.constant 96 : index
          %get3A_445 = tpu.vector_load %arg7[%get3A_443, %get3A_444] {strides = array<i32>} : memref<96x128xi32, #tpu.memory_space<vmem>>, vector<1x16xi32>,
          %get3A_446 = vector.shape_cast %get3A_445 : vector<1x16xi32> to vector<16xi32>
          %shift_left3A_447 = arith.constant 16 : i32
          %shift_left3A_448 = vector.broadcast %shift_left3A_447 : i32 to vector<16xi32>
          %shift_left3A_449 = arith.shli %get3A_446, %shift_left3A_448 : vector<16xi32>
          %bitcast_convert_type3A_450 = tpu.bitcast %shift_left3A_449 : vector<16xi32> -> vector<16xf32>
          %bitcast_convert_type3A_451 = tpu.bitcast %get3A_446 : vector<16xi32> -> vector<16xf32>
          %add3A_452 = arith.addf %add3A_362, %bitcast_convert_type3A_450 : vector<16xf32>
          %add3A_453 = arith.addf %add3A_363, %bitcast_convert_type3A_451 : vector<16xf32>
          %get3A_454 = arith.index_cast %add3A_376 : i32 to index
          %get3A_455 = arith.constant 112 : index
          %get3A_456 = tpu.vector_load %arg7[%get3A_454, %get3A_455] {strides = array<i32>} : memref<96x128xi32, #tpu.memory_space<vmem>>, vector<1x16xi32>,
          %get3A_457 = vector.shape_cast %get3A_456 : vector<1x16xi32> to vector<16xi32>
          %shift_left3A_458 = arith.constant 16 : i32
          %shift_left3A_459 = vector.broadcast %shift_left3A_458 : i32 to vector<16xi32>
          %shift_left3A_460 = arith.shli %get3A_457, %shift_left3A_459 : vector<16xi32>
          %bitcast_convert_type3A_461 = tpu.bitcast %shift_left3A_460 : vector<16xi32> -> vector<16xf32>
          %bitcast_convert_type3A_462 = tpu.bitcast %get3A_457 : vector<16xi32> -> vector<16xf32>
          %add3A_463 = arith.addf %add3A_373, %bitcast_convert_type3A_461 : vector<16xf32>
          %add3A_464 = arith.addf %add3A_374, %bitcast_convert_type3A_462 : vector<16xf32>
          %add3A_465 = arith.constant 3 : i32
          %add3A_466 = arith.addi %mul3A_197, %add3A_465 : i32
          %get3A_467 = arith.index_cast %add3A_466 : i32 to index
          %get3A_468 = arith.constant 0 : index
          %get3A_469 = tpu.vector_load %arg7[%get3A_467, %get3A_468] {strides = array<i32>} : memref<96x128xi32, #tpu.memory_space<vmem>>, vector<1x16xi32>,
          %get3A_470 = vector.shape_cast %get3A_469 : vector<1x16xi32> to vector<16xi32>
          %shift_left3A_471 = arith.constant 16 : i32
          %shift_left3A_472 = vector.broadcast %shift_left3A_471 : i32 to vector<16xi32>
          %shift_left3A_473 = arith.shli %get3A_470, %shift_left3A_472 : vector<16xi32>
          %bitcast_convert_type3A_474 = tpu.bitcast %shift_left3A_473 : vector<16xi32> -> vector<16xf32>
          %bitcast_convert_type3A_475 = tpu.bitcast %get3A_470 : vector<16xi32> -> vector<16xf32>
          %add3A_476 = arith.addf %add3A_386, %bitcast_convert_type3A_474 : vector<16xf32>
          %add3A_477 = arith.addf %add3A_387, %bitcast_convert_type3A_475 : vector<16xf32>
          %get3A_478 = arith.index_cast %add3A_466 : i32 to index
          %get3A_479 = arith.constant 16 : index
          %get3A_480 = tpu.vector_load %arg7[%get3A_478, %get3A_479] {strides = array<i32>} : memref<96x128xi32, #tpu.memory_space<vmem>>, vector<1x16xi32>,
          %get3A_481 = vector.shape_cast %get3A_480 : vector<1x16xi32> to vector<16xi32>
          %shift_left3A_482 = arith.constant 16 : i32
          %shift_left3A_483 = vector.broadcast %shift_left3A_482 : i32 to vector<16xi32>
          %shift_left3A_484 = arith.shli %get3A_481, %shift_left3A_483 : vector<16xi32>
          %bitcast_convert_type3A_485 = tpu.bitcast %shift_left3A_484 : vector<16xi32> -> vector<16xf32>
          %bitcast_convert_type3A_486 = tpu.bitcast %get3A_481 : vector<16xi32> -> vector<16xf32>
          %add3A_487 = arith.addf %add3A_397, %bitcast_convert_type3A_485 : vector<16xf32>
          %add3A_488 = arith.addf %add3A_398, %bitcast_convert_type3A_486 : vector<16xf32>
          %get3A_489 = arith.index_cast %add3A_466 : i32 to index
          %get3A_490 = arith.constant 32 : index
          %get3A_491 = tpu.vector_load %arg7[%get3A_489, %get3A_490] {strides = array<i32>} : memref<96x128xi32, #tpu.memory_space<vmem>>, vector<1x16xi32>,
          %get3A_492 = vector.shape_cast %get3A_491 : vector<1x16xi32> to vector<16xi32>
          %shift_left3A_493 = arith.constant 16 : i32
          %shift_left3A_494 = vector.broadcast %shift_left3A_493 : i32 to vector<16xi32>
          %shift_left3A_495 = arith.shli %get3A_492, %shift_left3A_494 : vector<16xi32>
          %bitcast_convert_type3A_496 = tpu.bitcast %shift_left3A_495 : vector<16xi32> -> vector<16xf32>
          %bitcast_convert_type3A_497 = tpu.bitcast %get3A_492 : vector<16xi32> -> vector<16xf32>
          %add3A_498 = arith.addf %add3A_408, %bitcast_convert_type3A_496 : vector<16xf32>
          %add3A_499 = arith.addf %add3A_409, %bitcast_convert_type3A_497 : vector<16xf32>
          %get3A_500 = arith.index_cast %add3A_466 : i32 to index
          %get3A_501 = arith.constant 48 : index
          %get3A_502 = tpu.vector_load %arg7[%get3A_500, %get3A_501] {strides = array<i32>} : memref<96x128xi32, #tpu.memory_space<vmem>>, vector<1x16xi32>,
          %get3A_503 = vector.shape_cast %get3A_502 : vector<1x16xi32> to vector<16xi32>
          %shift_left3A_504 = arith.constant 16 : i32
          %shift_left3A_505 = vector.broadcast %shift_left3A_504 : i32 to vector<16xi32>
          %shift_left3A_506 = arith.shli %get3A_503, %shift_left3A_505 : vector<16xi32>
          %bitcast_convert_type3A_507 = tpu.bitcast %shift_left3A_506 : vector<16xi32> -> vector<16xf32>
          %bitcast_convert_type3A_508 = tpu.bitcast %get3A_503 : vector<16xi32> -> vector<16xf32>
          %add3A_509 = arith.addf %add3A_419, %bitcast_convert_type3A_507 : vector<16xf32>
          %add3A_510 = arith.addf %add3A_420, %bitcast_convert_type3A_508 : vector<16xf32>
          %get3A_511 = arith.index_cast %add3A_466 : i32 to index
          %get3A_512 = arith.constant 64 : index
          %get3A_513 = tpu.vector_load %arg7[%get3A_511, %get3A_512] {strides = array<i32>} : memref<96x128xi32, #tpu.memory_space<vmem>>, vector<1x16xi32>,
          %get3A_514 = vector.shape_cast %get3A_513 : vector<1x16xi32> to vector<16xi32>
          %shift_left3A_515 = arith.constant 16 : i32
          %shift_left3A_516 = vector.broadcast %shift_left3A_515 : i32 to vector<16xi32>
          %shift_left3A_517 = arith.shli %get3A_514, %shift_left3A_516 : vector<16xi32>
          %bitcast_convert_type3A_518 = tpu.bitcast %shift_left3A_517 : vector<16xi32> -> vector<16xf32>
          %bitcast_convert_type3A_519 = tpu.bitcast %get3A_514 : vector<16xi32> -> vector<16xf32>
          %add3A_520 = arith.addf %add3A_430, %bitcast_convert_type3A_518 : vector<16xf32>
          %add3A_521 = arith.addf %add3A_431, %bitcast_convert_type3A_519 : vector<16xf32>
          %get3A_522 = arith.index_cast %add3A_466 : i32 to index
          %get3A_523 = arith.constant 80 : index
          %get3A_524 = tpu.vector_load %arg7[%get3A_522, %get3A_523] {strides = array<i32>} : memref<96x128xi32, #tpu.memory_space<vmem>>, vector<1x16xi32>,
          %get3A_525 = vector.shape_cast %get3A_524 : vector<1x16xi32> to vector<16xi32>
          %shift_left3A_526 = arith.constant 16 : i32
          %shift_left3A_527 = vector.broadcast %shift_left3A_526 : i32 to vector<16xi32>
          %shift_left3A_528 = arith.shli %get3A_525, %shift_left3A_527 : vector<16xi32>
          %bitcast_convert_type3A_529 = tpu.bitcast %shift_left3A_528 : vector<16xi32> -> vector<16xf32>
          %bitcast_convert_type3A_530 = tpu.bitcast %get3A_525 : vector<16xi32> -> vector<16xf32>
          %add3A_531 = arith.addf %add3A_441, %bitcast_convert_type3A_529 : vector<16xf32>
          %add3A_532 = arith.addf %add3A_442, %bitcast_convert_type3A_530 : vector<16xf32>
          %get3A_533 = arith.index_cast %add3A_466 : i32 to index
          %get3A_534 = arith.constant 96 : index
          %get3A_535 = tpu.vector_load %arg7[%get3A_533, %get3A_534] {strides = array<i32>} : memref<96x128xi32, #tpu.memory_space<vmem>>, vector<1x16xi32>,
          %get3A_536 = vector.shape_cast %get3A_535 : vector<1x16xi32> to vector<16xi32>
          %shift_left3A_537 = arith.constant 16 : i32
          %shift_left3A_538 = vector.broadcast %shift_left3A_537 : i32 to vector<16xi32>
          %shift_left3A_539 = arith.shli %get3A_536, %shift_left3A_538 : vector<16xi32>
          %bitcast_convert_type3A_540 = tpu.bitcast %shift_left3A_539 : vector<16xi32> -> vector<16xf32>
          %bitcast_convert_type3A_541 = tpu.bitcast %get3A_536 : vector<16xi32> -> vector<16xf32>
          %add3A_542 = arith.addf %add3A_452, %bitcast_convert_type3A_540 : vector<16xf32>
          %add3A_543 = arith.addf %add3A_453, %bitcast_convert_type3A_541 : vector<16xf32>
          %get3A_544 = arith.index_cast %add3A_466 : i32 to index
          %get3A_545 = arith.constant 112 : index
          %get3A_546 = tpu.vector_load %arg7[%get3A_544, %get3A_545] {strides = array<i32>} : memref<96x128xi32, #tpu.memory_space<vmem>>, vector<1x16xi32>,
          %get3A_547 = vector.shape_cast %get3A_546 : vector<1x16xi32> to vector<16xi32>
          %shift_left3A_548 = arith.constant 16 : i32
          %shift_left3A_549 = vector.broadcast %shift_left3A_548 : i32 to vector<16xi32>
          %shift_left3A_550 = arith.shli %get3A_547, %shift_left3A_549 : vector<16xi32>
          %bitcast_convert_type3A_551 = tpu.bitcast %shift_left3A_550 : vector<16xi32> -> vector<16xf32>
          %bitcast_convert_type3A_552 = tpu.bitcast %get3A_547 : vector<16xi32> -> vector<16xf32>
          %add3A_553 = arith.addf %add3A_463, %bitcast_convert_type3A_551 : vector<16xf32>
          %add3A_554 = arith.addf %add3A_464, %bitcast_convert_type3A_552 : vector<16xf32>
          scf.yield %add3A_476, %add3A_487, %add3A_498, %add3A_509, %add3A_520, %add3A_531, %add3A_542, %add3A_553, %add3A_477, %add3A_488, %add3A_499, %add3A_510, %add3A_521, %add3A_532, %add3A_543, %add3A_554 : vector<16xf32>, vector<16xf32>, vector<16xf32>, vector<16xf32>, vector<16xf32>, vector<16xf32>, vector<16xf32>, vector<16xf32>, vector<16xf32>, vector<16xf32>, vector<16xf32>, vector<16xf32>, vector<16xf32>, vector<16xf32>, vector<16xf32>, vector<16xf32>
        }
        %scan3A_94 = arith.constant 24 : i32
        %lt3A_95 = arith.constant 31 : i32
        %lt3A_96 = arith.cmpi slt, %scan3A_36, %lt3A_95 : i32
        %convert_element_type3A_97 = arith.extui %lt3A_96 : i1 to i32
        %cond3A_98 = arith.constant 0 : i32
        %cond3A_99 = arith.cmpi ne, %convert_element_type3A_97, %cond3A_98 : i32
        scf.if %cond3A_99 {
          %add3A_179 = arith.constant 2 : i32
          %add3A_180 = arith.addi %mul3A_38, %add3A_179 : i32
          %add3A_181 = arith.constant 1 : i32
          %add3A_182 = arith.addi %add3A_180, %add3A_181 : i32
          %dma_start3A_183 = arith.constant 0 : i32
          %dma_start3A_184 = tpu.memref_slice %arg5[%add3A_182, %dma_start3A_183] : memref<64x104xi32, #tpu.memory_space<vmem>> -> memref<1x96xi32, #tpu.memory_space<vmem>>
          %dma_start3A_185 = tpu.memref_squeeze %dma_start3A_184 : memref<1x96xi32, #tpu.memory_space<vmem>> -> memref<96xi32, #tpu.memory_space<vmem>>
          %dma_start3A_186 = arith.constant 0 : i32
          %dma_start3A_187 = arith.constant 0 : i32
          %dma_start3A_188 = tpu.memref_slice %arg2[%dma_start3A_186, %dma_start3A_187] : memref<100000x128xi32, #tpu.memory_space<hbm>> -> memref<100000x128xi32, #tpu.memory_space<hbm>>
          tpu.enqueue_indirect_dma source(%dma_start3A_188 : memref<100000x128xi32, #tpu.memory_space<hbm>>) target(%arg7 : memref<96x128xi32, #tpu.memory_space<vmem>>) offsets(%dma_start3A_185 : memref<96xi32, #tpu.memory_space<vmem>>) semaphore(%arg10 : memref<!tpu.dma_semaphore, #tpu.memory_space<semaphore_mem>>)
        } else {
        }
        %swap3A = arith.index_cast %scan3A_36 : i32 to index
        %swap3A_100 = arith.constant 0 : index
        %swap3A_101 = tpu.vector_load %arg8[%swap3A, %swap3A_100] {strides = array<i32>} : memref<32x256xf32, #tpu.memory_space<vmem>>, vector<1x16xf32>,
        %swap3A_102 = vector.shape_cast %swap3A_101 : vector<1x16xf32> to vector<16xf32>
        %swap3A_103 = vector.shape_cast %scan3A_93#0 : vector<16xf32> to vector<1x16xf32>
        tpu.vector_store %arg8[%swap3A, %swap3A_100], %swap3A_103 {strides = array<i32>} : memref<32x256xf32, #tpu.memory_space<vmem>>, vector<1x16xf32>,
        %swap3A_104 = arith.index_cast %scan3A_36 : i32 to index
        %swap3A_105 = arith.constant 16 : index
        %swap3A_106 = tpu.vector_load %arg8[%swap3A_104, %swap3A_105] {strides = array<i32>} : memref<32x256xf32, #tpu.memory_space<vmem>>, vector<1x16xf32>,
        %swap3A_107 = vector.shape_cast %swap3A_106 : vector<1x16xf32> to vector<16xf32>
        %swap3A_108 = vector.shape_cast %scan3A_93#1 : vector<16xf32> to vector<1x16xf32>
        tpu.vector_store %arg8[%swap3A_104, %swap3A_105], %swap3A_108 {strides = array<i32>} : memref<32x256xf32, #tpu.memory_space<vmem>>, vector<1x16xf32>,
        %swap3A_109 = arith.index_cast %scan3A_36 : i32 to index
        %swap3A_110 = arith.constant 32 : index
        %swap3A_111 = tpu.vector_load %arg8[%swap3A_109, %swap3A_110] {strides = array<i32>} : memref<32x256xf32, #tpu.memory_space<vmem>>, vector<1x16xf32>,
        %swap3A_112 = vector.shape_cast %swap3A_111 : vector<1x16xf32> to vector<16xf32>
        %swap3A_113 = vector.shape_cast %scan3A_93#2 : vector<16xf32> to vector<1x16xf32>
        tpu.vector_store %arg8[%swap3A_109, %swap3A_110], %swap3A_113 {strides = array<i32>} : memref<32x256xf32, #tpu.memory_space<vmem>>, vector<1x16xf32>,
        %swap3A_114 = arith.index_cast %scan3A_36 : i32 to index
        %swap3A_115 = arith.constant 48 : index
        %swap3A_116 = tpu.vector_load %arg8[%swap3A_114, %swap3A_115] {strides = array<i32>} : memref<32x256xf32, #tpu.memory_space<vmem>>, vector<1x16xf32>,
        %swap3A_117 = vector.shape_cast %swap3A_116 : vector<1x16xf32> to vector<16xf32>
        %swap3A_118 = vector.shape_cast %scan3A_93#3 : vector<16xf32> to vector<1x16xf32>
        tpu.vector_store %arg8[%swap3A_114, %swap3A_115], %swap3A_118 {strides = array<i32>} : memref<32x256xf32, #tpu.memory_space<vmem>>, vector<1x16xf32>,
        %swap3A_119 = arith.index_cast %scan3A_36 : i32 to index
        %swap3A_120 = arith.constant 64 : index
        %swap3A_121 = tpu.vector_load %arg8[%swap3A_119, %swap3A_120] {strides = array<i32>} : memref<32x256xf32, #tpu.memory_space<vmem>>, vector<1x16xf32>,
        %swap3A_122 = vector.shape_cast %swap3A_121 : vector<1x16xf32> to vector<16xf32>
        %swap3A_123 = vector.shape_cast %scan3A_93#4 : vector<16xf32> to vector<1x16xf32>
        tpu.vector_store %arg8[%swap3A_119, %swap3A_120], %swap3A_123 {strides = array<i32>} : memref<32x256xf32, #tpu.memory_space<vmem>>, vector<1x16xf32>,
        %swap3A_124 = arith.index_cast %scan3A_36 : i32 to index
        %swap3A_125 = arith.constant 80 : index
        %swap3A_126 = tpu.vector_load %arg8[%swap3A_124, %swap3A_125] {strides = array<i32>} : memref<32x256xf32, #tpu.memory_space<vmem>>, vector<1x16xf32>,
        %swap3A_127 = vector.shape_cast %swap3A_126 : vector<1x16xf32> to vector<16xf32>
        %swap3A_128 = vector.shape_cast %scan3A_93#5 : vector<16xf32> to vector<1x16xf32>
        tpu.vector_store %arg8[%swap3A_124, %swap3A_125], %swap3A_128 {strides = array<i32>} : memref<32x256xf32, #tpu.memory_space<vmem>>, vector<1x16xf32>,
        %swap3A_129 = arith.index_cast %scan3A_36 : i32 to index
        %swap3A_130 = arith.constant 96 : index
        %swap3A_131 = tpu.vector_load %arg8[%swap3A_129, %swap3A_130] {strides = array<i32>} : memref<32x256xf32, #tpu.memory_space<vmem>>, vector<1x16xf32>,
        %swap3A_132 = vector.shape_cast %swap3A_131 : vector<1x16xf32> to vector<16xf32>
        %swap3A_133 = vector.shape_cast %scan3A_93#6 : vector<16xf32> to vector<1x16xf32>
        tpu.vector_store %arg8[%swap3A_129, %swap3A_130], %swap3A_133 {strides = array<i32>} : memref<32x256xf32, #tpu.memory_space<vmem>>, vector<1x16xf32>,
        %swap3A_134 = arith.index_cast %scan3A_36 : i32 to index
        %swap3A_135 = arith.constant 112 : index
        %swap3A_136 = tpu.vector_load %arg8[%swap3A_134, %swap3A_135] {strides = array<i32>} : memref<32x256xf32, #tpu.memory_space<vmem>>, vector<1x16xf32>,
        %swap3A_137 = vector.shape_cast %swap3A_136 : vector<1x16xf32> to vector<16xf32>
        %swap3A_138 = vector.shape_cast %scan3A_93#7 : vector<16xf32> to vector<1x16xf32>
        tpu.vector_store %arg8[%swap3A_134, %swap3A_135], %swap3A_138 {strides = array<i32>} : memref<32x256xf32, #tpu.memory_space<vmem>>, vector<1x16xf32>,
        %swap3A_139 = arith.index_cast %scan3A_36 : i32 to index
        %swap3A_140 = arith.constant 128 : index
        %swap3A_141 = tpu.vector_load %arg8[%swap3A_139, %swap3A_140] {strides = array<i32>} : memref<32x256xf32, #tpu.memory_space<vmem>>, vector<1x16xf32>,
        %swap3A_142 = vector.shape_cast %swap3A_141 : vector<1x16xf32> to vector<16xf32>
        %swap3A_143 = vector.shape_cast %scan3A_93#8 : vector<16xf32> to vector<1x16xf32>
        tpu.vector_store %arg8[%swap3A_139, %swap3A_140], %swap3A_143 {strides = array<i32>} : memref<32x256xf32, #tpu.memory_space<vmem>>, vector<1x16xf32>,
        %swap3A_144 = arith.index_cast %scan3A_36 : i32 to index
        %swap3A_145 = arith.constant 144 : index
        %swap3A_146 = tpu.vector_load %arg8[%swap3A_144, %swap3A_145] {strides = array<i32>} : memref<32x256xf32, #tpu.memory_space<vmem>>, vector<1x16xf32>,
        %swap3A_147 = vector.shape_cast %swap3A_146 : vector<1x16xf32> to vector<16xf32>
        %swap3A_148 = vector.shape_cast %scan3A_93#9 : vector<16xf32> to vector<1x16xf32>
        tpu.vector_store %arg8[%swap3A_144, %swap3A_145], %swap3A_148 {strides = array<i32>} : memref<32x256xf32, #tpu.memory_space<vmem>>, vector<1x16xf32>,
        %swap3A_149 = arith.index_cast %scan3A_36 : i32 to index
        %swap3A_150 = arith.constant 160 : index
        %swap3A_151 = tpu.vector_load %arg8[%swap3A_149, %swap3A_150] {strides = array<i32>} : memref<32x256xf32, #tpu.memory_space<vmem>>, vector<1x16xf32>,
        %swap3A_152 = vector.shape_cast %swap3A_151 : vector<1x16xf32> to vector<16xf32>
        %swap3A_153 = vector.shape_cast %scan3A_93#10 : vector<16xf32> to vector<1x16xf32>
        tpu.vector_store %arg8[%swap3A_149, %swap3A_150], %swap3A_153 {strides = array<i32>} : memref<32x256xf32, #tpu.memory_space<vmem>>, vector<1x16xf32>,
        %swap3A_154 = arith.index_cast %scan3A_36 : i32 to index
        %swap3A_155 = arith.constant 176 : index
        %swap3A_156 = tpu.vector_load %arg8[%swap3A_154, %swap3A_155] {strides = array<i32>} : memref<32x256xf32, #tpu.memory_space<vmem>>, vector<1x16xf32>,
        %swap3A_157 = vector.shape_cast %swap3A_156 : vector<1x16xf32> to vector<16xf32>
        %swap3A_158 = vector.shape_cast %scan3A_93#11 : vector<16xf32> to vector<1x16xf32>
        tpu.vector_store %arg8[%swap3A_154, %swap3A_155], %swap3A_158 {strides = array<i32>} : memref<32x256xf32, #tpu.memory_space<vmem>>, vector<1x16xf32>,
        %swap3A_159 = arith.index_cast %scan3A_36 : i32 to index
        %swap3A_160 = arith.constant 192 : index
        %swap3A_161 = tpu.vector_load %arg8[%swap3A_159, %swap3A_160] {strides = array<i32>} : memref<32x256xf32, #tpu.memory_space<vmem>>, vector<1x16xf32>,
        %swap3A_162 = vector.shape_cast %swap3A_161 : vector<1x16xf32> to vector<16xf32>
        %swap3A_163 = vector.shape_cast %scan3A_93#12 : vector<16xf32> to vector<1x16xf32>
        tpu.vector_store %arg8[%swap3A_159, %swap3A_160], %swap3A_163 {strides = array<i32>} : memref<32x256xf32, #tpu.memory_space<vmem>>, vector<1x16xf32>,
        %swap3A_164 = arith.index_cast %scan3A_36 : i32 to index
        %swap3A_165 = arith.constant 208 : index
        %swap3A_166 = tpu.vector_load %arg8[%swap3A_164, %swap3A_165] {strides = array<i32>} : memref<32x256xf32, #tpu.memory_space<vmem>>, vector<1x16xf32>,
        %swap3A_167 = vector.shape_cast %swap3A_166 : vector<1x16xf32> to vector<16xf32>
        %swap3A_168 = vector.shape_cast %scan3A_93#13 : vector<16xf32> to vector<1x16xf32>
        tpu.vector_store %arg8[%swap3A_164, %swap3A_165], %swap3A_168 {strides = array<i32>} : memref<32x256xf32, #tpu.memory_space<vmem>>, vector<1x16xf32>,
        %swap3A_169 = arith.index_cast %scan3A_36 : i32 to index
        %swap3A_170 = arith.constant 224 : index
        %swap3A_171 = tpu.vector_load %arg8[%swap3A_169, %swap3A_170] {strides = array<i32>} : memref<32x256xf32, #tpu.memory_space<vmem>>, vector<1x16xf32>,
        %swap3A_172 = vector.shape_cast %swap3A_171 : vector<1x16xf32> to vector<16xf32>
        %swap3A_173 = vector.shape_cast %scan3A_93#14 : vector<16xf32> to vector<1x16xf32>
        tpu.vector_store %arg8[%swap3A_169, %swap3A_170], %swap3A_173 {strides = array<i32>} : memref<32x256xf32, #tpu.memory_space<vmem>>, vector<1x16xf32>,
        %swap3A_174 = arith.index_cast %scan3A_36 : i32 to index
        %swap3A_175 = arith.constant 240 : index
        %swap3A_176 = tpu.vector_load %arg8[%swap3A_174, %swap3A_175] {strides = array<i32>} : memref<32x256xf32, #tpu.memory_space<vmem>>, vector<1x16xf32>,
        %swap3A_177 = vector.shape_cast %swap3A_176 : vector<1x16xf32> to vector<16xf32>
        %swap3A_178 = vector.shape_cast %scan3A_93#15 : vector<16xf32> to vector<1x16xf32>
        tpu.vector_store %arg8[%swap3A_174, %swap3A_175], %swap3A_178 {strides = array<i32>} : memref<32x256xf32, #tpu.memory_space<vmem>>, vector<1x16xf32>,
      }
      %scan3A_32 = arith.constant 32 : i32
      %mul3A_33 = arith.constant 32 : i32
      %mul3A_34 = arith.muli %scan3A_10, %mul3A_33 : i32
      %add3A_35 = arith.addi %mul3A_4, %mul3A_34 : i32
      "tpu.region"() ({
        %run_scoped3A = tpu.sem_alloc : memref<!tpu.dma_semaphore, #tpu.memory_space<semaphore_mem>>
        %dma_start3A_36 = arith.constant 0 : i32
        %dma_start3A_37 = tpu.memref_slice %arg4[%add3A_35, %dma_start3A_36] : memref<4096x256xf32, #tpu.memory_space<hbm>> -> memref<32x256xf32, #tpu.memory_space<hbm>>
        %dma_start3A_38 = arith.constant 0 : i32
        %dma_start3A_39 = tpu.memref_slice %arg4[%add3A_35, %dma_start3A_38] : memref<4096x256xf32, #tpu.memory_space<hbm>> -> memref<32x256xf32, #tpu.memory_space<hbm>>
        tpu.enqueue_dma source(%arg8 : memref<32x256xf32, #tpu.memory_space<vmem>>) target(%dma_start3A_39 : memref<32x256xf32, #tpu.memory_space<hbm>>) target_semaphore(%run_scoped3A : memref<!tpu.dma_semaphore, #tpu.memory_space<semaphore_mem>>)
        %dma_wait3A = arith.constant 0 : i32
        %dma_wait3A_40 = tpu.memref_slice %arg4[%add3A_35, %dma_wait3A] : memref<4096x256xf32, #tpu.memory_space<hbm>> -> memref<32x256xf32, #tpu.memory_space<hbm>>
        %dma_wait3A_41 = arith.constant 0 : i32
        %dma_wait3A_42 = tpu.memref_slice %arg4[%add3A_35, %dma_wait3A_41] : memref<4096x256xf32, #tpu.memory_space<hbm>> -> memref<32x256xf32, #tpu.memory_space<hbm>>
        tpu.wait_dma2 semaphore(%run_scoped3A : memref<!tpu.dma_semaphore, #tpu.memory_space<semaphore_mem>>) src(%arg8 : memref<32x256xf32, #tpu.memory_space<vmem>>) dst(%dma_wait3A_42 : memref<32x256xf32, #tpu.memory_space<hbm>>)
        tpu.yield
      }) : () -> ()
    }
    %scan3A_9 = arith.constant 4 : i32
    return
  }
}

module attributes {stable_mosaic.version = 14 : i64} {
  func.func @_proj_body(%arg0: i32, %arg1: memref<2000x768xf32, #tpu.memory_space<vmem>>, %arg2: memref<768x256xf32, #tpu.memory_space<vmem>>, %arg3: memref<2000x128xi32, #tpu.memory_space<vmem>>) attributes {dimension_semantics = [#tpu.dimension_semantics<arbitrary>], iteration_bounds = array<i64: 50>, scalar_prefetch = 0 : i64, scratch_operands = 0 : i64, tpu.core_type = #tpu.core_type<tc>, window_params = [{transform_indices = @transform_0, window_bounds = array<i64: 2000, 768>}, {pipeline_mode = #tpu.pipeline_mode<synchronous>, transform_indices = @transform_1, window_bounds = array<i64: 768, 256>}, {transform_indices = @transform_2, window_bounds = array<i64: 2000, 128>}]} {
    %get3A = arith.constant 0 : index
    %get3A_0 = arith.constant 0 : index
    %get3A_1 = vector.load %arg1[%get3A, %get3A_0] : memref<2000x768xf32, #tpu.memory_space<vmem>>, vector<2000x768xf32>
    %get3A_2 = arith.constant 0 : index
    %get3A_3 = arith.constant 0 : index
    %get3A_4 = vector.load %arg2[%get3A_2, %get3A_3] : memref<768x256xf32, #tpu.memory_space<vmem>>, vector<768x256xf32>
    %dot_general3A = arith.constant dense<0.000000e+00> : vector<2000x256xf32>
    %dot_general3A_5 = tpu.matmul %get3A_1, %get3A_4, %dot_general3A {dimension_numbers = #tpu.dot_dimension_numbers<[1], [0], [0], [1], [0, 0, 1, 1], [], []>, transpose_lhs_hint = false} : vector<2000x768xf32>, vector<768x256xf32>, vector<2000x256xf32> -> vector<2000x256xf32>
    %slice3A = vector.extract_strided_slice %dot_general3A_5 {offsets = [0, 0], sizes = [2000, 128], strides = [1, 1]} : vector<2000x256xf32> to vector<2000x128xf32>
    %bitcast_convert_type3A = tpu.bitcast %slice3A : vector<2000x128xf32> -> vector<2000x128xi32>
    %slice3A_6 = vector.extract_strided_slice %dot_general3A_5 {offsets = [0, 128], sizes = [2000, 128], strides = [1, 1]} : vector<2000x256xf32> to vector<2000x128xf32>
    %bitcast_convert_type3A_7 = tpu.bitcast %slice3A_6 : vector<2000x128xf32> -> vector<2000x128xi32>
    %add3A = arith.constant 32768 : i32
    %add3A_8 = vector.broadcast %add3A : i32 to vector<2000x128xi32>
    %add3A_9 = arith.addi %bitcast_convert_type3A, %add3A_8 : vector<2000x128xi32>
    %shift_right_logical3A = arith.constant 16 : i32
    %shift_right_logical3A_10 = vector.broadcast %shift_right_logical3A : i32 to vector<2000x128xi32>
    %shift_right_logical3A_11 = arith.shrui %add3A_9, %shift_right_logical3A_10 : vector<2000x128xi32>
    %add3A_12 = arith.constant 32768 : i32
    %add3A_13 = vector.broadcast %add3A_12 : i32 to vector<2000x128xi32>
    %add3A_14 = arith.addi %bitcast_convert_type3A_7, %add3A_13 : vector<2000x128xi32>
    %and3A = arith.constant -65536 : i32
    %and3A_15 = vector.broadcast %and3A : i32 to vector<2000x128xi32>
    %and3A_16 = arith.andi %add3A_14, %and3A_15 : vector<2000x128xi32>
    %or3A = arith.ori %and3A_16, %shift_right_logical3A_11 : vector<2000x128xi32>
    %bitcast_convert_type3A_17 = tpu.bitcast %or3A : vector<2000x128xi32> -> vector<2000x128xi32>
    %swap3A = arith.constant 0 : index
    %swap3A_18 = arith.constant 0 : index
    %swap3A_19 = vector.load %arg3[%swap3A, %swap3A_18] : memref<2000x128xi32, #tpu.memory_space<vmem>>, vector<2000x128xi32>
    tpu.vector_store %arg3[%swap3A, %swap3A_18], %bitcast_convert_type3A_17 {strides = array<i32>} : memref<2000x128xi32, #tpu.memory_space<vmem>>, vector<2000x128xi32>,
    return
  }
  func.func @transform_0(%arg0: i32) -> (i32, i32) {
    %c0_i32 = arith.constant 0 : i32
    %c0_i32_0 = arith.constant 0 : i32
    return %arg0, %c0_i32 : i32, i32
  }
  func.func @transform_1(%arg0: i32) -> (i32, i32) {
    %c0_i32 = arith.constant 0 : i32
    %c0_i32_0 = arith.constant 0 : i32
    %c0_i32_1 = arith.constant 0 : i32
    return %c0_i32, %c0_i32_0 : i32, i32
  }
  func.func @transform_2(%arg0: i32) -> (i32, i32) {
    %c0_i32 = arith.constant 0 : i32
    %c0_i32_0 = arith.constant 0 : i32
    return %arg0, %c0_i32 : i32, i32
  }
}

module attributes {stable_mosaic.version = 14 : i64} {
  func.func @_mlp_body(%arg0: i32, %arg1: memref<512x256xf32, #tpu.memory_space<vmem>>, %arg2: memref<512x256xf32, #tpu.memory_space<vmem>>, %arg3: memref<512x256xf32, #tpu.memory_space<vmem>>, %arg4: memref<1x256xf32, #tpu.memory_space<vmem>>, %arg5: memref<1x256xf32, #tpu.memory_space<vmem>>, %arg6: memref<256x64xf32, #tpu.memory_space<vmem>>, %arg7: memref<1x64xf32, #tpu.memory_space<vmem>>, %arg8: memref<64x32xf32, #tpu.memory_space<vmem>>, %arg9: memref<1x32xf32, #tpu.memory_space<vmem>>, %arg10: memref<512x32xf32, #tpu.memory_space<vmem>>) attributes {dimension_semantics = [#tpu.dimension_semantics<arbitrary>], iteration_bounds = array<i64: 8>, scalar_prefetch = 0 : i64, scratch_operands = 0 : i64, tpu.core_type = #tpu.core_type<tc>, window_params = [{transform_indices = @transform_0, window_bounds = array<i64: 512, 256>}, {transform_indices = @transform_1, window_bounds = array<i64: 512, 256>}, {transform_indices = @transform_2, window_bounds = array<i64: 512, 256>}, {pipeline_mode = #tpu.pipeline_mode<synchronous>, transform_indices = @transform_3, window_bounds = array<i64: 1, 256>}, {pipeline_mode = #tpu.pipeline_mode<synchronous>, transform_indices = @transform_4, window_bounds = array<i64: 1, 256>}, {pipeline_mode = #tpu.pipeline_mode<synchronous>, transform_indices = @transform_5, window_bounds = array<i64: 256, 64>}, {pipeline_mode = #tpu.pipeline_mode<synchronous>, transform_indices = @transform_6, window_bounds = array<i64: 1, 64>}, {pipeline_mode = #tpu.pipeline_mode<synchronous>, transform_indices = @transform_7, window_bounds = array<i64: 64, 32>}, {pipeline_mode = #tpu.pipeline_mode<synchronous>, transform_indices = @transform_8, window_bounds = array<i64: 1, 32>}, {transform_indices = @transform_9, window_bounds = array<i64: 512, 32>}]} {
    %get3A = arith.constant 0 : index
    %get3A_0 = arith.constant 0 : index
    %get3A_1 = vector.load %arg1[%get3A, %get3A_0] : memref<512x256xf32, #tpu.memory_space<vmem>>, vector<512x256xf32>
    %get3A_2 = arith.constant 0 : index
    %get3A_3 = arith.constant 0 : index
    %get3A_4 = vector.load %arg2[%get3A_2, %get3A_3] : memref<512x256xf32, #tpu.memory_space<vmem>>, vector<512x256xf32>
    %add3A = arith.addf %get3A_1, %get3A_4 : vector<512x256xf32>
    %get3A_5 = arith.constant 0 : index
    %get3A_6 = arith.constant 0 : index
    %get3A_7 = vector.load %arg3[%get3A_5, %get3A_6] : memref<512x256xf32, #tpu.memory_space<vmem>>, vector<512x256xf32>
    %add3A_8 = arith.addf %add3A, %get3A_7 : vector<512x256xf32>
    %get3A_9 = arith.constant 0 : index
    %get3A_10 = arith.constant 0 : index
    %get3A_11 = vector.load %arg4[%get3A_9, %get3A_10] : memref<1x256xf32, #tpu.memory_space<vmem>>, vector<1x256xf32>
    %mul3A = vector.broadcast %get3A_11 : vector<1x256xf32> to vector<512x256xf32>
    %mul3A_12 = arith.mulf %add3A_8, %mul3A : vector<512x256xf32>
    %get3A_13 = arith.constant 0 : index
    %get3A_14 = arith.constant 0 : index
    %get3A_15 = vector.load %arg5[%get3A_13, %get3A_14] : memref<1x256xf32, #tpu.memory_space<vmem>>, vector<1x256xf32>
    %add3A_16 = vector.broadcast %get3A_15 : vector<1x256xf32> to vector<512x256xf32>
    %add3A_17 = arith.addf %mul3A_12, %add3A_16 : vector<512x256xf32>
    %max3A = arith.constant 0.000000e+00 : f32
    %max3A_18 = vector.broadcast %max3A : f32 to vector<512x256xf32>
    %max3A_19 = arith.maximumf %add3A_17, %max3A_18 : vector<512x256xf32>
    %get3A_20 = arith.constant 0 : index
    %get3A_21 = arith.constant 0 : index
    %get3A_22 = vector.load %arg6[%get3A_20, %get3A_21] : memref<256x64xf32, #tpu.memory_space<vmem>>, vector<256x64xf32>
    %dot_general3A = arith.constant dense<0.000000e+00> : vector<512x64xf32>
    %dot_general3A_23 = tpu.matmul %max3A_19, %get3A_22, %dot_general3A {dimension_numbers = #tpu.dot_dimension_numbers<[1], [0], [0], [1], [0, 0, 1, 1], [], []>, transpose_lhs_hint = false} : vector<512x256xf32>, vector<256x64xf32>, vector<512x64xf32> -> vector<512x64xf32>
    %get3A_24 = arith.constant 0 : index
    %get3A_25 = arith.constant 0 : index
    %get3A_26 = vector.load %arg7[%get3A_24, %get3A_25] : memref<1x64xf32, #tpu.memory_space<vmem>>, vector<1x64xf32>
    %add3A_27 = vector.broadcast %get3A_26 : vector<1x64xf32> to vector<512x64xf32>
    %add3A_28 = arith.addf %dot_general3A_23, %add3A_27 : vector<512x64xf32>
    %max3A_29 = arith.constant 0.000000e+00 : f32
    %max3A_30 = vector.broadcast %max3A_29 : f32 to vector<512x64xf32>
    %max3A_31 = arith.maximumf %add3A_28, %max3A_30 : vector<512x64xf32>
    %get3A_32 = arith.constant 0 : index
    %get3A_33 = arith.constant 0 : index
    %get3A_34 = vector.load %arg8[%get3A_32, %get3A_33] : memref<64x32xf32, #tpu.memory_space<vmem>>, vector<64x32xf32>
    %dot_general3A_35 = arith.constant dense<0.000000e+00> : vector<512x32xf32>
    %dot_general3A_36 = tpu.matmul %max3A_31, %get3A_34, %dot_general3A_35 {dimension_numbers = #tpu.dot_dimension_numbers<[1], [0], [0], [1], [0, 0, 1, 1], [], []>, transpose_lhs_hint = false} : vector<512x64xf32>, vector<64x32xf32>, vector<512x32xf32> -> vector<512x32xf32>
    %get3A_37 = arith.constant 0 : index
    %get3A_38 = arith.constant 0 : index
    %get3A_39 = vector.load %arg9[%get3A_37, %get3A_38] : memref<1x32xf32, #tpu.memory_space<vmem>>, vector<1x32xf32>
    %add3A_40 = vector.broadcast %get3A_39 : vector<1x32xf32> to vector<512x32xf32>
    %add3A_41 = arith.addf %dot_general3A_36, %add3A_40 : vector<512x32xf32>
    %swap3A = arith.constant 0 : index
    %swap3A_42 = arith.constant 0 : index
    %swap3A_43 = vector.load %arg10[%swap3A, %swap3A_42] : memref<512x32xf32, #tpu.memory_space<vmem>>, vector<512x32xf32>
    tpu.vector_store %arg10[%swap3A, %swap3A_42], %add3A_41 {strides = array<i32>} : memref<512x32xf32, #tpu.memory_space<vmem>>, vector<512x32xf32>,
    return
  }
  func.func @transform_0(%arg0: i32) -> (i32, i32) {
    %c0_i32 = arith.constant 0 : i32
    %c0_i32_0 = arith.constant 0 : i32
    return %arg0, %c0_i32 : i32, i32
  }
  func.func @transform_1(%arg0: i32) -> (i32, i32) {
    %c0_i32 = arith.constant 0 : i32
    %c0_i32_0 = arith.constant 0 : i32
    return %arg0, %c0_i32 : i32, i32
  }
  func.func @transform_2(%arg0: i32) -> (i32, i32) {
    %c0_i32 = arith.constant 0 : i32
    %c0_i32_0 = arith.constant 0 : i32
    return %arg0, %c0_i32 : i32, i32
  }
  func.func @transform_3(%arg0: i32) -> (i32, i32) {
    %c0_i32 = arith.constant 0 : i32
    %c0_i32_0 = arith.constant 0 : i32
    %c0_i32_1 = arith.constant 0 : i32
    return %c0_i32, %c0_i32_0 : i32, i32
  }
  func.func @transform_4(%arg0: i32) -> (i32, i32) {
    %c0_i32 = arith.constant 0 : i32
    %c0_i32_0 = arith.constant 0 : i32
    %c0_i32_1 = arith.constant 0 : i32
    return %c0_i32, %c0_i32_0 : i32, i32
  }
  func.func @transform_5(%arg0: i32) -> (i32, i32) {
    %c0_i32 = arith.constant 0 : i32
    %c0_i32_0 = arith.constant 0 : i32
    %c0_i32_1 = arith.constant 0 : i32
    return %c0_i32, %c0_i32_0 : i32, i32
  }
  func.func @transform_6(%arg0: i32) -> (i32, i32) {
    %c0_i32 = arith.constant 0 : i32
    %c0_i32_0 = arith.constant 0 : i32
    %c0_i32_1 = arith.constant 0 : i32
    return %c0_i32, %c0_i32_0 : i32, i32
  }
  func.func @transform_7(%arg0: i32) -> (i32, i32) {
    %c0_i32 = arith.constant 0 : i32
    %c0_i32_0 = arith.constant 0 : i32
    %c0_i32_1 = arith.constant 0 : i32
    return %c0_i32, %c0_i32_0 : i32, i32
  }
  func.func @transform_8(%arg0: i32) -> (i32, i32) {
    %c0_i32 = arith.constant 0 : i32
    %c0_i32_0 = arith.constant 0 : i32
    %c0_i32_1 = arith.constant 0 : i32
    return %c0_i32, %c0_i32_0 : i32, i32
  }
  func.func @transform_9(%arg0: i32) -> (i32, i32) {
    %c0_i32 = arith.constant 0 : i32
    %c0_i32_0 = arith.constant 0 : i32
    return %arg0, %c0_i32 : i32, i32
  }
}

</mosaic_0001>

<sc_bundles>
// kernel: kernel.12.cloned.1.call-start
scs
__scs_entry_jumppad:
0x0: {  	(pc) =	sbr.rel $0x88, $3  }
0x1: {  	(tag) =	ssettag $0x0;
	lr =	simm.s32 $0x1  }
0x2: {  	[smem:$0x3F99] =	sst lr;
	_ =	strace $0xD0000000  }
0x3: {  	_ = 	snop  }
0x4: {  	_ = 	snop  }
0x5: {  	_ = 	snop  }
0x6: {  	_ = 	snop  }
0x7: {  	_ = 	snop  }
__scs_overlays_trampoline_lowered:
0x8: {  	[smem:$0x3FA8] =	sst s0  }
0x9: {  	[smem:$0x3FA9] =	sst s1  }
0xa: {  	[smem:$0x3FAA] =	sst s2  }
0xb: {  	[smem:$0x3FAB] =	sst s3  }
0xc: {  	[smem:$0x3FAC] =	sst s4  }
0xd: {  	[smem:$0x3FAD] =	sst s5  }
0xe: {  	[smem:$0x3FAE] =	sst s6  }
0xf: {  	[smem:$0x3FAF] =	sst s7  }
0x10: {  	[smem:$0x3FB0] =	sst s8  }
0x11: {  	[smem:$0x3FB1] =	sst s9;
	s0 =	simm.s32 @!p0 $0x0  }
0x12: {  	s1 =	sld [smem:$0x3F97];
	s0 =	simm.s32 @p0 $0x1  }
0x13: {  	[smem:$0x3FB2] =	sst s0;
	s0 =	simm.s32 @!p1 $0x0  }
0x14: {  	s2 =	sld [smem:$0x3F96];
	s0 =	simm.s32 @p1 $0x1  }
0x15: {  	[smem:$0x3FB3] =	sst s0;
	s0 =	simm.s32 @!p2 $0x0  }
0x16: {  	s3 =	sld [smem:$0x3FDB];
	s0 =	simm.s32 @p2 $0x1  }
0x17: {  	s4 =	simm.s32 $0x1BF5;
	[smem:$0x3FB5] =	sst s0  }
0x18: {  	s0 =	sld [smem:$0x3F98];
	_ =	swait.ge [sflag:s4], $0x0  }
0x19: {  	s7 =	sld [smem:$0x3F99]  }
0x1a: {  	s8 =	sadd.s32 $0xFFFFE003, lr  }
0x1b: {  	s9 =	sadd.s32 $0xFFFFFEF7, lr;
	s5 =	simm.s32 $0xFFFFFFFF;
	p2 =	slt.u32 s8, $0xFFFFF086  }
0x1c: {  	p1 =	slt.u32 s9, $0xF7A;
	s5 =	simm.s32 @!p2 $0x0  }
0x1d: {  	s5 =	simm.s32 @p1 $0x1;
	p0 =	seq.s32 s7, s2  }
0x1e: {  	s7 =	smul.u32 @!p0 $0xF7A, s2;
	p2 =	seq.s32 @!p0 s5, $0x0  }
0x1f: {  	s9 =	smul.u32 $0xF7A, s1;
	s8 =	simm.s32 @!p0 $0x1BF5;
	p2 =	por !p2, p0  }
0x20: {  	[sflag:s8] =	ssyncset.s32 @!p0 $0xFFFFF086;
	s6 =	sadd.s32 @!p0 s3, s7;
	s7 =	simm.s32 @!p0 $0x108  }
0x21: {  	s3 =	sadd.s32 s3, s9;
	s6 =	sadd.s32 @!p0 $0x88, s6;
	s7 =	simm.s32 @p2 $0x1082  }
0x22: {  	[simem:s7], [sflag:s8] =	dma.local @!p0 [hbm:s6], $0xF7A  }
0x23: {  	s9 =	sor.u32 $0xD0000000, s2;
	s6 =	simm.s32 $0x108;
	_ =	swait.ge @!p0 [sflag:s8], $0x0  }
0x24: {  	s3 =	sadd.s32 $0x88, s3;
	s6 =	simm.s32 @!p1 $0x1082;
	[sflag:s4] =	ssyncset.s32 $0xFFFFF086  }
0x25: {  	[simem:s6], [sflag:s4] =	dma.local [hbm:s3], $0xF7A  }
0x26: {  	[smem:$0x3F99] =	sst s1;
	(tag) =	ssettag s2;
	_ =	strace s9  }
0x27: {  	s1 =	sld [smem:$0x3FA9]  }
0x28: {  	s2 =	sld [smem:$0x3FAA]  }
0x29: {  	s4 =	sld [smem:$0x3FAC]  }
0x2a: {  	p0 =	seq.s32 s5, $0x0;
	s5 =	sld [smem:$0x3FAD]  }
0x2b: {  	s6 =	sld [smem:$0x3FAE]  }
0x2c: {  	s7 =	sld [smem:$0x3FAF]  }
0x2d: {  	s3 =	simm.s32 $0x108;
	s8 =	sld [smem:$0x3FB0]  }
0x2e: {  	s3 =	simm.s32 @!p0 $0x1082;
	s9 =	sld [smem:$0x3FB1]  }
0x2f: {  	lr =	sadd.s32 s0, s3;
	s0 =	sld [smem:$0x3FA8]  }
0x30: {  	s3 =	sld [smem:$0x3FAB]  }
0x31: {  	[smem:$0x3FB4] =	sst s10  }
0x32: {  	s10 =	sld [smem:$0x3FB2];
	_ =	sdelay $0x3  }
0x33: {  	p0 =	seq.s32 s10, $0x1;
	s10 =	sld [smem:$0x3FB4];
	_ =	sdelay $0x3  }
0x34: {  	[smem:$0x3FB4] =	sst s10  }
0x35: {  	s10 =	sld [smem:$0x3FB3];
	_ =	sdelay $0x3  }
0x36: {  	p1 =	seq.s32 s10, $0x1;
	s10 =	sld [smem:$0x3FB4];
	_ =	sdelay $0x3  }
0x37: {  	[smem:$0x3FB4] =	sst s10  }
0x38: {  	s10 =	sld [smem:$0x3FB5]  }
0x39: {  	_ = 	snop;
	(pc) =	sbr.ind lr, $3  }
0x3a: {  	_ = 	snop  }
0x3b: {  	_ = 	snop  }
0x3c: {  	p2 =	seq.s32 s10, $0x1;
	s10 =	sld [smem:$0x3FB4]  }
0x3d: {  	_ =	shalt  }
0x3e: {  	_ =	shalt  }
0x3f: {  	_ =	shalt  }
0x40: {  	_ =	shalt  }
0x41: {  	_ =	shalt  }
0x42: {  	_ =	shalt  }
0x43: {  	_ =	shalt  }
0x44: {  	_ =	shalt  }
0x45: {  	_ =	shalt  }
0x46: {  	_ =	shalt  }
0x47: {  	_ =	shalt  }
0x48: {  	_ =	shalt  }
0x49: {  	_ =	shalt  }
0x4a: {  	_ =	shalt  }
0x4b: {  	_ =	shalt  }
0x4c: {  	_ =	shalt  }
0x4d: {  	_ =	shalt  }
0x4e: {  	_ =	shalt  }
0x4f: {  	_ =	shalt  }
0x50: {  	_ =	shalt  }
0x51: {  	_ =	shalt  }
0x52: {  	_ =	shalt  }
0x53: {  	_ =	shalt  }
0x54: {  	_ =	shalt  }
0x55: {  	_ =	shalt  }
0x56: {  	_ =	shalt  }
0x57: {  	_ =	shalt  }
0x58: {  	_ =	shalt  }
0x59: {  	_ =	shalt  }
0x5a: {  	_ =	shalt  }
0x5b: {  	_ =	shalt  }
0x5c: {  	_ =	shalt  }
0x5d: {  	_ =	shalt  }
0x5e: {  	_ =	shalt  }
0x5f: {  	_ =	shalt  }
0x60: {  	_ =	shalt  }
0x61: {  	_ =	shalt  }
0x62: {  	_ =	shalt  }
0x63: {  	_ =	shalt  }
0x64: {  	_ =	shalt  }
0x65: {  	_ =	shalt  }
0x66: {  	_ =	shalt  }
0x67: {  	_ =	shalt  }
0x68: {  	_ =	shalt  }
0x69: {  	_ =	shalt  }
0x6a: {  	_ =	shalt  }
0x6b: {  	_ =	shalt  }
0x6c: {  	_ =	shalt  }
0x6d: {  	_ =	shalt  }
0x6e: {  	_ =	shalt  }
0x6f: {  	_ =	shalt  }
0x70: {  	_ =	shalt  }
0x71: {  	_ =	shalt  }
0x72: {  	_ =	shalt  }
0x73: {  	_ =	shalt  }
0x74: {  	_ =	shalt  }
0x75: {  	_ =	shalt  }
0x76: {  	_ =	shalt  }
0x77: {  	_ =	shalt  }
0x78: {  	_ =	shalt  }
0x79: {  	_ =	shalt  }
0x7a: {  	_ =	shalt  }
0x7b: {  	_ =	shalt  }
0x7c: {  	_ =	shalt  }
0x7d: {  	_ =	shalt  }
0x7e: {  	_ =	shalt  }
0x7f: {  	_ =	shalt  }
0x80: {  	_ =	shalt  }
0x81: {  	_ =	shalt  }
0x82: {  	_ =	shalt  }
0x83: {  	_ =	shalt  }
0x84: {  	_ =	shalt  }
0x85: {  	_ =	shalt  }
0x86: {  	_ =	shalt  }
0x87: {  	_ =	shalt  }
.Lfunc_end0:
.L_simem_size_0:
called_computation.1_lowered:
.L_overlay_start_0:
0x88: {  	s2 =	sld [smem:$0x3FD9]  }
0x89: {  	s3 =	sld [smem:$0x3FFE];
	_ =	sdelay $0x1  }
0x8a: {  	s1 =	srdreg.scid  }
0x8b: {  	s0 =	sand.u32 $0x1, s1  }
0x8c: {  	s17 =	sshll.u32 s0, $0xA;
	s2 =	sadd.s32 s3, s2  }
0x8d: {  	s2 =	sadd.s32 s2, s17  }
0x8e: {  	[smem:$0x3FC0] =	sst s2  }
0x8f: {  	_ = 	snop  }
0x90: {  	(tm) =	ssettm $0x1  }
0x91: {  	s18 =	sld [smem:$0x3FFB];
	_ =	sdelay $0x3  }
0x92: {  	_ =	strace s18  }
0x93: {  	s2 =	sld [smem:$0x3FFC];
	_ =	sdelay $0x3  }
0x94: {  	_ =	strace s2  }
0x95: {  	s2 =	sld [smem:$0x3FFD];
	_ =	sdelay $0x3  }
0x96: {  	_ =	strace s2  }
0x97: {  	_ =	strace $0x8FFFFFFF  }
0x98: {  	s19 =	sld [smem:$0x3FDB];
	_ =	sdelay $0x1  }
0x99: {  	s20 =	simm.s32 $_scs_section_size  }
0x9a: {  	s4 =	simm.s32 $_size__tile_overlayer_lowered;
	s5 =	simm.s32 $_tile_overlayer_lowered  }
0x9b: {  	s6 =	simm.s32 $0x1BFF;
	s21 =	sshll.u32 s5, $0x1;
	s3 =	sadd.s32 s20, s19  }
0x9c: {  	s22 =	simm.s32 $0x0;
	s4 =	sshll.u32 s4, $0x1;
	s5 =	sadd.s32 s21, s3  }
0x9d: {  	[timem:s22], [sflag:s6] =	dma.local [hbm:s5], s4  }
0x9e: {  	_ =	swait.ge [sflag:s6], s4  }
0x9f: {  	s4 =	ssub.s32 $0x0, s4;
	[sflag:s6] =	ssyncset.done $0x0  }
0xa0: {  	[sflag:s6] =	ssyncadd.s32 s4;
	_ =	sdelay $0x1  }
0xa1: {  	s23 =	simm.s32 $0x1B8B  }
0xa2: {  	_ =	swait.ge [sflag:s23], $0x1  }
0xa3: {  	[sflag:s23] =	ssyncset.done $0x0  }
0xa4: {  	[sflag:s23] =	ssyncadd.s32 $0xFFFFFFFF  }
0xa5: {  	s4 =	sld [smem:$0x0]  }
0xa6: {  	s5 =	sand.u32 $0xFFFFFFFE, s1  }
0xa7: {  	p0 =	sne.s32 s1, s5  }
0xa8: {  	s5 =	sshll.u32 @p0 s5, $0xE  }
0xa9: {  	s5 =	sadd.s32 @p0 $0x11B8D, s5;
	s6 =	sshll.u32 @p0 s4, $0x11  }
0xaa: {  	s5 =	sor.u32 @p0 s6, s5  }
0xab: {  	[sflag:s5] =	ssyncadd.remote.s32 @p0 $0x1;
	_ =	sdelay $0x1  }
0xac: {  	s5 =	simm.s32 @p0 $0x1B8D  }
0xad: {  	_ =	swait.eq @p0 [sflag:s5], $0x1  }
0xae: {  	[sflag:s5] =	ssyncadd.s32 @p0 $0xFFFFFFFF  }
0xaf: {  	s6 =	sshll.u32 @!p0 s1, $0xE  }
0xb0: {  	s6 =	sor.u32 @!p0 $0x4000, s6;
	s5 =	simm.s32 @!p0 $0x1B8D  }
0xb1: {  	s4 =	sshll.u32 @!p0 s4, $0x11;
	s6 =	sadd.s32 @!p0 $0x11B8D, s6;
	_ =	swait.eq @!p0 [sflag:s5], $0x1  }
0xb2: {  	s4 =	sor.u32 @!p0 s4, s6;
	[sflag:s5] =	ssyncadd.s32 @!p0 $0xFFFFFFFF  }
0xb3: {  	s25 =	simm.s32 $0x1B8E;
	s24 =	sld [smem:$0x3FFE];
	[sflag:s4] =	ssyncadd.remote.s32 @!p0 $0x1  }
0xb4: {  	s26 =	simm.s32 $execute0_lowered;
	[smem:$0x3FD2] =	sst s25  }
0xb5: {  	s5 =	sshll.u32 s26, $0x1;
	_ =	strace $0x8000004C;
	[dreg:$0x1] =	wrdreg $0xFFFFFFFF  }
0xb6: {  	s28 =	simm.s32 $_size_execute0_lowered;
	s3 =	sadd.s32 s3, s5;
	[dreg:$0x0] =	wrdreg $0x0  }
0xb7: {  	s5 =	sshll.u32 s28, $0x1;
	[dreg:$0x2] =	wrdreg s3  }
0xb8: {  	[dreg:$0x3] =	wrdreg s5  }
0xb9: {  	[dreg:$0x4] =	wrdreg $0xC0  }
0xba: {  	_ =	task [dreg:s22], $0x5FFFF  }
0xbb: {  	[dreg:$0x1] =	wrdreg $0xFFFFFFFF  }
0xbc: {  	[dreg:$0x0] =	wrdreg $0x60  }
0xbd: {  	[dreg:$0x2] =	wrdreg s24  }
0xbe: {  	[dreg:$0x3] =	wrdreg $0xA  }
0xbf: {  	_ =	task.clear_ibuf [dreg:s22], $0x4FFFF;
	_ =	strace $0x9000004C  }
0xc0: {  	s29 =	simm.s32 $0xA;
	_ =	strace $0x8000004E  }
0xc1: {  	_ =	swait.ge [sflag:s29], $0x1  }
0xc2: {  	[sflag:s29] =	ssyncadd.s32 $0xFFFFFFFF  }
0xc3: {  	_ =	strace $0x9000004E  }
0xc4: {  	_ =	sfence  }
0xc5: {  	s30 =	sld [smem:$0x0];
	_ =	sdelay $0x2  }
0xc6: {  	s31 =	sshll.u32 s1, $0xD;
	s1 =	sshrl.u32 s1, $0x2  }
0xc7: {  	s4 =	sand.u32 $0x4000, s31;
	s1 =	sadd.s32 s1, s30  }
0xc8: {  	s0 =	sor.u32 s4, s0;
	s1 =	sshll.u32 s1, $0x11  }
0xc9: {  	s0 =	sor.u32 s1, s0  }
0xca: {  	s0 =	sadd.s32 $0x8F2B, s0  }
0xcb: {  	[sflag:s0] =	ssyncadd.remote.s32 $0x1  }
0xcc: {  	_ =	sfence.sel $0xFFFF  }
0xcd: {  	[dreg:$0x0] =	wrdreg $0xFFFFFFFF;
	(pc) =	sbr.abs _section_cstart, $3  }
0xce: {  	[dreg:$0x1] =	wrdreg $0xFFFFFFFF  }
0xcf: {  	_ =	task.clear_ibuf [dreg:s22], $0x2FFFF;
	_ =	strace $0x9FFFFFFF  }
0xd0: {  	(tm) =	ssettm $0x7FFFFFFF  }
0xd1: {  	_ =	shalt  }
tec
execute0_lowered:
.L_overlay_start_1:
0x0: {  	(tag) =	ssettag $0x1  }
0x1: {  	s2 =	rddreg [dreg:$0x0]  }
0x2: {  	s0 =	rddreg [dreg:$0x1];
	s1 =	simm.s32 $0x0;
	s3 =	srdreg.scid  }
0x3: {  	s9 =	simm.s32 $0x68;
	s10 =	simm.s32 $0x2000;
	s11 =	simm.s32 $0x60  }
0x4: {  	s12 =	simm.s32 $0x80;
	s13 =	simm.s32 $0x5400;
	s14 =	simm.s32 $0x1  }
0x5: {  	s15 =	simm.s32 $0x2;
	s16 =	simm.s32 $0x8400;
	s17 =	simm.s32 $0x0  }
0x6: {  	[smem:$0x7FF] =	sst s1;
	s6 =	sand.u32 $0x1, s3;
	s3 =	sadd.s32 $0x3B9E00, s2  }
0x7: {  	s4 =	sadd.s32 $0x48A00, s2;
	s5 =	sadd.s32 $0x540800, s2;
	s7 =	ssub.s32 $0x2, s6  }
0x8: {  	s2 =	stileid.u32;
	_ =	strace $0x8000004D;
	s8 =	sshrl.u32 s7, $0x1  }
0x9: {  	s31 =	sshll.u32 s2, $0xD;
	s6 =	sshll.u32 s6, $0xC;
	s7 =	ssub.s32 s7, s8  }
0xa: {  	s6 =	sor.u32 s6, s31;
	s8 =	simm.s32 $0x3;
	s7 =	smax.u32 s7, $0x1  }
.LBB2_1:
0xb: {  	s18 =	simm.s32 $0x0  }
.LBB2_2:
0xc: {  	s19 =	sshll.u32 s18, $0xA  }
0xd: {  	s19 =	sadd.s32 s6, s19  }
0xe: {  	s20 =	simm.s32 $0x0;
	s21 =	sadd.s32 s4, s19  }
0xf: {  	[tilespmem:s20], [sflag:$0x3] =	stream.linear.gather [hbm4b:s21+s20], $0x2000, $0x38;
	[tilespmem:$0xA400] =	vst v63  }
0x10: {  	_ =	swait.ge [sflag:s8], $0x2000  }
0x11: {  	[sflag:s8] =	ssyncset.done $0x0  }
0x12: {  	[sflag:s8] =	ssyncadd.s32 $0xFFFFE000  }
0x13: {  	[tilespmem:s10], [sflag:$0x1] =	stream.indirect.gather [hbm4b:s3+s9], $0x80, s20, s9, $0xb8;
	[tilespmem:$0xA400] =	vst v63  }
0x14: {  	_ = 	snop  }
0x15: {  	[tilespmem:s13], [sflag:$0x2] =	stream.indirect.gather [hbm4b:s3+s11], $0x80, s12, s11, $0xb8;
	[tilespmem:$0xA400] =	vst v63  }
.LBB2_3:
0x16: {  	_ =	swait.ge [sflag:s14], $0x3400  }
0x17: {  	[sflag:s14] =	ssyncset.done $0x0  }
0x18: {  	s22 =	simm.s32 $0x0;
	[sflag:s14] =	ssyncadd.s32 $0xFFFFCC00  }
0x19: {  	v1 =	vld [tilespmem:s22+$0x2000]  }
0x1a: {  	v2 =	vld [tilespmem:s22+$0x2010]  }
0x1b: {  	v3 =	vld [tilespmem:s22+$0x2080]  }
0x1c: {  	v4 =	vld [tilespmem:s22+$0x2090]  }
0x1d: {  	v5 =	vld [tilespmem:s22+$0x2100]  }
0x1e: {  	v0 =	vimm.f32 $0.0e+00;
	v7 =	vld [tilespmem:s22+$0x2110];
	v6 =	vshll.u32 v1, $0x10  }
0x1f: {  	v9 =	vld [tilespmem:s22+$0x2180];
	v1 =	vadd.f32 v1, v0;
	v8 =	vshll.u32 v2, $0x10;
	v6 =	vadd.f32 v6, v0  }
0x20: {  	v12 =	vld [tilespmem:s22+$0x2020];
	v2 =	vadd.f32 v2, v0;
	v10 =	vshll.u32 v3, $0x10;
	v8 =	vadd.f32 v8, v0  }
0x21: {  	v11 =	vld [tilespmem:s22+$0x2190];
	v1 =	vadd.f32 v3, v1;
	v3 =	vshll.u32 v4, $0x10;
	v6 =	vadd.f32 v10, v6  }
0x22: {  	v2 =	vadd.f32 v4, v2;
	v4 =	vshll.u32 v5, $0x10;
	v10 =	vld [tilespmem:s22+$0x2030];
	v3 =	vadd.f32 v3, v8  }
0x23: {  	v13 =	vld [tilespmem:s22+$0x20A0];
	v1 =	vadd.f32 v5, v1;
	v5 =	vshll.u32 v7, $0x10;
	v4 =	vadd.f32 v4, v6  }
0x24: {  	v2 =	vadd.f32 v7, v2;
	v6 =	vld [tilespmem:s22+$0x20B0];
	v3 =	vadd.f32 v5, v3;
	v5 =	vshll.u32 v9, $0x10  }
0x25: {  	v14 =	vshll.u32 v12, $0x10;
	v7 =	vld [tilespmem:s22+$0x2120];
	v4 =	vadd.f32 v5, v4;
	v5 =	vadd.f32 v9, v1  }
0x26: {  	v15 =	vld [tilespmem:s22+$0x2130];
	v1 =	vshll.u32 v11, $0x10;
	v9 =	vadd.f32 v11, v2;
	v2 =	vadd.f32 v12, v0  }
0x27: {  	v11 =	vld [tilespmem:s22+$0x21A0];
	v8 =	vadd.f32 v1, v3;
	v1 =	vadd.f32 v14, v0;
	v3 =	vshll.u32 v10, $0x10  }
0x28: {  	v12 =	vshll.u32 v13, $0x10;
	v10 =	vadd.f32 v10, v0;
	v14 =	vld [tilespmem:s22+$0x21B0];
	v3 =	vadd.f32 v3, v0  }
0x29: {  	v16 =	vld [tilespmem:s22+$0x2040];
	v2 =	vadd.f32 v13, v2;
	v1 =	vadd.f32 v12, v1;
	v12 =	vshll.u32 v6, $0x10  }
0x2a: {  	v20 =	vld [tilespmem:s22+$0x2050];
	v6 =	vadd.f32 v6, v10;
	v10 =	vshll.u32 v7, $0x10;
	v3 =	vadd.f32 v12, v3  }
0x2b: {  	v21 =	vld [tilespmem:s22+$0x20C0];
	v7 =	vadd.f32 v7, v2;
	v2 =	vshll.u32 v15, $0x10;
	v1 =	vadd.f32 v10, v1  }
0x2c: {  	v17 =	vld [tilespmem:s22+$0x20D0];
	v12 =	vadd.f32 v15, v6;
	v10 =	vadd.f32 v2, v3;
	v2 =	vshll.u32 v11, $0x10  }
0x2d: {  	v3 =	vadd.f32 v11, v7;
	v2 =	vadd.f32 v2, v1;
	v1 =	vshll.u32 v14, $0x10  }
0x2e: {  	v18 =	vld [tilespmem:s22+$0x2140];
	v11 =	vshll.u32 v16, $0x10;
	v7 =	vadd.f32 v14, v12;
	v6 =	vadd.f32 v1, v10  }
0x2f: {  	v19 =	vld [tilespmem:s22+$0x2150];
	v1 =	vadd.f32 v11, v0;
	v10 =	vadd.f32 v16, v0;
	v11 =	vshll.u32 v20, $0x10  }
0x30: {  	v13 =	vld [tilespmem:s22+$0x21C0];
	v14 =	vadd.f32 v20, v0;
	v12 =	vadd.f32 v11, v0;
	v11 =	vshll.u32 v21, $0x10  }
0x31: {  	v22 =	vshll.u32 v17, $0x10;
	v15 =	vld [tilespmem:s22+$0x21D0];
	v20 =	vadd.f32 v11, v1;
	v21 =	vadd.f32 v21, v10  }
0x32: {  	s21 =	simm.s32 $0x800;
	v16 =	vld [tilespmem:s22+$0x2060];
	v11 =	vimm.f32 $0.0e+00;
	v1 =	vimm.f32 $0.0e+00;
	v10 =	vimm.f32 $0.0e+00  }
.LBB2_4:
0x33: {  	p0 =	sne.s32 s21, $0xC800;
	v23 =	vld [tilespmem:s22+$0x2070];
	v12 =	vadd.f32 v22, v12;
	v14 =	vadd.f32 v17, v14;
	v17 =	vshll.u32 v18, $0x10  }
0x34: {  	v22 =	vld [tilespmem:s22+$0x20E0];
	v17 =	vadd.f32 v17, v20;
	v18 =	vadd.f32 v18, v21;
	v20 =	vshll.u32 v19, $0x10  }
0x35: {  	v21 =	vld [tilespmem:s22+$0x20F0];
	v20 =	vadd.f32 v20, v12;
	v19 =	vadd.f32 v19, v14;
	v12 =	vshll.u32 v13, $0x10  }
0x36: {  	v24 =	vld [tilespmem:s22+$0x2160];
	v12 =	vadd.f32 v12, v17;
	v13 =	vadd.f32 v13, v18;
	v14 =	vshll.u32 v15, $0x10  }
0x37: {  	v17 =	vshll.u32 v16, $0x10;
	v18 =	vld [tilespmem:s22+$0x2170];
	v14 =	vadd.f32 v14, v20;
	v15 =	vadd.f32 v15, v19  }
0x38: {  	v11 =	vadd.f32 v16, v11;
	v0 =	vadd.f32 v17, v0;
	v16 =	vshll.u32 v23, $0x10;
	v17 =	vld [tilespmem:s22+$0x21E0]  }
0x39: {  	v10 =	vadd.f32 v23, v10;
	v1 =	vadd.f32 v16, v1;
	v16 =	vshll.u32 v22, $0x10;
	v19 =	vld [tilespmem:s22+$0x21F0];
	s22 =	sshra.s32 s21, $0x2  }
0x3a: {  	v11 =	vadd.f32 v22, v11;
	v20 =	vld [tilespmem:s22+$0x2000];
	v0 =	vadd.f32 v16, v0;
	v16 =	vshll.u32 v21, $0x10  }
0x3b: {  	v10 =	vadd.f32 v21, v10;
	v22 =	vld [tilespmem:s22+$0x2010];
	v1 =	vadd.f32 v16, v1;
	v16 =	vshll.u32 v24, $0x10  }
0x3c: {  	v11 =	vadd.f32 v24, v11;
	v21 =	vld [tilespmem:s22+$0x2080];
	v0 =	vadd.f32 v16, v0;
	v16 =	vshll.u32 v18, $0x10  }
0x3d: {  	v10 =	vadd.f32 v18, v10;
	v23 =	vld [tilespmem:s22+$0x2090];
	v1 =	vadd.f32 v16, v1;
	v16 =	vshll.u32 v17, $0x10  }
0x3e: {  	v11 =	vadd.f32 v17, v11;
	v18 =	vld [tilespmem:s22+$0x2100];
	v0 =	vadd.f32 v16, v0;
	v16 =	vshll.u32 v19, $0x10  }
0x3f: {  	v10 =	vadd.f32 v19, v10;
	v17 =	vshll.u32 v20, $0x10;
	v24 =	vld [tilespmem:s22+$0x2110];
	v1 =	vadd.f32 v16, v1  }
0x40: {  	v5 =	vadd.f32 v20, v5;
	v4 =	vadd.f32 v17, v4;
	v16 =	vshll.u32 v22, $0x10;
	v17 =	vld [tilespmem:s22+$0x2180]  }
0x41: {  	v9 =	vadd.f32 v22, v9;
	v8 =	vadd.f32 v16, v8;
	v16 =	vshll.u32 v21, $0x10;
	v19 =	vld [tilespmem:s22+$0x2190]  }
0x42: {  	v5 =	vadd.f32 v21, v5;
	v20 =	vld [tilespmem:s22+$0x2020];
	v4 =	vadd.f32 v16, v4;
	v16 =	vshll.u32 v23, $0x10  }
0x43: {  	v9 =	vadd.f32 v23, v9;
	v21 =	vld [tilespmem:s22+$0x2030];
	v8 =	vadd.f32 v16, v8;
	v16 =	vshll.u32 v18, $0x10  }
0x44: {  	v5 =	vadd.f32 v18, v5;
	v22 =	vld [tilespmem:s22+$0x20A0];
	v4 =	vadd.f32 v16, v4;
	v16 =	vshll.u32 v24, $0x10  }
0x45: {  	v9 =	vadd.f32 v24, v9;
	v18 =	vld [tilespmem:s22+$0x20B0];
	v8 =	vadd.f32 v16, v8;
	v16 =	vshll.u32 v17, $0x10  }
0x46: {  	v5 =	vadd.f32 v17, v5;
	v23 =	vld [tilespmem:s22+$0x2120];
	v4 =	vadd.f32 v16, v4;
	v16 =	vshll.u32 v19, $0x10  }
0x47: {  	v9 =	vadd.f32 v19, v9;
	v17 =	vshll.u32 v20, $0x10;
	v24 =	vld [tilespmem:s22+$0x2130];
	v8 =	vadd.f32 v16, v8  }
0x48: {  	v3 =	vadd.f32 v20, v3;
	v2 =	vadd.f32 v17, v2;
	v16 =	vshll.u32 v21, $0x10;
	v19 =	vld [tilespmem:s22+$0x21A0]  }
0x49: {  	v7 =	vadd.f32 v21, v7;
	v6 =	vadd.f32 v16, v6;
	v16 =	vshll.u32 v22, $0x10;
	v20 =	vld [tilespmem:s22+$0x21B0]  }
0x4a: {  	v3 =	vadd.f32 v22, v3;
	v21 =	vld [tilespmem:s22+$0x2040];
	v2 =	vadd.f32 v16, v2;
	v16 =	vshll.u32 v18, $0x10  }
0x4b: {  	v7 =	vadd.f32 v18, v7;
	v22 =	vld [tilespmem:s22+$0x2050];
	v6 =	vadd.f32 v16, v6;
	v16 =	vshll.u32 v23, $0x10  }
0x4c: {  	v3 =	vadd.f32 v23, v3;
	v25 =	vld [tilespmem:s22+$0x20C0];
	v2 =	vadd.f32 v16, v2;
	v16 =	vshll.u32 v24, $0x10  }
0x4d: {  	v7 =	vadd.f32 v24, v7;
	v17 =	vld [tilespmem:s22+$0x20D0];
	v6 =	vadd.f32 v16, v6;
	v16 =	vshll.u32 v19, $0x10  }
.Ltmp0:
0x4e: {  	v3 =	vadd.f32 v19, v3;
	v18 =	vld [tilespmem:s22+$0x2140];
	v2 =	vadd.f32 v16, v2;
	v16 =	vshll.u32 v20, $0x10;
	(pc) =	sbr.rel @p0 .LBB2_4-.Ltmp0, $4  }
0x4f: {  	v7 =	vadd.f32 v20, v7;
	v23 =	vshll.u32 v21, $0x10;
	v19 =	vld [tilespmem:s22+$0x2150];
	v6 =	vadd.f32 v16, v6  }
0x50: {  	v21 =	vadd.f32 v21, v13;
	v20 =	vadd.f32 v23, v12;
	v12 =	vshll.u32 v22, $0x10;
	v13 =	vld [tilespmem:s22+$0x21C0]  }
0x51: {  	v12 =	vadd.f32 v12, v14;
	v14 =	vadd.f32 v22, v15;
	v22 =	vshll.u32 v25, $0x10;
	v15 =	vld [tilespmem:s22+$0x21D0]  }
0x52: {  	s21 =	sadd.s32 $0x800, s21;
	v21 =	vadd.f32 v25, v21;
	v16 =	vld [tilespmem:s22+$0x2060];
	v20 =	vadd.f32 v22, v20;
	v22 =	vshll.u32 v17, $0x10  }
0x53: {  	v23 =	vld [tilespmem:s22+$0x2070]  }
0x54: {  	v24 =	vld [tilespmem:s22+$0x20E0]  }
0x55: {  	v25 =	vld [tilespmem:s22+$0x20F0]  }
0x56: {  	v26 =	vld [tilespmem:s22+$0x2160];
	p0 =	seq.s32 s20, $0x1F  }
0x57: {  	v12 =	vadd.f32 v22, v12;
	v14 =	vadd.f32 v17, v14;
	v17 =	vshll.u32 v18, $0x10;
	v22 =	vld [tilespmem:s22+$0x2170];
	s21 =	sshll.u32 @!p0 s20, $0x8  }
0x58: {  	v17 =	vadd.f32 v17, v20;
	v18 =	vadd.f32 v18, v21;
	v20 =	vshll.u32 v19, $0x10;
	v21 =	vld [tilespmem:s22+$0x21E0];
	s21 =	sand.u32 @!p0 $0x3FFFFF00, s21  }
0x59: {  	s23 =	simm.s32 @!p0 $0x68;
	s24 =	simm.s32 @!p0 $0x2000;
	v12 =	vadd.f32 v20, v12;
	v14 =	vadd.f32 v19, v14;
	v19 =	vshll.u32 v13, $0x10;
	v20 =	vld [tilespmem:s22+$0x21F0];
	s22 =	sadd.s32 @!p0 $0x100, s21  }
0x5a: {  	v19 =	vadd.f32 v19, v17;
	v13 =	vadd.f32 v13, v18;
	v17 =	vshll.u32 v15, $0x10;
	[tilespmem:s24], [sflag:$0x1] =	stream.indirect.gather @!p0 [hbm4b:s3+s23], $0x80, s22, s23, $0xb8;
	[tilespmem:$0xA400] =	vst v63  }
0x5b: {  	v12 =	vadd.f32 v17, v12;
	v14 =	vadd.f32 v15, v14;
	v15 =	vshll.u32 v16, $0x10;
	_ =	swait.ge [sflag:s15], $0x3000  }
0x5c: {  	v11 =	vadd.f32 v16, v11;
	v0 =	vadd.f32 v15, v0;
	v15 =	vshll.u32 v23, $0x10;
	[sflag:s15] =	ssyncset.done $0x0  }
0x5d: {  	s22 =	simm.s32 $0x0;
	v10 =	vadd.f32 v23, v10;
	v1 =	vadd.f32 v15, v1;
	v15 =	vshll.u32 v24, $0x10;
	[sflag:s15] =	ssyncadd.s32 $0xFFFFD000  }
0x5e: {  	v11 =	vadd.f32 v24, v11;
	v0 =	vadd.f32 v15, v0;
	v15 =	vshll.u32 v25, $0x10;
	v16 =	vld [tilespmem:s22+$0x5400]  }
0x5f: {  	v10 =	vadd.f32 v25, v10;
	v1 =	vadd.f32 v15, v1;
	v15 =	vshll.u32 v26, $0x10;
	v17 =	vld [tilespmem:s22+$0x5410]  }
0x60: {  	v11 =	vadd.f32 v26, v11;
	v18 =	vld [tilespmem:s22+$0x5480];
	v0 =	vadd.f32 v15, v0;
	v15 =	vshll.u32 v22, $0x10  }
0x61: {  	v1 =	vadd.f32 v15, v1;
	v15 =	vadd.f32 v22, v10;
	v10 =	vshll.u32 v21, $0x10;
	v22 =	vld [tilespmem:s22+$0x5490]  }
0x62: {  	v10 =	vadd.f32 v10, v0;
	v0 =	vadd.f32 v21, v11;
	v11 =	vshll.u32 v20, $0x10;
	v21 =	vld [tilespmem:s22+$0x5500]  }
0x63: {  	v11 =	vadd.f32 v11, v1;
	v1 =	vadd.f32 v20, v15;
	v20 =	vld [tilespmem:s22+$0x5510];
	v15 =	vshll.u32 v16, $0x10  }
0x64: {  	v5 =	vadd.f32 v16, v5;
	v16 =	vld [tilespmem:s22+$0x5580];
	v4 =	vadd.f32 v15, v4;
	v15 =	vshll.u32 v17, $0x10  }
0x65: {  	v9 =	vadd.f32 v17, v9;
	v17 =	vld [tilespmem:s22+$0x5590];
	v8 =	vadd.f32 v15, v8;
	v15 =	vshll.u32 v18, $0x10  }
0x66: {  	v23 =	vld [tilespmem:s22+$0x5420];
	v5 =	vadd.f32 v18, v5;
	v4 =	vadd.f32 v15, v4;
	v15 =	vshll.u32 v22, $0x10  }
0x67: {  	v18 =	vld [tilespmem:s22+$0x5430];
	v9 =	vadd.f32 v22, v9;
	v8 =	vadd.f32 v15, v8;
	v15 =	vshll.u32 v21, $0x10  }
0x68: {  	v22 =	vld [tilespmem:s22+$0x54A0];
	v5 =	vadd.f32 v21, v5;
	v4 =	vadd.f32 v15, v4;
	v15 =	vshll.u32 v20, $0x10  }
0x69: {  	v21 =	vld [tilespmem:s22+$0x54B0];
	v20 =	vadd.f32 v20, v9;
	v15 =	vadd.f32 v15, v8;
	v8 =	vshll.u32 v16, $0x10  }
0x6a: {  	v61 =	vld [tilespmem:s22+$0x5520];
	v8 =	vadd.f32 v8, v4;
	v4 =	vadd.f32 v16, v5;
	v5 =	vshll.u32 v17, $0x10  }
0x6b: {  	v62 =	vld [tilespmem:s22+$0x5530];
	v3 =	vadd.f32 v23, v3;
	v16 =	vshll.u32 v23, $0x10;
	v9 =	vadd.f32 v5, v15  }
0x6c: {  	v5 =	vadd.f32 v17, v20;
	v2 =	vadd.f32 v16, v2;
	v15 =	vshll.u32 v18, $0x10;
	v20 =	vld [tilespmem:s22+$0x55A0]  }
0x6d: {  	v7 =	vadd.f32 v18, v7;
	v23 =	vld [tilespmem:s22+$0x55B0];
	v6 =	vadd.f32 v15, v6;
	v15 =	vshll.u32 v22, $0x10  }
0x6e: {  	v63 =	vld [tilespmem:s22+$0x5440];
	v3 =	vadd.f32 v22, v3;
	v2 =	vadd.f32 v15, v2;
	v15 =	vshll.u32 v21, $0x10  }
0x6f: {  	v22 =	vld [tilespmem:s22+$0x5450];
	v7 =	vadd.f32 v21, v7;
	v6 =	vadd.f32 v15, v6;
	v15 =	vshll.u32 v61, $0x10  }
0x70: {  	v27 =	vld [tilespmem:s22+$0x54C0];
	v3 =	vadd.f32 v61, v3;
	v2 =	vadd.f32 v15, v2;
	v15 =	vshll.u32 v62, $0x10  }
0x71: {  	v16 =	vld [tilespmem:s22+$0x54D0];
	v21 =	vadd.f32 v62, v7;
	v15 =	vadd.f32 v15, v6;
	v6 =	vshll.u32 v20, $0x10  }
0x72: {  	v17 =	vld [tilespmem:s22+$0x5540];
	v6 =	vadd.f32 v6, v2;
	v2 =	vadd.f32 v20, v3;
	v3 =	vshll.u32 v23, $0x10  }
0x73: {  	v18 =	vld [tilespmem:s22+$0x5550];
	v20 =	vshll.u32 v63, $0x10;
	v7 =	vadd.f32 v3, v15;
	v3 =	vadd.f32 v23, v21  }
0x74: {  	v21 =	vadd.f32 v20, v19;
	v23 =	vadd.f32 v63, v13;
	v15 =	vshll.u32 v22, $0x10;
	v13 =	vld [tilespmem:s22+$0x55C0]  }
0x75: {  	v20 =	vadd.f32 v15, v12;
	v12 =	vadd.f32 v22, v14;
	v14 =	vshll.u32 v27, $0x10;
	v15 =	vld [tilespmem:s22+$0x55D0]  }
0x76: {  	s23 =	simm.s32 $0x800;
	v19 =	vld [tilespmem:s22+$0x5460];
	v22 =	vshll.u32 v16, $0x10;
	v21 =	vadd.f32 v14, v21;
	v14 =	vadd.f32 v27, v23  }
.LBB2_6:
0x77: {  	p1 =	sne.s32 s23, $0xB800;
	v23 =	vld [tilespmem:s22+$0x5470];
	v20 =	vadd.f32 v22, v20;
	v12 =	vadd.f32 v16, v12;
	v16 =	vshll.u32 v17, $0x10  }
0x78: {  	v22 =	vld [tilespmem:s22+$0x54E0];
	v16 =	vadd.f32 v16, v21;
	v14 =	vadd.f32 v17, v14;
	v17 =	vshll.u32 v18, $0x10  }
0x79: {  	v21 =	vld [tilespmem:s22+$0x54F0];
	v17 =	vadd.f32 v17, v20;
	v18 =	vadd.f32 v18, v12;
	v12 =	vshll.u32 v13, $0x10  }
0x7a: {  	v20 =	vld [tilespmem:s22+$0x5560];
	v12 =	vadd.f32 v12, v16;
	v13 =	vadd.f32 v13, v14;
	v14 =	vshll.u32 v15, $0x10  }
0x7b: {  	v16 =	vshll.u32 v19, $0x10;
	v24 =	vld [tilespmem:s22+$0x5570];
	v14 =	vadd.f32 v14, v17;
	v15 =	vadd.f32 v15, v18  }
0x7c: {  	v0 =	vadd.f32 v19, v0;
	v10 =	vadd.f32 v16, v10;
	v16 =	vshll.u32 v23, $0x10;
	v17 =	vld [tilespmem:s22+$0x55E0]  }
0x7d: {  	v1 =	vadd.f32 v23, v1;
	v11 =	vadd.f32 v16, v11;
	v16 =	vshll.u32 v22, $0x10;
	v18 =	vld [tilespmem:s22+$0x55F0];
	s22 =	sshra.s32 s23, $0x2  }
0x7e: {  	v0 =	vadd.f32 v22, v0;
	v19 =	vld [tilespmem:s22+$0x5400];
	v10 =	vadd.f32 v16, v10;
	v16 =	vshll.u32 v21, $0x10  }
0x7f: {  	v1 =	vadd.f32 v21, v1;
	v22 =	vld [tilespmem:s22+$0x5410];
	v11 =	vadd.f32 v16, v11;
	v16 =	vshll.u32 v20, $0x10  }
0x80: {  	v0 =	vadd.f32 v20, v0;
	v21 =	vld [tilespmem:s22+$0x5480];
	v10 =	vadd.f32 v16, v10;
	v16 =	vshll.u32 v24, $0x10  }
0x81: {  	v1 =	vadd.f32 v24, v1;
	v20 =	vld [tilespmem:s22+$0x5490];
	v11 =	vadd.f32 v16, v11;
	v16 =	vshll.u32 v17, $0x10  }
0x82: {  	v0 =	vadd.f32 v17, v0;
	v23 =	vld [tilespmem:s22+$0x5500];
	v10 =	vadd.f32 v16, v10;
	v16 =	vshll.u32 v18, $0x10  }
0x83: {  	v1 =	vadd.f32 v18, v1;
	v17 =	vshll.u32 v19, $0x10;
	v24 =	vld [tilespmem:s22+$0x5510];
	v11 =	vadd.f32 v16, v11  }
0x84: {  	v4 =	vadd.f32 v19, v4;
	v8 =	vadd.f32 v17, v8;
	v16 =	vshll.u32 v22, $0x10;
	v17 =	vld [tilespmem:s22+$0x5580]  }
0x85: {  	v5 =	vadd.f32 v22, v5;
	v9 =	vadd.f32 v16, v9;
	v16 =	vshll.u32 v21, $0x10;
	v18 =	vld [tilespmem:s22+$0x5590]  }
0x86: {  	v4 =	vadd.f32 v21, v4;
	v19 =	vld [tilespmem:s22+$0x5420];
	v8 =	vadd.f32 v16, v8;
	v16 =	vshll.u32 v20, $0x10  }
0x87: {  	v5 =	vadd.f32 v20, v5;
	v21 =	vld [tilespmem:s22+$0x5430];
	v9 =	vadd.f32 v16, v9;
	v16 =	vshll.u32 v23, $0x10  }
0x88: {  	v4 =	vadd.f32 v23, v4;
	v20 =	vld [tilespmem:s22+$0x54A0];
	v8 =	vadd.f32 v16, v8;
	v16 =	vshll.u32 v24, $0x10  }
0x89: {  	v5 =	vadd.f32 v24, v5;
	v22 =	vld [tilespmem:s22+$0x54B0];
	v9 =	vadd.f32 v16, v9;
	v16 =	vshll.u32 v17, $0x10  }
0x8a: {  	v4 =	vadd.f32 v17, v4;
	v23 =	vld [tilespmem:s22+$0x5520];
	v8 =	vadd.f32 v16, v8;
	v16 =	vshll.u32 v18, $0x10  }
0x8b: {  	v5 =	vadd.f32 v18, v5;
	v17 =	vshll.u32 v19, $0x10;
	v24 =	vld [tilespmem:s22+$0x5530];
	v9 =	vadd.f32 v16, v9  }
0x8c: {  	v2 =	vadd.f32 v19, v2;
	v6 =	vadd.f32 v17, v6;
	v16 =	vshll.u32 v21, $0x10;
	v18 =	vld [tilespmem:s22+$0x55A0]  }
0x8d: {  	v3 =	vadd.f32 v21, v3;
	v7 =	vadd.f32 v16, v7;
	v16 =	vshll.u32 v20, $0x10;
	v19 =	vld [tilespmem:s22+$0x55B0]  }
0x8e: {  	v2 =	vadd.f32 v20, v2;
	v21 =	vld [tilespmem:s22+$0x5440];
	v6 =	vadd.f32 v16, v6;
	v16 =	vshll.u32 v22, $0x10  }
0x8f: {  	v3 =	vadd.f32 v22, v3;
	v25 =	vld [tilespmem:s22+$0x5450];
	v7 =	vadd.f32 v16, v7;
	v16 =	vshll.u32 v23, $0x10  }
0x90: {  	v2 =	vadd.f32 v23, v2;
	v22 =	vld [tilespmem:s22+$0x54C0];
	v6 =	vadd.f32 v16, v6;
	v17 =	vshll.u32 v24, $0x10  }
0x91: {  	v3 =	vadd.f32 v24, v3;
	v16 =	vld [tilespmem:s22+$0x54D0];
	v7 =	vadd.f32 v17, v7;
	v20 =	vshll.u32 v18, $0x10  }
.Ltmp1:
0x92: {  	v2 =	vadd.f32 v18, v2;
	v17 =	vld [tilespmem:s22+$0x5540];
	v6 =	vadd.f32 v20, v6;
	v20 =	vshll.u32 v19, $0x10;
	(pc) =	sbr.rel @p1 .LBB2_6-.Ltmp1, $4  }
0x93: {  	v3 =	vadd.f32 v19, v3;
	v23 =	vshll.u32 v21, $0x10;
	v18 =	vld [tilespmem:s22+$0x5550];
	v7 =	vadd.f32 v20, v7  }
0x94: {  	v24 =	vadd.f32 v21, v13;
	v23 =	vadd.f32 v23, v12;
	v12 =	vshll.u32 v25, $0x10;
	v13 =	vld [tilespmem:s22+$0x55C0]  }
0x95: {  	v20 =	vadd.f32 v12, v14;
	v12 =	vadd.f32 v25, v15;
	v14 =	vshll.u32 v22, $0x10;
	v15 =	vld [tilespmem:s22+$0x55D0]  }
0x96: {  	s23 =	sadd.s32 $0x800, s23;
	v19 =	vld [tilespmem:s22+$0x5460];
	v21 =	vadd.f32 v14, v23;
	v14 =	vadd.f32 v22, v24;
	v22 =	vshll.u32 v16, $0x10  }
0x97: {  	v23 =	vld [tilespmem:s22+$0x5470]  }
0x98: {  	v24 =	vld [tilespmem:s22+$0x54E0]  }
0x99: {  	v25 =	vld [tilespmem:s22+$0x54F0]  }
0x9a: {  	v26 =	vld [tilespmem:s22+$0x5560]  }
0x9b: {  	v27 =	vld [tilespmem:s22+$0x5570]  }
0x9c: {  	v28 =	vld [tilespmem:s22+$0x55E0]  }
0x9d: {  	v29 =	vld [tilespmem:s22+$0x55F0];
	s21 =	sadd.s32 @!p0 $0x180, s21;
	s22 =	simm.s32 @!p0 $0x60  }
0x9e: {  	s23 =	simm.s32 @!p0 $0x5400;
	s30 =	sshll.u32 s20, $0x8;
	s31 =	sshll.u32 s20, $0x7  }
0x9f: {  	[tilespmem:s23], [sflag:$0x2] =	stream.indirect.gather @!p0 [hbm4b:s3+s22], $0x80, s21, s22, $0xb8;
	[tilespmem:$0xA400] =	vst v63  }
0xa0: {  	s21 =	sand.u32 $0x1800, s30;
	s22 =	sand.u32 $0x380, s31  }
0xa1: {  	s21 =	sor.u32 s22, s21  }
0xa2: {  	v30 =	vshll.u32 v17, $0x10;
	v20 =	vadd.f32 v22, v20;
	v59 =	vadd.f32 v16, v12;
	[tilespmem:s21+$0x8400] =	vst v8  }
0xa3: {  	v21 =	vadd.f32 v30, v21;
	v49 =	vshll.u32 v18, $0x10;
	v60 =	vadd.f32 v17, v14;
	[tilespmem:s21+$0x8410] =	vst v9  }
0xa4: {  	v20 =	vadd.f32 v49, v20;
	v52 =	vshll.u32 v13, $0x10;
	v61 =	vadd.f32 v18, v59;
	[tilespmem:s21+$0x8420] =	vst v6  }
0xa5: {  	v21 =	vadd.f32 v52, v21;
	v55 =	vshll.u32 v15, $0x10;
	[tilespmem:s21+$0x8430] =	vst v7;
	v62 =	vadd.f32 v13, v60  }
0xa6: {  	[tilespmem:s21+$0x8800] =	vst v4;
	v48 =	vshll.u32 v19, $0x10;
	v0 =	vadd.f32 v19, v0;
	v63 =	vadd.f32 v15, v61  }
0xa7: {  	[tilespmem:s21+$0x8810] =	vst v5;
	v10 =	vadd.f32 v48, v10;
	v50 =	vshll.u32 v23, $0x10;
	v1 =	vadd.f32 v23, v1  }
0xa8: {  	[tilespmem:s21+$0x8820] =	vst v2;
	v51 =	vshll.u32 v24, $0x10;
	v11 =	vadd.f32 v50, v11;
	v0 =	vadd.f32 v24, v0  }
0xa9: {  	[tilespmem:s21+$0x8830] =	vst v3;
	v53 =	vshll.u32 v25, $0x10;
	v10 =	vadd.f32 v51, v10;
	v1 =	vadd.f32 v25, v1  }
0xaa: {  	v54 =	vshll.u32 v26, $0x10;
	[tilespmem:s21+$0x8440] =	vst v21;
	v8 =	vadd.f32 v53, v11;
	v0 =	vadd.f32 v26, v0  }
0xab: {  	s20 =	sadd.s32 $0x1, s20;
	v56 =	vshll.u32 v27, $0x10;
	[tilespmem:s21+$0x8840] =	vst v62;
	v9 =	vadd.f32 v54, v10;
	v10 =	vadd.f32 v55, v20  }
0xac: {  	p0 =	sne.s32 s20, $0x20;
	v57 =	vshll.u32 v28, $0x10;
	[tilespmem:s21+$0x8850] =	vst v63;
	v1 =	vadd.f32 v27, v1;
	v0 =	vadd.f32 v28, v0  }
.Ltmp2:
0xad: {  	v6 =	vadd.f32 v56, v8;
	v7 =	vadd.f32 v57, v9;
	[tilespmem:s21+$0x8450] =	vst v10;
	(pc) =	sbr.rel @p0 .LBB2_3-.Ltmp2, $4  }
0xae: {  	v58 =	vshll.u32 v29, $0x10;
	v1 =	vadd.f32 v29, v1;
	[tilespmem:s21+$0x8860] =	vst v0  }
0xaf: {  	v6 =	vadd.f32 v58, v6;
	[tilespmem:s21+$0x8460] =	vst v7  }
0xb0: {  	[tilespmem:s21+$0x8870] =	vst v1  }
0xb1: {  	[tilespmem:s21+$0x8470] =	vst v6  }
0xb2: {  	s18 =	sadd.s32 $0x1, s18  }
0xb3: {  	p0 =	sne.s32 s18, $0x4  }
.Ltmp3:
0xb4: {  	s19 =	sadd.s32 s5, s19;
	(pc) =	sbr.rel @p0 .LBB2_2-.Ltmp3, $4  }
0xb5: {  	[hbm4b:s19+s1] =	stream.linear.scatter [tilespmem:s16], [sflag:$0x3], $0x2000, $0x38;
	[tilespmem:$0xA400] =	vst v63  }
0xb6: {  	_ =	swait.ge [sflag:s8], $0x2000  }
0xb7: {  	[sflag:s8] =	ssyncset.done $0x0  }
0xb8: {  	[sflag:s8] =	ssyncadd.s32 $0xFFFFE000  }
0xb9: {  	s17 =	sadd.s32 $0x1, s17  }
0xba: {  	p0 =	sne.s32 s17, s7  }
.Ltmp4:
0xbb: {  	_ = 	snop;
	(pc) =	sbr.rel @p0 .LBB2_1-.Ltmp4, $1  }
0xbc: {  	_ =	sdelay $0x3  }
0xbd: {  	_ =	sfence.sel $0x180000  }
0xbe: {  	[bflag:$0x0] =	sbarrier.arrive $0xFFFF  }
0xbf: {  	p0 =	sne.s32 s2, $0x0;
	_ =	strace $0x9000004D  }
0xc0: {  	s0 =	sadd.s32 @!p0 $0x100000, s0;
	[bflag:$0x2] =	sbarrier.arrive $0xFFFF  }
0xc1: {  	[sflag:s0] =	ssyncadd.tile.s32 @!p0 $0x1;
	_ =	shalt  }
.Lfunc_end2:
_tile_overlayer_lowered:
.L_overlay_start_2:
0xc2: {  	(tag) =	ssettag $0x2  }
0xc3: {  	s0 =	rddreg [dreg:$0x0];
	s2 =	stileid.u32  }
0xc4: {  	s1 =	rddreg [dreg:$0x1];
	p0 =	sne.s32 s2, $0x0  }
0xc5: {  	s3 =	rddreg [dreg:$0x2];
	[bflag:$0x3] =	sbarrier.arrive $0xFFFF;
	s2 =	simm.s32 @!p0 $0x1C03  }
0xc6: {  	[timem:s3], [sflag:s2] =	dma.local @!p0 [hbm:s0], s1  }
0xc7: {  	s0 =	simm.s32 @!p0 $0x3  }
0xc8: {  	_ =	swait.ge @!p0 [sflag:s0], s1  }
0xc9: {  	s1 =	ssub.s32 @!p0 $0x0, s1;
	[sflag:s0] =	ssyncset.done @!p0 $0x0  }
0xca: {  	[sflag:s0] =	ssyncadd.s32 @!p0 s1  }
0xcb: {  	[bflag:$0x3] =	sbarrier.arrive $0xFFFF  }
0xcc: {  	_ =	shalt  }

// kernel: kernel.15.cloned.1.call-start
scs
__scs_entry_jumppad:
0x0: {  	(pc) =	sbr.rel $0x88, $3  }
0x1: {  	(tag) =	ssettag $0x0;
	lr =	simm.s32 $0x1  }
0x2: {  	[smem:$0x3F99] =	sst lr;
	_ =	strace $0xD0000000  }
0x3: {  	_ = 	snop  }
0x4: {  	_ = 	snop  }
0x5: {  	_ = 	snop  }
0x6: {  	_ = 	snop  }
0x7: {  	_ = 	snop  }
__scs_overlays_trampoline_lowered:
0x8: {  	[smem:$0x3FA8] =	sst s0  }
0x9: {  	[smem:$0x3FA9] =	sst s1  }
0xa: {  	[smem:$0x3FAA] =	sst s2  }
0xb: {  	[smem:$0x3FAB] =	sst s3  }
0xc: {  	[smem:$0x3FAC] =	sst s4  }
0xd: {  	[smem:$0x3FAD] =	sst s5  }
0xe: {  	[smem:$0x3FAE] =	sst s6  }
0xf: {  	[smem:$0x3FAF] =	sst s7  }
0x10: {  	[smem:$0x3FB0] =	sst s8  }
0x11: {  	[smem:$0x3FB1] =	sst s9;
	s0 =	simm.s32 @!p0 $0x0  }
0x12: {  	s1 =	sld [smem:$0x3F97];
	s0 =	simm.s32 @p0 $0x1  }
0x13: {  	[smem:$0x3FB2] =	sst s0;
	s0 =	simm.s32 @!p1 $0x0  }
0x14: {  	s2 =	sld [smem:$0x3F96];
	s0 =	simm.s32 @p1 $0x1  }
0x15: {  	[smem:$0x3FB3] =	sst s0;
	s0 =	simm.s32 @!p2 $0x0  }
0x16: {  	s3 =	sld [smem:$0x3FDB];
	s0 =	simm.s32 @p2 $0x1  }
0x17: {  	s4 =	simm.s32 $0x1BF5;
	[smem:$0x3FB5] =	sst s0  }
0x18: {  	s0 =	sld [smem:$0x3F98];
	_ =	swait.ge [sflag:s4], $0x0  }
0x19: {  	s7 =	sld [smem:$0x3F99]  }
0x1a: {  	s8 =	sadd.s32 $0xFFFFE003, lr  }
0x1b: {  	s9 =	sadd.s32 $0xFFFFFEF7, lr;
	s5 =	simm.s32 $0xFFFFFFFF;
	p2 =	slt.u32 s8, $0xFFFFF086  }
0x1c: {  	p1 =	slt.u32 s9, $0xF7A;
	s5 =	simm.s32 @!p2 $0x0  }
0x1d: {  	s5 =	simm.s32 @p1 $0x1;
	p0 =	seq.s32 s7, s2  }
0x1e: {  	s7 =	smul.u32 @!p0 $0xF7A, s2;
	p2 =	seq.s32 @!p0 s5, $0x0  }
0x1f: {  	s9 =	smul.u32 $0xF7A, s1;
	s8 =	simm.s32 @!p0 $0x1BF5;
	p2 =	por !p2, p0  }
0x20: {  	[sflag:s8] =	ssyncset.s32 @!p0 $0xFFFFF086;
	s6 =	sadd.s32 @!p0 s3, s7;
	s7 =	simm.s32 @!p0 $0x108  }
0x21: {  	s3 =	sadd.s32 s3, s9;
	s6 =	sadd.s32 @!p0 $0x88, s6;
	s7 =	simm.s32 @p2 $0x1082  }
0x22: {  	[simem:s7], [sflag:s8] =	dma.local @!p0 [hbm:s6], $0xF7A  }
0x23: {  	s9 =	sor.u32 $0xD0000000, s2;
	s6 =	simm.s32 $0x108;
	_ =	swait.ge @!p0 [sflag:s8], $0x0  }
0x24: {  	s3 =	sadd.s32 $0x88, s3;
	s6 =	simm.s32 @!p1 $0x1082;
	[sflag:s4] =	ssyncset.s32 $0xFFFFF086  }
0x25: {  	[simem:s6], [sflag:s4] =	dma.local [hbm:s3], $0xF7A  }
0x26: {  	[smem:$0x3F99] =	sst s1;
	(tag) =	ssettag s2;
	_ =	strace s9  }
0x27: {  	s1 =	sld [smem:$0x3FA9]  }
0x28: {  	s2 =	sld [smem:$0x3FAA]  }
0x29: {  	s4 =	sld [smem:$0x3FAC]  }
0x2a: {  	p0 =	seq.s32 s5, $0x0;
	s5 =	sld [smem:$0x3FAD]  }
0x2b: {  	s6 =	sld [smem:$0x3FAE]  }
0x2c: {  	s7 =	sld [smem:$0x3FAF]  }
0x2d: {  	s3 =	simm.s32 $0x108;
	s8 =	sld [smem:$0x3FB0]  }
0x2e: {  	s3 =	simm.s32 @!p0 $0x1082;
	s9 =	sld [smem:$0x3FB1]  }
0x2f: {  	lr =	sadd.s32 s0, s3;
	s0 =	sld [smem:$0x3FA8]  }
0x30: {  	s3 =	sld [smem:$0x3FAB]  }
0x31: {  	[smem:$0x3FB4] =	sst s10  }
0x32: {  	s10 =	sld [smem:$0x3FB2];
	_ =	sdelay $0x3  }
0x33: {  	p0 =	seq.s32 s10, $0x1;
	s10 =	sld [smem:$0x3FB4];
	_ =	sdelay $0x3  }
0x34: {  	[smem:$0x3FB4] =	sst s10  }
0x35: {  	s10 =	sld [smem:$0x3FB3];
	_ =	sdelay $0x3  }
0x36: {  	p1 =	seq.s32 s10, $0x1;
	s10 =	sld [smem:$0x3FB4];
	_ =	sdelay $0x3  }
0x37: {  	[smem:$0x3FB4] =	sst s10  }
0x38: {  	s10 =	sld [smem:$0x3FB5]  }
0x39: {  	_ = 	snop;
	(pc) =	sbr.ind lr, $3  }
0x3a: {  	_ = 	snop  }
0x3b: {  	_ = 	snop  }
0x3c: {  	p2 =	seq.s32 s10, $0x1;
	s10 =	sld [smem:$0x3FB4]  }
0x3d: {  	_ =	shalt  }
0x3e: {  	_ =	shalt  }
0x3f: {  	_ =	shalt  }
0x40: {  	_ =	shalt  }
0x41: {  	_ =	shalt  }
0x42: {  	_ =	shalt  }
0x43: {  	_ =	shalt  }
0x44: {  	_ =	shalt  }
0x45: {  	_ =	shalt  }
0x46: {  	_ =	shalt  }
0x47: {  	_ =	shalt  }
0x48: {  	_ =	shalt  }
0x49: {  	_ =	shalt  }
0x4a: {  	_ =	shalt  }
0x4b: {  	_ =	shalt  }
0x4c: {  	_ =	shalt  }
0x4d: {  	_ =	shalt  }
0x4e: {  	_ =	shalt  }
0x4f: {  	_ =	shalt  }
0x50: {  	_ =	shalt  }
0x51: {  	_ =	shalt  }
0x52: {  	_ =	shalt  }
0x53: {  	_ =	shalt  }
0x54: {  	_ =	shalt  }
0x55: {  	_ =	shalt  }
0x56: {  	_ =	shalt  }
0x57: {  	_ =	shalt  }
0x58: {  	_ =	shalt  }
0x59: {  	_ =	shalt  }
0x5a: {  	_ =	shalt  }
0x5b: {  	_ =	shalt  }
0x5c: {  	_ =	shalt  }
0x5d: {  	_ =	shalt  }
0x5e: {  	_ =	shalt  }
0x5f: {  	_ =	shalt  }
0x60: {  	_ =	shalt  }
0x61: {  	_ =	shalt  }
0x62: {  	_ =	shalt  }
0x63: {  	_ =	shalt  }
0x64: {  	_ =	shalt  }
0x65: {  	_ =	shalt  }
0x66: {  	_ =	shalt  }
0x67: {  	_ =	shalt  }
0x68: {  	_ =	shalt  }
0x69: {  	_ =	shalt  }
0x6a: {  	_ =	shalt  }
0x6b: {  	_ =	shalt  }
0x6c: {  	_ =	shalt  }
0x6d: {  	_ =	shalt  }
0x6e: {  	_ =	shalt  }
0x6f: {  	_ =	shalt  }
0x70: {  	_ =	shalt  }
0x71: {  	_ =	shalt  }
0x72: {  	_ =	shalt  }
0x73: {  	_ =	shalt  }
0x74: {  	_ =	shalt  }
0x75: {  	_ =	shalt  }
0x76: {  	_ =	shalt  }
0x77: {  	_ =	shalt  }
0x78: {  	_ =	shalt  }
0x79: {  	_ =	shalt  }
0x7a: {  	_ =	shalt  }
0x7b: {  	_ =	shalt  }
0x7c: {  	_ =	shalt  }
0x7d: {  	_ =	shalt  }
0x7e: {  	_ =	shalt  }
0x7f: {  	_ =	shalt  }
0x80: {  	_ =	shalt  }
0x81: {  	_ =	shalt  }
0x82: {  	_ =	shalt  }
0x83: {  	_ =	shalt  }
0x84: {  	_ =	shalt  }
0x85: {  	_ =	shalt  }
0x86: {  	_ =	shalt  }
0x87: {  	_ =	shalt  }
.Lfunc_end0:
.L_simem_size_0:
called_computation.2_lowered:
.L_overlay_start_0:
0x88: {  	s2 =	sld [smem:$0x3FD9]  }
0x89: {  	s3 =	sld [smem:$0x3FFE];
	_ =	sdelay $0x1  }
0x8a: {  	s1 =	srdreg.scid  }
0x8b: {  	s0 =	sand.u32 $0x1, s1  }
0x8c: {  	s16 =	sshll.u32 s0, $0xA;
	s2 =	sadd.s32 s3, s2  }
0x8d: {  	s2 =	sadd.s32 s2, s16  }
0x8e: {  	[smem:$0x3FC0] =	sst s2  }
0x8f: {  	_ = 	snop  }
0x90: {  	(tm) =	ssettm $0x1  }
0x91: {  	s17 =	sld [smem:$0x3FFB];
	_ =	sdelay $0x3  }
0x92: {  	_ =	strace s17  }
0x93: {  	s2 =	sld [smem:$0x3FFC];
	_ =	sdelay $0x3  }
0x94: {  	_ =	strace s2  }
0x95: {  	s2 =	sld [smem:$0x3FFD];
	_ =	sdelay $0x3  }
0x96: {  	_ =	strace s2  }
0x97: {  	_ =	strace $0x8FFFFFFF  }
0x98: {  	s18 =	sld [smem:$0x3FDB];
	_ =	sdelay $0x1  }
0x99: {  	s19 =	simm.s32 $_scs_section_size  }
0x9a: {  	s4 =	simm.s32 $_size__tile_overlayer_lowered;
	s5 =	simm.s32 $_tile_overlayer_lowered  }
0x9b: {  	s22 =	simm.s32 $0x1BFF;
	s21 =	sshll.u32 s5, $0x1;
	s2 =	sadd.s32 s19, s18  }
0x9c: {  	s6 =	simm.s32 $0x0;
	s20 =	sshll.u32 s4, $0x1;
	s4 =	sadd.s32 s21, s2  }
0x9d: {  	[timem:s6], [sflag:s22] =	dma.local [hbm:s4], s20  }
0x9e: {  	_ =	swait.ge [sflag:s22], s20  }
0x9f: {  	s3 =	ssub.s32 $0x0, s20;
	[sflag:s22] =	ssyncset.done $0x0  }
0xa0: {  	[sflag:s22] =	ssyncadd.s32 s3;
	_ =	sdelay $0x1  }
0xa1: {  	s23 =	simm.s32 $0x1B8B  }
0xa2: {  	_ =	swait.ge [sflag:s23], $0x1  }
0xa3: {  	[sflag:s23] =	ssyncset.done $0x0  }
0xa4: {  	s25 =	simm.s32 $0x1B8E;
	s24 =	sld [smem:$0x3FFE];
	[sflag:s23] =	ssyncadd.s32 $0xFFFFFFFF  }
0xa5: {  	s26 =	simm.s32 $execute0_lowered;
	[smem:$0x3FD2] =	sst s25  }
0xa6: {  	s4 =	sshll.u32 s26, $0x1;
	_ =	strace $0x80000046;
	[dreg:$0x1] =	wrdreg $0xFFFFFFFF  }
0xa7: {  	s28 =	simm.s32 $_size_execute0_lowered;
	s2 =	sadd.s32 s2, s4;
	[dreg:$0x0] =	wrdreg $0x0  }
0xa8: {  	s4 =	sshll.u32 s28, $0x1;
	[dreg:$0x2] =	wrdreg s2  }
0xa9: {  	[dreg:$0x3] =	wrdreg s4  }
0xaa: {  	[dreg:$0x4] =	wrdreg $0xC0  }
0xab: {  	_ =	task [dreg:s6], $0x5FFFF  }
0xac: {  	[dreg:$0x1] =	wrdreg $0xFFFFFFFF  }
0xad: {  	[dreg:$0x0] =	wrdreg $0x60  }
0xae: {  	[dreg:$0x2] =	wrdreg s24  }
0xaf: {  	[dreg:$0x3] =	wrdreg $0xB  }
0xb0: {  	_ =	task.clear_ibuf [dreg:s6], $0x4FFFF;
	_ =	strace $0x90000046  }
0xb1: {  	s29 =	simm.s32 $0xB;
	_ =	strace $0x80000048  }
0xb2: {  	_ =	swait.ge [sflag:s29], $0x1  }
0xb3: {  	[sflag:s29] =	ssyncadd.s32 $0xFFFFFFFF  }
0xb4: {  	_ =	strace $0x90000048  }
0xb5: {  	_ =	sfence  }
0xb6: {  	s30 =	sld [smem:$0x0];
	_ =	sdelay $0x2  }
0xb7: {  	s31 =	sshll.u32 s1, $0xD;
	s1 =	sshrl.u32 s1, $0x2  }
0xb8: {  	s3 =	sand.u32 $0x4000, s31;
	s1 =	sadd.s32 s1, s30  }
0xb9: {  	s0 =	sor.u32 s3, s0;
	s1 =	sshll.u32 s1, $0x11  }
0xba: {  	s0 =	sor.u32 s1, s0  }
0xbb: {  	s0 =	sadd.s32 $0x8F2B, s0  }
0xbc: {  	[sflag:s0] =	ssyncadd.remote.s32 $0x1  }
0xbd: {  	_ =	sfence.sel $0xFFFF  }
0xbe: {  	[dreg:$0x0] =	wrdreg $0xFFFFFFFF;
	(pc) =	sbr.abs _section_cstart, $3  }
0xbf: {  	[dreg:$0x1] =	wrdreg $0xFFFFFFFF  }
0xc0: {  	_ =	task.clear_ibuf [dreg:s6], $0x2FFFF;
	_ =	strace $0x9FFFFFFF  }
0xc1: {  	(tm) =	ssettm $0x7FFFFFFF  }
tec
execute0_lowered:
.L_overlay_start_1:
0x0: {  	(tag) =	ssettag $0x1  }
0x1: {  	s2 =	rddreg [dreg:$0x0]  }
0x2: {  	s0 =	rddreg [dreg:$0x1];
	s1 =	simm.s32 $0x0;
	s3 =	srdreg.scid  }
0x3: {  	s9 =	simm.s32 $0x68;
	s10 =	simm.s32 $0x2000;
	s11 =	simm.s32 $0x60  }
0x4: {  	s12 =	simm.s32 $0x80;
	s13 =	simm.s32 $0x5400;
	s14 =	simm.s32 $0x1  }
0x5: {  	s15 =	simm.s32 $0x2;
	s16 =	simm.s32 $0x8400;
	s17 =	simm.s32 $0x0  }
0x6: {  	[smem:$0x7FF] =	sst s1;
	s6 =	sand.u32 $0x1, s3;
	s3 =	sadd.s32 $0x8CA00, s2  }
0x7: {  	s4 =	sadd.s32 $0x6CA00, s2;
	s5 =	sadd.s32 $0x213400, s2;
	s7 =	ssub.s32 $0x2, s6  }
0x8: {  	s2 =	stileid.u32;
	_ =	strace $0x80000047;
	s8 =	sshrl.u32 s7, $0x1  }
0x9: {  	s31 =	sshll.u32 s2, $0xD;
	s6 =	sshll.u32 s6, $0xC;
	s7 =	ssub.s32 s7, s8  }
0xa: {  	s6 =	sor.u32 s6, s31;
	s8 =	simm.s32 $0x3;
	s7 =	smax.u32 s7, $0x1  }
.LBB2_1:
0xb: {  	s18 =	simm.s32 $0x0  }
.LBB2_2:
0xc: {  	s19 =	sshll.u32 s18, $0xA  }
0xd: {  	s19 =	sadd.s32 s6, s19  }
0xe: {  	s20 =	simm.s32 $0x0;
	s21 =	sadd.s32 s4, s19  }
0xf: {  	[tilespmem:s20], [sflag:$0x3] =	stream.linear.gather [hbm4b:s21+s20], $0x2000, $0x38;
	[tilespmem:$0xA400] =	vst v63  }
0x10: {  	_ =	swait.ge [sflag:s8], $0x2000  }
0x11: {  	[sflag:s8] =	ssyncset.done $0x0  }
0x12: {  	[sflag:s8] =	ssyncadd.s32 $0xFFFFE000  }
0x13: {  	[tilespmem:s10], [sflag:$0x1] =	stream.indirect.gather [hbm4b:s3+s9], $0x80, s20, s9, $0xb8;
	[tilespmem:$0xA400] =	vst v63  }
0x14: {  	_ = 	snop  }
0x15: {  	[tilespmem:s13], [sflag:$0x2] =	stream.indirect.gather [hbm4b:s3+s11], $0x80, s12, s11, $0xb8;
	[tilespmem:$0xA400] =	vst v63  }
.LBB2_3:
0x16: {  	_ =	swait.ge [sflag:s14], $0x3400  }
0x17: {  	[sflag:s14] =	ssyncset.done $0x0  }
0x18: {  	s22 =	simm.s32 $0x0;
	[sflag:s14] =	ssyncadd.s32 $0xFFFFCC00  }
0x19: {  	v1 =	vld [tilespmem:s22+$0x2000]  }
0x1a: {  	v2 =	vld [tilespmem:s22+$0x2010]  }
0x1b: {  	v3 =	vld [tilespmem:s22+$0x2080]  }
0x1c: {  	v4 =	vld [tilespmem:s22+$0x2090]  }
0x1d: {  	v5 =	vld [tilespmem:s22+$0x2100]  }
0x1e: {  	v0 =	vimm.f32 $0.0e+00;
	v7 =	vld [tilespmem:s22+$0x2110];
	v6 =	vshll.u32 v1, $0x10  }
0x1f: {  	v9 =	vld [tilespmem:s22+$0x2180];
	v1 =	vadd.f32 v1, v0;
	v8 =	vshll.u32 v2, $0x10;
	v6 =	vadd.f32 v6, v0  }
0x20: {  	v12 =	vld [tilespmem:s22+$0x2020];
	v2 =	vadd.f32 v2, v0;
	v10 =	vshll.u32 v3, $0x10;
	v8 =	vadd.f32 v8, v0  }
0x21: {  	v11 =	vld [tilespmem:s22+$0x2190];
	v1 =	vadd.f32 v3, v1;
	v3 =	vshll.u32 v4, $0x10;
	v6 =	vadd.f32 v10, v6  }
0x22: {  	v2 =	vadd.f32 v4, v2;
	v4 =	vshll.u32 v5, $0x10;
	v10 =	vld [tilespmem:s22+$0x2030];
	v3 =	vadd.f32 v3, v8  }
0x23: {  	v13 =	vld [tilespmem:s22+$0x20A0];
	v1 =	vadd.f32 v5, v1;
	v5 =	vshll.u32 v7, $0x10;
	v4 =	vadd.f32 v4, v6  }
0x24: {  	v2 =	vadd.f32 v7, v2;
	v6 =	vld [tilespmem:s22+$0x20B0];
	v3 =	vadd.f32 v5, v3;
	v5 =	vshll.u32 v9, $0x10  }
0x25: {  	v14 =	vshll.u32 v12, $0x10;
	v7 =	vld [tilespmem:s22+$0x2120];
	v4 =	vadd.f32 v5, v4;
	v5 =	vadd.f32 v9, v1  }
0x26: {  	v15 =	vld [tilespmem:s22+$0x2130];
	v1 =	vshll.u32 v11, $0x10;
	v9 =	vadd.f32 v11, v2;
	v2 =	vadd.f32 v12, v0  }
0x27: {  	v11 =	vld [tilespmem:s22+$0x21A0];
	v8 =	vadd.f32 v1, v3;
	v1 =	vadd.f32 v14, v0;
	v3 =	vshll.u32 v10, $0x10  }
0x28: {  	v12 =	vshll.u32 v13, $0x10;
	v10 =	vadd.f32 v10, v0;
	v14 =	vld [tilespmem:s22+$0x21B0];
	v3 =	vadd.f32 v3, v0  }
0x29: {  	v16 =	vld [tilespmem:s22+$0x2040];
	v2 =	vadd.f32 v13, v2;
	v1 =	vadd.f32 v12, v1;
	v12 =	vshll.u32 v6, $0x10  }
0x2a: {  	v20 =	vld [tilespmem:s22+$0x2050];
	v6 =	vadd.f32 v6, v10;
	v10 =	vshll.u32 v7, $0x10;
	v3 =	vadd.f32 v12, v3  }
0x2b: {  	v21 =	vld [tilespmem:s22+$0x20C0];
	v7 =	vadd.f32 v7, v2;
	v2 =	vshll.u32 v15, $0x10;
	v1 =	vadd.f32 v10, v1  }
0x2c: {  	v17 =	vld [tilespmem:s22+$0x20D0];
	v12 =	vadd.f32 v15, v6;
	v10 =	vadd.f32 v2, v3;
	v2 =	vshll.u32 v11, $0x10  }
0x2d: {  	v3 =	vadd.f32 v11, v7;
	v2 =	vadd.f32 v2, v1;
	v1 =	vshll.u32 v14, $0x10  }
0x2e: {  	v18 =	vld [tilespmem:s22+$0x2140];
	v11 =	vshll.u32 v16, $0x10;
	v7 =	vadd.f32 v14, v12;
	v6 =	vadd.f32 v1, v10  }
0x2f: {  	v19 =	vld [tilespmem:s22+$0x2150];
	v1 =	vadd.f32 v11, v0;
	v10 =	vadd.f32 v16, v0;
	v11 =	vshll.u32 v20, $0x10  }
0x30: {  	v13 =	vld [tilespmem:s22+$0x21C0];
	v14 =	vadd.f32 v20, v0;
	v12 =	vadd.f32 v11, v0;
	v11 =	vshll.u32 v21, $0x10  }
0x31: {  	v22 =	vshll.u32 v17, $0x10;
	v15 =	vld [tilespmem:s22+$0x21D0];
	v20 =	vadd.f32 v11, v1;
	v21 =	vadd.f32 v21, v10  }
0x32: {  	s21 =	simm.s32 $0x800;
	v16 =	vld [tilespmem:s22+$0x2060];
	v11 =	vimm.f32 $0.0e+00;
	v1 =	vimm.f32 $0.0e+00;
	v10 =	vimm.f32 $0.0e+00  }
.LBB2_4:
0x33: {  	p0 =	sne.s32 s21, $0xC800;
	v23 =	vld [tilespmem:s22+$0x2070];
	v12 =	vadd.f32 v22, v12;
	v14 =	vadd.f32 v17, v14;
	v17 =	vshll.u32 v18, $0x10  }
0x34: {  	v22 =	vld [tilespmem:s22+$0x20E0];
	v17 =	vadd.f32 v17, v20;
	v18 =	vadd.f32 v18, v21;
	v20 =	vshll.u32 v19, $0x10  }
0x35: {  	v21 =	vld [tilespmem:s22+$0x20F0];
	v20 =	vadd.f32 v20, v12;
	v19 =	vadd.f32 v19, v14;
	v12 =	vshll.u32 v13, $0x10  }
0x36: {  	v24 =	vld [tilespmem:s22+$0x2160];
	v12 =	vadd.f32 v12, v17;
	v13 =	vadd.f32 v13, v18;
	v14 =	vshll.u32 v15, $0x10  }
0x37: {  	v17 =	vshll.u32 v16, $0x10;
	v18 =	vld [tilespmem:s22+$0x2170];
	v14 =	vadd.f32 v14, v20;
	v15 =	vadd.f32 v15, v19  }
0x38: {  	v11 =	vadd.f32 v16, v11;
	v0 =	vadd.f32 v17, v0;
	v16 =	vshll.u32 v23, $0x10;
	v17 =	vld [tilespmem:s22+$0x21E0]  }
0x39: {  	v10 =	vadd.f32 v23, v10;
	v1 =	vadd.f32 v16, v1;
	v16 =	vshll.u32 v22, $0x10;
	v19 =	vld [tilespmem:s22+$0x21F0];
	s22 =	sshra.s32 s21, $0x2  }
0x3a: {  	v11 =	vadd.f32 v22, v11;
	v20 =	vld [tilespmem:s22+$0x2000];
	v0 =	vadd.f32 v16, v0;
	v16 =	vshll.u32 v21, $0x10  }
0x3b: {  	v10 =	vadd.f32 v21, v10;
	v22 =	vld [tilespmem:s22+$0x2010];
	v1 =	vadd.f32 v16, v1;
	v16 =	vshll.u32 v24, $0x10  }
0x3c: {  	v11 =	vadd.f32 v24, v11;
	v21 =	vld [tilespmem:s22+$0x2080];
	v0 =	vadd.f32 v16, v0;
	v16 =	vshll.u32 v18, $0x10  }
0x3d: {  	v10 =	vadd.f32 v18, v10;
	v23 =	vld [tilespmem:s22+$0x2090];
	v1 =	vadd.f32 v16, v1;
	v16 =	vshll.u32 v17, $0x10  }
0x3e: {  	v11 =	vadd.f32 v17, v11;
	v18 =	vld [tilespmem:s22+$0x2100];
	v0 =	vadd.f32 v16, v0;
	v16 =	vshll.u32 v19, $0x10  }
0x3f: {  	v10 =	vadd.f32 v19, v10;
	v17 =	vshll.u32 v20, $0x10;
	v24 =	vld [tilespmem:s22+$0x2110];
	v1 =	vadd.f32 v16, v1  }
0x40: {  	v5 =	vadd.f32 v20, v5;
	v4 =	vadd.f32 v17, v4;
	v16 =	vshll.u32 v22, $0x10;
	v17 =	vld [tilespmem:s22+$0x2180]  }
0x41: {  	v9 =	vadd.f32 v22, v9;
	v8 =	vadd.f32 v16, v8;
	v16 =	vshll.u32 v21, $0x10;
	v19 =	vld [tilespmem:s22+$0x2190]  }
0x42: {  	v5 =	vadd.f32 v21, v5;
	v20 =	vld [tilespmem:s22+$0x2020];
	v4 =	vadd.f32 v16, v4;
	v16 =	vshll.u32 v23, $0x10  }
0x43: {  	v9 =	vadd.f32 v23, v9;
	v21 =	vld [tilespmem:s22+$0x2030];
	v8 =	vadd.f32 v16, v8;
	v16 =	vshll.u32 v18, $0x10  }
0x44: {  	v5 =	vadd.f32 v18, v5;
	v22 =	vld [tilespmem:s22+$0x20A0];
	v4 =	vadd.f32 v16, v4;
	v16 =	vshll.u32 v24, $0x10  }
0x45: {  	v9 =	vadd.f32 v24, v9;
	v18 =	vld [tilespmem:s22+$0x20B0];
	v8 =	vadd.f32 v16, v8;
	v16 =	vshll.u32 v17, $0x10  }
0x46: {  	v5 =	vadd.f32 v17, v5;
	v23 =	vld [tilespmem:s22+$0x2120];
	v4 =	vadd.f32 v16, v4;
	v16 =	vshll.u32 v19, $0x10  }
0x47: {  	v9 =	vadd.f32 v19, v9;
	v17 =	vshll.u32 v20, $0x10;
	v24 =	vld [tilespmem:s22+$0x2130];
	v8 =	vadd.f32 v16, v8  }
0x48: {  	v3 =	vadd.f32 v20, v3;
	v2 =	vadd.f32 v17, v2;
	v16 =	vshll.u32 v21, $0x10;
	v19 =	vld [tilespmem:s22+$0x21A0]  }
0x49: {  	v7 =	vadd.f32 v21, v7;
	v6 =	vadd.f32 v16, v6;
	v16 =	vshll.u32 v22, $0x10;
	v20 =	vld [tilespmem:s22+$0x21B0]  }
0x4a: {  	v3 =	vadd.f32 v22, v3;
	v21 =	vld [tilespmem:s22+$0x2040];
	v2 =	vadd.f32 v16, v2;
	v16 =	vshll.u32 v18, $0x10  }
0x4b: {  	v7 =	vadd.f32 v18, v7;
	v22 =	vld [tilespmem:s22+$0x2050];
	v6 =	vadd.f32 v16, v6;
	v16 =	vshll.u32 v23, $0x10  }
0x4c: {  	v3 =	vadd.f32 v23, v3;
	v25 =	vld [tilespmem:s22+$0x20C0];
	v2 =	vadd.f32 v16, v2;
	v16 =	vshll.u32 v24, $0x10  }
0x4d: {  	v7 =	vadd.f32 v24, v7;
	v17 =	vld [tilespmem:s22+$0x20D0];
	v6 =	vadd.f32 v16, v6;
	v16 =	vshll.u32 v19, $0x10  }
.Ltmp0:
0x4e: {  	v3 =	vadd.f32 v19, v3;
	v18 =	vld [tilespmem:s22+$0x2140];
	v2 =	vadd.f32 v16, v2;
	v16 =	vshll.u32 v20, $0x10;
	(pc) =	sbr.rel @p0 .LBB2_4-.Ltmp0, $4  }
0x4f: {  	v7 =	vadd.f32 v20, v7;
	v23 =	vshll.u32 v21, $0x10;
	v19 =	vld [tilespmem:s22+$0x2150];
	v6 =	vadd.f32 v16, v6  }
0x50: {  	v21 =	vadd.f32 v21, v13;
	v20 =	vadd.f32 v23, v12;
	v12 =	vshll.u32 v22, $0x10;
	v13 =	vld [tilespmem:s22+$0x21C0]  }
0x51: {  	v12 =	vadd.f32 v12, v14;
	v14 =	vadd.f32 v22, v15;
	v22 =	vshll.u32 v25, $0x10;
	v15 =	vld [tilespmem:s22+$0x21D0]  }
0x52: {  	s21 =	sadd.s32 $0x800, s21;
	v21 =	vadd.f32 v25, v21;
	v16 =	vld [tilespmem:s22+$0x2060];
	v20 =	vadd.f32 v22, v20;
	v22 =	vshll.u32 v17, $0x10  }
0x53: {  	v23 =	vld [tilespmem:s22+$0x2070]  }
0x54: {  	v24 =	vld [tilespmem:s22+$0x20E0]  }
0x55: {  	v25 =	vld [tilespmem:s22+$0x20F0]  }
0x56: {  	v26 =	vld [tilespmem:s22+$0x2160];
	p0 =	seq.s32 s20, $0x1F  }
0x57: {  	v12 =	vadd.f32 v22, v12;
	v14 =	vadd.f32 v17, v14;
	v17 =	vshll.u32 v18, $0x10;
	v22 =	vld [tilespmem:s22+$0x2170];
	s21 =	sshll.u32 @!p0 s20, $0x8  }
0x58: {  	v17 =	vadd.f32 v17, v20;
	v18 =	vadd.f32 v18, v21;
	v20 =	vshll.u32 v19, $0x10;
	v21 =	vld [tilespmem:s22+$0x21E0];
	s21 =	sand.u32 @!p0 $0x3FFFFF00, s21  }
0x59: {  	s23 =	simm.s32 @!p0 $0x68;
	s24 =	simm.s32 @!p0 $0x2000;
	v12 =	vadd.f32 v20, v12;
	v14 =	vadd.f32 v19, v14;
	v19 =	vshll.u32 v13, $0x10;
	v20 =	vld [tilespmem:s22+$0x21F0];
	s22 =	sadd.s32 @!p0 $0x100, s21  }
0x5a: {  	v19 =	vadd.f32 v19, v17;
	v13 =	vadd.f32 v13, v18;
	v17 =	vshll.u32 v15, $0x10;
	[tilespmem:s24], [sflag:$0x1] =	stream.indirect.gather @!p0 [hbm4b:s3+s23], $0x80, s22, s23, $0xb8;
	[tilespmem:$0xA400] =	vst v63  }
0x5b: {  	v12 =	vadd.f32 v17, v12;
	v14 =	vadd.f32 v15, v14;
	v15 =	vshll.u32 v16, $0x10;
	_ =	swait.ge [sflag:s15], $0x3000  }
0x5c: {  	v11 =	vadd.f32 v16, v11;
	v0 =	vadd.f32 v15, v0;
	v15 =	vshll.u32 v23, $0x10;
	[sflag:s15] =	ssyncset.done $0x0  }
0x5d: {  	s22 =	simm.s32 $0x0;
	v10 =	vadd.f32 v23, v10;
	v1 =	vadd.f32 v15, v1;
	v15 =	vshll.u32 v24, $0x10;
	[sflag:s15] =	ssyncadd.s32 $0xFFFFD000  }
0x5e: {  	v11 =	vadd.f32 v24, v11;
	v0 =	vadd.f32 v15, v0;
	v15 =	vshll.u32 v25, $0x10;
	v16 =	vld [tilespmem:s22+$0x5400]  }
0x5f: {  	v10 =	vadd.f32 v25, v10;
	v1 =	vadd.f32 v15, v1;
	v15 =	vshll.u32 v26, $0x10;
	v17 =	vld [tilespmem:s22+$0x5410]  }
0x60: {  	v11 =	vadd.f32 v26, v11;
	v18 =	vld [tilespmem:s22+$0x5480];
	v0 =	vadd.f32 v15, v0;
	v15 =	vshll.u32 v22, $0x10  }
0x61: {  	v1 =	vadd.f32 v15, v1;
	v15 =	vadd.f32 v22, v10;
	v10 =	vshll.u32 v21, $0x10;
	v22 =	vld [tilespmem:s22+$0x5490]  }
0x62: {  	v10 =	vadd.f32 v10, v0;
	v0 =	vadd.f32 v21, v11;
	v11 =	vshll.u32 v20, $0x10;
	v21 =	vld [tilespmem:s22+$0x5500]  }
0x63: {  	v11 =	vadd.f32 v11, v1;
	v1 =	vadd.f32 v20, v15;
	v20 =	vld [tilespmem:s22+$0x5510];
	v15 =	vshll.u32 v16, $0x10  }
0x64: {  	v5 =	vadd.f32 v16, v5;
	v16 =	vld [tilespmem:s22+$0x5580];
	v4 =	vadd.f32 v15, v4;
	v15 =	vshll.u32 v17, $0x10  }
0x65: {  	v9 =	vadd.f32 v17, v9;
	v17 =	vld [tilespmem:s22+$0x5590];
	v8 =	vadd.f32 v15, v8;
	v15 =	vshll.u32 v18, $0x10  }
0x66: {  	v23 =	vld [tilespmem:s22+$0x5420];
	v5 =	vadd.f32 v18, v5;
	v4 =	vadd.f32 v15, v4;
	v15 =	vshll.u32 v22, $0x10  }
0x67: {  	v18 =	vld [tilespmem:s22+$0x5430];
	v9 =	vadd.f32 v22, v9;
	v8 =	vadd.f32 v15, v8;
	v15 =	vshll.u32 v21, $0x10  }
0x68: {  	v22 =	vld [tilespmem:s22+$0x54A0];
	v5 =	vadd.f32 v21, v5;
	v4 =	vadd.f32 v15, v4;
	v15 =	vshll.u32 v20, $0x10  }
0x69: {  	v21 =	vld [tilespmem:s22+$0x54B0];
	v20 =	vadd.f32 v20, v9;
	v15 =	vadd.f32 v15, v8;
	v8 =	vshll.u32 v16, $0x10  }
0x6a: {  	v61 =	vld [tilespmem:s22+$0x5520];
	v8 =	vadd.f32 v8, v4;
	v4 =	vadd.f32 v16, v5;
	v5 =	vshll.u32 v17, $0x10  }
0x6b: {  	v62 =	vld [tilespmem:s22+$0x5530];
	v3 =	vadd.f32 v23, v3;
	v16 =	vshll.u32 v23, $0x10;
	v9 =	vadd.f32 v5, v15  }
0x6c: {  	v5 =	vadd.f32 v17, v20;
	v2 =	vadd.f32 v16, v2;
	v15 =	vshll.u32 v18, $0x10;
	v20 =	vld [tilespmem:s22+$0x55A0]  }
0x6d: {  	v7 =	vadd.f32 v18, v7;
	v23 =	vld [tilespmem:s22+$0x55B0];
	v6 =	vadd.f32 v15, v6;
	v15 =	vshll.u32 v22, $0x10  }
0x6e: {  	v63 =	vld [tilespmem:s22+$0x5440];
	v3 =	vadd.f32 v22, v3;
	v2 =	vadd.f32 v15, v2;
	v15 =	vshll.u32 v21, $0x10  }
0x6f: {  	v22 =	vld [tilespmem:s22+$0x5450];
	v7 =	vadd.f32 v21, v7;
	v6 =	vadd.f32 v15, v6;
	v15 =	vshll.u32 v61, $0x10  }
0x70: {  	v27 =	vld [tilespmem:s22+$0x54C0];
	v3 =	vadd.f32 v61, v3;
	v2 =	vadd.f32 v15, v2;
	v15 =	vshll.u32 v62, $0x10  }
0x71: {  	v16 =	vld [tilespmem:s22+$0x54D0];
	v21 =	vadd.f32 v62, v7;
	v15 =	vadd.f32 v15, v6;
	v6 =	vshll.u32 v20, $0x10  }
0x72: {  	v17 =	vld [tilespmem:s22+$0x5540];
	v6 =	vadd.f32 v6, v2;
	v2 =	vadd.f32 v20, v3;
	v3 =	vshll.u32 v23, $0x10  }
0x73: {  	v18 =	vld [tilespmem:s22+$0x5550];
	v20 =	vshll.u32 v63, $0x10;
	v7 =	vadd.f32 v3, v15;
	v3 =	vadd.f32 v23, v21  }
0x74: {  	v21 =	vadd.f32 v20, v19;
	v23 =	vadd.f32 v63, v13;
	v15 =	vshll.u32 v22, $0x10;
	v13 =	vld [tilespmem:s22+$0x55C0]  }
0x75: {  	v20 =	vadd.f32 v15, v12;
	v12 =	vadd.f32 v22, v14;
	v14 =	vshll.u32 v27, $0x10;
	v15 =	vld [tilespmem:s22+$0x55D0]  }
0x76: {  	s23 =	simm.s32 $0x800;
	v19 =	vld [tilespmem:s22+$0x5460];
	v22 =	vshll.u32 v16, $0x10;
	v21 =	vadd.f32 v14, v21;
	v14 =	vadd.f32 v27, v23  }
.LBB2_6:
0x77: {  	p1 =	sne.s32 s23, $0xB800;
	v23 =	vld [tilespmem:s22+$0x5470];
	v20 =	vadd.f32 v22, v20;
	v12 =	vadd.f32 v16, v12;
	v16 =	vshll.u32 v17, $0x10  }
0x78: {  	v22 =	vld [tilespmem:s22+$0x54E0];
	v16 =	vadd.f32 v16, v21;
	v14 =	vadd.f32 v17, v14;
	v17 =	vshll.u32 v18, $0x10  }
0x79: {  	v21 =	vld [tilespmem:s22+$0x54F0];
	v17 =	vadd.f32 v17, v20;
	v18 =	vadd.f32 v18, v12;
	v12 =	vshll.u32 v13, $0x10  }
0x7a: {  	v20 =	vld [tilespmem:s22+$0x5560];
	v12 =	vadd.f32 v12, v16;
	v13 =	vadd.f32 v13, v14;
	v14 =	vshll.u32 v15, $0x10  }
0x7b: {  	v16 =	vshll.u32 v19, $0x10;
	v24 =	vld [tilespmem:s22+$0x5570];
	v14 =	vadd.f32 v14, v17;
	v15 =	vadd.f32 v15, v18  }
0x7c: {  	v0 =	vadd.f32 v19, v0;
	v10 =	vadd.f32 v16, v10;
	v16 =	vshll.u32 v23, $0x10;
	v17 =	vld [tilespmem:s22+$0x55E0]  }
0x7d: {  	v1 =	vadd.f32 v23, v1;
	v11 =	vadd.f32 v16, v11;
	v16 =	vshll.u32 v22, $0x10;
	v18 =	vld [tilespmem:s22+$0x55F0];
	s22 =	sshra.s32 s23, $0x2  }
0x7e: {  	v0 =	vadd.f32 v22, v0;
	v19 =	vld [tilespmem:s22+$0x5400];
	v10 =	vadd.f32 v16, v10;
	v16 =	vshll.u32 v21, $0x10  }
0x7f: {  	v1 =	vadd.f32 v21, v1;
	v22 =	vld [tilespmem:s22+$0x5410];
	v11 =	vadd.f32 v16, v11;
	v16 =	vshll.u32 v20, $0x10  }
0x80: {  	v0 =	vadd.f32 v20, v0;
	v21 =	vld [tilespmem:s22+$0x5480];
	v10 =	vadd.f32 v16, v10;
	v16 =	vshll.u32 v24, $0x10  }
0x81: {  	v1 =	vadd.f32 v24, v1;
	v20 =	vld [tilespmem:s22+$0x5490];
	v11 =	vadd.f32 v16, v11;
	v16 =	vshll.u32 v17, $0x10  }
0x82: {  	v0 =	vadd.f32 v17, v0;
	v23 =	vld [tilespmem:s22+$0x5500];
	v10 =	vadd.f32 v16, v10;
	v16 =	vshll.u32 v18, $0x10  }
0x83: {  	v1 =	vadd.f32 v18, v1;
	v17 =	vshll.u32 v19, $0x10;
	v24 =	vld [tilespmem:s22+$0x5510];
	v11 =	vadd.f32 v16, v11  }
0x84: {  	v4 =	vadd.f32 v19, v4;
	v8 =	vadd.f32 v17, v8;
	v16 =	vshll.u32 v22, $0x10;
	v17 =	vld [tilespmem:s22+$0x5580]  }
0x85: {  	v5 =	vadd.f32 v22, v5;
	v9 =	vadd.f32 v16, v9;
	v16 =	vshll.u32 v21, $0x10;
	v18 =	vld [tilespmem:s22+$0x5590]  }
0x86: {  	v4 =	vadd.f32 v21, v4;
	v19 =	vld [tilespmem:s22+$0x5420];
	v8 =	vadd.f32 v16, v8;
	v16 =	vshll.u32 v20, $0x10  }
0x87: {  	v5 =	vadd.f32 v20, v5;
	v21 =	vld [tilespmem:s22+$0x5430];
	v9 =	vadd.f32 v16, v9;
	v16 =	vshll.u32 v23, $0x10  }
0x88: {  	v4 =	vadd.f32 v23, v4;
	v20 =	vld [tilespmem:s22+$0x54A0];
	v8 =	vadd.f32 v16, v8;
	v16 =	vshll.u32 v24, $0x10  }
0x89: {  	v5 =	vadd.f32 v24, v5;
	v22 =	vld [tilespmem:s22+$0x54B0];
	v9 =	vadd.f32 v16, v9;
	v16 =	vshll.u32 v17, $0x10  }
0x8a: {  	v4 =	vadd.f32 v17, v4;
	v23 =	vld [tilespmem:s22+$0x5520];
	v8 =	vadd.f32 v16, v8;
	v16 =	vshll.u32 v18, $0x10  }
0x8b: {  	v5 =	vadd.f32 v18, v5;
	v17 =	vshll.u32 v19, $0x10;
	v24 =	vld [tilespmem:s22+$0x5530];
	v9 =	vadd.f32 v16, v9  }
0x8c: {  	v2 =	vadd.f32 v19, v2;
	v6 =	vadd.f32 v17, v6;
	v16 =	vshll.u32 v21, $0x10;
	v18 =	vld [tilespmem:s22+$0x55A0]  }
0x8d: {  	v3 =	vadd.f32 v21, v3;
	v7 =	vadd.f32 v16, v7;
	v16 =	vshll.u32 v20, $0x10;
	v19 =	vld [tilespmem:s22+$0x55B0]  }
0x8e: {  	v2 =	vadd.f32 v20, v2;
	v21 =	vld [tilespmem:s22+$0x5440];
	v6 =	vadd.f32 v16, v6;
	v16 =	vshll.u32 v22, $0x10  }
0x8f: {  	v3 =	vadd.f32 v22, v3;
	v25 =	vld [tilespmem:s22+$0x5450];
	v7 =	vadd.f32 v16, v7;
	v16 =	vshll.u32 v23, $0x10  }
0x90: {  	v2 =	vadd.f32 v23, v2;
	v22 =	vld [tilespmem:s22+$0x54C0];
	v6 =	vadd.f32 v16, v6;
	v17 =	vshll.u32 v24, $0x10  }
0x91: {  	v3 =	vadd.f32 v24, v3;
	v16 =	vld [tilespmem:s22+$0x54D0];
	v7 =	vadd.f32 v17, v7;
	v20 =	vshll.u32 v18, $0x10  }
.Ltmp1:
0x92: {  	v2 =	vadd.f32 v18, v2;
	v17 =	vld [tilespmem:s22+$0x5540];
	v6 =	vadd.f32 v20, v6;
	v20 =	vshll.u32 v19, $0x10;
	(pc) =	sbr.rel @p1 .LBB2_6-.Ltmp1, $4  }
0x93: {  	v3 =	vadd.f32 v19, v3;
	v23 =	vshll.u32 v21, $0x10;
	v18 =	vld [tilespmem:s22+$0x5550];
	v7 =	vadd.f32 v20, v7  }
0x94: {  	v24 =	vadd.f32 v21, v13;
	v23 =	vadd.f32 v23, v12;
	v12 =	vshll.u32 v25, $0x10;
	v13 =	vld [tilespmem:s22+$0x55C0]  }
0x95: {  	v20 =	vadd.f32 v12, v14;
	v12 =	vadd.f32 v25, v15;
	v14 =	vshll.u32 v22, $0x10;
	v15 =	vld [tilespmem:s22+$0x55D0]  }
0x96: {  	s23 =	sadd.s32 $0x800, s23;
	v19 =	vld [tilespmem:s22+$0x5460];
	v21 =	vadd.f32 v14, v23;
	v14 =	vadd.f32 v22, v24;
	v22 =	vshll.u32 v16, $0x10  }
0x97: {  	v23 =	vld [tilespmem:s22+$0x5470]  }
0x98: {  	v24 =	vld [tilespmem:s22+$0x54E0]  }
0x99: {  	v25 =	vld [tilespmem:s22+$0x54F0]  }
0x9a: {  	v26 =	vld [tilespmem:s22+$0x5560]  }
0x9b: {  	v27 =	vld [tilespmem:s22+$0x5570]  }
0x9c: {  	v28 =	vld [tilespmem:s22+$0x55E0]  }
0x9d: {  	v29 =	vld [tilespmem:s22+$0x55F0];
	s21 =	sadd.s32 @!p0 $0x180, s21;
	s22 =	simm.s32 @!p0 $0x60  }
0x9e: {  	s23 =	simm.s32 @!p0 $0x5400;
	s30 =	sshll.u32 s20, $0x8;
	s31 =	sshll.u32 s20, $0x7  }
0x9f: {  	[tilespmem:s23], [sflag:$0x2] =	stream.indirect.gather @!p0 [hbm4b:s3+s22], $0x80, s21, s22, $0xb8;
	[tilespmem:$0xA400] =	vst v63  }
0xa0: {  	s21 =	sand.u32 $0x1800, s30;
	s22 =	sand.u32 $0x380, s31  }
0xa1: {  	s21 =	sor.u32 s22, s21  }
0xa2: {  	v30 =	vshll.u32 v17, $0x10;
	v20 =	vadd.f32 v22, v20;
	v59 =	vadd.f32 v16, v12;
	[tilespmem:s21+$0x8400] =	vst v8  }
0xa3: {  	v21 =	vadd.f32 v30, v21;
	v49 =	vshll.u32 v18, $0x10;
	v60 =	vadd.f32 v17, v14;
	[tilespmem:s21+$0x8410] =	vst v9  }
0xa4: {  	v20 =	vadd.f32 v49, v20;
	v52 =	vshll.u32 v13, $0x10;
	v61 =	vadd.f32 v18, v59;
	[tilespmem:s21+$0x8420] =	vst v6  }
0xa5: {  	v21 =	vadd.f32 v52, v21;
	v55 =	vshll.u32 v15, $0x10;
	[tilespmem:s21+$0x8430] =	vst v7;
	v62 =	vadd.f32 v13, v60  }
0xa6: {  	[tilespmem:s21+$0x8800] =	vst v4;
	v48 =	vshll.u32 v19, $0x10;
	v0 =	vadd.f32 v19, v0;
	v63 =	vadd.f32 v15, v61  }
0xa7: {  	[tilespmem:s21+$0x8810] =	vst v5;
	v10 =	vadd.f32 v48, v10;
	v50 =	vshll.u32 v23, $0x10;
	v1 =	vadd.f32 v23, v1  }
0xa8: {  	[tilespmem:s21+$0x8820] =	vst v2;
	v51 =	vshll.u32 v24, $0x10;
	v11 =	vadd.f32 v50, v11;
	v0 =	vadd.f32 v24, v0  }
0xa9: {  	[tilespmem:s21+$0x8830] =	vst v3;
	v53 =	vshll.u32 v25, $0x10;
	v10 =	vadd.f32 v51, v10;
	v1 =	vadd.f32 v25, v1  }
0xaa: {  	v54 =	vshll.u32 v26, $0x10;
	[tilespmem:s21+$0x8440] =	vst v21;
	v8 =	vadd.f32 v53, v11;
	v0 =	vadd.f32 v26, v0  }
0xab: {  	s20 =	sadd.s32 $0x1, s20;
	v56 =	vshll.u32 v27, $0x10;
	[tilespmem:s21+$0x8840] =	vst v62;
	v9 =	vadd.f32 v54, v10;
	v10 =	vadd.f32 v55, v20  }
0xac: {  	p0 =	sne.s32 s20, $0x20;
	v57 =	vshll.u32 v28, $0x10;
	[tilespmem:s21+$0x8850] =	vst v63;
	v1 =	vadd.f32 v27, v1;
	v0 =	vadd.f32 v28, v0  }
.Ltmp2:
0xad: {  	v6 =	vadd.f32 v56, v8;
	v7 =	vadd.f32 v57, v9;
	[tilespmem:s21+$0x8450] =	vst v10;
	(pc) =	sbr.rel @p0 .LBB2_3-.Ltmp2, $4  }
0xae: {  	v58 =	vshll.u32 v29, $0x10;
	v1 =	vadd.f32 v29, v1;
	[tilespmem:s21+$0x8860] =	vst v0  }
0xaf: {  	v6 =	vadd.f32 v58, v6;
	[tilespmem:s21+$0x8460] =	vst v7  }
0xb0: {  	[tilespmem:s21+$0x8870] =	vst v1  }
0xb1: {  	[tilespmem:s21+$0x8470] =	vst v6  }
0xb2: {  	s18 =	sadd.s32 $0x1, s18  }
0xb3: {  	p0 =	sne.s32 s18, $0x4  }
.Ltmp3:
0xb4: {  	s19 =	sadd.s32 s5, s19;
	(pc) =	sbr.rel @p0 .LBB2_2-.Ltmp3, $4  }
0xb5: {  	[hbm4b:s19+s1] =	stream.linear.scatter [tilespmem:s16], [sflag:$0x3], $0x2000, $0x38;
	[tilespmem:$0xA400] =	vst v63  }
0xb6: {  	_ =	swait.ge [sflag:s8], $0x2000  }
0xb7: {  	[sflag:s8] =	ssyncset.done $0x0  }
0xb8: {  	[sflag:s8] =	ssyncadd.s32 $0xFFFFE000  }
0xb9: {  	s17 =	sadd.s32 $0x1, s17  }
0xba: {  	p0 =	sne.s32 s17, s7  }
.Ltmp4:
0xbb: {  	_ = 	snop;
	(pc) =	sbr.rel @p0 .LBB2_1-.Ltmp4, $1  }
0xbc: {  	_ =	sdelay $0x3  }
0xbd: {  	_ =	sfence.sel $0x180000  }
0xbe: {  	[bflag:$0x0] =	sbarrier.arrive $0xFFFF  }
0xbf: {  	p0 =	sne.s32 s2, $0x0;
	_ =	strace $0x90000047  }
0xc0: {  	s0 =	sadd.s32 @!p0 $0x100000, s0;
	[bflag:$0x2] =	sbarrier.arrive $0xFFFF  }
0xc1: {  	[sflag:s0] =	ssyncadd.tile.s32 @!p0 $0x1;
	_ =	shalt  }
.Lfunc_end2:
_tile_overlayer_lowered:
.L_overlay_start_2:
0xc2: {  	(tag) =	ssettag $0x2  }
0xc3: {  	s0 =	rddreg [dreg:$0x0];
	s2 =	stileid.u32  }
0xc4: {  	s1 =	rddreg [dreg:$0x1];
	p0 =	sne.s32 s2, $0x0  }
0xc5: {  	s3 =	rddreg [dreg:$0x2];
	[bflag:$0x3] =	sbarrier.arrive $0xFFFF;
	s2 =	simm.s32 @!p0 $0x1C03  }
0xc6: {  	[timem:s3], [sflag:s2] =	dma.local @!p0 [hbm:s0], s1  }
0xc7: {  	s0 =	simm.s32 @!p0 $0x3  }
0xc8: {  	_ =	swait.ge @!p0 [sflag:s0], s1  }
0xc9: {  	s1 =	ssub.s32 @!p0 $0x0, s1;
	[sflag:s0] =	ssyncset.done @!p0 $0x0  }
0xca: {  	[sflag:s0] =	ssyncadd.s32 @!p0 s1  }
0xcb: {  	[bflag:$0x3] =	sbarrier.arrive $0xFFFF  }
0xcc: {  	_ =	shalt  }

// kernel: kernel.9.cloned.1.call-start
scs
__scs_entry_jumppad:
0x0: {  	(pc) =	sbr.rel $0x88, $3  }
0x1: {  	(tag) =	ssettag $0x0;
	lr =	simm.s32 $0x1  }
0x2: {  	[smem:$0x3F99] =	sst lr;
	_ =	strace $0xD0000000  }
0x3: {  	_ = 	snop  }
0x4: {  	_ = 	snop  }
0x5: {  	_ = 	snop  }
0x6: {  	_ = 	snop  }
0x7: {  	_ = 	snop  }
__scs_overlays_trampoline_lowered:
0x8: {  	[smem:$0x3FA8] =	sst s0  }
0x9: {  	[smem:$0x3FA9] =	sst s1  }
0xa: {  	[smem:$0x3FAA] =	sst s2  }
0xb: {  	[smem:$0x3FAB] =	sst s3  }
0xc: {  	[smem:$0x3FAC] =	sst s4  }
0xd: {  	[smem:$0x3FAD] =	sst s5  }
0xe: {  	[smem:$0x3FAE] =	sst s6  }
0xf: {  	[smem:$0x3FAF] =	sst s7  }
0x10: {  	[smem:$0x3FB0] =	sst s8  }
0x11: {  	[smem:$0x3FB1] =	sst s9;
	s0 =	simm.s32 @!p0 $0x0  }
0x12: {  	s1 =	sld [smem:$0x3F97];
	s0 =	simm.s32 @p0 $0x1  }
0x13: {  	[smem:$0x3FB2] =	sst s0;
	s0 =	simm.s32 @!p1 $0x0  }
0x14: {  	s2 =	sld [smem:$0x3F96];
	s0 =	simm.s32 @p1 $0x1  }
0x15: {  	[smem:$0x3FB3] =	sst s0;
	s0 =	simm.s32 @!p2 $0x0  }
0x16: {  	s3 =	sld [smem:$0x3FDB];
	s0 =	simm.s32 @p2 $0x1  }
0x17: {  	s4 =	simm.s32 $0x1BF5;
	[smem:$0x3FB5] =	sst s0  }
0x18: {  	s0 =	sld [smem:$0x3F98];
	_ =	swait.ge [sflag:s4], $0x0  }
0x19: {  	s7 =	sld [smem:$0x3F99]  }
0x1a: {  	s8 =	sadd.s32 $0xFFFFE003, lr  }
0x1b: {  	s9 =	sadd.s32 $0xFFFFFEF7, lr;
	s5 =	simm.s32 $0xFFFFFFFF;
	p2 =	slt.u32 s8, $0xFFFFF086  }
0x1c: {  	p1 =	slt.u32 s9, $0xF7A;
	s5 =	simm.s32 @!p2 $0x0  }
0x1d: {  	s5 =	simm.s32 @p1 $0x1;
	p0 =	seq.s32 s7, s2  }
0x1e: {  	s7 =	smul.u32 @!p0 $0xF7A, s2;
	p2 =	seq.s32 @!p0 s5, $0x0  }
0x1f: {  	s9 =	smul.u32 $0xF7A, s1;
	s8 =	simm.s32 @!p0 $0x1BF5;
	p2 =	por !p2, p0  }
0x20: {  	[sflag:s8] =	ssyncset.s32 @!p0 $0xFFFFF086;
	s6 =	sadd.s32 @!p0 s3, s7;
	s7 =	simm.s32 @!p0 $0x108  }
0x21: {  	s3 =	sadd.s32 s3, s9;
	s6 =	sadd.s32 @!p0 $0x88, s6;
	s7 =	simm.s32 @p2 $0x1082  }
0x22: {  	[simem:s7], [sflag:s8] =	dma.local @!p0 [hbm:s6], $0xF7A  }
0x23: {  	s9 =	sor.u32 $0xD0000000, s2;
	s6 =	simm.s32 $0x108;
	_ =	swait.ge @!p0 [sflag:s8], $0x0  }
0x24: {  	s3 =	sadd.s32 $0x88, s3;
	s6 =	simm.s32 @!p1 $0x1082;
	[sflag:s4] =	ssyncset.s32 $0xFFFFF086  }
0x25: {  	[simem:s6], [sflag:s4] =	dma.local [hbm:s3], $0xF7A  }
0x26: {  	[smem:$0x3F99] =	sst s1;
	(tag) =	ssettag s2;
	_ =	strace s9  }
0x27: {  	s1 =	sld [smem:$0x3FA9]  }
0x28: {  	s2 =	sld [smem:$0x3FAA]  }
0x29: {  	s4 =	sld [smem:$0x3FAC]  }
0x2a: {  	p0 =	seq.s32 s5, $0x0;
	s5 =	sld [smem:$0x3FAD]  }
0x2b: {  	s6 =	sld [smem:$0x3FAE]  }
0x2c: {  	s7 =	sld [smem:$0x3FAF]  }
0x2d: {  	s3 =	simm.s32 $0x108;
	s8 =	sld [smem:$0x3FB0]  }
0x2e: {  	s3 =	simm.s32 @!p0 $0x1082;
	s9 =	sld [smem:$0x3FB1]  }
0x2f: {  	lr =	sadd.s32 s0, s3;
	s0 =	sld [smem:$0x3FA8]  }
0x30: {  	s3 =	sld [smem:$0x3FAB]  }
0x31: {  	[smem:$0x3FB4] =	sst s10  }
0x32: {  	s10 =	sld [smem:$0x3FB2];
	_ =	sdelay $0x3  }
0x33: {  	p0 =	seq.s32 s10, $0x1;
	s10 =	sld [smem:$0x3FB4];
	_ =	sdelay $0x3  }
0x34: {  	[smem:$0x3FB4] =	sst s10  }
0x35: {  	s10 =	sld [smem:$0x3FB3];
	_ =	sdelay $0x3  }
0x36: {  	p1 =	seq.s32 s10, $0x1;
	s10 =	sld [smem:$0x3FB4];
	_ =	sdelay $0x3  }
0x37: {  	[smem:$0x3FB4] =	sst s10  }
0x38: {  	s10 =	sld [smem:$0x3FB5]  }
0x39: {  	_ = 	snop;
	(pc) =	sbr.ind lr, $3  }
0x3a: {  	_ = 	snop  }
0x3b: {  	_ = 	snop  }
0x3c: {  	p2 =	seq.s32 s10, $0x1;
	s10 =	sld [smem:$0x3FB4]  }
0x3d: {  	_ =	shalt  }
0x3e: {  	_ =	shalt  }
0x3f: {  	_ =	shalt  }
0x40: {  	_ =	shalt  }
0x41: {  	_ =	shalt  }
0x42: {  	_ =	shalt  }
0x43: {  	_ =	shalt  }
0x44: {  	_ =	shalt  }
0x45: {  	_ =	shalt  }
0x46: {  	_ =	shalt  }
0x47: {  	_ =	shalt  }
0x48: {  	_ =	shalt  }
0x49: {  	_ =	shalt  }
0x4a: {  	_ =	shalt  }
0x4b: {  	_ =	shalt  }
0x4c: {  	_ =	shalt  }
0x4d: {  	_ =	shalt  }
0x4e: {  	_ =	shalt  }
0x4f: {  	_ =	shalt  }
0x50: {  	_ =	shalt  }
0x51: {  	_ =	shalt  }
0x52: {  	_ =	shalt  }
0x53: {  	_ =	shalt  }
0x54: {  	_ =	shalt  }
0x55: {  	_ =	shalt  }
0x56: {  	_ =	shalt  }
0x57: {  	_ =	shalt  }
0x58: {  	_ =	shalt  }
0x59: {  	_ =	shalt  }
0x5a: {  	_ =	shalt  }
0x5b: {  	_ =	shalt  }
0x5c: {  	_ =	shalt  }
0x5d: {  	_ =	shalt  }
0x5e: {  	_ =	shalt  }
0x5f: {  	_ =	shalt  }
0x60: {  	_ =	shalt  }
0x61: {  	_ =	shalt  }
0x62: {  	_ =	shalt  }
0x63: {  	_ =	shalt  }
0x64: {  	_ =	shalt  }
0x65: {  	_ =	shalt  }
0x66: {  	_ =	shalt  }
0x67: {  	_ =	shalt  }
0x68: {  	_ =	shalt  }
0x69: {  	_ =	shalt  }
0x6a: {  	_ =	shalt  }
0x6b: {  	_ =	shalt  }
0x6c: {  	_ =	shalt  }
0x6d: {  	_ =	shalt  }
0x6e: {  	_ =	shalt  }
0x6f: {  	_ =	shalt  }
0x70: {  	_ =	shalt  }
0x71: {  	_ =	shalt  }
0x72: {  	_ =	shalt  }
0x73: {  	_ =	shalt  }
0x74: {  	_ =	shalt  }
0x75: {  	_ =	shalt  }
0x76: {  	_ =	shalt  }
0x77: {  	_ =	shalt  }
0x78: {  	_ =	shalt  }
0x79: {  	_ =	shalt  }
0x7a: {  	_ =	shalt  }
0x7b: {  	_ =	shalt  }
0x7c: {  	_ =	shalt  }
0x7d: {  	_ =	shalt  }
0x7e: {  	_ =	shalt  }
0x7f: {  	_ =	shalt  }
0x80: {  	_ =	shalt  }
0x81: {  	_ =	shalt  }
0x82: {  	_ =	shalt  }
0x83: {  	_ =	shalt  }
0x84: {  	_ =	shalt  }
0x85: {  	_ =	shalt  }
0x86: {  	_ =	shalt  }
0x87: {  	_ =	shalt  }
.Lfunc_end0:
.L_simem_size_0:
called_computation_lowered:
.L_overlay_start_0:
0x88: {  	s2 =	sld [smem:$0x3FD9]  }
0x89: {  	s3 =	sld [smem:$0x3FFE];
	_ =	sdelay $0x1  }
0x8a: {  	s1 =	srdreg.scid  }
0x8b: {  	s0 =	sand.u32 $0x1, s1  }
0x8c: {  	s17 =	sshll.u32 s0, $0xA;
	s2 =	sadd.s32 s3, s2  }
0x8d: {  	s2 =	sadd.s32 s2, s17  }
0x8e: {  	[smem:$0x3FC0] =	sst s2  }
0x8f: {  	_ = 	snop  }
0x90: {  	(tm) =	ssettm $0x1  }
0x91: {  	s18 =	sld [smem:$0x3FFB];
	_ =	sdelay $0x3  }
0x92: {  	_ =	strace s18  }
0x93: {  	s2 =	sld [smem:$0x3FFC];
	_ =	sdelay $0x3  }
0x94: {  	_ =	strace s2  }
0x95: {  	s2 =	sld [smem:$0x3FFD];
	_ =	sdelay $0x3  }
0x96: {  	_ =	strace s2  }
0x97: {  	_ =	strace $0x8FFFFFFF  }
0x98: {  	s19 =	sld [smem:$0x3FDB];
	_ =	sdelay $0x1  }
0x99: {  	s20 =	simm.s32 $_scs_section_size  }
0x9a: {  	s4 =	simm.s32 $_size__tile_overlayer_lowered;
	s5 =	simm.s32 $_tile_overlayer_lowered  }
0x9b: {  	s6 =	simm.s32 $0x1BFF;
	s21 =	sshll.u32 s5, $0x1;
	s3 =	sadd.s32 s20, s19  }
0x9c: {  	s22 =	simm.s32 $0x0;
	s4 =	sshll.u32 s4, $0x1;
	s5 =	sadd.s32 s21, s3  }
0x9d: {  	[timem:s22], [sflag:s6] =	dma.local [hbm:s5], s4  }
0x9e: {  	_ =	swait.ge [sflag:s6], s4  }
0x9f: {  	s4 =	ssub.s32 $0x0, s4;
	[sflag:s6] =	ssyncset.done $0x0  }
0xa0: {  	[sflag:s6] =	ssyncadd.s32 s4;
	_ =	sdelay $0x1  }
0xa1: {  	s23 =	simm.s32 $0x1B8B  }
0xa2: {  	_ =	swait.ge [sflag:s23], $0x1  }
0xa3: {  	[sflag:s23] =	ssyncset.done $0x0  }
0xa4: {  	[sflag:s23] =	ssyncadd.s32 $0xFFFFFFFF  }
0xa5: {  	s4 =	sld [smem:$0x0]  }
0xa6: {  	s5 =	sand.u32 $0xFFFFFFFE, s1  }
0xa7: {  	p0 =	sne.s32 s1, s5  }
0xa8: {  	s5 =	sshll.u32 @p0 s5, $0xE  }
0xa9: {  	s5 =	sadd.s32 @p0 $0x11B8D, s5;
	s6 =	sshll.u32 @p0 s4, $0x11  }
0xaa: {  	s5 =	sor.u32 @p0 s6, s5  }
0xab: {  	[sflag:s5] =	ssyncadd.remote.s32 @p0 $0x1;
	_ =	sdelay $0x1  }
0xac: {  	s5 =	simm.s32 @p0 $0x1B8D  }
0xad: {  	_ =	swait.eq @p0 [sflag:s5], $0x1  }
0xae: {  	[sflag:s5] =	ssyncadd.s32 @p0 $0xFFFFFFFF  }
0xaf: {  	s6 =	sshll.u32 @!p0 s1, $0xE  }
0xb0: {  	s6 =	sor.u32 @!p0 $0x4000, s6;
	s5 =	simm.s32 @!p0 $0x1B8D  }
0xb1: {  	s4 =	sshll.u32 @!p0 s4, $0x11;
	s6 =	sadd.s32 @!p0 $0x11B8D, s6;
	_ =	swait.eq @!p0 [sflag:s5], $0x1  }
0xb2: {  	s4 =	sor.u32 @!p0 s4, s6;
	[sflag:s5] =	ssyncadd.s32 @!p0 $0xFFFFFFFF  }
0xb3: {  	s25 =	simm.s32 $0x1B8E;
	s24 =	sld [smem:$0x3FFE];
	[sflag:s4] =	ssyncadd.remote.s32 @!p0 $0x1  }
0xb4: {  	s26 =	simm.s32 $execute0_lowered;
	[smem:$0x3FD2] =	sst s25  }
0xb5: {  	s5 =	sshll.u32 s26, $0x1;
	_ =	strace $0x80000049;
	[dreg:$0x1] =	wrdreg $0xFFFFFFFF  }
0xb6: {  	s28 =	simm.s32 $_size_execute0_lowered;
	s3 =	sadd.s32 s3, s5;
	[dreg:$0x0] =	wrdreg $0x0  }
0xb7: {  	s5 =	sshll.u32 s28, $0x1;
	[dreg:$0x2] =	wrdreg s3  }
0xb8: {  	[dreg:$0x3] =	wrdreg s5  }
0xb9: {  	[dreg:$0x4] =	wrdreg $0xC0  }
0xba: {  	_ =	task [dreg:s22], $0x5FFFF  }
0xbb: {  	[dreg:$0x1] =	wrdreg $0xFFFFFFFF  }
0xbc: {  	[dreg:$0x0] =	wrdreg $0x60  }
0xbd: {  	[dreg:$0x2] =	wrdreg s24  }
0xbe: {  	[dreg:$0x3] =	wrdreg $0x9  }
0xbf: {  	_ =	task.clear_ibuf [dreg:s22], $0x4FFFF;
	_ =	strace $0x90000049  }
0xc0: {  	s29 =	simm.s32 $0x9;
	_ =	strace $0x8000004B  }
0xc1: {  	_ =	swait.ge [sflag:s29], $0x1  }
0xc2: {  	[sflag:s29] =	ssyncadd.s32 $0xFFFFFFFF  }
0xc3: {  	_ =	strace $0x9000004B  }
0xc4: {  	_ =	sfence  }
0xc5: {  	s30 =	sld [smem:$0x0];
	_ =	sdelay $0x2  }
0xc6: {  	s31 =	sshll.u32 s1, $0xD;
	s1 =	sshrl.u32 s1, $0x2  }
0xc7: {  	s4 =	sand.u32 $0x4000, s31;
	s1 =	sadd.s32 s1, s30  }
0xc8: {  	s0 =	sor.u32 s4, s0;
	s1 =	sshll.u32 s1, $0x11  }
0xc9: {  	s0 =	sor.u32 s1, s0  }
0xca: {  	s0 =	sadd.s32 $0x8F2B, s0  }
0xcb: {  	[sflag:s0] =	ssyncadd.remote.s32 $0x1  }
0xcc: {  	_ =	sfence.sel $0xFFFF  }
0xcd: {  	[dreg:$0x0] =	wrdreg $0xFFFFFFFF;
	(pc) =	sbr.abs _section_cstart, $3  }
0xce: {  	[dreg:$0x1] =	wrdreg $0xFFFFFFFF  }
0xcf: {  	_ =	task.clear_ibuf [dreg:s22], $0x2FFFF;
	_ =	strace $0x9FFFFFFF  }
0xd0: {  	(tm) =	ssettm $0x7FFFFFFF  }
0xd1: {  	_ =	shalt  }
tec
execute0_lowered:
.L_overlay_start_1:
0x0: {  	(tag) =	ssettag $0x1  }
0x1: {  	s2 =	rddreg [dreg:$0x0]  }
0x2: {  	s0 =	rddreg [dreg:$0x1];
	s1 =	simm.s32 $0x0;
	s3 =	srdreg.scid  }
0x3: {  	s9 =	simm.s32 $0x68;
	s10 =	simm.s32 $0x2000;
	s11 =	simm.s32 $0x60  }
0x4: {  	s12 =	simm.s32 $0x80;
	s13 =	simm.s32 $0x5400;
	s14 =	simm.s32 $0x1  }
0x5: {  	s15 =	simm.s32 $0x2;
	s16 =	simm.s32 $0x8400;
	s17 =	simm.s32 $0x0  }
0x6: {  	[smem:$0x7FF] =	sst s1;
	s6 =	sand.u32 $0x1, s3;
	s3 =	sadd.s32 $0x233400, s2  }
0x7: {  	s4 =	sadd.s32 $0x8A00, s2;
	s5 =	sadd.s32 $0x28A00, s2;
	s7 =	ssub.s32 $0x2, s6  }
0x8: {  	s2 =	stileid.u32;
	_ =	strace $0x8000004A;
	s8 =	sshrl.u32 s7, $0x1  }
0x9: {  	s31 =	sshll.u32 s2, $0xD;
	s6 =	sshll.u32 s6, $0xC;
	s7 =	ssub.s32 s7, s8  }
0xa: {  	s6 =	sor.u32 s6, s31;
	s8 =	simm.s32 $0x3;
	s7 =	smax.u32 s7, $0x1  }
.LBB2_1:
0xb: {  	s18 =	simm.s32 $0x0  }
.LBB2_2:
0xc: {  	s19 =	sshll.u32 s18, $0xA  }
0xd: {  	s19 =	sadd.s32 s6, s19  }
0xe: {  	s20 =	simm.s32 $0x0;
	s21 =	sadd.s32 s4, s19  }
0xf: {  	[tilespmem:s20], [sflag:$0x3] =	stream.linear.gather [hbm4b:s21+s20], $0x2000, $0x38;
	[tilespmem:$0xA400] =	vst v63  }
0x10: {  	_ =	swait.ge [sflag:s8], $0x2000  }
0x11: {  	[sflag:s8] =	ssyncset.done $0x0  }
0x12: {  	[sflag:s8] =	ssyncadd.s32 $0xFFFFE000  }
0x13: {  	[tilespmem:s10], [sflag:$0x1] =	stream.indirect.gather [hbm4b:s3+s9], $0x80, s20, s9, $0xb8;
	[tilespmem:$0xA400] =	vst v63  }
0x14: {  	_ = 	snop  }
0x15: {  	[tilespmem:s13], [sflag:$0x2] =	stream.indirect.gather [hbm4b:s3+s11], $0x80, s12, s11, $0xb8;
	[tilespmem:$0xA400] =	vst v63  }
.LBB2_3:
0x16: {  	_ =	swait.ge [sflag:s14], $0x3400  }
0x17: {  	[sflag:s14] =	ssyncset.done $0x0  }
0x18: {  	s22 =	simm.s32 $0x0;
	[sflag:s14] =	ssyncadd.s32 $0xFFFFCC00  }
0x19: {  	v1 =	vld [tilespmem:s22+$0x2000]  }
0x1a: {  	v2 =	vld [tilespmem:s22+$0x2010]  }
0x1b: {  	v3 =	vld [tilespmem:s22+$0x2080]  }
0x1c: {  	v4 =	vld [tilespmem:s22+$0x2090]  }
0x1d: {  	v5 =	vld [tilespmem:s22+$0x2100]  }
0x1e: {  	v0 =	vimm.f32 $0.0e+00;
	v7 =	vld [tilespmem:s22+$0x2110];
	v6 =	vshll.u32 v1, $0x10  }
0x1f: {  	v9 =	vld [tilespmem:s22+$0x2180];
	v1 =	vadd.f32 v1, v0;
	v8 =	vshll.u32 v2, $0x10;
	v6 =	vadd.f32 v6, v0  }
0x20: {  	v12 =	vld [tilespmem:s22+$0x2020];
	v2 =	vadd.f32 v2, v0;
	v10 =	vshll.u32 v3, $0x10;
	v8 =	vadd.f32 v8, v0  }
0x21: {  	v11 =	vld [tilespmem:s22+$0x2190];
	v1 =	vadd.f32 v3, v1;
	v3 =	vshll.u32 v4, $0x10;
	v6 =	vadd.f32 v10, v6  }
0x22: {  	v2 =	vadd.f32 v4, v2;
	v4 =	vshll.u32 v5, $0x10;
	v10 =	vld [tilespmem:s22+$0x2030];
	v3 =	vadd.f32 v3, v8  }
0x23: {  	v13 =	vld [tilespmem:s22+$0x20A0];
	v1 =	vadd.f32 v5, v1;
	v5 =	vshll.u32 v7, $0x10;
	v4 =	vadd.f32 v4, v6  }
0x24: {  	v2 =	vadd.f32 v7, v2;
	v6 =	vld [tilespmem:s22+$0x20B0];
	v3 =	vadd.f32 v5, v3;
	v5 =	vshll.u32 v9, $0x10  }
0x25: {  	v14 =	vshll.u32 v12, $0x10;
	v7 =	vld [tilespmem:s22+$0x2120];
	v4 =	vadd.f32 v5, v4;
	v5 =	vadd.f32 v9, v1  }
0x26: {  	v15 =	vld [tilespmem:s22+$0x2130];
	v1 =	vshll.u32 v11, $0x10;
	v9 =	vadd.f32 v11, v2;
	v2 =	vadd.f32 v12, v0  }
0x27: {  	v11 =	vld [tilespmem:s22+$0x21A0];
	v8 =	vadd.f32 v1, v3;
	v1 =	vadd.f32 v14, v0;
	v3 =	vshll.u32 v10, $0x10  }
0x28: {  	v12 =	vshll.u32 v13, $0x10;
	v10 =	vadd.f32 v10, v0;
	v14 =	vld [tilespmem:s22+$0x21B0];
	v3 =	vadd.f32 v3, v0  }
0x29: {  	v16 =	vld [tilespmem:s22+$0x2040];
	v2 =	vadd.f32 v13, v2;
	v1 =	vadd.f32 v12, v1;
	v12 =	vshll.u32 v6, $0x10  }
0x2a: {  	v20 =	vld [tilespmem:s22+$0x2050];
	v6 =	vadd.f32 v6, v10;
	v10 =	vshll.u32 v7, $0x10;
	v3 =	vadd.f32 v12, v3  }
0x2b: {  	v21 =	vld [tilespmem:s22+$0x20C0];
	v7 =	vadd.f32 v7, v2;
	v2 =	vshll.u32 v15, $0x10;
	v1 =	vadd.f32 v10, v1  }
0x2c: {  	v17 =	vld [tilespmem:s22+$0x20D0];
	v12 =	vadd.f32 v15, v6;
	v10 =	vadd.f32 v2, v3;
	v2 =	vshll.u32 v11, $0x10  }
0x2d: {  	v3 =	vadd.f32 v11, v7;
	v2 =	vadd.f32 v2, v1;
	v1 =	vshll.u32 v14, $0x10  }
0x2e: {  	v18 =	vld [tilespmem:s22+$0x2140];
	v11 =	vshll.u32 v16, $0x10;
	v7 =	vadd.f32 v14, v12;
	v6 =	vadd.f32 v1, v10  }
0x2f: {  	v19 =	vld [tilespmem:s22+$0x2150];
	v1 =	vadd.f32 v11, v0;
	v10 =	vadd.f32 v16, v0;
	v11 =	vshll.u32 v20, $0x10  }
0x30: {  	v13 =	vld [tilespmem:s22+$0x21C0];
	v14 =	vadd.f32 v20, v0;
	v12 =	vadd.f32 v11, v0;
	v11 =	vshll.u32 v21, $0x10  }
0x31: {  	v22 =	vshll.u32 v17, $0x10;
	v15 =	vld [tilespmem:s22+$0x21D0];
	v20 =	vadd.f32 v11, v1;
	v21 =	vadd.f32 v21, v10  }
0x32: {  	s21 =	simm.s32 $0x800;
	v16 =	vld [tilespmem:s22+$0x2060];
	v11 =	vimm.f32 $0.0e+00;
	v1 =	vimm.f32 $0.0e+00;
	v10 =	vimm.f32 $0.0e+00  }
.LBB2_4:
0x33: {  	p0 =	sne.s32 s21, $0xC800;
	v23 =	vld [tilespmem:s22+$0x2070];
	v12 =	vadd.f32 v22, v12;
	v14 =	vadd.f32 v17, v14;
	v17 =	vshll.u32 v18, $0x10  }
0x34: {  	v22 =	vld [tilespmem:s22+$0x20E0];
	v17 =	vadd.f32 v17, v20;
	v18 =	vadd.f32 v18, v21;
	v20 =	vshll.u32 v19, $0x10  }
0x35: {  	v21 =	vld [tilespmem:s22+$0x20F0];
	v20 =	vadd.f32 v20, v12;
	v19 =	vadd.f32 v19, v14;
	v12 =	vshll.u32 v13, $0x10  }
0x36: {  	v24 =	vld [tilespmem:s22+$0x2160];
	v12 =	vadd.f32 v12, v17;
	v13 =	vadd.f32 v13, v18;
	v14 =	vshll.u32 v15, $0x10  }
0x37: {  	v17 =	vshll.u32 v16, $0x10;
	v18 =	vld [tilespmem:s22+$0x2170];
	v14 =	vadd.f32 v14, v20;
	v15 =	vadd.f32 v15, v19  }
0x38: {  	v11 =	vadd.f32 v16, v11;
	v0 =	vadd.f32 v17, v0;
	v16 =	vshll.u32 v23, $0x10;
	v17 =	vld [tilespmem:s22+$0x21E0]  }
0x39: {  	v10 =	vadd.f32 v23, v10;
	v1 =	vadd.f32 v16, v1;
	v16 =	vshll.u32 v22, $0x10;
	v19 =	vld [tilespmem:s22+$0x21F0];
	s22 =	sshra.s32 s21, $0x2  }
0x3a: {  	v11 =	vadd.f32 v22, v11;
	v20 =	vld [tilespmem:s22+$0x2000];
	v0 =	vadd.f32 v16, v0;
	v16 =	vshll.u32 v21, $0x10  }
0x3b: {  	v10 =	vadd.f32 v21, v10;
	v22 =	vld [tilespmem:s22+$0x2010];
	v1 =	vadd.f32 v16, v1;
	v16 =	vshll.u32 v24, $0x10  }
0x3c: {  	v11 =	vadd.f32 v24, v11;
	v21 =	vld [tilespmem:s22+$0x2080];
	v0 =	vadd.f32 v16, v0;
	v16 =	vshll.u32 v18, $0x10  }
0x3d: {  	v10 =	vadd.f32 v18, v10;
	v23 =	vld [tilespmem:s22+$0x2090];
	v1 =	vadd.f32 v16, v1;
	v16 =	vshll.u32 v17, $0x10  }
0x3e: {  	v11 =	vadd.f32 v17, v11;
	v18 =	vld [tilespmem:s22+$0x2100];
	v0 =	vadd.f32 v16, v0;
	v16 =	vshll.u32 v19, $0x10  }
0x3f: {  	v10 =	vadd.f32 v19, v10;
	v17 =	vshll.u32 v20, $0x10;
	v24 =	vld [tilespmem:s22+$0x2110];
	v1 =	vadd.f32 v16, v1  }
0x40: {  	v5 =	vadd.f32 v20, v5;
	v4 =	vadd.f32 v17, v4;
	v16 =	vshll.u32 v22, $0x10;
	v17 =	vld [tilespmem:s22+$0x2180]  }
0x41: {  	v9 =	vadd.f32 v22, v9;
	v8 =	vadd.f32 v16, v8;
	v16 =	vshll.u32 v21, $0x10;
	v19 =	vld [tilespmem:s22+$0x2190]  }
0x42: {  	v5 =	vadd.f32 v21, v5;
	v20 =	vld [tilespmem:s22+$0x2020];
	v4 =	vadd.f32 v16, v4;
	v16 =	vshll.u32 v23, $0x10  }
0x43: {  	v9 =	vadd.f32 v23, v9;
	v21 =	vld [tilespmem:s22+$0x2030];
	v8 =	vadd.f32 v16, v8;
	v16 =	vshll.u32 v18, $0x10  }
0x44: {  	v5 =	vadd.f32 v18, v5;
	v22 =	vld [tilespmem:s22+$0x20A0];
	v4 =	vadd.f32 v16, v4;
	v16 =	vshll.u32 v24, $0x10  }
0x45: {  	v9 =	vadd.f32 v24, v9;
	v18 =	vld [tilespmem:s22+$0x20B0];
	v8 =	vadd.f32 v16, v8;
	v16 =	vshll.u32 v17, $0x10  }
0x46: {  	v5 =	vadd.f32 v17, v5;
	v23 =	vld [tilespmem:s22+$0x2120];
	v4 =	vadd.f32 v16, v4;
	v16 =	vshll.u32 v19, $0x10  }
0x47: {  	v9 =	vadd.f32 v19, v9;
	v17 =	vshll.u32 v20, $0x10;
	v24 =	vld [tilespmem:s22+$0x2130];
	v8 =	vadd.f32 v16, v8  }
0x48: {  	v3 =	vadd.f32 v20, v3;
	v2 =	vadd.f32 v17, v2;
	v16 =	vshll.u32 v21, $0x10;
	v19 =	vld [tilespmem:s22+$0x21A0]  }
0x49: {  	v7 =	vadd.f32 v21, v7;
	v6 =	vadd.f32 v16, v6;
	v16 =	vshll.u32 v22, $0x10;
	v20 =	vld [tilespmem:s22+$0x21B0]  }
0x4a: {  	v3 =	vadd.f32 v22, v3;
	v21 =	vld [tilespmem:s22+$0x2040];
	v2 =	vadd.f32 v16, v2;
	v16 =	vshll.u32 v18, $0x10  }
0x4b: {  	v7 =	vadd.f32 v18, v7;
	v22 =	vld [tilespmem:s22+$0x2050];
	v6 =	vadd.f32 v16, v6;
	v16 =	vshll.u32 v23, $0x10  }
0x4c: {  	v3 =	vadd.f32 v23, v3;
	v25 =	vld [tilespmem:s22+$0x20C0];
	v2 =	vadd.f32 v16, v2;
	v16 =	vshll.u32 v24, $0x10  }
0x4d: {  	v7 =	vadd.f32 v24, v7;
	v17 =	vld [tilespmem:s22+$0x20D0];
	v6 =	vadd.f32 v16, v6;
	v16 =	vshll.u32 v19, $0x10  }
.Ltmp0:
0x4e: {  	v3 =	vadd.f32 v19, v3;
	v18 =	vld [tilespmem:s22+$0x2140];
	v2 =	vadd.f32 v16, v2;
	v16 =	vshll.u32 v20, $0x10;
	(pc) =	sbr.rel @p0 .LBB2_4-.Ltmp0, $4  }
0x4f: {  	v7 =	vadd.f32 v20, v7;
	v23 =	vshll.u32 v21, $0x10;
	v19 =	vld [tilespmem:s22+$0x2150];
	v6 =	vadd.f32 v16, v6  }
0x50: {  	v21 =	vadd.f32 v21, v13;
	v20 =	vadd.f32 v23, v12;
	v12 =	vshll.u32 v22, $0x10;
	v13 =	vld [tilespmem:s22+$0x21C0]  }
0x51: {  	v12 =	vadd.f32 v12, v14;
	v14 =	vadd.f32 v22, v15;
	v22 =	vshll.u32 v25, $0x10;
	v15 =	vld [tilespmem:s22+$0x21D0]  }
0x52: {  	s21 =	sadd.s32 $0x800, s21;
	v21 =	vadd.f32 v25, v21;
	v16 =	vld [tilespmem:s22+$0x2060];
	v20 =	vadd.f32 v22, v20;
	v22 =	vshll.u32 v17, $0x10  }
0x53: {  	v23 =	vld [tilespmem:s22+$0x2070]  }
0x54: {  	v24 =	vld [tilespmem:s22+$0x20E0]  }
0x55: {  	v25 =	vld [tilespmem:s22+$0x20F0]  }
0x56: {  	v26 =	vld [tilespmem:s22+$0x2160];
	p0 =	seq.s32 s20, $0x1F  }
0x57: {  	v12 =	vadd.f32 v22, v12;
	v14 =	vadd.f32 v17, v14;
	v17 =	vshll.u32 v18, $0x10;
	v22 =	vld [tilespmem:s22+$0x2170];
	s21 =	sshll.u32 @!p0 s20, $0x8  }
0x58: {  	v17 =	vadd.f32 v17, v20;
	v18 =	vadd.f32 v18, v21;
	v20 =	vshll.u32 v19, $0x10;
	v21 =	vld [tilespmem:s22+$0x21E0];
	s21 =	sand.u32 @!p0 $0x3FFFFF00, s21  }
0x59: {  	s23 =	simm.s32 @!p0 $0x68;
	s24 =	simm.s32 @!p0 $0x2000;
	v12 =	vadd.f32 v20, v12;
	v14 =	vadd.f32 v19, v14;
	v19 =	vshll.u32 v13, $0x10;
	v20 =	vld [tilespmem:s22+$0x21F0];
	s22 =	sadd.s32 @!p0 $0x100, s21  }
0x5a: {  	v19 =	vadd.f32 v19, v17;
	v13 =	vadd.f32 v13, v18;
	v17 =	vshll.u32 v15, $0x10;
	[tilespmem:s24], [sflag:$0x1] =	stream.indirect.gather @!p0 [hbm4b:s3+s23], $0x80, s22, s23, $0xb8;
	[tilespmem:$0xA400] =	vst v63  }
0x5b: {  	v12 =	vadd.f32 v17, v12;
	v14 =	vadd.f32 v15, v14;
	v15 =	vshll.u32 v16, $0x10;
	_ =	swait.ge [sflag:s15], $0x3000  }
0x5c: {  	v11 =	vadd.f32 v16, v11;
	v0 =	vadd.f32 v15, v0;
	v15 =	vshll.u32 v23, $0x10;
	[sflag:s15] =	ssyncset.done $0x0  }
0x5d: {  	s22 =	simm.s32 $0x0;
	v10 =	vadd.f32 v23, v10;
	v1 =	vadd.f32 v15, v1;
	v15 =	vshll.u32 v24, $0x10;
	[sflag:s15] =	ssyncadd.s32 $0xFFFFD000  }
0x5e: {  	v11 =	vadd.f32 v24, v11;
	v0 =	vadd.f32 v15, v0;
	v15 =	vshll.u32 v25, $0x10;
	v16 =	vld [tilespmem:s22+$0x5400]  }
0x5f: {  	v10 =	vadd.f32 v25, v10;
	v1 =	vadd.f32 v15, v1;
	v15 =	vshll.u32 v26, $0x10;
	v17 =	vld [tilespmem:s22+$0x5410]  }
0x60: {  	v11 =	vadd.f32 v26, v11;
	v18 =	vld [tilespmem:s22+$0x5480];
	v0 =	vadd.f32 v15, v0;
	v15 =	vshll.u32 v22, $0x10  }
0x61: {  	v1 =	vadd.f32 v15, v1;
	v15 =	vadd.f32 v22, v10;
	v10 =	vshll.u32 v21, $0x10;
	v22 =	vld [tilespmem:s22+$0x5490]  }
0x62: {  	v10 =	vadd.f32 v10, v0;
	v0 =	vadd.f32 v21, v11;
	v11 =	vshll.u32 v20, $0x10;
	v21 =	vld [tilespmem:s22+$0x5500]  }
0x63: {  	v11 =	vadd.f32 v11, v1;
	v1 =	vadd.f32 v20, v15;
	v20 =	vld [tilespmem:s22+$0x5510];
	v15 =	vshll.u32 v16, $0x10  }
0x64: {  	v5 =	vadd.f32 v16, v5;
	v16 =	vld [tilespmem:s22+$0x5580];
	v4 =	vadd.f32 v15, v4;
	v15 =	vshll.u32 v17, $0x10  }
0x65: {  	v9 =	vadd.f32 v17, v9;
	v17 =	vld [tilespmem:s22+$0x5590];
	v8 =	vadd.f32 v15, v8;
	v15 =	vshll.u32 v18, $0x10  }
0x66: {  	v23 =	vld [tilespmem:s22+$0x5420];
	v5 =	vadd.f32 v18, v5;
	v4 =	vadd.f32 v15, v4;
	v15 =	vshll.u32 v22, $0x10  }
0x67: {  	v18 =	vld [tilespmem:s22+$0x5430];
	v9 =	vadd.f32 v22, v9;
	v8 =	vadd.f32 v15, v8;
	v15 =	vshll.u32 v21, $0x10  }
0x68: {  	v22 =	vld [tilespmem:s22+$0x54A0];
	v5 =	vadd.f32 v21, v5;
	v4 =	vadd.f32 v15, v4;
	v15 =	vshll.u32 v20, $0x10  }
0x69: {  	v21 =	vld [tilespmem:s22+$0x54B0];
	v20 =	vadd.f32 v20, v9;
	v15 =	vadd.f32 v15, v8;
	v8 =	vshll.u32 v16, $0x10  }
0x6a: {  	v61 =	vld [tilespmem:s22+$0x5520];
	v8 =	vadd.f32 v8, v4;
	v4 =	vadd.f32 v16, v5;
	v5 =	vshll.u32 v17, $0x10  }
0x6b: {  	v62 =	vld [tilespmem:s22+$0x5530];
	v3 =	vadd.f32 v23, v3;
	v16 =	vshll.u32 v23, $0x10;
	v9 =	vadd.f32 v5, v15  }
0x6c: {  	v5 =	vadd.f32 v17, v20;
	v2 =	vadd.f32 v16, v2;
	v15 =	vshll.u32 v18, $0x10;
	v20 =	vld [tilespmem:s22+$0x55A0]  }
0x6d: {  	v7 =	vadd.f32 v18, v7;
	v23 =	vld [tilespmem:s22+$0x55B0];
	v6 =	vadd.f32 v15, v6;
	v15 =	vshll.u32 v22, $0x10  }
0x6e: {  	v63 =	vld [tilespmem:s22+$0x5440];
	v3 =	vadd.f32 v22, v3;
	v2 =	vadd.f32 v15, v2;
	v15 =	vshll.u32 v21, $0x10  }
0x6f: {  	v22 =	vld [tilespmem:s22+$0x5450];
	v7 =	vadd.f32 v21, v7;
	v6 =	vadd.f32 v15, v6;
	v15 =	vshll.u32 v61, $0x10  }
0x70: {  	v27 =	vld [tilespmem:s22+$0x54C0];
	v3 =	vadd.f32 v61, v3;
	v2 =	vadd.f32 v15, v2;
	v15 =	vshll.u32 v62, $0x10  }
0x71: {  	v16 =	vld [tilespmem:s22+$0x54D0];
	v21 =	vadd.f32 v62, v7;
	v15 =	vadd.f32 v15, v6;
	v6 =	vshll.u32 v20, $0x10  }
0x72: {  	v17 =	vld [tilespmem:s22+$0x5540];
	v6 =	vadd.f32 v6, v2;
	v2 =	vadd.f32 v20, v3;
	v3 =	vshll.u32 v23, $0x10  }
0x73: {  	v18 =	vld [tilespmem:s22+$0x5550];
	v20 =	vshll.u32 v63, $0x10;
	v7 =	vadd.f32 v3, v15;
	v3 =	vadd.f32 v23, v21  }
0x74: {  	v21 =	vadd.f32 v20, v19;
	v23 =	vadd.f32 v63, v13;
	v15 =	vshll.u32 v22, $0x10;
	v13 =	vld [tilespmem:s22+$0x55C0]  }
0x75: {  	v20 =	vadd.f32 v15, v12;
	v12 =	vadd.f32 v22, v14;
	v14 =	vshll.u32 v27, $0x10;
	v15 =	vld [tilespmem:s22+$0x55D0]  }
0x76: {  	s23 =	simm.s32 $0x800;
	v19 =	vld [tilespmem:s22+$0x5460];
	v22 =	vshll.u32 v16, $0x10;
	v21 =	vadd.f32 v14, v21;
	v14 =	vadd.f32 v27, v23  }
.LBB2_6:
0x77: {  	p1 =	sne.s32 s23, $0xB800;
	v23 =	vld [tilespmem:s22+$0x5470];
	v20 =	vadd.f32 v22, v20;
	v12 =	vadd.f32 v16, v12;
	v16 =	vshll.u32 v17, $0x10  }
0x78: {  	v22 =	vld [tilespmem:s22+$0x54E0];
	v16 =	vadd.f32 v16, v21;
	v14 =	vadd.f32 v17, v14;
	v17 =	vshll.u32 v18, $0x10  }
0x79: {  	v21 =	vld [tilespmem:s22+$0x54F0];
	v17 =	vadd.f32 v17, v20;
	v18 =	vadd.f32 v18, v12;
	v12 =	vshll.u32 v13, $0x10  }
0x7a: {  	v20 =	vld [tilespmem:s22+$0x5560];
	v12 =	vadd.f32 v12, v16;
	v13 =	vadd.f32 v13, v14;
	v14 =	vshll.u32 v15, $0x10  }
0x7b: {  	v16 =	vshll.u32 v19, $0x10;
	v24 =	vld [tilespmem:s22+$0x5570];
	v14 =	vadd.f32 v14, v17;
	v15 =	vadd.f32 v15, v18  }
0x7c: {  	v0 =	vadd.f32 v19, v0;
	v10 =	vadd.f32 v16, v10;
	v16 =	vshll.u32 v23, $0x10;
	v17 =	vld [tilespmem:s22+$0x55E0]  }
0x7d: {  	v1 =	vadd.f32 v23, v1;
	v11 =	vadd.f32 v16, v11;
	v16 =	vshll.u32 v22, $0x10;
	v18 =	vld [tilespmem:s22+$0x55F0];
	s22 =	sshra.s32 s23, $0x2  }
0x7e: {  	v0 =	vadd.f32 v22, v0;
	v19 =	vld [tilespmem:s22+$0x5400];
	v10 =	vadd.f32 v16, v10;
	v16 =	vshll.u32 v21, $0x10  }
0x7f: {  	v1 =	vadd.f32 v21, v1;
	v22 =	vld [tilespmem:s22+$0x5410];
	v11 =	vadd.f32 v16, v11;
	v16 =	vshll.u32 v20, $0x10  }
0x80: {  	v0 =	vadd.f32 v20, v0;
	v21 =	vld [tilespmem:s22+$0x5480];
	v10 =	vadd.f32 v16, v10;
	v16 =	vshll.u32 v24, $0x10  }
0x81: {  	v1 =	vadd.f32 v24, v1;
	v20 =	vld [tilespmem:s22+$0x5490];
	v11 =	vadd.f32 v16, v11;
	v16 =	vshll.u32 v17, $0x10  }
0x82: {  	v0 =	vadd.f32 v17, v0;
	v23 =	vld [tilespmem:s22+$0x5500];
	v10 =	vadd.f32 v16, v10;
	v16 =	vshll.u32 v18, $0x10  }
0x83: {  	v1 =	vadd.f32 v18, v1;
	v17 =	vshll.u32 v19, $0x10;
	v24 =	vld [tilespmem:s22+$0x5510];
	v11 =	vadd.f32 v16, v11  }
0x84: {  	v4 =	vadd.f32 v19, v4;
	v8 =	vadd.f32 v17, v8;
	v16 =	vshll.u32 v22, $0x10;
	v17 =	vld [tilespmem:s22+$0x5580]  }
0x85: {  	v5 =	vadd.f32 v22, v5;
	v9 =	vadd.f32 v16, v9;
	v16 =	vshll.u32 v21, $0x10;
	v18 =	vld [tilespmem:s22+$0x5590]  }
0x86: {  	v4 =	vadd.f32 v21, v4;
	v19 =	vld [tilespmem:s22+$0x5420];
	v8 =	vadd.f32 v16, v8;
	v16 =	vshll.u32 v20, $0x10  }
0x87: {  	v5 =	vadd.f32 v20, v5;
	v21 =	vld [tilespmem:s22+$0x5430];
	v9 =	vadd.f32 v16, v9;
	v16 =	vshll.u32 v23, $0x10  }
0x88: {  	v4 =	vadd.f32 v23, v4;
	v20 =	vld [tilespmem:s22+$0x54A0];
	v8 =	vadd.f32 v16, v8;
	v16 =	vshll.u32 v24, $0x10  }
0x89: {  	v5 =	vadd.f32 v24, v5;
	v22 =	vld [tilespmem:s22+$0x54B0];
	v9 =	vadd.f32 v16, v9;
	v16 =	vshll.u32 v17, $0x10  }
0x8a: {  	v4 =	vadd.f32 v17, v4;
	v23 =	vld [tilespmem:s22+$0x5520];
	v8 =	vadd.f32 v16, v8;
	v16 =	vshll.u32 v18, $0x10  }
0x8b: {  	v5 =	vadd.f32 v18, v5;
	v17 =	vshll.u32 v19, $0x10;
	v24 =	vld [tilespmem:s22+$0x5530];
	v9 =	vadd.f32 v16, v9  }
0x8c: {  	v2 =	vadd.f32 v19, v2;
	v6 =	vadd.f32 v17, v6;
	v16 =	vshll.u32 v21, $0x10;
	v18 =	vld [tilespmem:s22+$0x55A0]  }
0x8d: {  	v3 =	vadd.f32 v21, v3;
	v7 =	vadd.f32 v16, v7;
	v16 =	vshll.u32 v20, $0x10;
	v19 =	vld [tilespmem:s22+$0x55B0]  }
0x8e: {  	v2 =	vadd.f32 v20, v2;
	v21 =	vld [tilespmem:s22+$0x5440];
	v6 =	vadd.f32 v16, v6;
	v16 =	vshll.u32 v22, $0x10  }
0x8f: {  	v3 =	vadd.f32 v22, v3;
	v25 =	vld [tilespmem:s22+$0x5450];
	v7 =	vadd.f32 v16, v7;
	v16 =	vshll.u32 v23, $0x10  }
0x90: {  	v2 =	vadd.f32 v23, v2;
	v22 =	vld [tilespmem:s22+$0x54C0];
	v6 =	vadd.f32 v16, v6;
	v17 =	vshll.u32 v24, $0x10  }
0x91: {  	v3 =	vadd.f32 v24, v3;
	v16 =	vld [tilespmem:s22+$0x54D0];
	v7 =	vadd.f32 v17, v7;
	v20 =	vshll.u32 v18, $0x10  }
.Ltmp1:
0x92: {  	v2 =	vadd.f32 v18, v2;
	v17 =	vld [tilespmem:s22+$0x5540];
	v6 =	vadd.f32 v20, v6;
	v20 =	vshll.u32 v19, $0x10;
	(pc) =	sbr.rel @p1 .LBB2_6-.Ltmp1, $4  }
0x93: {  	v3 =	vadd.f32 v19, v3;
	v23 =	vshll.u32 v21, $0x10;
	v18 =	vld [tilespmem:s22+$0x5550];
	v7 =	vadd.f32 v20, v7  }
0x94: {  	v24 =	vadd.f32 v21, v13;
	v23 =	vadd.f32 v23, v12;
	v12 =	vshll.u32 v25, $0x10;
	v13 =	vld [tilespmem:s22+$0x55C0]  }
0x95: {  	v20 =	vadd.f32 v12, v14;
	v12 =	vadd.f32 v25, v15;
	v14 =	vshll.u32 v22, $0x10;
	v15 =	vld [tilespmem:s22+$0x55D0]  }
0x96: {  	s23 =	sadd.s32 $0x800, s23;
	v19 =	vld [tilespmem:s22+$0x5460];
	v21 =	vadd.f32 v14, v23;
	v14 =	vadd.f32 v22, v24;
	v22 =	vshll.u32 v16, $0x10  }
0x97: {  	v23 =	vld [tilespmem:s22+$0x5470]  }
0x98: {  	v24 =	vld [tilespmem:s22+$0x54E0]  }
0x99: {  	v25 =	vld [tilespmem:s22+$0x54F0]  }
0x9a: {  	v26 =	vld [tilespmem:s22+$0x5560]  }
0x9b: {  	v27 =	vld [tilespmem:s22+$0x5570]  }
0x9c: {  	v28 =	vld [tilespmem:s22+$0x55E0]  }
0x9d: {  	v29 =	vld [tilespmem:s22+$0x55F0];
	s21 =	sadd.s32 @!p0 $0x180, s21;
	s22 =	simm.s32 @!p0 $0x60  }
0x9e: {  	s23 =	simm.s32 @!p0 $0x5400;
	s30 =	sshll.u32 s20, $0x8;
	s31 =	sshll.u32 s20, $0x7  }
0x9f: {  	[tilespmem:s23], [sflag:$0x2] =	stream.indirect.gather @!p0 [hbm4b:s3+s22], $0x80, s21, s22, $0xb8;
	[tilespmem:$0xA400] =	vst v63  }
0xa0: {  	s21 =	sand.u32 $0x1800, s30;
	s22 =	sand.u32 $0x380, s31  }
0xa1: {  	s21 =	sor.u32 s22, s21  }
0xa2: {  	v30 =	vshll.u32 v17, $0x10;
	v20 =	vadd.f32 v22, v20;
	v59 =	vadd.f32 v16, v12;
	[tilespmem:s21+$0x8400] =	vst v8  }
0xa3: {  	v21 =	vadd.f32 v30, v21;
	v49 =	vshll.u32 v18, $0x10;
	v60 =	vadd.f32 v17, v14;
	[tilespmem:s21+$0x8410] =	vst v9  }
0xa4: {  	v20 =	vadd.f32 v49, v20;
	v52 =	vshll.u32 v13, $0x10;
	v61 =	vadd.f32 v18, v59;
	[tilespmem:s21+$0x8420] =	vst v6  }
0xa5: {  	v21 =	vadd.f32 v52, v21;
	v55 =	vshll.u32 v15, $0x10;
	[tilespmem:s21+$0x8430] =	vst v7;
	v62 =	vadd.f32 v13, v60  }
0xa6: {  	[tilespmem:s21+$0x8800] =	vst v4;
	v48 =	vshll.u32 v19, $0x10;
	v0 =	vadd.f32 v19, v0;
	v63 =	vadd.f32 v15, v61  }
0xa7: {  	[tilespmem:s21+$0x8810] =	vst v5;
	v10 =	vadd.f32 v48, v10;
	v50 =	vshll.u32 v23, $0x10;
	v1 =	vadd.f32 v23, v1  }
0xa8: {  	[tilespmem:s21+$0x8820] =	vst v2;
	v51 =	vshll.u32 v24, $0x10;
	v11 =	vadd.f32 v50, v11;
	v0 =	vadd.f32 v24, v0  }
0xa9: {  	[tilespmem:s21+$0x8830] =	vst v3;
	v53 =	vshll.u32 v25, $0x10;
	v10 =	vadd.f32 v51, v10;
	v1 =	vadd.f32 v25, v1  }
0xaa: {  	v54 =	vshll.u32 v26, $0x10;
	[tilespmem:s21+$0x8440] =	vst v21;
	v8 =	vadd.f32 v53, v11;
	v0 =	vadd.f32 v26, v0  }
0xab: {  	s20 =	sadd.s32 $0x1, s20;
	v56 =	vshll.u32 v27, $0x10;
	[tilespmem:s21+$0x8840] =	vst v62;
	v9 =	vadd.f32 v54, v10;
	v10 =	vadd.f32 v55, v20  }
0xac: {  	p0 =	sne.s32 s20, $0x20;
	v57 =	vshll.u32 v28, $0x10;
	[tilespmem:s21+$0x8850] =	vst v63;
	v1 =	vadd.f32 v27, v1;
	v0 =	vadd.f32 v28, v0  }
.Ltmp2:
0xad: {  	v6 =	vadd.f32 v56, v8;
	v7 =	vadd.f32 v57, v9;
	[tilespmem:s21+$0x8450] =	vst v10;
	(pc) =	sbr.rel @p0 .LBB2_3-.Ltmp2, $4  }
0xae: {  	v58 =	vshll.u32 v29, $0x10;
	v1 =	vadd.f32 v29, v1;
	[tilespmem:s21+$0x8860] =	vst v0  }
0xaf: {  	v6 =	vadd.f32 v58, v6;
	[tilespmem:s21+$0x8460] =	vst v7  }
0xb0: {  	[tilespmem:s21+$0x8870] =	vst v1  }
0xb1: {  	[tilespmem:s21+$0x8470] =	vst v6  }
0xb2: {  	s18 =	sadd.s32 $0x1, s18  }
0xb3: {  	p0 =	sne.s32 s18, $0x4  }
.Ltmp3:
0xb4: {  	s19 =	sadd.s32 s5, s19;
	(pc) =	sbr.rel @p0 .LBB2_2-.Ltmp3, $4  }
0xb5: {  	[hbm4b:s19+s1] =	stream.linear.scatter [tilespmem:s16], [sflag:$0x3], $0x2000, $0x38;
	[tilespmem:$0xA400] =	vst v63  }
0xb6: {  	_ =	swait.ge [sflag:s8], $0x2000  }
0xb7: {  	[sflag:s8] =	ssyncset.done $0x0  }
0xb8: {  	[sflag:s8] =	ssyncadd.s32 $0xFFFFE000  }
0xb9: {  	s17 =	sadd.s32 $0x1, s17  }
0xba: {  	p0 =	sne.s32 s17, s7  }
.Ltmp4:
0xbb: {  	_ = 	snop;
	(pc) =	sbr.rel @p0 .LBB2_1-.Ltmp4, $1  }
0xbc: {  	_ =	sdelay $0x3  }
0xbd: {  	_ =	sfence.sel $0x180000  }
0xbe: {  	[bflag:$0x0] =	sbarrier.arrive $0xFFFF  }
0xbf: {  	p0 =	sne.s32 s2, $0x0;
	_ =	strace $0x9000004A  }
0xc0: {  	s0 =	sadd.s32 @!p0 $0x100000, s0;
	[bflag:$0x2] =	sbarrier.arrive $0xFFFF  }
0xc1: {  	[sflag:s0] =	ssyncadd.tile.s32 @!p0 $0x1;
	_ =	shalt  }
.Lfunc_end2:
_tile_overlayer_lowered:
.L_overlay_start_2:
0xc2: {  	(tag) =	ssettag $0x2  }
0xc3: {  	s0 =	rddreg [dreg:$0x0];
	s2 =	stileid.u32  }
0xc4: {  	s1 =	rddreg [dreg:$0x1];
	p0 =	sne.s32 s2, $0x0  }
0xc5: {  	s3 =	rddreg [dreg:$0x2];
	[bflag:$0x3] =	sbarrier.arrive $0xFFFF;
	s2 =	simm.s32 @!p0 $0x1C03  }
0xc6: {  	[timem:s3], [sflag:s2] =	dma.local @!p0 [hbm:s0], s1  }
0xc7: {  	s0 =	simm.s32 @!p0 $0x3  }
0xc8: {  	_ =	swait.ge @!p0 [sflag:s0], s1  }
0xc9: {  	s1 =	ssub.s32 @!p0 $0x0, s1;
	[sflag:s0] =	ssyncset.done @!p0 $0x0  }
0xca: {  	[sflag:s0] =	ssyncadd.s32 @!p0 s1  }
0xcb: {  	[bflag:$0x3] =	sbarrier.arrive $0xFFFF  }
0xcc: {  	_ =	shalt  }

</sc_bundles>
